<compile_context>
chip_gen: v7x
topology: tpu7x:2x2x1
jax: 0.10.2.dev20260603
libtpu: 0.0.44.dev20260713+nightly
codegen_flags: <defaults>
</compile_context>

<pallas_src>
import functools

import jax
import jax.numpy as jnp
from jax import lax
from jax.experimental import pallas as pl
from jax.experimental.pallas import tpu as pltpu
from jax.experimental.pallas import tpu_sc as plsc

B = 16384
D_EMB = 64
N_IND_SLOTS = 20
IND_SZ = 16
FTYPE_SZ = 4
N_INDS = 1000
N_FTYPES = 16
AF_ROWS = IND_SZ + FTYPE_SZ

NC = 2
NS = 16
L = 16
NW = NC * NS
BPW = B // NW
CHUNK = 128
NCHUNK = BPW // CHUNK
NGROUP = BPW // L


def _sc_emb_body(ids_h, table_h, out_h, *refs):
  idx_v = refs[0:NCHUNK]
  rows_v = refs[NCHUNK:2 * NCHUNK]
  sem = refs[2 * NCHUNK]
  wid = lax.axis_index("s") * NC + lax.axis_index("c")
  base = wid * BPW

  for k in range(NCHUNK):
    pltpu.sync_copy(ids_h.at[pl.ds(base + k * CHUNK, CHUNK)], idx_v[k])
  copies = [
      pltpu.async_copy(table_h.at[idx_v[k]], rows_v[k], sem)
      for k in range(NCHUNK)
  ]
  for k in range(NCHUNK):
    copies[k].wait()
    pltpu.sync_copy(rows_v[k], out_h.at[pl.ds(base + k * CHUNK, CHUNK)])


def _sc_emb(ids, table_pad):
  mesh = plsc.VectorSubcoreMesh(
      core_axis_name="c", subcore_axis_name="s",
      num_cores=NC, num_subcores=NS)
  f32 = jnp.float32
  scratch = [
      *[pltpu.VMEM((CHUNK,), jnp.int32) for _ in range(NCHUNK)],
      *[pltpu.VMEM((CHUNK, 2 * D_EMB), f32) for _ in range(NCHUNK)],
      pltpu.SemaphoreType.DMA,
  ]
  run = pl.kernel(_sc_emb_body,
                  out_type=jax.ShapeDtypeStruct((B, 2 * D_EMB), f32),
                  mesh=mesh, scratch_types=scratch,
                  compiler_params=pltpu.CompilerParams(
                      needs_layout_passes=False))
  return run(ids, table_pad)


def _sc_af_body(ind_t_h, ftype_h, itblT_h, ftblT_h, af_out,
                ftidx_v, indv_v, itblT_v, ftblT_v, af_stage):
  wid = lax.axis_index("s") * NC + lax.axis_index("c")
  base = wid * BPW

  pltpu.sync_copy(itblT_h, itblT_v)
  pltpu.sync_copy(ftblT_h, ftblT_v)
  pltpu.sync_copy(ftype_h.at[pl.ds(base, BPW)], ftidx_v)
  for j in range(N_IND_SLOTS):
    pltpu.sync_copy(ind_t_h.at[j, pl.ds(base, BPW)], indv_v.at[j])

  def group(g, carry):
    s = pl.multiple_of(g * L, L)
    idxs = [indv_v[j, pl.ds(s, L)] for j in range(N_IND_SLOTS)]
    cnt = jnp.full((L,), 0.0, jnp.float32)
    for j in range(N_IND_SLOTS):
      cnt = cnt + jnp.minimum(idxs[j], 1).astype(jnp.float32)
    inv = jnp.full((L,), 1.0, jnp.float32) / cnt
    for c in range(IND_SZ):
      colv = jnp.full((L,), c, jnp.int32)
      acc = plsc.load_gather(itblT_v, [colv, idxs[0]])
      for j in range(1, N_IND_SLOTS):
        acc = acc + plsc.load_gather(itblT_v, [colv, idxs[j]])
      af_stage[c, pl.ds(s, L)] = acc * inv
    ftv = ftidx_v[pl.ds(s, L)]
    for c in range(FTYPE_SZ):
      colv = jnp.full((L,), c, jnp.int32)
      af_stage[IND_SZ + c, pl.ds(s, L)] = plsc.load_gather(ftblT_v, [colv, ftv])
    return carry

  lax.fori_loop(0, NGROUP, group, 0)
  pltpu.sync_copy(af_stage, af_out.at[:, pl.ds(base, BPW)])


def _sc_af(industries_t, funding_type, itblT, ftblT):
  mesh = plsc.VectorSubcoreMesh(
      core_axis_name="c", subcore_axis_name="s",
      num_cores=NC, num_subcores=NS)
  f32 = jnp.float32
  scratch = [
      pltpu.VMEM((BPW,), jnp.int32),
      pltpu.VMEM((N_IND_SLOTS, BPW), jnp.int32),
      pltpu.VMEM((IND_SZ, N_INDS), f32),
      pltpu.VMEM((FTYPE_SZ, N_FTYPES), f32),
      pltpu.VMEM((AF_ROWS, BPW), f32),
  ]
  run = pl.kernel(_sc_af_body,
                  out_type=jax.ShapeDtypeStruct((AF_ROWS, B), f32),
                  mesh=mesh, scratch_types=scratch,
                  compiler_params=pltpu.CompilerParams(
                      use_tc_tiling_on_sc=False,
                      needs_layout_passes=False))
  return run(industries_t, funding_type, itblT, ftblT)


BT = 2048


def _mlp_body(u_ref, i_ref, af_ref,
              w1u_ref, w1i_ref, w1af_ref, b1_ref,
              w2_ref, b2_ref, w3_ref, b3_ref, out_ref):
  dot = functools.partial(jnp.dot, preferred_element_type=jnp.float32)
  x = (dot(u_ref[:, :D_EMB], w1u_ref[:]) + dot(i_ref[:, D_EMB:], w1i_ref[:])
       + lax.dot_general(af_ref[:], w1af_ref[:], (((0,), (0,)), ((), ())),
                         preferred_element_type=jnp.float32)
       + b1_ref[:])
  h1 = jnp.maximum(x, 0.0)
  h2 = jnp.maximum(dot(h1, w2_ref[:]) + b2_ref[:], 0.0)
  out_ref[:] = jnp.maximum(dot(h2, w3_ref[:]) + b3_ref[:], 0.0)


def _mlp(u128, i128, afT, W1u, W1i, W1af, b1, W2, b2, W3, b3):
  h1, h2, d_out = W2.shape[0], W3.shape[0], W3.shape[1]
  grid = (B // BT,)
  full = lambda shape: pl.BlockSpec(shape, lambda i: (0, 0))
  return pl.pallas_call(
      _mlp_body,
      grid=grid,
      in_specs=[
          pl.BlockSpec((BT, 2 * D_EMB), lambda i: (i, 0)),
          pl.BlockSpec((BT, 2 * D_EMB), lambda i: (i, 0)),
          pl.BlockSpec((AF_ROWS, BT), lambda i: (0, i)),
          full(W1u.shape), full(W1i.shape), full(W1af.shape),
          full((1, h1)),
          full(W2.shape), full((1, h2)),
          full(W3.shape), full((1, d_out)),
      ],
      out_specs=pl.BlockSpec((BT, d_out), lambda i: (i, 0)),
      out_shape=jax.ShapeDtypeStruct((B, d_out), jnp.float32),
  )(u128, i128, afT, W1u, W1i, W1af, b1.reshape(1, -1),
    W2, b2.reshape(1, -1), W3, b3.reshape(1, -1))


def kernel(funds, startups, industries, funding_type, user_table, item_table,
           ind_table, ftype_table, W1, b1, W2, b2, W3, b3):
  funds = funds.astype(jnp.int32)
  startups = startups.astype(jnp.int32)
  funding_type = funding_type.astype(jnp.int32)
  industries_t = industries.astype(jnp.int32).T
  user2 = jnp.pad(user_table, ((0, 0), (0, D_EMB)))
  item2 = jnp.pad(item_table, ((0, 0), (D_EMB, 0)))
  itblT = ind_table.T.at[:, 0].set(0.0)
  ftblT = ftype_table.T
  i128 = _sc_emb(startups, item2)
  afT = _sc_af(industries_t, funding_type, itblT, ftblT)
  u128 = _sc_emb(funds, user2)
  W1u = W1[:D_EMB]
  W1i = W1[D_EMB:2 * D_EMB]
  W1af = jnp.concatenate([W1[2 * D_EMB + FTYPE_SZ:], W1[2 * D_EMB:2 * D_EMB + FTYPE_SZ]], axis=0)
  return _mlp(u128, i128, afT, W1u, W1i, W1af, b1, W2, b2, W3, b3)

# --- scband reference (transcript-rebuilt; emitter-appended) ---
"""Pipeline reference for scband-dense-net-61607010894126 (READ-ONLY COPY).

The authoritative reference and input builder live on the scoring server;
editing this copy changes nothing except your own understanding.
"""

import jax, jax.numpy as jnp
import numpy as np

B = 16384
N_USERS = 1000000
N_ITEMS = 100000
N_INDS = 1000
N_FTYPES = 16
N_FACTORS = 64
IND_SZ = 16
FTYPE_SZ = 4
H0 = N_FACTORS + N_FACTORS + IND_SZ + FTYPE_SZ  # 148
D_OUT = 1


def setup_inputs(seed: int = 0) -> dict:
    key = jax.random.key(seed)
    ks = jax.random.split(key, 16)
    funds = jax.random.randint(ks[0], (B,), 0, N_USERS, dtype=jnp.int64) if jax.config.jax_enable_x64 else jax.random.randint(ks[0], (B,), 0, N_USERS)
    startups = jax.random.randint(ks[1], (B,), 0, N_ITEMS)
    industries = jax.random.randint(ks[2], (B, 20), 0, N_INDS)
    funding_type = jax.random.randint(ks[3], (B,), 0, N_FTYPES)
    user_table = jax.random.normal(ks[4], (N_USERS, N_FACTORS), dtype=jnp.float32) * 0.05
    item_table = jax.random.normal(ks[5], (N_ITEMS, N_FACTORS), dtype=jnp.float32) * 0.05
    ind_table = jax.random.normal(ks[6], (N_INDS, IND_SZ), dtype=jnp.float32) * 0.05
    ftype_table = jax.random.normal(ks[7], (N_FTYPES, FTYPE_SZ), dtype=jnp.float32) * 0.05
    W1 = jax.random.normal(ks[8], (H0, H0 // 2), dtype=jnp.float32) * (1.0 / np.sqrt(H0))
    b1 = jnp.zeros((H0 // 2,), dtype=jnp.float32)
    W2 = jax.random.normal(ks[9], (H0 // 2, H0 // 4), dtype=jnp.float32) * (1.0 / np.sqrt(H0 // 2))
    b2 = jnp.zeros((H0 // 4,), dtype=jnp.float32)
    W3 = jax.random.normal(ks[10], (H0 // 4, D_OUT), dtype=jnp.float32) * (1.0 / np.sqrt(H0 // 4))
    b3 = jnp.zeros((D_OUT,), dtype=jnp.float32)
    return {
        'funds': funds, 'startups': startups, 'industries': industries, 'funding_type': funding_type,
        'user_table': user_table, 'item_table': item_table, 'ind_table': ind_table, 'ftype_table': ftype_table,
        'W1': W1, 'b1': b1, 'W2': W2, 'b2': b2, 'W3': W3, 'b3': b3,
    }


def reference(funds, startups, industries, funding_type, user_table, item_table, ind_table, ftype_table, W1, b1, W2, b2, W3, b3):
    nz = industries != 0
    inds_sum = nz.sum(axis=1)
    ii = jnp.take(ind_table, industries, axis=0)            # [B, 20, IND_SZ]
    ii = ii * nz[..., None].astype(ii.dtype)                 # zero out padding rows (ii[~nz] = 0)
    ind_avg = ii.sum(axis=1) / inds_sum[:, None].astype(ii.dtype)
    users_embedding = jnp.take(user_table, funds, axis=0)
    items_embedding = jnp.take(item_table, startups, axis=0)
    ftype_embedding = jnp.take(ftype_table, funding_type, axis=0)
    x = jnp.concatenate([users_embedding, items_embedding, ftype_embedding, ind_avg], axis=1)
    out = jax.nn.relu(x @ W1 + b1)
    out = jax.nn.relu(out @ W2 + b2)
    out = jax.nn.relu(out @ W3 + b3)
    return out

if __name__ == "__main__":
    import jax
    _d = setup_inputs()
    print(jax.jit(kernel)(*tuple(_d.values())))

</pallas_src>

<mosaic_0001>
#map = affine_map<(d0, d1) -> (0)>
#map1 = affine_map<(d0, d1) -> (0, 0)>
module attributes {stable_mosaic.version = 14 : i64} {
  func.func @_sc_emb_body(%arg0: i32, %arg1: i32, %arg2: memref<16384xi32, #tpu.memory_space<hbm>>, %arg3: memref<100000x128xf32, #tpu.memory_space<hbm>>, %arg4: memref<16384x128xf32, #tpu.memory_space<hbm>>, %arg5: memref<128xi32, #tpu.memory_space<vmem>>, %arg6: memref<128xi32, #tpu.memory_space<vmem>>, %arg7: memref<128xi32, #tpu.memory_space<vmem>>, %arg8: memref<128xi32, #tpu.memory_space<vmem>>, %arg9: memref<128x128xf32, #tpu.memory_space<vmem>>, %arg10: memref<128x128xf32, #tpu.memory_space<vmem>>, %arg11: memref<128x128xf32, #tpu.memory_space<vmem>>, %arg12: memref<128x128xf32, #tpu.memory_space<vmem>>, %arg13: memref<!tpu.dma_semaphore, #tpu.memory_space<semaphore_mem>>) attributes {dimension_semantics = [#tpu.dimension_semantics<core_parallel>, #tpu.dimension_semantics<subcore_parallel>], iteration_bounds = array<i64: 2, 16>, scalar_prefetch = 0 : i64, scratch_operands = 9 : i64, tpu.core_type = #tpu.core_type<sc_vector_subcore>, window_params = [{transform_indices = #map}, {transform_indices = #map1}, {transform_indices = #map1}]} {
    %mul3A = arith.constant 2 : i32
    %mul3A_0 = arith.muli %arg1, %mul3A : i32
    %add3A = arith.addi %mul3A_0, %arg0 : i32
    %mul3A_1 = arith.constant 512 : i32
    %mul3A_2 = arith.muli %add3A, %mul3A_1 : i32
    %add3A_3 = arith.constant 0 : i32
    %add3A_4 = arith.addi %mul3A_2, %add3A_3 : i32
    "tpu.region"() ({
      %run_scoped3A = tpu.sem_alloc : memref<!tpu.dma_semaphore, #tpu.memory_space<semaphore_mem>>
      %dma_start3A_41 = tpu.memref_slice %arg2[%add3A_4] : memref<16384xi32, #tpu.memory_space<hbm>> -> memref<128xi32, #tpu.memory_space<hbm>>
      %dma_start3A_42 = tpu.memref_slice %arg2[%add3A_4] : memref<16384xi32, #tpu.memory_space<hbm>> -> memref<128xi32, #tpu.memory_space<hbm>>
      tpu.enqueue_dma source(%dma_start3A_42 : memref<128xi32, #tpu.memory_space<hbm>>) target(%arg5 : memref<128xi32, #tpu.memory_space<vmem>>) target_semaphore(%run_scoped3A : memref<!tpu.dma_semaphore, #tpu.memory_space<semaphore_mem>>)
      %dma_wait3A_43 = tpu.memref_slice %arg2[%add3A_4] : memref<16384xi32, #tpu.memory_space<hbm>> -> memref<128xi32, #tpu.memory_space<hbm>>
      %dma_wait3A_44 = tpu.memref_slice %arg2[%add3A_4] : memref<16384xi32, #tpu.memory_space<hbm>> -> memref<128xi32, #tpu.memory_space<hbm>>
      tpu.wait_dma2 semaphore(%run_scoped3A : memref<!tpu.dma_semaphore, #tpu.memory_space<semaphore_mem>>) src(%dma_wait3A_44 : memref<128xi32, #tpu.memory_space<hbm>>) dst(%arg5 : memref<128xi32, #tpu.memory_space<vmem>>)
      tpu.yield
    }) : () -> ()
    %add3A_5 = arith.constant 128 : i32
    %add3A_6 = arith.addi %mul3A_2, %add3A_5 : i32
    "tpu.region"() ({
      %run_scoped3A = tpu.sem_alloc : memref<!tpu.dma_semaphore, #tpu.memory_space<semaphore_mem>>
      %dma_start3A_41 = tpu.memref_slice %arg2[%add3A_6] : memref<16384xi32, #tpu.memory_space<hbm>> -> memref<128xi32, #tpu.memory_space<hbm>>
      %dma_start3A_42 = tpu.memref_slice %arg2[%add3A_6] : memref<16384xi32, #tpu.memory_space<hbm>> -> memref<128xi32, #tpu.memory_space<hbm>>
      tpu.enqueue_dma source(%dma_start3A_42 : memref<128xi32, #tpu.memory_space<hbm>>) target(%arg6 : memref<128xi32, #tpu.memory_space<vmem>>) target_semaphore(%run_scoped3A : memref<!tpu.dma_semaphore, #tpu.memory_space<semaphore_mem>>)
      %dma_wait3A_43 = tpu.memref_slice %arg2[%add3A_6] : memref<16384xi32, #tpu.memory_space<hbm>> -> memref<128xi32, #tpu.memory_space<hbm>>
      %dma_wait3A_44 = tpu.memref_slice %arg2[%add3A_6] : memref<16384xi32, #tpu.memory_space<hbm>> -> memref<128xi32, #tpu.memory_space<hbm>>
      tpu.wait_dma2 semaphore(%run_scoped3A : memref<!tpu.dma_semaphore, #tpu.memory_space<semaphore_mem>>) src(%dma_wait3A_44 : memref<128xi32, #tpu.memory_space<hbm>>) dst(%arg6 : memref<128xi32, #tpu.memory_space<vmem>>)
      tpu.yield
    }) : () -> ()
    %add3A_7 = arith.constant 256 : i32
    %add3A_8 = arith.addi %mul3A_2, %add3A_7 : i32
    "tpu.region"() ({
      %run_scoped3A = tpu.sem_alloc : memref<!tpu.dma_semaphore, #tpu.memory_space<semaphore_mem>>
      %dma_start3A_41 = tpu.memref_slice %arg2[%add3A_8] : memref<16384xi32, #tpu.memory_space<hbm>> -> memref<128xi32, #tpu.memory_space<hbm>>
      %dma_start3A_42 = tpu.memref_slice %arg2[%add3A_8] : memref<16384xi32, #tpu.memory_space<hbm>> -> memref<128xi32, #tpu.memory_space<hbm>>
      tpu.enqueue_dma source(%dma_start3A_42 : memref<128xi32, #tpu.memory_space<hbm>>) target(%arg7 : memref<128xi32, #tpu.memory_space<vmem>>) target_semaphore(%run_scoped3A : memref<!tpu.dma_semaphore, #tpu.memory_space<semaphore_mem>>)
      %dma_wait3A_43 = tpu.memref_slice %arg2[%add3A_8] : memref<16384xi32, #tpu.memory_space<hbm>> -> memref<128xi32, #tpu.memory_space<hbm>>
      %dma_wait3A_44 = tpu.memref_slice %arg2[%add3A_8] : memref<16384xi32, #tpu.memory_space<hbm>> -> memref<128xi32, #tpu.memory_space<hbm>>
      tpu.wait_dma2 semaphore(%run_scoped3A : memref<!tpu.dma_semaphore, #tpu.memory_space<semaphore_mem>>) src(%dma_wait3A_44 : memref<128xi32, #tpu.memory_space<hbm>>) dst(%arg7 : memref<128xi32, #tpu.memory_space<vmem>>)
      tpu.yield
    }) : () -> ()
    %add3A_9 = arith.constant 384 : i32
    %add3A_10 = arith.addi %mul3A_2, %add3A_9 : i32
    "tpu.region"() ({
      %run_scoped3A = tpu.sem_alloc : memref<!tpu.dma_semaphore, #tpu.memory_space<semaphore_mem>>
      %dma_start3A_41 = tpu.memref_slice %arg2[%add3A_10] : memref<16384xi32, #tpu.memory_space<hbm>> -> memref<128xi32, #tpu.memory_space<hbm>>
      %dma_start3A_42 = tpu.memref_slice %arg2[%add3A_10] : memref<16384xi32, #tpu.memory_space<hbm>> -> memref<128xi32, #tpu.memory_space<hbm>>
      tpu.enqueue_dma source(%dma_start3A_42 : memref<128xi32, #tpu.memory_space<hbm>>) target(%arg8 : memref<128xi32, #tpu.memory_space<vmem>>) target_semaphore(%run_scoped3A : memref<!tpu.dma_semaphore, #tpu.memory_space<semaphore_mem>>)
      %dma_wait3A_43 = tpu.memref_slice %arg2[%add3A_10] : memref<16384xi32, #tpu.memory_space<hbm>> -> memref<128xi32, #tpu.memory_space<hbm>>
      %dma_wait3A_44 = tpu.memref_slice %arg2[%add3A_10] : memref<16384xi32, #tpu.memory_space<hbm>> -> memref<128xi32, #tpu.memory_space<hbm>>
      tpu.wait_dma2 semaphore(%run_scoped3A : memref<!tpu.dma_semaphore, #tpu.memory_space<semaphore_mem>>) src(%dma_wait3A_44 : memref<128xi32, #tpu.memory_space<hbm>>) dst(%arg8 : memref<128xi32, #tpu.memory_space<vmem>>)
      tpu.yield
    }) : () -> ()
    %dma_start3A = arith.constant 0 : i32
    %dma_start3A_11 = arith.constant 0 : i32
    %dma_start3A_12 = tpu.memref_slice %arg3[%dma_start3A, %dma_start3A_11] : memref<100000x128xf32, #tpu.memory_space<hbm>> -> memref<100000x128xf32, #tpu.memory_space<hbm>>
    tpu.enqueue_indirect_dma source(%dma_start3A_12 : memref<100000x128xf32, #tpu.memory_space<hbm>>) target(%arg9 : memref<128x128xf32, #tpu.memory_space<vmem>>) offsets(%arg5 : memref<128xi32, #tpu.memory_space<vmem>>) semaphore(%arg13 : memref<!tpu.dma_semaphore, #tpu.memory_space<semaphore_mem>>)
    %dma_start3A_13 = arith.constant 0 : i32
    %dma_start3A_14 = arith.constant 0 : i32
    %dma_start3A_15 = tpu.memref_slice %arg3[%dma_start3A_13, %dma_start3A_14] : memref<100000x128xf32, #tpu.memory_space<hbm>> -> memref<100000x128xf32, #tpu.memory_space<hbm>>
    tpu.enqueue_indirect_dma source(%dma_start3A_15 : memref<100000x128xf32, #tpu.memory_space<hbm>>) target(%arg10 : memref<128x128xf32, #tpu.memory_space<vmem>>) offsets(%arg6 : memref<128xi32, #tpu.memory_space<vmem>>) semaphore(%arg13 : memref<!tpu.dma_semaphore, #tpu.memory_space<semaphore_mem>>)
    %dma_start3A_16 = arith.constant 0 : i32
    %dma_start3A_17 = arith.constant 0 : i32
    %dma_start3A_18 = tpu.memref_slice %arg3[%dma_start3A_16, %dma_start3A_17] : memref<100000x128xf32, #tpu.memory_space<hbm>> -> memref<100000x128xf32, #tpu.memory_space<hbm>>
    tpu.enqueue_indirect_dma source(%dma_start3A_18 : memref<100000x128xf32, #tpu.memory_space<hbm>>) target(%arg11 : memref<128x128xf32, #tpu.memory_space<vmem>>) offsets(%arg7 : memref<128xi32, #tpu.memory_space<vmem>>) semaphore(%arg13 : memref<!tpu.dma_semaphore, #tpu.memory_space<semaphore_mem>>)
    %dma_start3A_19 = arith.constant 0 : i32
    %dma_start3A_20 = arith.constant 0 : i32
    %dma_start3A_21 = tpu.memref_slice %arg3[%dma_start3A_19, %dma_start3A_20] : memref<100000x128xf32, #tpu.memory_space<hbm>> -> memref<100000x128xf32, #tpu.memory_space<hbm>>
    tpu.enqueue_indirect_dma source(%dma_start3A_21 : memref<100000x128xf32, #tpu.memory_space<hbm>>) target(%arg12 : memref<128x128xf32, #tpu.memory_space<vmem>>) offsets(%arg8 : memref<128xi32, #tpu.memory_space<vmem>>) semaphore(%arg13 : memref<!tpu.dma_semaphore, #tpu.memory_space<semaphore_mem>>)
    %dma_wait3A = arith.constant 0 : i32
    %dma_wait3A_22 = arith.constant 0 : i32
    %dma_wait3A_23 = tpu.memref_slice %arg3[%dma_wait3A, %dma_wait3A_22] : memref<100000x128xf32, #tpu.memory_space<hbm>> -> memref<100000x128xf32, #tpu.memory_space<hbm>>
    tpu.wait_indirect_dma semaphore(%arg13 : memref<!tpu.dma_semaphore, #tpu.memory_space<semaphore_mem>>) src(%dma_wait3A_23 : memref<100000x128xf32, #tpu.memory_space<hbm>>) dst(%arg9 : memref<128x128xf32, #tpu.memory_space<vmem>>)
    %add3A_24 = arith.constant 0 : i32
    %add3A_25 = arith.addi %mul3A_2, %add3A_24 : i32
    "tpu.region"() ({
      %run_scoped3A = tpu.sem_alloc : memref<!tpu.dma_semaphore, #tpu.memory_space<semaphore_mem>>
      %dma_start3A_41 = arith.constant 0 : i32
      %dma_start3A_42 = tpu.memref_slice %arg4[%add3A_25, %dma_start3A_41] : memref<16384x128xf32, #tpu.memory_space<hbm>> -> memref<128x128xf32, #tpu.memory_space<hbm>>
      %dma_start3A_43 = arith.constant 0 : i32
      %dma_start3A_44 = tpu.memref_slice %arg4[%add3A_25, %dma_start3A_43] : memref<16384x128xf32, #tpu.memory_space<hbm>> -> memref<128x128xf32, #tpu.memory_space<hbm>>
      tpu.enqueue_dma source(%arg9 : memref<128x128xf32, #tpu.memory_space<vmem>>) target(%dma_start3A_44 : memref<128x128xf32, #tpu.memory_space<hbm>>) target_semaphore(%run_scoped3A : memref<!tpu.dma_semaphore, #tpu.memory_space<semaphore_mem>>)
      %dma_wait3A_45 = arith.constant 0 : i32
      %dma_wait3A_46 = tpu.memref_slice %arg4[%add3A_25, %dma_wait3A_45] : memref<16384x128xf32, #tpu.memory_space<hbm>> -> memref<128x128xf32, #tpu.memory_space<hbm>>
      %dma_wait3A_47 = arith.constant 0 : i32
      %dma_wait3A_48 = tpu.memref_slice %arg4[%add3A_25, %dma_wait3A_47] : memref<16384x128xf32, #tpu.memory_space<hbm>> -> memref<128x128xf32, #tpu.memory_space<hbm>>
      tpu.wait_dma2 semaphore(%run_scoped3A : memref<!tpu.dma_semaphore, #tpu.memory_space<semaphore_mem>>) src(%arg9 : memref<128x128xf32, #tpu.memory_space<vmem>>) dst(%dma_wait3A_48 : memref<128x128xf32, #tpu.memory_space<hbm>>)
      tpu.yield
    }) : () -> ()
    %dma_wait3A_26 = arith.constant 0 : i32
    %dma_wait3A_27 = arith.constant 0 : i32
    %dma_wait3A_28 = tpu.memref_slice %arg3[%dma_wait3A_26, %dma_wait3A_27] : memref<100000x128xf32, #tpu.memory_space<hbm>> -> memref<100000x128xf32, #tpu.memory_space<hbm>>
    tpu.wait_indirect_dma semaphore(%arg13 : memref<!tpu.dma_semaphore, #tpu.memory_space<semaphore_mem>>) src(%dma_wait3A_28 : memref<100000x128xf32, #tpu.memory_space<hbm>>) dst(%arg10 : memref<128x128xf32, #tpu.memory_space<vmem>>)
    %add3A_29 = arith.constant 128 : i32
    %add3A_30 = arith.addi %mul3A_2, %add3A_29 : i32
    "tpu.region"() ({
      %run_scoped3A = tpu.sem_alloc : memref<!tpu.dma_semaphore, #tpu.memory_space<semaphore_mem>>
      %dma_start3A_41 = arith.constant 0 : i32
      %dma_start3A_42 = tpu.memref_slice %arg4[%add3A_30, %dma_start3A_41] : memref<16384x128xf32, #tpu.memory_space<hbm>> -> memref<128x128xf32, #tpu.memory_space<hbm>>
      %dma_start3A_43 = arith.constant 0 : i32
      %dma_start3A_44 = tpu.memref_slice %arg4[%add3A_30, %dma_start3A_43] : memref<16384x128xf32, #tpu.memory_space<hbm>> -> memref<128x128xf32, #tpu.memory_space<hbm>>
      tpu.enqueue_dma source(%arg10 : memref<128x128xf32, #tpu.memory_space<vmem>>) target(%dma_start3A_44 : memref<128x128xf32, #tpu.memory_space<hbm>>) target_semaphore(%run_scoped3A : memref<!tpu.dma_semaphore, #tpu.memory_space<semaphore_mem>>)
      %dma_wait3A_45 = arith.constant 0 : i32
      %dma_wait3A_46 = tpu.memref_slice %arg4[%add3A_30, %dma_wait3A_45] : memref<16384x128xf32, #tpu.memory_space<hbm>> -> memref<128x128xf32, #tpu.memory_space<hbm>>
      %dma_wait3A_47 = arith.constant 0 : i32
      %dma_wait3A_48 = tpu.memref_slice %arg4[%add3A_30, %dma_wait3A_47] : memref<16384x128xf32, #tpu.memory_space<hbm>> -> memref<128x128xf32, #tpu.memory_space<hbm>>
      tpu.wait_dma2 semaphore(%run_scoped3A : memref<!tpu.dma_semaphore, #tpu.memory_space<semaphore_mem>>) src(%arg10 : memref<128x128xf32, #tpu.memory_space<vmem>>) dst(%dma_wait3A_48 : memref<128x128xf32, #tpu.memory_space<hbm>>)
      tpu.yield
    }) : () -> ()
    %dma_wait3A_31 = arith.constant 0 : i32
    %dma_wait3A_32 = arith.constant 0 : i32
    %dma_wait3A_33 = tpu.memref_slice %arg3[%dma_wait3A_31, %dma_wait3A_32] : memref<100000x128xf32, #tpu.memory_space<hbm>> -> memref<100000x128xf32, #tpu.memory_space<hbm>>
    tpu.wait_indirect_dma semaphore(%arg13 : memref<!tpu.dma_semaphore, #tpu.memory_space<semaphore_mem>>) src(%dma_wait3A_33 : memref<100000x128xf32, #tpu.memory_space<hbm>>) dst(%arg11 : memref<128x128xf32, #tpu.memory_space<vmem>>)
    %add3A_34 = arith.constant 256 : i32
    %add3A_35 = arith.addi %mul3A_2, %add3A_34 : i32
    "tpu.region"() ({
      %run_scoped3A = tpu.sem_alloc : memref<!tpu.dma_semaphore, #tpu.memory_space<semaphore_mem>>
      %dma_start3A_41 = arith.constant 0 : i32
      %dma_start3A_42 = tpu.memref_slice %arg4[%add3A_35, %dma_start3A_41] : memref<16384x128xf32, #tpu.memory_space<hbm>> -> memref<128x128xf32, #tpu.memory_space<hbm>>
      %dma_start3A_43 = arith.constant 0 : i32
      %dma_start3A_44 = tpu.memref_slice %arg4[%add3A_35, %dma_start3A_43] : memref<16384x128xf32, #tpu.memory_space<hbm>> -> memref<128x128xf32, #tpu.memory_space<hbm>>
      tpu.enqueue_dma source(%arg11 : memref<128x128xf32, #tpu.memory_space<vmem>>) target(%dma_start3A_44 : memref<128x128xf32, #tpu.memory_space<hbm>>) target_semaphore(%run_scoped3A : memref<!tpu.dma_semaphore, #tpu.memory_space<semaphore_mem>>)
      %dma_wait3A_45 = arith.constant 0 : i32
      %dma_wait3A_46 = tpu.memref_slice %arg4[%add3A_35, %dma_wait3A_45] : memref<16384x128xf32, #tpu.memory_space<hbm>> -> memref<128x128xf32, #tpu.memory_space<hbm>>
      %dma_wait3A_47 = arith.constant 0 : i32
      %dma_wait3A_48 = tpu.memref_slice %arg4[%add3A_35, %dma_wait3A_47] : memref<16384x128xf32, #tpu.memory_space<hbm>> -> memref<128x128xf32, #tpu.memory_space<hbm>>
      tpu.wait_dma2 semaphore(%run_scoped3A : memref<!tpu.dma_semaphore, #tpu.memory_space<semaphore_mem>>) src(%arg11 : memref<128x128xf32, #tpu.memory_space<vmem>>) dst(%dma_wait3A_48 : memref<128x128xf32, #tpu.memory_space<hbm>>)
      tpu.yield
    }) : () -> ()
    %dma_wait3A_36 = arith.constant 0 : i32
    %dma_wait3A_37 = arith.constant 0 : i32
    %dma_wait3A_38 = tpu.memref_slice %arg3[%dma_wait3A_36, %dma_wait3A_37] : memref<100000x128xf32, #tpu.memory_space<hbm>> -> memref<100000x128xf32, #tpu.memory_space<hbm>>
    tpu.wait_indirect_dma semaphore(%arg13 : memref<!tpu.dma_semaphore, #tpu.memory_space<semaphore_mem>>) src(%dma_wait3A_38 : memref<100000x128xf32, #tpu.memory_space<hbm>>) dst(%arg12 : memref<128x128xf32, #tpu.memory_space<vmem>>)
    %add3A_39 = arith.constant 384 : i32
    %add3A_40 = arith.addi %mul3A_2, %add3A_39 : i32
    "tpu.region"() ({
      %run_scoped3A = tpu.sem_alloc : memref<!tpu.dma_semaphore, #tpu.memory_space<semaphore_mem>>
      %dma_start3A_41 = arith.constant 0 : i32
      %dma_start3A_42 = tpu.memref_slice %arg4[%add3A_40, %dma_start3A_41] : memref<16384x128xf32, #tpu.memory_space<hbm>> -> memref<128x128xf32, #tpu.memory_space<hbm>>
      %dma_start3A_43 = arith.constant 0 : i32
      %dma_start3A_44 = tpu.memref_slice %arg4[%add3A_40, %dma_start3A_43] : memref<16384x128xf32, #tpu.memory_space<hbm>> -> memref<128x128xf32, #tpu.memory_space<hbm>>
      tpu.enqueue_dma source(%arg12 : memref<128x128xf32, #tpu.memory_space<vmem>>) target(%dma_start3A_44 : memref<128x128xf32, #tpu.memory_space<hbm>>) target_semaphore(%run_scoped3A : memref<!tpu.dma_semaphore, #tpu.memory_space<semaphore_mem>>)
      %dma_wait3A_45 = arith.constant 0 : i32
      %dma_wait3A_46 = tpu.memref_slice %arg4[%add3A_40, %dma_wait3A_45] : memref<16384x128xf32, #tpu.memory_space<hbm>> -> memref<128x128xf32, #tpu.memory_space<hbm>>
      %dma_wait3A_47 = arith.constant 0 : i32
      %dma_wait3A_48 = tpu.memref_slice %arg4[%add3A_40, %dma_wait3A_47] : memref<16384x128xf32, #tpu.memory_space<hbm>> -> memref<128x128xf32, #tpu.memory_space<hbm>>
      tpu.wait_dma2 semaphore(%run_scoped3A : memref<!tpu.dma_semaphore, #tpu.memory_space<semaphore_mem>>) src(%arg12 : memref<128x128xf32, #tpu.memory_space<vmem>>) dst(%dma_wait3A_48 : memref<128x128xf32, #tpu.memory_space<hbm>>)
      tpu.yield
    }) : () -> ()
    return
  }
}

#map = affine_map<(d0, d1) -> (0, 0)>
#map1 = affine_map<(d0, d1) -> (0)>
module attributes {stable_mosaic.version = 14 : i64} {
  func.func @_sc_af_body(%arg0: i32, %arg1: i32, %arg2: memref<20x16384xi32, #tpu.memory_space<hbm>>, %arg3: memref<16384xi32, #tpu.memory_space<hbm>>, %arg4: memref<16x1000xf32, #tpu.memory_space<hbm>>, %arg5: memref<4x16xf32, #tpu.memory_space<hbm>>, %arg6: memref<20x16384xf32, #tpu.memory_space<hbm>>, %arg7: memref<512xi32, #tpu.memory_space<vmem>>, %arg8: memref<20x512xi32, #tpu.memory_space<vmem>>, %arg9: memref<16x1000xf32, #tpu.memory_space<vmem>>, %arg10: memref<4x16xf32, #tpu.memory_space<vmem>>, %arg11: memref<20x512xf32, #tpu.memory_space<vmem>>) attributes {dimension_semantics = [#tpu.dimension_semantics<core_parallel>, #tpu.dimension_semantics<subcore_parallel>], iteration_bounds = array<i64: 2, 16>, scalar_prefetch = 0 : i64, scratch_operands = 5 : i64, tpu.core_type = #tpu.core_type<sc_vector_subcore>, window_params = [{transform_indices = #map}, {transform_indices = #map1}, {transform_indices = #map}, {transform_indices = #map}, {transform_indices = #map}]} {
    %mul3A = arith.constant 2 : i32
    %mul3A_0 = arith.muli %arg1, %mul3A : i32
    %add3A = arith.addi %mul3A_0, %arg0 : i32
    %mul3A_1 = arith.constant 512 : i32
    %mul3A_2 = arith.muli %add3A, %mul3A_1 : i32
    "tpu.region"() ({
      %run_scoped3A_47 = tpu.sem_alloc : memref<!tpu.dma_semaphore, #tpu.memory_space<semaphore_mem>>
      tpu.enqueue_dma source(%arg4 : memref<16x1000xf32, #tpu.memory_space<hbm>>) target(%arg9 : memref<16x1000xf32, #tpu.memory_space<vmem>>) target_semaphore(%run_scoped3A_47 : memref<!tpu.dma_semaphore, #tpu.memory_space<semaphore_mem>>)
      tpu.wait_dma2 semaphore(%run_scoped3A_47 : memref<!tpu.dma_semaphore, #tpu.memory_space<semaphore_mem>>) src(%arg4 : memref<16x1000xf32, #tpu.memory_space<hbm>>) dst(%arg9 : memref<16x1000xf32, #tpu.memory_space<vmem>>)
      tpu.yield
    }) : () -> ()
    "tpu.region"() ({
      %run_scoped3A_47 = tpu.sem_alloc : memref<!tpu.dma_semaphore, #tpu.memory_space<semaphore_mem>>
      tpu.enqueue_dma source(%arg5 : memref<4x16xf32, #tpu.memory_space<hbm>>) target(%arg10 : memref<4x16xf32, #tpu.memory_space<vmem>>) target_semaphore(%run_scoped3A_47 : memref<!tpu.dma_semaphore, #tpu.memory_space<semaphore_mem>>)
      tpu.wait_dma2 semaphore(%run_scoped3A_47 : memref<!tpu.dma_semaphore, #tpu.memory_space<semaphore_mem>>) src(%arg5 : memref<4x16xf32, #tpu.memory_space<hbm>>) dst(%arg10 : memref<4x16xf32, #tpu.memory_space<vmem>>)
      tpu.yield
    }) : () -> ()
    "tpu.region"() ({
      %run_scoped3A_47 = tpu.sem_alloc : memref<!tpu.dma_semaphore, #tpu.memory_space<semaphore_mem>>
      %dma_start3A = tpu.memref_slice %arg3[%mul3A_2] : memref<16384xi32, #tpu.memory_space<hbm>> -> memref<512xi32, #tpu.memory_space<hbm>>
      %dma_start3A_48 = tpu.memref_slice %arg3[%mul3A_2] : memref<16384xi32, #tpu.memory_space<hbm>> -> memref<512xi32, #tpu.memory_space<hbm>>
      tpu.enqueue_dma source(%dma_start3A_48 : memref<512xi32, #tpu.memory_space<hbm>>) target(%arg7 : memref<512xi32, #tpu.memory_space<vmem>>) target_semaphore(%run_scoped3A_47 : memref<!tpu.dma_semaphore, #tpu.memory_space<semaphore_mem>>)
      %dma_wait3A = tpu.memref_slice %arg3[%mul3A_2] : memref<16384xi32, #tpu.memory_space<hbm>> -> memref<512xi32, #tpu.memory_space<hbm>>
      %dma_wait3A_49 = tpu.memref_slice %arg3[%mul3A_2] : memref<16384xi32, #tpu.memory_space<hbm>> -> memref<512xi32, #tpu.memory_space<hbm>>
      tpu.wait_dma2 semaphore(%run_scoped3A_47 : memref<!tpu.dma_semaphore, #tpu.memory_space<semaphore_mem>>) src(%dma_wait3A_49 : memref<512xi32, #tpu.memory_space<hbm>>) dst(%arg7 : memref<512xi32, #tpu.memory_space<vmem>>)
      tpu.yield
    }) : () -> ()
    %run_scoped3A = arith.constant 0 : i32
    %run_scoped3A_3 = arith.constant 0 : i32
    "tpu.region"() ({
      %run_scoped3A_47 = tpu.sem_alloc : memref<!tpu.dma_semaphore, #tpu.memory_space<semaphore_mem>>
      %dma_start3A = arith.constant 0 : i32
      %dma_start3A_48 = tpu.memref_slice %arg8[%run_scoped3A_3, %dma_start3A] : memref<20x512xi32, #tpu.memory_space<vmem>> -> memref<1x512xi32, #tpu.memory_space<vmem>>
      %dma_start3A_49 = tpu.memref_squeeze %dma_start3A_48 : memref<1x512xi32, #tpu.memory_space<vmem>> -> memref<512xi32, #tpu.memory_space<vmem>>
      %dma_start3A_50 = tpu.memref_slice %arg2[%run_scoped3A, %mul3A_2] : memref<20x16384xi32, #tpu.memory_space<hbm>> -> memref<1x512xi32, #tpu.memory_space<hbm>>
      %dma_start3A_51 = tpu.memref_squeeze %dma_start3A_50 : memref<1x512xi32, #tpu.memory_space<hbm>> -> memref<512xi32, #tpu.memory_space<hbm>>
      %dma_start3A_52 = arith.constant 0 : i32
      %dma_start3A_53 = tpu.memref_slice %arg8[%run_scoped3A_3, %dma_start3A_52] : memref<20x512xi32, #tpu.memory_space<vmem>> -> memref<1x512xi32, #tpu.memory_space<vmem>>
      %dma_start3A_54 = tpu.memref_squeeze %dma_start3A_53 : memref<1x512xi32, #tpu.memory_space<vmem>> -> memref<512xi32, #tpu.memory_space<vmem>>
      %dma_start3A_55 = tpu.memref_slice %arg2[%run_scoped3A, %mul3A_2] : memref<20x16384xi32, #tpu.memory_space<hbm>> -> memref<1x512xi32, #tpu.memory_space<hbm>>
      %dma_start3A_56 = tpu.memref_squeeze %dma_start3A_55 : memref<1x512xi32, #tpu.memory_space<hbm>> -> memref<512xi32, #tpu.memory_space<hbm>>
      tpu.enqueue_dma source(%dma_start3A_56 : memref<512xi32, #tpu.memory_space<hbm>>) target(%dma_start3A_54 : memref<512xi32, #tpu.memory_space<vmem>>) target_semaphore(%run_scoped3A_47 : memref<!tpu.dma_semaphore, #tpu.memory_space<semaphore_mem>>)
      %dma_wait3A = arith.constant 0 : i32
      %dma_wait3A_57 = tpu.memref_slice %arg8[%run_scoped3A_3, %dma_wait3A] : memref<20x512xi32, #tpu.memory_space<vmem>> -> memref<1x512xi32, #tpu.memory_space<vmem>>
      %dma_wait3A_58 = tpu.memref_squeeze %dma_wait3A_57 : memref<1x512xi32, #tpu.memory_space<vmem>> -> memref<512xi32, #tpu.memory_space<vmem>>
      %dma_wait3A_59 = tpu.memref_slice %arg2[%run_scoped3A, %mul3A_2] : memref<20x16384xi32, #tpu.memory_space<hbm>> -> memref<1x512xi32, #tpu.memory_space<hbm>>
      %dma_wait3A_60 = tpu.memref_squeeze %dma_wait3A_59 : memref<1x512xi32, #tpu.memory_space<hbm>> -> memref<512xi32, #tpu.memory_space<hbm>>
      %dma_wait3A_61 = arith.constant 0 : i32
      %dma_wait3A_62 = tpu.memref_slice %arg8[%run_scoped3A_3, %dma_wait3A_61] : memref<20x512xi32, #tpu.memory_space<vmem>> -> memref<1x512xi32, #tpu.memory_space<vmem>>
      %dma_wait3A_63 = tpu.memref_squeeze %dma_wait3A_62 : memref<1x512xi32, #tpu.memory_space<vmem>> -> memref<512xi32, #tpu.memory_space<vmem>>
      %dma_wait3A_64 = tpu.memref_slice %arg2[%run_scoped3A, %mul3A_2] : memref<20x16384xi32, #tpu.memory_space<hbm>> -> memref<1x512xi32, #tpu.memory_space<hbm>>
      %dma_wait3A_65 = tpu.memref_squeeze %dma_wait3A_64 : memref<1x512xi32, #tpu.memory_space<hbm>> -> memref<512xi32, #tpu.memory_space<hbm>>
      tpu.wait_dma2 semaphore(%run_scoped3A_47 : memref<!tpu.dma_semaphore, #tpu.memory_space<semaphore_mem>>) src(%dma_wait3A_65 : memref<512xi32, #tpu.memory_space<hbm>>) dst(%dma_wait3A_63 : memref<512xi32, #tpu.memory_space<vmem>>)
      tpu.yield
    }) : () -> ()
    %run_scoped3A_4 = arith.constant 1 : i32
    %run_scoped3A_5 = arith.constant 1 : i32
    "tpu.region"() ({
      %run_scoped3A_47 = tpu.sem_alloc : memref<!tpu.dma_semaphore, #tpu.memory_space<semaphore_mem>>
      %dma_start3A = arith.constant 0 : i32
      %dma_start3A_48 = tpu.memref_slice %arg8[%run_scoped3A_5, %dma_start3A] : memref<20x512xi32, #tpu.memory_space<vmem>> -> memref<1x512xi32, #tpu.memory_space<vmem>>
      %dma_start3A_49 = tpu.memref_squeeze %dma_start3A_48 : memref<1x512xi32, #tpu.memory_space<vmem>> -> memref<512xi32, #tpu.memory_space<vmem>>
      %dma_start3A_50 = tpu.memref_slice %arg2[%run_scoped3A_4, %mul3A_2] : memref<20x16384xi32, #tpu.memory_space<hbm>> -> memref<1x512xi32, #tpu.memory_space<hbm>>
      %dma_start3A_51 = tpu.memref_squeeze %dma_start3A_50 : memref<1x512xi32, #tpu.memory_space<hbm>> -> memref<512xi32, #tpu.memory_space<hbm>>
      %dma_start3A_52 = arith.constant 0 : i32
      %dma_start3A_53 = tpu.memref_slice %arg8[%run_scoped3A_5, %dma_start3A_52] : memref<20x512xi32, #tpu.memory_space<vmem>> -> memref<1x512xi32, #tpu.memory_space<vmem>>
      %dma_start3A_54 = tpu.memref_squeeze %dma_start3A_53 : memref<1x512xi32, #tpu.memory_space<vmem>> -> memref<512xi32, #tpu.memory_space<vmem>>
      %dma_start3A_55 = tpu.memref_slice %arg2[%run_scoped3A_4, %mul3A_2] : memref<20x16384xi32, #tpu.memory_space<hbm>> -> memref<1x512xi32, #tpu.memory_space<hbm>>
      %dma_start3A_56 = tpu.memref_squeeze %dma_start3A_55 : memref<1x512xi32, #tpu.memory_space<hbm>> -> memref<512xi32, #tpu.memory_space<hbm>>
      tpu.enqueue_dma source(%dma_start3A_56 : memref<512xi32, #tpu.memory_space<hbm>>) target(%dma_start3A_54 : memref<512xi32, #tpu.memory_space<vmem>>) target_semaphore(%run_scoped3A_47 : memref<!tpu.dma_semaphore, #tpu.memory_space<semaphore_mem>>)
      %dma_wait3A = arith.constant 0 : i32
      %dma_wait3A_57 = tpu.memref_slice %arg8[%run_scoped3A_5, %dma_wait3A] : memref<20x512xi32, #tpu.memory_space<vmem>> -> memref<1x512xi32, #tpu.memory_space<vmem>>
      %dma_wait3A_58 = tpu.memref_squeeze %dma_wait3A_57 : memref<1x512xi32, #tpu.memory_space<vmem>> -> memref<512xi32, #tpu.memory_space<vmem>>
      %dma_wait3A_59 = tpu.memref_slice %arg2[%run_scoped3A_4, %mul3A_2] : memref<20x16384xi32, #tpu.memory_space<hbm>> -> memref<1x512xi32, #tpu.memory_space<hbm>>
      %dma_wait3A_60 = tpu.memref_squeeze %dma_wait3A_59 : memref<1x512xi32, #tpu.memory_space<hbm>> -> memref<512xi32, #tpu.memory_space<hbm>>
      %dma_wait3A_61 = arith.constant 0 : i32
      %dma_wait3A_62 = tpu.memref_slice %arg8[%run_scoped3A_5, %dma_wait3A_61] : memref<20x512xi32, #tpu.memory_space<vmem>> -> memref<1x512xi32, #tpu.memory_space<vmem>>
      %dma_wait3A_63 = tpu.memref_squeeze %dma_wait3A_62 : memref<1x512xi32, #tpu.memory_space<vmem>> -> memref<512xi32, #tpu.memory_space<vmem>>
      %dma_wait3A_64 = tpu.memref_slice %arg2[%run_scoped3A_4, %mul3A_2] : memref<20x16384xi32, #tpu.memory_space<hbm>> -> memref<1x512xi32, #tpu.memory_space<hbm>>
      %dma_wait3A_65 = tpu.memref_squeeze %dma_wait3A_64 : memref<1x512xi32, #tpu.memory_space<hbm>> -> memref<512xi32, #tpu.memory_space<hbm>>
      tpu.wait_dma2 semaphore(%run_scoped3A_47 : memref<!tpu.dma_semaphore, #tpu.memory_space<semaphore_mem>>) src(%dma_wait3A_65 : memref<512xi32, #tpu.memory_space<hbm>>) dst(%dma_wait3A_63 : memref<512xi32, #tpu.memory_space<vmem>>)
      tpu.yield
    }) : () -> ()
    %run_scoped3A_6 = arith.constant 2 : i32
    %run_scoped3A_7 = arith.constant 2 : i32
    "tpu.region"() ({
      %run_scoped3A_47 = tpu.sem_alloc : memref<!tpu.dma_semaphore, #tpu.memory_space<semaphore_mem>>
      %dma_start3A = arith.constant 0 : i32
      %dma_start3A_48 = tpu.memref_slice %arg8[%run_scoped3A_7, %dma_start3A] : memref<20x512xi32, #tpu.memory_space<vmem>> -> memref<1x512xi32, #tpu.memory_space<vmem>>
      %dma_start3A_49 = tpu.memref_squeeze %dma_start3A_48 : memref<1x512xi32, #tpu.memory_space<vmem>> -> memref<512xi32, #tpu.memory_space<vmem>>
      %dma_start3A_50 = tpu.memref_slice %arg2[%run_scoped3A_6, %mul3A_2] : memref<20x16384xi32, #tpu.memory_space<hbm>> -> memref<1x512xi32, #tpu.memory_space<hbm>>
      %dma_start3A_51 = tpu.memref_squeeze %dma_start3A_50 : memref<1x512xi32, #tpu.memory_space<hbm>> -> memref<512xi32, #tpu.memory_space<hbm>>
      %dma_start3A_52 = arith.constant 0 : i32
      %dma_start3A_53 = tpu.memref_slice %arg8[%run_scoped3A_7, %dma_start3A_52] : memref<20x512xi32, #tpu.memory_space<vmem>> -> memref<1x512xi32, #tpu.memory_space<vmem>>
      %dma_start3A_54 = tpu.memref_squeeze %dma_start3A_53 : memref<1x512xi32, #tpu.memory_space<vmem>> -> memref<512xi32, #tpu.memory_space<vmem>>
      %dma_start3A_55 = tpu.memref_slice %arg2[%run_scoped3A_6, %mul3A_2] : memref<20x16384xi32, #tpu.memory_space<hbm>> -> memref<1x512xi32, #tpu.memory_space<hbm>>
      %dma_start3A_56 = tpu.memref_squeeze %dma_start3A_55 : memref<1x512xi32, #tpu.memory_space<hbm>> -> memref<512xi32, #tpu.memory_space<hbm>>
      tpu.enqueue_dma source(%dma_start3A_56 : memref<512xi32, #tpu.memory_space<hbm>>) target(%dma_start3A_54 : memref<512xi32, #tpu.memory_space<vmem>>) target_semaphore(%run_scoped3A_47 : memref<!tpu.dma_semaphore, #tpu.memory_space<semaphore_mem>>)
      %dma_wait3A = arith.constant 0 : i32
      %dma_wait3A_57 = tpu.memref_slice %arg8[%run_scoped3A_7, %dma_wait3A] : memref<20x512xi32, #tpu.memory_space<vmem>> -> memref<1x512xi32, #tpu.memory_space<vmem>>
      %dma_wait3A_58 = tpu.memref_squeeze %dma_wait3A_57 : memref<1x512xi32, #tpu.memory_space<vmem>> -> memref<512xi32, #tpu.memory_space<vmem>>
      %dma_wait3A_59 = tpu.memref_slice %arg2[%run_scoped3A_6, %mul3A_2] : memref<20x16384xi32, #tpu.memory_space<hbm>> -> memref<1x512xi32, #tpu.memory_space<hbm>>
      %dma_wait3A_60 = tpu.memref_squeeze %dma_wait3A_59 : memref<1x512xi32, #tpu.memory_space<hbm>> -> memref<512xi32, #tpu.memory_space<hbm>>
      %dma_wait3A_61 = arith.constant 0 : i32
      %dma_wait3A_62 = tpu.memref_slice %arg8[%run_scoped3A_7, %dma_wait3A_61] : memref<20x512xi32, #tpu.memory_space<vmem>> -> memref<1x512xi32, #tpu.memory_space<vmem>>
      %dma_wait3A_63 = tpu.memref_squeeze %dma_wait3A_62 : memref<1x512xi32, #tpu.memory_space<vmem>> -> memref<512xi32, #tpu.memory_space<vmem>>
      %dma_wait3A_64 = tpu.memref_slice %arg2[%run_scoped3A_6, %mul3A_2] : memref<20x16384xi32, #tpu.memory_space<hbm>> -> memref<1x512xi32, #tpu.memory_space<hbm>>
      %dma_wait3A_65 = tpu.memref_squeeze %dma_wait3A_64 : memref<1x512xi32, #tpu.memory_space<hbm>> -> memref<512xi32, #tpu.memory_space<hbm>>
      tpu.wait_dma2 semaphore(%run_scoped3A_47 : memref<!tpu.dma_semaphore, #tpu.memory_space<semaphore_mem>>) src(%dma_wait3A_65 : memref<512xi32, #tpu.memory_space<hbm>>) dst(%dma_wait3A_63 : memref<512xi32, #tpu.memory_space<vmem>>)
      tpu.yield
    }) : () -> ()
    %run_scoped3A_8 = arith.constant 3 : i32
    %run_scoped3A_9 = arith.constant 3 : i32
    "tpu.region"() ({
      %run_scoped3A_47 = tpu.sem_alloc : memref<!tpu.dma_semaphore, #tpu.memory_space<semaphore_mem>>
      %dma_start3A = arith.constant 0 : i32
      %dma_start3A_48 = tpu.memref_slice %arg8[%run_scoped3A_9, %dma_start3A] : memref<20x512xi32, #tpu.memory_space<vmem>> -> memref<1x512xi32, #tpu.memory_space<vmem>>
      %dma_start3A_49 = tpu.memref_squeeze %dma_start3A_48 : memref<1x512xi32, #tpu.memory_space<vmem>> -> memref<512xi32, #tpu.memory_space<vmem>>
      %dma_start3A_50 = tpu.memref_slice %arg2[%run_scoped3A_8, %mul3A_2] : memref<20x16384xi32, #tpu.memory_space<hbm>> -> memref<1x512xi32, #tpu.memory_space<hbm>>
      %dma_start3A_51 = tpu.memref_squeeze %dma_start3A_50 : memref<1x512xi32, #tpu.memory_space<hbm>> -> memref<512xi32, #tpu.memory_space<hbm>>
      %dma_start3A_52 = arith.constant 0 : i32
      %dma_start3A_53 = tpu.memref_slice %arg8[%run_scoped3A_9, %dma_start3A_52] : memref<20x512xi32, #tpu.memory_space<vmem>> -> memref<1x512xi32, #tpu.memory_space<vmem>>
      %dma_start3A_54 = tpu.memref_squeeze %dma_start3A_53 : memref<1x512xi32, #tpu.memory_space<vmem>> -> memref<512xi32, #tpu.memory_space<vmem>>
      %dma_start3A_55 = tpu.memref_slice %arg2[%run_scoped3A_8, %mul3A_2] : memref<20x16384xi32, #tpu.memory_space<hbm>> -> memref<1x512xi32, #tpu.memory_space<hbm>>
      %dma_start3A_56 = tpu.memref_squeeze %dma_start3A_55 : memref<1x512xi32, #tpu.memory_space<hbm>> -> memref<512xi32, #tpu.memory_space<hbm>>
      tpu.enqueue_dma source(%dma_start3A_56 : memref<512xi32, #tpu.memory_space<hbm>>) target(%dma_start3A_54 : memref<512xi32, #tpu.memory_space<vmem>>) target_semaphore(%run_scoped3A_47 : memref<!tpu.dma_semaphore, #tpu.memory_space<semaphore_mem>>)
      %dma_wait3A = arith.constant 0 : i32
      %dma_wait3A_57 = tpu.memref_slice %arg8[%run_scoped3A_9, %dma_wait3A] : memref<20x512xi32, #tpu.memory_space<vmem>> -> memref<1x512xi32, #tpu.memory_space<vmem>>
      %dma_wait3A_58 = tpu.memref_squeeze %dma_wait3A_57 : memref<1x512xi32, #tpu.memory_space<vmem>> -> memref<512xi32, #tpu.memory_space<vmem>>
      %dma_wait3A_59 = tpu.memref_slice %arg2[%run_scoped3A_8, %mul3A_2] : memref<20x16384xi32, #tpu.memory_space<hbm>> -> memref<1x512xi32, #tpu.memory_space<hbm>>
      %dma_wait3A_60 = tpu.memref_squeeze %dma_wait3A_59 : memref<1x512xi32, #tpu.memory_space<hbm>> -> memref<512xi32, #tpu.memory_space<hbm>>
      %dma_wait3A_61 = arith.constant 0 : i32
      %dma_wait3A_62 = tpu.memref_slice %arg8[%run_scoped3A_9, %dma_wait3A_61] : memref<20x512xi32, #tpu.memory_space<vmem>> -> memref<1x512xi32, #tpu.memory_space<vmem>>
      %dma_wait3A_63 = tpu.memref_squeeze %dma_wait3A_62 : memref<1x512xi32, #tpu.memory_space<vmem>> -> memref<512xi32, #tpu.memory_space<vmem>>
      %dma_wait3A_64 = tpu.memref_slice %arg2[%run_scoped3A_8, %mul3A_2] : memref<20x16384xi32, #tpu.memory_space<hbm>> -> memref<1x512xi32, #tpu.memory_space<hbm>>
      %dma_wait3A_65 = tpu.memref_squeeze %dma_wait3A_64 : memref<1x512xi32, #tpu.memory_space<hbm>> -> memref<512xi32, #tpu.memory_space<hbm>>
      tpu.wait_dma2 semaphore(%run_scoped3A_47 : memref<!tpu.dma_semaphore, #tpu.memory_space<semaphore_mem>>) src(%dma_wait3A_65 : memref<512xi32, #tpu.memory_space<hbm>>) dst(%dma_wait3A_63 : memref<512xi32, #tpu.memory_space<vmem>>)
      tpu.yield
    }) : () -> ()
    %run_scoped3A_10 = arith.constant 4 : i32
    %run_scoped3A_11 = arith.constant 4 : i32
    "tpu.region"() ({
      %run_scoped3A_47 = tpu.sem_alloc : memref<!tpu.dma_semaphore, #tpu.memory_space<semaphore_mem>>
      %dma_start3A = arith.constant 0 : i32
      %dma_start3A_48 = tpu.memref_slice %arg8[%run_scoped3A_11, %dma_start3A] : memref<20x512xi32, #tpu.memory_space<vmem>> -> memref<1x512xi32, #tpu.memory_space<vmem>>
      %dma_start3A_49 = tpu.memref_squeeze %dma_start3A_48 : memref<1x512xi32, #tpu.memory_space<vmem>> -> memref<512xi32, #tpu.memory_space<vmem>>
      %dma_start3A_50 = tpu.memref_slice %arg2[%run_scoped3A_10, %mul3A_2] : memref<20x16384xi32, #tpu.memory_space<hbm>> -> memref<1x512xi32, #tpu.memory_space<hbm>>
      %dma_start3A_51 = tpu.memref_squeeze %dma_start3A_50 : memref<1x512xi32, #tpu.memory_space<hbm>> -> memref<512xi32, #tpu.memory_space<hbm>>
      %dma_start3A_52 = arith.constant 0 : i32
      %dma_start3A_53 = tpu.memref_slice %arg8[%run_scoped3A_11, %dma_start3A_52] : memref<20x512xi32, #tpu.memory_space<vmem>> -> memref<1x512xi32, #tpu.memory_space<vmem>>
      %dma_start3A_54 = tpu.memref_squeeze %dma_start3A_53 : memref<1x512xi32, #tpu.memory_space<vmem>> -> memref<512xi32, #tpu.memory_space<vmem>>
      %dma_start3A_55 = tpu.memref_slice %arg2[%run_scoped3A_10, %mul3A_2] : memref<20x16384xi32, #tpu.memory_space<hbm>> -> memref<1x512xi32, #tpu.memory_space<hbm>>
      %dma_start3A_56 = tpu.memref_squeeze %dma_start3A_55 : memref<1x512xi32, #tpu.memory_space<hbm>> -> memref<512xi32, #tpu.memory_space<hbm>>
      tpu.enqueue_dma source(%dma_start3A_56 : memref<512xi32, #tpu.memory_space<hbm>>) target(%dma_start3A_54 : memref<512xi32, #tpu.memory_space<vmem>>) target_semaphore(%run_scoped3A_47 : memref<!tpu.dma_semaphore, #tpu.memory_space<semaphore_mem>>)
      %dma_wait3A = arith.constant 0 : i32
      %dma_wait3A_57 = tpu.memref_slice %arg8[%run_scoped3A_11, %dma_wait3A] : memref<20x512xi32, #tpu.memory_space<vmem>> -> memref<1x512xi32, #tpu.memory_space<vmem>>
      %dma_wait3A_58 = tpu.memref_squeeze %dma_wait3A_57 : memref<1x512xi32, #tpu.memory_space<vmem>> -> memref<512xi32, #tpu.memory_space<vmem>>
      %dma_wait3A_59 = tpu.memref_slice %arg2[%run_scoped3A_10, %mul3A_2] : memref<20x16384xi32, #tpu.memory_space<hbm>> -> memref<1x512xi32, #tpu.memory_space<hbm>>
      %dma_wait3A_60 = tpu.memref_squeeze %dma_wait3A_59 : memref<1x512xi32, #tpu.memory_space<hbm>> -> memref<512xi32, #tpu.memory_space<hbm>>
      %dma_wait3A_61 = arith.constant 0 : i32
      %dma_wait3A_62 = tpu.memref_slice %arg8[%run_scoped3A_11, %dma_wait3A_61] : memref<20x512xi32, #tpu.memory_space<vmem>> -> memref<1x512xi32, #tpu.memory_space<vmem>>
      %dma_wait3A_63 = tpu.memref_squeeze %dma_wait3A_62 : memref<1x512xi32, #tpu.memory_space<vmem>> -> memref<512xi32, #tpu.memory_space<vmem>>
      %dma_wait3A_64 = tpu.memref_slice %arg2[%run_scoped3A_10, %mul3A_2] : memref<20x16384xi32, #tpu.memory_space<hbm>> -> memref<1x512xi32, #tpu.memory_space<hbm>>
      %dma_wait3A_65 = tpu.memref_squeeze %dma_wait3A_64 : memref<1x512xi32, #tpu.memory_space<hbm>> -> memref<512xi32, #tpu.memory_space<hbm>>
      tpu.wait_dma2 semaphore(%run_scoped3A_47 : memref<!tpu.dma_semaphore, #tpu.memory_space<semaphore_mem>>) src(%dma_wait3A_65 : memref<512xi32, #tpu.memory_space<hbm>>) dst(%dma_wait3A_63 : memref<512xi32, #tpu.memory_space<vmem>>)
      tpu.yield
    }) : () -> ()
    %run_scoped3A_12 = arith.constant 5 : i32
    %run_scoped3A_13 = arith.constant 5 : i32
    "tpu.region"() ({
      %run_scoped3A_47 = tpu.sem_alloc : memref<!tpu.dma_semaphore, #tpu.memory_space<semaphore_mem>>
      %dma_start3A = arith.constant 0 : i32
      %dma_start3A_48 = tpu.memref_slice %arg8[%run_scoped3A_13, %dma_start3A] : memref<20x512xi32, #tpu.memory_space<vmem>> -> memref<1x512xi32, #tpu.memory_space<vmem>>
      %dma_start3A_49 = tpu.memref_squeeze %dma_start3A_48 : memref<1x512xi32, #tpu.memory_space<vmem>> -> memref<512xi32, #tpu.memory_space<vmem>>
      %dma_start3A_50 = tpu.memref_slice %arg2[%run_scoped3A_12, %mul3A_2] : memref<20x16384xi32, #tpu.memory_space<hbm>> -> memref<1x512xi32, #tpu.memory_space<hbm>>
      %dma_start3A_51 = tpu.memref_squeeze %dma_start3A_50 : memref<1x512xi32, #tpu.memory_space<hbm>> -> memref<512xi32, #tpu.memory_space<hbm>>
      %dma_start3A_52 = arith.constant 0 : i32
      %dma_start3A_53 = tpu.memref_slice %arg8[%run_scoped3A_13, %dma_start3A_52] : memref<20x512xi32, #tpu.memory_space<vmem>> -> memref<1x512xi32, #tpu.memory_space<vmem>>
      %dma_start3A_54 = tpu.memref_squeeze %dma_start3A_53 : memref<1x512xi32, #tpu.memory_space<vmem>> -> memref<512xi32, #tpu.memory_space<vmem>>
      %dma_start3A_55 = tpu.memref_slice %arg2[%run_scoped3A_12, %mul3A_2] : memref<20x16384xi32, #tpu.memory_space<hbm>> -> memref<1x512xi32, #tpu.memory_space<hbm>>
      %dma_start3A_56 = tpu.memref_squeeze %dma_start3A_55 : memref<1x512xi32, #tpu.memory_space<hbm>> -> memref<512xi32, #tpu.memory_space<hbm>>
      tpu.enqueue_dma source(%dma_start3A_56 : memref<512xi32, #tpu.memory_space<hbm>>) target(%dma_start3A_54 : memref<512xi32, #tpu.memory_space<vmem>>) target_semaphore(%run_scoped3A_47 : memref<!tpu.dma_semaphore, #tpu.memory_space<semaphore_mem>>)
      %dma_wait3A = arith.constant 0 : i32
      %dma_wait3A_57 = tpu.memref_slice %arg8[%run_scoped3A_13, %dma_wait3A] : memref<20x512xi32, #tpu.memory_space<vmem>> -> memref<1x512xi32, #tpu.memory_space<vmem>>
      %dma_wait3A_58 = tpu.memref_squeeze %dma_wait3A_57 : memref<1x512xi32, #tpu.memory_space<vmem>> -> memref<512xi32, #tpu.memory_space<vmem>>
      %dma_wait3A_59 = tpu.memref_slice %arg2[%run_scoped3A_12, %mul3A_2] : memref<20x16384xi32, #tpu.memory_space<hbm>> -> memref<1x512xi32, #tpu.memory_space<hbm>>
      %dma_wait3A_60 = tpu.memref_squeeze %dma_wait3A_59 : memref<1x512xi32, #tpu.memory_space<hbm>> -> memref<512xi32, #tpu.memory_space<hbm>>
      %dma_wait3A_61 = arith.constant 0 : i32
      %dma_wait3A_62 = tpu.memref_slice %arg8[%run_scoped3A_13, %dma_wait3A_61] : memref<20x512xi32, #tpu.memory_space<vmem>> -> memref<1x512xi32, #tpu.memory_space<vmem>>
      %dma_wait3A_63 = tpu.memref_squeeze %dma_wait3A_62 : memref<1x512xi32, #tpu.memory_space<vmem>> -> memref<512xi32, #tpu.memory_space<vmem>>
      %dma_wait3A_64 = tpu.memref_slice %arg2[%run_scoped3A_12, %mul3A_2] : memref<20x16384xi32, #tpu.memory_space<hbm>> -> memref<1x512xi32, #tpu.memory_space<hbm>>
      %dma_wait3A_65 = tpu.memref_squeeze %dma_wait3A_64 : memref<1x512xi32, #tpu.memory_space<hbm>> -> memref<512xi32, #tpu.memory_space<hbm>>
      tpu.wait_dma2 semaphore(%run_scoped3A_47 : memref<!tpu.dma_semaphore, #tpu.memory_space<semaphore_mem>>) src(%dma_wait3A_65 : memref<512xi32, #tpu.memory_space<hbm>>) dst(%dma_wait3A_63 : memref<512xi32, #tpu.memory_space<vmem>>)
      tpu.yield
    }) : () -> ()
    %run_scoped3A_14 = arith.constant 6 : i32
    %run_scoped3A_15 = arith.constant 6 : i32
    "tpu.region"() ({
      %run_scoped3A_47 = tpu.sem_alloc : memref<!tpu.dma_semaphore, #tpu.memory_space<semaphore_mem>>
      %dma_start3A = arith.constant 0 : i32
      %dma_start3A_48 = tpu.memref_slice %arg8[%run_scoped3A_15, %dma_start3A] : memref<20x512xi32, #tpu.memory_space<vmem>> -> memref<1x512xi32, #tpu.memory_space<vmem>>
      %dma_start3A_49 = tpu.memref_squeeze %dma_start3A_48 : memref<1x512xi32, #tpu.memory_space<vmem>> -> memref<512xi32, #tpu.memory_space<vmem>>
      %dma_start3A_50 = tpu.memref_slice %arg2[%run_scoped3A_14, %mul3A_2] : memref<20x16384xi32, #tpu.memory_space<hbm>> -> memref<1x512xi32, #tpu.memory_space<hbm>>
      %dma_start3A_51 = tpu.memref_squeeze %dma_start3A_50 : memref<1x512xi32, #tpu.memory_space<hbm>> -> memref<512xi32, #tpu.memory_space<hbm>>
      %dma_start3A_52 = arith.constant 0 : i32
      %dma_start3A_53 = tpu.memref_slice %arg8[%run_scoped3A_15, %dma_start3A_52] : memref<20x512xi32, #tpu.memory_space<vmem>> -> memref<1x512xi32, #tpu.memory_space<vmem>>
      %dma_start3A_54 = tpu.memref_squeeze %dma_start3A_53 : memref<1x512xi32, #tpu.memory_space<vmem>> -> memref<512xi32, #tpu.memory_space<vmem>>
      %dma_start3A_55 = tpu.memref_slice %arg2[%run_scoped3A_14, %mul3A_2] : memref<20x16384xi32, #tpu.memory_space<hbm>> -> memref<1x512xi32, #tpu.memory_space<hbm>>
      %dma_start3A_56 = tpu.memref_squeeze %dma_start3A_55 : memref<1x512xi32, #tpu.memory_space<hbm>> -> memref<512xi32, #tpu.memory_space<hbm>>
      tpu.enqueue_dma source(%dma_start3A_56 : memref<512xi32, #tpu.memory_space<hbm>>) target(%dma_start3A_54 : memref<512xi32, #tpu.memory_space<vmem>>) target_semaphore(%run_scoped3A_47 : memref<!tpu.dma_semaphore, #tpu.memory_space<semaphore_mem>>)
      %dma_wait3A = arith.constant 0 : i32
      %dma_wait3A_57 = tpu.memref_slice %arg8[%run_scoped3A_15, %dma_wait3A] : memref<20x512xi32, #tpu.memory_space<vmem>> -> memref<1x512xi32, #tpu.memory_space<vmem>>
      %dma_wait3A_58 = tpu.memref_squeeze %dma_wait3A_57 : memref<1x512xi32, #tpu.memory_space<vmem>> -> memref<512xi32, #tpu.memory_space<vmem>>
      %dma_wait3A_59 = tpu.memref_slice %arg2[%run_scoped3A_14, %mul3A_2] : memref<20x16384xi32, #tpu.memory_space<hbm>> -> memref<1x512xi32, #tpu.memory_space<hbm>>
      %dma_wait3A_60 = tpu.memref_squeeze %dma_wait3A_59 : memref<1x512xi32, #tpu.memory_space<hbm>> -> memref<512xi32, #tpu.memory_space<hbm>>
      %dma_wait3A_61 = arith.constant 0 : i32
      %dma_wait3A_62 = tpu.memref_slice %arg8[%run_scoped3A_15, %dma_wait3A_61] : memref<20x512xi32, #tpu.memory_space<vmem>> -> memref<1x512xi32, #tpu.memory_space<vmem>>
      %dma_wait3A_63 = tpu.memref_squeeze %dma_wait3A_62 : memref<1x512xi32, #tpu.memory_space<vmem>> -> memref<512xi32, #tpu.memory_space<vmem>>
      %dma_wait3A_64 = tpu.memref_slice %arg2[%run_scoped3A_14, %mul3A_2] : memref<20x16384xi32, #tpu.memory_space<hbm>> -> memref<1x512xi32, #tpu.memory_space<hbm>>
      %dma_wait3A_65 = tpu.memref_squeeze %dma_wait3A_64 : memref<1x512xi32, #tpu.memory_space<hbm>> -> memref<512xi32, #tpu.memory_space<hbm>>
      tpu.wait_dma2 semaphore(%run_scoped3A_47 : memref<!tpu.dma_semaphore, #tpu.memory_space<semaphore_mem>>) src(%dma_wait3A_65 : memref<512xi32, #tpu.memory_space<hbm>>) dst(%dma_wait3A_63 : memref<512xi32, #tpu.memory_space<vmem>>)
      tpu.yield
    }) : () -> ()
    %run_scoped3A_16 = arith.constant 7 : i32
    %run_scoped3A_17 = arith.constant 7 : i32
    "tpu.region"() ({
      %run_scoped3A_47 = tpu.sem_alloc : memref<!tpu.dma_semaphore, #tpu.memory_space<semaphore_mem>>
      %dma_start3A = arith.constant 0 : i32
      %dma_start3A_48 = tpu.memref_slice %arg8[%run_scoped3A_17, %dma_start3A] : memref<20x512xi32, #tpu.memory_space<vmem>> -> memref<1x512xi32, #tpu.memory_space<vmem>>
      %dma_start3A_49 = tpu.memref_squeeze %dma_start3A_48 : memref<1x512xi32, #tpu.memory_space<vmem>> -> memref<512xi32, #tpu.memory_space<vmem>>
      %dma_start3A_50 = tpu.memref_slice %arg2[%run_scoped3A_16, %mul3A_2] : memref<20x16384xi32, #tpu.memory_space<hbm>> -> memref<1x512xi32, #tpu.memory_space<hbm>>
      %dma_start3A_51 = tpu.memref_squeeze %dma_start3A_50 : memref<1x512xi32, #tpu.memory_space<hbm>> -> memref<512xi32, #tpu.memory_space<hbm>>
      %dma_start3A_52 = arith.constant 0 : i32
      %dma_start3A_53 = tpu.memref_slice %arg8[%run_scoped3A_17, %dma_start3A_52] : memref<20x512xi32, #tpu.memory_space<vmem>> -> memref<1x512xi32, #tpu.memory_space<vmem>>
      %dma_start3A_54 = tpu.memref_squeeze %dma_start3A_53 : memref<1x512xi32, #tpu.memory_space<vmem>> -> memref<512xi32, #tpu.memory_space<vmem>>
      %dma_start3A_55 = tpu.memref_slice %arg2[%run_scoped3A_16, %mul3A_2] : memref<20x16384xi32, #tpu.memory_space<hbm>> -> memref<1x512xi32, #tpu.memory_space<hbm>>
      %dma_start3A_56 = tpu.memref_squeeze %dma_start3A_55 : memref<1x512xi32, #tpu.memory_space<hbm>> -> memref<512xi32, #tpu.memory_space<hbm>>
      tpu.enqueue_dma source(%dma_start3A_56 : memref<512xi32, #tpu.memory_space<hbm>>) target(%dma_start3A_54 : memref<512xi32, #tpu.memory_space<vmem>>) target_semaphore(%run_scoped3A_47 : memref<!tpu.dma_semaphore, #tpu.memory_space<semaphore_mem>>)
      %dma_wait3A = arith.constant 0 : i32
      %dma_wait3A_57 = tpu.memref_slice %arg8[%run_scoped3A_17, %dma_wait3A] : memref<20x512xi32, #tpu.memory_space<vmem>> -> memref<1x512xi32, #tpu.memory_space<vmem>>
      %dma_wait3A_58 = tpu.memref_squeeze %dma_wait3A_57 : memref<1x512xi32, #tpu.memory_space<vmem>> -> memref<512xi32, #tpu.memory_space<vmem>>
      %dma_wait3A_59 = tpu.memref_slice %arg2[%run_scoped3A_16, %mul3A_2] : memref<20x16384xi32, #tpu.memory_space<hbm>> -> memref<1x512xi32, #tpu.memory_space<hbm>>
      %dma_wait3A_60 = tpu.memref_squeeze %dma_wait3A_59 : memref<1x512xi32, #tpu.memory_space<hbm>> -> memref<512xi32, #tpu.memory_space<hbm>>
      %dma_wait3A_61 = arith.constant 0 : i32
      %dma_wait3A_62 = tpu.memref_slice %arg8[%run_scoped3A_17, %dma_wait3A_61] : memref<20x512xi32, #tpu.memory_space<vmem>> -> memref<1x512xi32, #tpu.memory_space<vmem>>
      %dma_wait3A_63 = tpu.memref_squeeze %dma_wait3A_62 : memref<1x512xi32, #tpu.memory_space<vmem>> -> memref<512xi32, #tpu.memory_space<vmem>>
      %dma_wait3A_64 = tpu.memref_slice %arg2[%run_scoped3A_16, %mul3A_2] : memref<20x16384xi32, #tpu.memory_space<hbm>> -> memref<1x512xi32, #tpu.memory_space<hbm>>
      %dma_wait3A_65 = tpu.memref_squeeze %dma_wait3A_64 : memref<1x512xi32, #tpu.memory_space<hbm>> -> memref<512xi32, #tpu.memory_space<hbm>>
      tpu.wait_dma2 semaphore(%run_scoped3A_47 : memref<!tpu.dma_semaphore, #tpu.memory_space<semaphore_mem>>) src(%dma_wait3A_65 : memref<512xi32, #tpu.memory_space<hbm>>) dst(%dma_wait3A_63 : memref<512xi32, #tpu.memory_space<vmem>>)
      tpu.yield
    }) : () -> ()
    %run_scoped3A_18 = arith.constant 8 : i32
    %run_scoped3A_19 = arith.constant 8 : i32
    "tpu.region"() ({
      %run_scoped3A_47 = tpu.sem_alloc : memref<!tpu.dma_semaphore, #tpu.memory_space<semaphore_mem>>
      %dma_start3A = arith.constant 0 : i32
      %dma_start3A_48 = tpu.memref_slice %arg8[%run_scoped3A_19, %dma_start3A] : memref<20x512xi32, #tpu.memory_space<vmem>> -> memref<1x512xi32, #tpu.memory_space<vmem>>
      %dma_start3A_49 = tpu.memref_squeeze %dma_start3A_48 : memref<1x512xi32, #tpu.memory_space<vmem>> -> memref<512xi32, #tpu.memory_space<vmem>>
      %dma_start3A_50 = tpu.memref_slice %arg2[%run_scoped3A_18, %mul3A_2] : memref<20x16384xi32, #tpu.memory_space<hbm>> -> memref<1x512xi32, #tpu.memory_space<hbm>>
      %dma_start3A_51 = tpu.memref_squeeze %dma_start3A_50 : memref<1x512xi32, #tpu.memory_space<hbm>> -> memref<512xi32, #tpu.memory_space<hbm>>
      %dma_start3A_52 = arith.constant 0 : i32
      %dma_start3A_53 = tpu.memref_slice %arg8[%run_scoped3A_19, %dma_start3A_52] : memref<20x512xi32, #tpu.memory_space<vmem>> -> memref<1x512xi32, #tpu.memory_space<vmem>>
      %dma_start3A_54 = tpu.memref_squeeze %dma_start3A_53 : memref<1x512xi32, #tpu.memory_space<vmem>> -> memref<512xi32, #tpu.memory_space<vmem>>
      %dma_start3A_55 = tpu.memref_slice %arg2[%run_scoped3A_18, %mul3A_2] : memref<20x16384xi32, #tpu.memory_space<hbm>> -> memref<1x512xi32, #tpu.memory_space<hbm>>
      %dma_start3A_56 = tpu.memref_squeeze %dma_start3A_55 : memref<1x512xi32, #tpu.memory_space<hbm>> -> memref<512xi32, #tpu.memory_space<hbm>>
      tpu.enqueue_dma source(%dma_start3A_56 : memref<512xi32, #tpu.memory_space<hbm>>) target(%dma_start3A_54 : memref<512xi32, #tpu.memory_space<vmem>>) target_semaphore(%run_scoped3A_47 : memref<!tpu.dma_semaphore, #tpu.memory_space<semaphore_mem>>)
      %dma_wait3A = arith.constant 0 : i32
      %dma_wait3A_57 = tpu.memref_slice %arg8[%run_scoped3A_19, %dma_wait3A] : memref<20x512xi32, #tpu.memory_space<vmem>> -> memref<1x512xi32, #tpu.memory_space<vmem>>
      %dma_wait3A_58 = tpu.memref_squeeze %dma_wait3A_57 : memref<1x512xi32, #tpu.memory_space<vmem>> -> memref<512xi32, #tpu.memory_space<vmem>>
      %dma_wait3A_59 = tpu.memref_slice %arg2[%run_scoped3A_18, %mul3A_2] : memref<20x16384xi32, #tpu.memory_space<hbm>> -> memref<1x512xi32, #tpu.memory_space<hbm>>
      %dma_wait3A_60 = tpu.memref_squeeze %dma_wait3A_59 : memref<1x512xi32, #tpu.memory_space<hbm>> -> memref<512xi32, #tpu.memory_space<hbm>>
      %dma_wait3A_61 = arith.constant 0 : i32
      %dma_wait3A_62 = tpu.memref_slice %arg8[%run_scoped3A_19, %dma_wait3A_61] : memref<20x512xi32, #tpu.memory_space<vmem>> -> memref<1x512xi32, #tpu.memory_space<vmem>>
      %dma_wait3A_63 = tpu.memref_squeeze %dma_wait3A_62 : memref<1x512xi32, #tpu.memory_space<vmem>> -> memref<512xi32, #tpu.memory_space<vmem>>
      %dma_wait3A_64 = tpu.memref_slice %arg2[%run_scoped3A_18, %mul3A_2] : memref<20x16384xi32, #tpu.memory_space<hbm>> -> memref<1x512xi32, #tpu.memory_space<hbm>>
      %dma_wait3A_65 = tpu.memref_squeeze %dma_wait3A_64 : memref<1x512xi32, #tpu.memory_space<hbm>> -> memref<512xi32, #tpu.memory_space<hbm>>
      tpu.wait_dma2 semaphore(%run_scoped3A_47 : memref<!tpu.dma_semaphore, #tpu.memory_space<semaphore_mem>>) src(%dma_wait3A_65 : memref<512xi32, #tpu.memory_space<hbm>>) dst(%dma_wait3A_63 : memref<512xi32, #tpu.memory_space<vmem>>)
      tpu.yield
    }) : () -> ()
    %run_scoped3A_20 = arith.constant 9 : i32
    %run_scoped3A_21 = arith.constant 9 : i32
    "tpu.region"() ({
      %run_scoped3A_47 = tpu.sem_alloc : memref<!tpu.dma_semaphore, #tpu.memory_space<semaphore_mem>>
      %dma_start3A = arith.constant 0 : i32
      %dma_start3A_48 = tpu.memref_slice %arg8[%run_scoped3A_21, %dma_start3A] : memref<20x512xi32, #tpu.memory_space<vmem>> -> memref<1x512xi32, #tpu.memory_space<vmem>>
      %dma_start3A_49 = tpu.memref_squeeze %dma_start3A_48 : memref<1x512xi32, #tpu.memory_space<vmem>> -> memref<512xi32, #tpu.memory_space<vmem>>
      %dma_start3A_50 = tpu.memref_slice %arg2[%run_scoped3A_20, %mul3A_2] : memref<20x16384xi32, #tpu.memory_space<hbm>> -> memref<1x512xi32, #tpu.memory_space<hbm>>
      %dma_start3A_51 = tpu.memref_squeeze %dma_start3A_50 : memref<1x512xi32, #tpu.memory_space<hbm>> -> memref<512xi32, #tpu.memory_space<hbm>>
      %dma_start3A_52 = arith.constant 0 : i32
      %dma_start3A_53 = tpu.memref_slice %arg8[%run_scoped3A_21, %dma_start3A_52] : memref<20x512xi32, #tpu.memory_space<vmem>> -> memref<1x512xi32, #tpu.memory_space<vmem>>
      %dma_start3A_54 = tpu.memref_squeeze %dma_start3A_53 : memref<1x512xi32, #tpu.memory_space<vmem>> -> memref<512xi32, #tpu.memory_space<vmem>>
      %dma_start3A_55 = tpu.memref_slice %arg2[%run_scoped3A_20, %mul3A_2] : memref<20x16384xi32, #tpu.memory_space<hbm>> -> memref<1x512xi32, #tpu.memory_space<hbm>>
      %dma_start3A_56 = tpu.memref_squeeze %dma_start3A_55 : memref<1x512xi32, #tpu.memory_space<hbm>> -> memref<512xi32, #tpu.memory_space<hbm>>
      tpu.enqueue_dma source(%dma_start3A_56 : memref<512xi32, #tpu.memory_space<hbm>>) target(%dma_start3A_54 : memref<512xi32, #tpu.memory_space<vmem>>) target_semaphore(%run_scoped3A_47 : memref<!tpu.dma_semaphore, #tpu.memory_space<semaphore_mem>>)
      %dma_wait3A = arith.constant 0 : i32
      %dma_wait3A_57 = tpu.memref_slice %arg8[%run_scoped3A_21, %dma_wait3A] : memref<20x512xi32, #tpu.memory_space<vmem>> -> memref<1x512xi32, #tpu.memory_space<vmem>>
      %dma_wait3A_58 = tpu.memref_squeeze %dma_wait3A_57 : memref<1x512xi32, #tpu.memory_space<vmem>> -> memref<512xi32, #tpu.memory_space<vmem>>
      %dma_wait3A_59 = tpu.memref_slice %arg2[%run_scoped3A_20, %mul3A_2] : memref<20x16384xi32, #tpu.memory_space<hbm>> -> memref<1x512xi32, #tpu.memory_space<hbm>>
      %dma_wait3A_60 = tpu.memref_squeeze %dma_wait3A_59 : memref<1x512xi32, #tpu.memory_space<hbm>> -> memref<512xi32, #tpu.memory_space<hbm>>
      %dma_wait3A_61 = arith.constant 0 : i32
      %dma_wait3A_62 = tpu.memref_slice %arg8[%run_scoped3A_21, %dma_wait3A_61] : memref<20x512xi32, #tpu.memory_space<vmem>> -> memref<1x512xi32, #tpu.memory_space<vmem>>
      %dma_wait3A_63 = tpu.memref_squeeze %dma_wait3A_62 : memref<1x512xi32, #tpu.memory_space<vmem>> -> memref<512xi32, #tpu.memory_space<vmem>>
      %dma_wait3A_64 = tpu.memref_slice %arg2[%run_scoped3A_20, %mul3A_2] : memref<20x16384xi32, #tpu.memory_space<hbm>> -> memref<1x512xi32, #tpu.memory_space<hbm>>
      %dma_wait3A_65 = tpu.memref_squeeze %dma_wait3A_64 : memref<1x512xi32, #tpu.memory_space<hbm>> -> memref<512xi32, #tpu.memory_space<hbm>>
      tpu.wait_dma2 semaphore(%run_scoped3A_47 : memref<!tpu.dma_semaphore, #tpu.memory_space<semaphore_mem>>) src(%dma_wait3A_65 : memref<512xi32, #tpu.memory_space<hbm>>) dst(%dma_wait3A_63 : memref<512xi32, #tpu.memory_space<vmem>>)
      tpu.yield
    }) : () -> ()
    %run_scoped3A_22 = arith.constant 10 : i32
    %run_scoped3A_23 = arith.constant 10 : i32
    "tpu.region"() ({
      %run_scoped3A_47 = tpu.sem_alloc : memref<!tpu.dma_semaphore, #tpu.memory_space<semaphore_mem>>
      %dma_start3A = arith.constant 0 : i32
      %dma_start3A_48 = tpu.memref_slice %arg8[%run_scoped3A_23, %dma_start3A] : memref<20x512xi32, #tpu.memory_space<vmem>> -> memref<1x512xi32, #tpu.memory_space<vmem>>
      %dma_start3A_49 = tpu.memref_squeeze %dma_start3A_48 : memref<1x512xi32, #tpu.memory_space<vmem>> -> memref<512xi32, #tpu.memory_space<vmem>>
      %dma_start3A_50 = tpu.memref_slice %arg2[%run_scoped3A_22, %mul3A_2] : memref<20x16384xi32, #tpu.memory_space<hbm>> -> memref<1x512xi32, #tpu.memory_space<hbm>>
      %dma_start3A_51 = tpu.memref_squeeze %dma_start3A_50 : memref<1x512xi32, #tpu.memory_space<hbm>> -> memref<512xi32, #tpu.memory_space<hbm>>
      %dma_start3A_52 = arith.constant 0 : i32
      %dma_start3A_53 = tpu.memref_slice %arg8[%run_scoped3A_23, %dma_start3A_52] : memref<20x512xi32, #tpu.memory_space<vmem>> -> memref<1x512xi32, #tpu.memory_space<vmem>>
      %dma_start3A_54 = tpu.memref_squeeze %dma_start3A_53 : memref<1x512xi32, #tpu.memory_space<vmem>> -> memref<512xi32, #tpu.memory_space<vmem>>
      %dma_start3A_55 = tpu.memref_slice %arg2[%run_scoped3A_22, %mul3A_2] : memref<20x16384xi32, #tpu.memory_space<hbm>> -> memref<1x512xi32, #tpu.memory_space<hbm>>
      %dma_start3A_56 = tpu.memref_squeeze %dma_start3A_55 : memref<1x512xi32, #tpu.memory_space<hbm>> -> memref<512xi32, #tpu.memory_space<hbm>>
      tpu.enqueue_dma source(%dma_start3A_56 : memref<512xi32, #tpu.memory_space<hbm>>) target(%dma_start3A_54 : memref<512xi32, #tpu.memory_space<vmem>>) target_semaphore(%run_scoped3A_47 : memref<!tpu.dma_semaphore, #tpu.memory_space<semaphore_mem>>)
      %dma_wait3A = arith.constant 0 : i32
      %dma_wait3A_57 = tpu.memref_slice %arg8[%run_scoped3A_23, %dma_wait3A] : memref<20x512xi32, #tpu.memory_space<vmem>> -> memref<1x512xi32, #tpu.memory_space<vmem>>
      %dma_wait3A_58 = tpu.memref_squeeze %dma_wait3A_57 : memref<1x512xi32, #tpu.memory_space<vmem>> -> memref<512xi32, #tpu.memory_space<vmem>>
      %dma_wait3A_59 = tpu.memref_slice %arg2[%run_scoped3A_22, %mul3A_2] : memref<20x16384xi32, #tpu.memory_space<hbm>> -> memref<1x512xi32, #tpu.memory_space<hbm>>
      %dma_wait3A_60 = tpu.memref_squeeze %dma_wait3A_59 : memref<1x512xi32, #tpu.memory_space<hbm>> -> memref<512xi32, #tpu.memory_space<hbm>>
      %dma_wait3A_61 = arith.constant 0 : i32
      %dma_wait3A_62 = tpu.memref_slice %arg8[%run_scoped3A_23, %dma_wait3A_61] : memref<20x512xi32, #tpu.memory_space<vmem>> -> memref<1x512xi32, #tpu.memory_space<vmem>>
      %dma_wait3A_63 = tpu.memref_squeeze %dma_wait3A_62 : memref<1x512xi32, #tpu.memory_space<vmem>> -> memref<512xi32, #tpu.memory_space<vmem>>
      %dma_wait3A_64 = tpu.memref_slice %arg2[%run_scoped3A_22, %mul3A_2] : memref<20x16384xi32, #tpu.memory_space<hbm>> -> memref<1x512xi32, #tpu.memory_space<hbm>>
      %dma_wait3A_65 = tpu.memref_squeeze %dma_wait3A_64 : memref<1x512xi32, #tpu.memory_space<hbm>> -> memref<512xi32, #tpu.memory_space<hbm>>
      tpu.wait_dma2 semaphore(%run_scoped3A_47 : memref<!tpu.dma_semaphore, #tpu.memory_space<semaphore_mem>>) src(%dma_wait3A_65 : memref<512xi32, #tpu.memory_space<hbm>>) dst(%dma_wait3A_63 : memref<512xi32, #tpu.memory_space<vmem>>)
      tpu.yield
    }) : () -> ()
    %run_scoped3A_24 = arith.constant 11 : i32
    %run_scoped3A_25 = arith.constant 11 : i32
    "tpu.region"() ({
      %run_scoped3A_47 = tpu.sem_alloc : memref<!tpu.dma_semaphore, #tpu.memory_space<semaphore_mem>>
      %dma_start3A = arith.constant 0 : i32
      %dma_start3A_48 = tpu.memref_slice %arg8[%run_scoped3A_25, %dma_start3A] : memref<20x512xi32, #tpu.memory_space<vmem>> -> memref<1x512xi32, #tpu.memory_space<vmem>>
      %dma_start3A_49 = tpu.memref_squeeze %dma_start3A_48 : memref<1x512xi32, #tpu.memory_space<vmem>> -> memref<512xi32, #tpu.memory_space<vmem>>
      %dma_start3A_50 = tpu.memref_slice %arg2[%run_scoped3A_24, %mul3A_2] : memref<20x16384xi32, #tpu.memory_space<hbm>> -> memref<1x512xi32, #tpu.memory_space<hbm>>
      %dma_start3A_51 = tpu.memref_squeeze %dma_start3A_50 : memref<1x512xi32, #tpu.memory_space<hbm>> -> memref<512xi32, #tpu.memory_space<hbm>>
      %dma_start3A_52 = arith.constant 0 : i32
      %dma_start3A_53 = tpu.memref_slice %arg8[%run_scoped3A_25, %dma_start3A_52] : memref<20x512xi32, #tpu.memory_space<vmem>> -> memref<1x512xi32, #tpu.memory_space<vmem>>
      %dma_start3A_54 = tpu.memref_squeeze %dma_start3A_53 : memref<1x512xi32, #tpu.memory_space<vmem>> -> memref<512xi32, #tpu.memory_space<vmem>>
      %dma_start3A_55 = tpu.memref_slice %arg2[%run_scoped3A_24, %mul3A_2] : memref<20x16384xi32, #tpu.memory_space<hbm>> -> memref<1x512xi32, #tpu.memory_space<hbm>>
      %dma_start3A_56 = tpu.memref_squeeze %dma_start3A_55 : memref<1x512xi32, #tpu.memory_space<hbm>> -> memref<512xi32, #tpu.memory_space<hbm>>
      tpu.enqueue_dma source(%dma_start3A_56 : memref<512xi32, #tpu.memory_space<hbm>>) target(%dma_start3A_54 : memref<512xi32, #tpu.memory_space<vmem>>) target_semaphore(%run_scoped3A_47 : memref<!tpu.dma_semaphore, #tpu.memory_space<semaphore_mem>>)
      %dma_wait3A = arith.constant 0 : i32
      %dma_wait3A_57 = tpu.memref_slice %arg8[%run_scoped3A_25, %dma_wait3A] : memref<20x512xi32, #tpu.memory_space<vmem>> -> memref<1x512xi32, #tpu.memory_space<vmem>>
      %dma_wait3A_58 = tpu.memref_squeeze %dma_wait3A_57 : memref<1x512xi32, #tpu.memory_space<vmem>> -> memref<512xi32, #tpu.memory_space<vmem>>
      %dma_wait3A_59 = tpu.memref_slice %arg2[%run_scoped3A_24, %mul3A_2] : memref<20x16384xi32, #tpu.memory_space<hbm>> -> memref<1x512xi32, #tpu.memory_space<hbm>>
      %dma_wait3A_60 = tpu.memref_squeeze %dma_wait3A_59 : memref<1x512xi32, #tpu.memory_space<hbm>> -> memref<512xi32, #tpu.memory_space<hbm>>
      %dma_wait3A_61 = arith.constant 0 : i32
      %dma_wait3A_62 = tpu.memref_slice %arg8[%run_scoped3A_25, %dma_wait3A_61] : memref<20x512xi32, #tpu.memory_space<vmem>> -> memref<1x512xi32, #tpu.memory_space<vmem>>
      %dma_wait3A_63 = tpu.memref_squeeze %dma_wait3A_62 : memref<1x512xi32, #tpu.memory_space<vmem>> -> memref<512xi32, #tpu.memory_space<vmem>>
      %dma_wait3A_64 = tpu.memref_slice %arg2[%run_scoped3A_24, %mul3A_2] : memref<20x16384xi32, #tpu.memory_space<hbm>> -> memref<1x512xi32, #tpu.memory_space<hbm>>
      %dma_wait3A_65 = tpu.memref_squeeze %dma_wait3A_64 : memref<1x512xi32, #tpu.memory_space<hbm>> -> memref<512xi32, #tpu.memory_space<hbm>>
      tpu.wait_dma2 semaphore(%run_scoped3A_47 : memref<!tpu.dma_semaphore, #tpu.memory_space<semaphore_mem>>) src(%dma_wait3A_65 : memref<512xi32, #tpu.memory_space<hbm>>) dst(%dma_wait3A_63 : memref<512xi32, #tpu.memory_space<vmem>>)
      tpu.yield
    }) : () -> ()
    %run_scoped3A_26 = arith.constant 12 : i32
    %run_scoped3A_27 = arith.constant 12 : i32
    "tpu.region"() ({
      %run_scoped3A_47 = tpu.sem_alloc : memref<!tpu.dma_semaphore, #tpu.memory_space<semaphore_mem>>
      %dma_start3A = arith.constant 0 : i32
      %dma_start3A_48 = tpu.memref_slice %arg8[%run_scoped3A_27, %dma_start3A] : memref<20x512xi32, #tpu.memory_space<vmem>> -> memref<1x512xi32, #tpu.memory_space<vmem>>
      %dma_start3A_49 = tpu.memref_squeeze %dma_start3A_48 : memref<1x512xi32, #tpu.memory_space<vmem>> -> memref<512xi32, #tpu.memory_space<vmem>>
      %dma_start3A_50 = tpu.memref_slice %arg2[%run_scoped3A_26, %mul3A_2] : memref<20x16384xi32, #tpu.memory_space<hbm>> -> memref<1x512xi32, #tpu.memory_space<hbm>>
      %dma_start3A_51 = tpu.memref_squeeze %dma_start3A_50 : memref<1x512xi32, #tpu.memory_space<hbm>> -> memref<512xi32, #tpu.memory_space<hbm>>
      %dma_start3A_52 = arith.constant 0 : i32
      %dma_start3A_53 = tpu.memref_slice %arg8[%run_scoped3A_27, %dma_start3A_52] : memref<20x512xi32, #tpu.memory_space<vmem>> -> memref<1x512xi32, #tpu.memory_space<vmem>>
      %dma_start3A_54 = tpu.memref_squeeze %dma_start3A_53 : memref<1x512xi32, #tpu.memory_space<vmem>> -> memref<512xi32, #tpu.memory_space<vmem>>
      %dma_start3A_55 = tpu.memref_slice %arg2[%run_scoped3A_26, %mul3A_2] : memref<20x16384xi32, #tpu.memory_space<hbm>> -> memref<1x512xi32, #tpu.memory_space<hbm>>
      %dma_start3A_56 = tpu.memref_squeeze %dma_start3A_55 : memref<1x512xi32, #tpu.memory_space<hbm>> -> memref<512xi32, #tpu.memory_space<hbm>>
      tpu.enqueue_dma source(%dma_start3A_56 : memref<512xi32, #tpu.memory_space<hbm>>) target(%dma_start3A_54 : memref<512xi32, #tpu.memory_space<vmem>>) target_semaphore(%run_scoped3A_47 : memref<!tpu.dma_semaphore, #tpu.memory_space<semaphore_mem>>)
      %dma_wait3A = arith.constant 0 : i32
      %dma_wait3A_57 = tpu.memref_slice %arg8[%run_scoped3A_27, %dma_wait3A] : memref<20x512xi32, #tpu.memory_space<vmem>> -> memref<1x512xi32, #tpu.memory_space<vmem>>
      %dma_wait3A_58 = tpu.memref_squeeze %dma_wait3A_57 : memref<1x512xi32, #tpu.memory_space<vmem>> -> memref<512xi32, #tpu.memory_space<vmem>>
      %dma_wait3A_59 = tpu.memref_slice %arg2[%run_scoped3A_26, %mul3A_2] : memref<20x16384xi32, #tpu.memory_space<hbm>> -> memref<1x512xi32, #tpu.memory_space<hbm>>
      %dma_wait3A_60 = tpu.memref_squeeze %dma_wait3A_59 : memref<1x512xi32, #tpu.memory_space<hbm>> -> memref<512xi32, #tpu.memory_space<hbm>>
      %dma_wait3A_61 = arith.constant 0 : i32
      %dma_wait3A_62 = tpu.memref_slice %arg8[%run_scoped3A_27, %dma_wait3A_61] : memref<20x512xi32, #tpu.memory_space<vmem>> -> memref<1x512xi32, #tpu.memory_space<vmem>>
      %dma_wait3A_63 = tpu.memref_squeeze %dma_wait3A_62 : memref<1x512xi32, #tpu.memory_space<vmem>> -> memref<512xi32, #tpu.memory_space<vmem>>
      %dma_wait3A_64 = tpu.memref_slice %arg2[%run_scoped3A_26, %mul3A_2] : memref<20x16384xi32, #tpu.memory_space<hbm>> -> memref<1x512xi32, #tpu.memory_space<hbm>>
      %dma_wait3A_65 = tpu.memref_squeeze %dma_wait3A_64 : memref<1x512xi32, #tpu.memory_space<hbm>> -> memref<512xi32, #tpu.memory_space<hbm>>
      tpu.wait_dma2 semaphore(%run_scoped3A_47 : memref<!tpu.dma_semaphore, #tpu.memory_space<semaphore_mem>>) src(%dma_wait3A_65 : memref<512xi32, #tpu.memory_space<hbm>>) dst(%dma_wait3A_63 : memref<512xi32, #tpu.memory_space<vmem>>)
      tpu.yield
    }) : () -> ()
    %run_scoped3A_28 = arith.constant 13 : i32
    %run_scoped3A_29 = arith.constant 13 : i32
    "tpu.region"() ({
      %run_scoped3A_47 = tpu.sem_alloc : memref<!tpu.dma_semaphore, #tpu.memory_space<semaphore_mem>>
      %dma_start3A = arith.constant 0 : i32
      %dma_start3A_48 = tpu.memref_slice %arg8[%run_scoped3A_29, %dma_start3A] : memref<20x512xi32, #tpu.memory_space<vmem>> -> memref<1x512xi32, #tpu.memory_space<vmem>>
      %dma_start3A_49 = tpu.memref_squeeze %dma_start3A_48 : memref<1x512xi32, #tpu.memory_space<vmem>> -> memref<512xi32, #tpu.memory_space<vmem>>
      %dma_start3A_50 = tpu.memref_slice %arg2[%run_scoped3A_28, %mul3A_2] : memref<20x16384xi32, #tpu.memory_space<hbm>> -> memref<1x512xi32, #tpu.memory_space<hbm>>
      %dma_start3A_51 = tpu.memref_squeeze %dma_start3A_50 : memref<1x512xi32, #tpu.memory_space<hbm>> -> memref<512xi32, #tpu.memory_space<hbm>>
      %dma_start3A_52 = arith.constant 0 : i32
      %dma_start3A_53 = tpu.memref_slice %arg8[%run_scoped3A_29, %dma_start3A_52] : memref<20x512xi32, #tpu.memory_space<vmem>> -> memref<1x512xi32, #tpu.memory_space<vmem>>
      %dma_start3A_54 = tpu.memref_squeeze %dma_start3A_53 : memref<1x512xi32, #tpu.memory_space<vmem>> -> memref<512xi32, #tpu.memory_space<vmem>>
      %dma_start3A_55 = tpu.memref_slice %arg2[%run_scoped3A_28, %mul3A_2] : memref<20x16384xi32, #tpu.memory_space<hbm>> -> memref<1x512xi32, #tpu.memory_space<hbm>>
      %dma_start3A_56 = tpu.memref_squeeze %dma_start3A_55 : memref<1x512xi32, #tpu.memory_space<hbm>> -> memref<512xi32, #tpu.memory_space<hbm>>
      tpu.enqueue_dma source(%dma_start3A_56 : memref<512xi32, #tpu.memory_space<hbm>>) target(%dma_start3A_54 : memref<512xi32, #tpu.memory_space<vmem>>) target_semaphore(%run_scoped3A_47 : memref<!tpu.dma_semaphore, #tpu.memory_space<semaphore_mem>>)
      %dma_wait3A = arith.constant 0 : i32
      %dma_wait3A_57 = tpu.memref_slice %arg8[%run_scoped3A_29, %dma_wait3A] : memref<20x512xi32, #tpu.memory_space<vmem>> -> memref<1x512xi32, #tpu.memory_space<vmem>>
      %dma_wait3A_58 = tpu.memref_squeeze %dma_wait3A_57 : memref<1x512xi32, #tpu.memory_space<vmem>> -> memref<512xi32, #tpu.memory_space<vmem>>
      %dma_wait3A_59 = tpu.memref_slice %arg2[%run_scoped3A_28, %mul3A_2] : memref<20x16384xi32, #tpu.memory_space<hbm>> -> memref<1x512xi32, #tpu.memory_space<hbm>>
      %dma_wait3A_60 = tpu.memref_squeeze %dma_wait3A_59 : memref<1x512xi32, #tpu.memory_space<hbm>> -> memref<512xi32, #tpu.memory_space<hbm>>
      %dma_wait3A_61 = arith.constant 0 : i32
      %dma_wait3A_62 = tpu.memref_slice %arg8[%run_scoped3A_29, %dma_wait3A_61] : memref<20x512xi32, #tpu.memory_space<vmem>> -> memref<1x512xi32, #tpu.memory_space<vmem>>
      %dma_wait3A_63 = tpu.memref_squeeze %dma_wait3A_62 : memref<1x512xi32, #tpu.memory_space<vmem>> -> memref<512xi32, #tpu.memory_space<vmem>>
      %dma_wait3A_64 = tpu.memref_slice %arg2[%run_scoped3A_28, %mul3A_2] : memref<20x16384xi32, #tpu.memory_space<hbm>> -> memref<1x512xi32, #tpu.memory_space<hbm>>
      %dma_wait3A_65 = tpu.memref_squeeze %dma_wait3A_64 : memref<1x512xi32, #tpu.memory_space<hbm>> -> memref<512xi32, #tpu.memory_space<hbm>>
      tpu.wait_dma2 semaphore(%run_scoped3A_47 : memref<!tpu.dma_semaphore, #tpu.memory_space<semaphore_mem>>) src(%dma_wait3A_65 : memref<512xi32, #tpu.memory_space<hbm>>) dst(%dma_wait3A_63 : memref<512xi32, #tpu.memory_space<vmem>>)
      tpu.yield
    }) : () -> ()
    %run_scoped3A_30 = arith.constant 14 : i32
    %run_scoped3A_31 = arith.constant 14 : i32
    "tpu.region"() ({
      %run_scoped3A_47 = tpu.sem_alloc : memref<!tpu.dma_semaphore, #tpu.memory_space<semaphore_mem>>
      %dma_start3A = arith.constant 0 : i32
      %dma_start3A_48 = tpu.memref_slice %arg8[%run_scoped3A_31, %dma_start3A] : memref<20x512xi32, #tpu.memory_space<vmem>> -> memref<1x512xi32, #tpu.memory_space<vmem>>
      %dma_start3A_49 = tpu.memref_squeeze %dma_start3A_48 : memref<1x512xi32, #tpu.memory_space<vmem>> -> memref<512xi32, #tpu.memory_space<vmem>>
      %dma_start3A_50 = tpu.memref_slice %arg2[%run_scoped3A_30, %mul3A_2] : memref<20x16384xi32, #tpu.memory_space<hbm>> -> memref<1x512xi32, #tpu.memory_space<hbm>>
      %dma_start3A_51 = tpu.memref_squeeze %dma_start3A_50 : memref<1x512xi32, #tpu.memory_space<hbm>> -> memref<512xi32, #tpu.memory_space<hbm>>
      %dma_start3A_52 = arith.constant 0 : i32
      %dma_start3A_53 = tpu.memref_slice %arg8[%run_scoped3A_31, %dma_start3A_52] : memref<20x512xi32, #tpu.memory_space<vmem>> -> memref<1x512xi32, #tpu.memory_space<vmem>>
      %dma_start3A_54 = tpu.memref_squeeze %dma_start3A_53 : memref<1x512xi32, #tpu.memory_space<vmem>> -> memref<512xi32, #tpu.memory_space<vmem>>
      %dma_start3A_55 = tpu.memref_slice %arg2[%run_scoped3A_30, %mul3A_2] : memref<20x16384xi32, #tpu.memory_space<hbm>> -> memref<1x512xi32, #tpu.memory_space<hbm>>
      %dma_start3A_56 = tpu.memref_squeeze %dma_start3A_55 : memref<1x512xi32, #tpu.memory_space<hbm>> -> memref<512xi32, #tpu.memory_space<hbm>>
      tpu.enqueue_dma source(%dma_start3A_56 : memref<512xi32, #tpu.memory_space<hbm>>) target(%dma_start3A_54 : memref<512xi32, #tpu.memory_space<vmem>>) target_semaphore(%run_scoped3A_47 : memref<!tpu.dma_semaphore, #tpu.memory_space<semaphore_mem>>)
      %dma_wait3A = arith.constant 0 : i32
      %dma_wait3A_57 = tpu.memref_slice %arg8[%run_scoped3A_31, %dma_wait3A] : memref<20x512xi32, #tpu.memory_space<vmem>> -> memref<1x512xi32, #tpu.memory_space<vmem>>
      %dma_wait3A_58 = tpu.memref_squeeze %dma_wait3A_57 : memref<1x512xi32, #tpu.memory_space<vmem>> -> memref<512xi32, #tpu.memory_space<vmem>>
      %dma_wait3A_59 = tpu.memref_slice %arg2[%run_scoped3A_30, %mul3A_2] : memref<20x16384xi32, #tpu.memory_space<hbm>> -> memref<1x512xi32, #tpu.memory_space<hbm>>
      %dma_wait3A_60 = tpu.memref_squeeze %dma_wait3A_59 : memref<1x512xi32, #tpu.memory_space<hbm>> -> memref<512xi32, #tpu.memory_space<hbm>>
      %dma_wait3A_61 = arith.constant 0 : i32
      %dma_wait3A_62 = tpu.memref_slice %arg8[%run_scoped3A_31, %dma_wait3A_61] : memref<20x512xi32, #tpu.memory_space<vmem>> -> memref<1x512xi32, #tpu.memory_space<vmem>>
      %dma_wait3A_63 = tpu.memref_squeeze %dma_wait3A_62 : memref<1x512xi32, #tpu.memory_space<vmem>> -> memref<512xi32, #tpu.memory_space<vmem>>
      %dma_wait3A_64 = tpu.memref_slice %arg2[%run_scoped3A_30, %mul3A_2] : memref<20x16384xi32, #tpu.memory_space<hbm>> -> memref<1x512xi32, #tpu.memory_space<hbm>>
      %dma_wait3A_65 = tpu.memref_squeeze %dma_wait3A_64 : memref<1x512xi32, #tpu.memory_space<hbm>> -> memref<512xi32, #tpu.memory_space<hbm>>
      tpu.wait_dma2 semaphore(%run_scoped3A_47 : memref<!tpu.dma_semaphore, #tpu.memory_space<semaphore_mem>>) src(%dma_wait3A_65 : memref<512xi32, #tpu.memory_space<hbm>>) dst(%dma_wait3A_63 : memref<512xi32, #tpu.memory_space<vmem>>)
      tpu.yield
    }) : () -> ()
    %run_scoped3A_32 = arith.constant 15 : i32
    %run_scoped3A_33 = arith.constant 15 : i32
    "tpu.region"() ({
      %run_scoped3A_47 = tpu.sem_alloc : memref<!tpu.dma_semaphore, #tpu.memory_space<semaphore_mem>>
      %dma_start3A = arith.constant 0 : i32
      %dma_start3A_48 = tpu.memref_slice %arg8[%run_scoped3A_33, %dma_start3A] : memref<20x512xi32, #tpu.memory_space<vmem>> -> memref<1x512xi32, #tpu.memory_space<vmem>>
      %dma_start3A_49 = tpu.memref_squeeze %dma_start3A_48 : memref<1x512xi32, #tpu.memory_space<vmem>> -> memref<512xi32, #tpu.memory_space<vmem>>
      %dma_start3A_50 = tpu.memref_slice %arg2[%run_scoped3A_32, %mul3A_2] : memref<20x16384xi32, #tpu.memory_space<hbm>> -> memref<1x512xi32, #tpu.memory_space<hbm>>
      %dma_start3A_51 = tpu.memref_squeeze %dma_start3A_50 : memref<1x512xi32, #tpu.memory_space<hbm>> -> memref<512xi32, #tpu.memory_space<hbm>>
      %dma_start3A_52 = arith.constant 0 : i32
      %dma_start3A_53 = tpu.memref_slice %arg8[%run_scoped3A_33, %dma_start3A_52] : memref<20x512xi32, #tpu.memory_space<vmem>> -> memref<1x512xi32, #tpu.memory_space<vmem>>
      %dma_start3A_54 = tpu.memref_squeeze %dma_start3A_53 : memref<1x512xi32, #tpu.memory_space<vmem>> -> memref<512xi32, #tpu.memory_space<vmem>>
      %dma_start3A_55 = tpu.memref_slice %arg2[%run_scoped3A_32, %mul3A_2] : memref<20x16384xi32, #tpu.memory_space<hbm>> -> memref<1x512xi32, #tpu.memory_space<hbm>>
      %dma_start3A_56 = tpu.memref_squeeze %dma_start3A_55 : memref<1x512xi32, #tpu.memory_space<hbm>> -> memref<512xi32, #tpu.memory_space<hbm>>
      tpu.enqueue_dma source(%dma_start3A_56 : memref<512xi32, #tpu.memory_space<hbm>>) target(%dma_start3A_54 : memref<512xi32, #tpu.memory_space<vmem>>) target_semaphore(%run_scoped3A_47 : memref<!tpu.dma_semaphore, #tpu.memory_space<semaphore_mem>>)
      %dma_wait3A = arith.constant 0 : i32
      %dma_wait3A_57 = tpu.memref_slice %arg8[%run_scoped3A_33, %dma_wait3A] : memref<20x512xi32, #tpu.memory_space<vmem>> -> memref<1x512xi32, #tpu.memory_space<vmem>>
      %dma_wait3A_58 = tpu.memref_squeeze %dma_wait3A_57 : memref<1x512xi32, #tpu.memory_space<vmem>> -> memref<512xi32, #tpu.memory_space<vmem>>
      %dma_wait3A_59 = tpu.memref_slice %arg2[%run_scoped3A_32, %mul3A_2] : memref<20x16384xi32, #tpu.memory_space<hbm>> -> memref<1x512xi32, #tpu.memory_space<hbm>>
      %dma_wait3A_60 = tpu.memref_squeeze %dma_wait3A_59 : memref<1x512xi32, #tpu.memory_space<hbm>> -> memref<512xi32, #tpu.memory_space<hbm>>
      %dma_wait3A_61 = arith.constant 0 : i32
      %dma_wait3A_62 = tpu.memref_slice %arg8[%run_scoped3A_33, %dma_wait3A_61] : memref<20x512xi32, #tpu.memory_space<vmem>> -> memref<1x512xi32, #tpu.memory_space<vmem>>
      %dma_wait3A_63 = tpu.memref_squeeze %dma_wait3A_62 : memref<1x512xi32, #tpu.memory_space<vmem>> -> memref<512xi32, #tpu.memory_space<vmem>>
      %dma_wait3A_64 = tpu.memref_slice %arg2[%run_scoped3A_32, %mul3A_2] : memref<20x16384xi32, #tpu.memory_space<hbm>> -> memref<1x512xi32, #tpu.memory_space<hbm>>
      %dma_wait3A_65 = tpu.memref_squeeze %dma_wait3A_64 : memref<1x512xi32, #tpu.memory_space<hbm>> -> memref<512xi32, #tpu.memory_space<hbm>>
      tpu.wait_dma2 semaphore(%run_scoped3A_47 : memref<!tpu.dma_semaphore, #tpu.memory_space<semaphore_mem>>) src(%dma_wait3A_65 : memref<512xi32, #tpu.memory_space<hbm>>) dst(%dma_wait3A_63 : memref<512xi32, #tpu.memory_space<vmem>>)
      tpu.yield
    }) : () -> ()
    %run_scoped3A_34 = arith.constant 16 : i32
    %run_scoped3A_35 = arith.constant 16 : i32
    "tpu.region"() ({
      %run_scoped3A_47 = tpu.sem_alloc : memref<!tpu.dma_semaphore, #tpu.memory_space<semaphore_mem>>
      %dma_start3A = arith.constant 0 : i32
      %dma_start3A_48 = tpu.memref_slice %arg8[%run_scoped3A_35, %dma_start3A] : memref<20x512xi32, #tpu.memory_space<vmem>> -> memref<1x512xi32, #tpu.memory_space<vmem>>
      %dma_start3A_49 = tpu.memref_squeeze %dma_start3A_48 : memref<1x512xi32, #tpu.memory_space<vmem>> -> memref<512xi32, #tpu.memory_space<vmem>>
      %dma_start3A_50 = tpu.memref_slice %arg2[%run_scoped3A_34, %mul3A_2] : memref<20x16384xi32, #tpu.memory_space<hbm>> -> memref<1x512xi32, #tpu.memory_space<hbm>>
      %dma_start3A_51 = tpu.memref_squeeze %dma_start3A_50 : memref<1x512xi32, #tpu.memory_space<hbm>> -> memref<512xi32, #tpu.memory_space<hbm>>
      %dma_start3A_52 = arith.constant 0 : i32
      %dma_start3A_53 = tpu.memref_slice %arg8[%run_scoped3A_35, %dma_start3A_52] : memref<20x512xi32, #tpu.memory_space<vmem>> -> memref<1x512xi32, #tpu.memory_space<vmem>>
      %dma_start3A_54 = tpu.memref_squeeze %dma_start3A_53 : memref<1x512xi32, #tpu.memory_space<vmem>> -> memref<512xi32, #tpu.memory_space<vmem>>
      %dma_start3A_55 = tpu.memref_slice %arg2[%run_scoped3A_34, %mul3A_2] : memref<20x16384xi32, #tpu.memory_space<hbm>> -> memref<1x512xi32, #tpu.memory_space<hbm>>
      %dma_start3A_56 = tpu.memref_squeeze %dma_start3A_55 : memref<1x512xi32, #tpu.memory_space<hbm>> -> memref<512xi32, #tpu.memory_space<hbm>>
      tpu.enqueue_dma source(%dma_start3A_56 : memref<512xi32, #tpu.memory_space<hbm>>) target(%dma_start3A_54 : memref<512xi32, #tpu.memory_space<vmem>>) target_semaphore(%run_scoped3A_47 : memref<!tpu.dma_semaphore, #tpu.memory_space<semaphore_mem>>)
      %dma_wait3A = arith.constant 0 : i32
      %dma_wait3A_57 = tpu.memref_slice %arg8[%run_scoped3A_35, %dma_wait3A] : memref<20x512xi32, #tpu.memory_space<vmem>> -> memref<1x512xi32, #tpu.memory_space<vmem>>
      %dma_wait3A_58 = tpu.memref_squeeze %dma_wait3A_57 : memref<1x512xi32, #tpu.memory_space<vmem>> -> memref<512xi32, #tpu.memory_space<vmem>>
      %dma_wait3A_59 = tpu.memref_slice %arg2[%run_scoped3A_34, %mul3A_2] : memref<20x16384xi32, #tpu.memory_space<hbm>> -> memref<1x512xi32, #tpu.memory_space<hbm>>
      %dma_wait3A_60 = tpu.memref_squeeze %dma_wait3A_59 : memref<1x512xi32, #tpu.memory_space<hbm>> -> memref<512xi32, #tpu.memory_space<hbm>>
      %dma_wait3A_61 = arith.constant 0 : i32
      %dma_wait3A_62 = tpu.memref_slice %arg8[%run_scoped3A_35, %dma_wait3A_61] : memref<20x512xi32, #tpu.memory_space<vmem>> -> memref<1x512xi32, #tpu.memory_space<vmem>>
      %dma_wait3A_63 = tpu.memref_squeeze %dma_wait3A_62 : memref<1x512xi32, #tpu.memory_space<vmem>> -> memref<512xi32, #tpu.memory_space<vmem>>
      %dma_wait3A_64 = tpu.memref_slice %arg2[%run_scoped3A_34, %mul3A_2] : memref<20x16384xi32, #tpu.memory_space<hbm>> -> memref<1x512xi32, #tpu.memory_space<hbm>>
      %dma_wait3A_65 = tpu.memref_squeeze %dma_wait3A_64 : memref<1x512xi32, #tpu.memory_space<hbm>> -> memref<512xi32, #tpu.memory_space<hbm>>
      tpu.wait_dma2 semaphore(%run_scoped3A_47 : memref<!tpu.dma_semaphore, #tpu.memory_space<semaphore_mem>>) src(%dma_wait3A_65 : memref<512xi32, #tpu.memory_space<hbm>>) dst(%dma_wait3A_63 : memref<512xi32, #tpu.memory_space<vmem>>)
      tpu.yield
    }) : () -> ()
    %run_scoped3A_36 = arith.constant 17 : i32
    %run_scoped3A_37 = arith.constant 17 : i32
    "tpu.region"() ({
      %run_scoped3A_47 = tpu.sem_alloc : memref<!tpu.dma_semaphore, #tpu.memory_space<semaphore_mem>>
      %dma_start3A = arith.constant 0 : i32
      %dma_start3A_48 = tpu.memref_slice %arg8[%run_scoped3A_37, %dma_start3A] : memref<20x512xi32, #tpu.memory_space<vmem>> -> memref<1x512xi32, #tpu.memory_space<vmem>>
      %dma_start3A_49 = tpu.memref_squeeze %dma_start3A_48 : memref<1x512xi32, #tpu.memory_space<vmem>> -> memref<512xi32, #tpu.memory_space<vmem>>
      %dma_start3A_50 = tpu.memref_slice %arg2[%run_scoped3A_36, %mul3A_2] : memref<20x16384xi32, #tpu.memory_space<hbm>> -> memref<1x512xi32, #tpu.memory_space<hbm>>
      %dma_start3A_51 = tpu.memref_squeeze %dma_start3A_50 : memref<1x512xi32, #tpu.memory_space<hbm>> -> memref<512xi32, #tpu.memory_space<hbm>>
      %dma_start3A_52 = arith.constant 0 : i32
      %dma_start3A_53 = tpu.memref_slice %arg8[%run_scoped3A_37, %dma_start3A_52] : memref<20x512xi32, #tpu.memory_space<vmem>> -> memref<1x512xi32, #tpu.memory_space<vmem>>
      %dma_start3A_54 = tpu.memref_squeeze %dma_start3A_53 : memref<1x512xi32, #tpu.memory_space<vmem>> -> memref<512xi32, #tpu.memory_space<vmem>>
      %dma_start3A_55 = tpu.memref_slice %arg2[%run_scoped3A_36, %mul3A_2] : memref<20x16384xi32, #tpu.memory_space<hbm>> -> memref<1x512xi32, #tpu.memory_space<hbm>>
      %dma_start3A_56 = tpu.memref_squeeze %dma_start3A_55 : memref<1x512xi32, #tpu.memory_space<hbm>> -> memref<512xi32, #tpu.memory_space<hbm>>
      tpu.enqueue_dma source(%dma_start3A_56 : memref<512xi32, #tpu.memory_space<hbm>>) target(%dma_start3A_54 : memref<512xi32, #tpu.memory_space<vmem>>) target_semaphore(%run_scoped3A_47 : memref<!tpu.dma_semaphore, #tpu.memory_space<semaphore_mem>>)
      %dma_wait3A = arith.constant 0 : i32
      %dma_wait3A_57 = tpu.memref_slice %arg8[%run_scoped3A_37, %dma_wait3A] : memref<20x512xi32, #tpu.memory_space<vmem>> -> memref<1x512xi32, #tpu.memory_space<vmem>>
      %dma_wait3A_58 = tpu.memref_squeeze %dma_wait3A_57 : memref<1x512xi32, #tpu.memory_space<vmem>> -> memref<512xi32, #tpu.memory_space<vmem>>
      %dma_wait3A_59 = tpu.memref_slice %arg2[%run_scoped3A_36, %mul3A_2] : memref<20x16384xi32, #tpu.memory_space<hbm>> -> memref<1x512xi32, #tpu.memory_space<hbm>>
      %dma_wait3A_60 = tpu.memref_squeeze %dma_wait3A_59 : memref<1x512xi32, #tpu.memory_space<hbm>> -> memref<512xi32, #tpu.memory_space<hbm>>
      %dma_wait3A_61 = arith.constant 0 : i32
      %dma_wait3A_62 = tpu.memref_slice %arg8[%run_scoped3A_37, %dma_wait3A_61] : memref<20x512xi32, #tpu.memory_space<vmem>> -> memref<1x512xi32, #tpu.memory_space<vmem>>
      %dma_wait3A_63 = tpu.memref_squeeze %dma_wait3A_62 : memref<1x512xi32, #tpu.memory_space<vmem>> -> memref<512xi32, #tpu.memory_space<vmem>>
      %dma_wait3A_64 = tpu.memref_slice %arg2[%run_scoped3A_36, %mul3A_2] : memref<20x16384xi32, #tpu.memory_space<hbm>> -> memref<1x512xi32, #tpu.memory_space<hbm>>
      %dma_wait3A_65 = tpu.memref_squeeze %dma_wait3A_64 : memref<1x512xi32, #tpu.memory_space<hbm>> -> memref<512xi32, #tpu.memory_space<hbm>>
      tpu.wait_dma2 semaphore(%run_scoped3A_47 : memref<!tpu.dma_semaphore, #tpu.memory_space<semaphore_mem>>) src(%dma_wait3A_65 : memref<512xi32, #tpu.memory_space<hbm>>) dst(%dma_wait3A_63 : memref<512xi32, #tpu.memory_space<vmem>>)
      tpu.yield
    }) : () -> ()
    %run_scoped3A_38 = arith.constant 18 : i32
    %run_scoped3A_39 = arith.constant 18 : i32
    "tpu.region"() ({
      %run_scoped3A_47 = tpu.sem_alloc : memref<!tpu.dma_semaphore, #tpu.memory_space<semaphore_mem>>
      %dma_start3A = arith.constant 0 : i32
      %dma_start3A_48 = tpu.memref_slice %arg8[%run_scoped3A_39, %dma_start3A] : memref<20x512xi32, #tpu.memory_space<vmem>> -> memref<1x512xi32, #tpu.memory_space<vmem>>
      %dma_start3A_49 = tpu.memref_squeeze %dma_start3A_48 : memref<1x512xi32, #tpu.memory_space<vmem>> -> memref<512xi32, #tpu.memory_space<vmem>>
      %dma_start3A_50 = tpu.memref_slice %arg2[%run_scoped3A_38, %mul3A_2] : memref<20x16384xi32, #tpu.memory_space<hbm>> -> memref<1x512xi32, #tpu.memory_space<hbm>>
      %dma_start3A_51 = tpu.memref_squeeze %dma_start3A_50 : memref<1x512xi32, #tpu.memory_space<hbm>> -> memref<512xi32, #tpu.memory_space<hbm>>
      %dma_start3A_52 = arith.constant 0 : i32
      %dma_start3A_53 = tpu.memref_slice %arg8[%run_scoped3A_39, %dma_start3A_52] : memref<20x512xi32, #tpu.memory_space<vmem>> -> memref<1x512xi32, #tpu.memory_space<vmem>>
      %dma_start3A_54 = tpu.memref_squeeze %dma_start3A_53 : memref<1x512xi32, #tpu.memory_space<vmem>> -> memref<512xi32, #tpu.memory_space<vmem>>
      %dma_start3A_55 = tpu.memref_slice %arg2[%run_scoped3A_38, %mul3A_2] : memref<20x16384xi32, #tpu.memory_space<hbm>> -> memref<1x512xi32, #tpu.memory_space<hbm>>
      %dma_start3A_56 = tpu.memref_squeeze %dma_start3A_55 : memref<1x512xi32, #tpu.memory_space<hbm>> -> memref<512xi32, #tpu.memory_space<hbm>>
      tpu.enqueue_dma source(%dma_start3A_56 : memref<512xi32, #tpu.memory_space<hbm>>) target(%dma_start3A_54 : memref<512xi32, #tpu.memory_space<vmem>>) target_semaphore(%run_scoped3A_47 : memref<!tpu.dma_semaphore, #tpu.memory_space<semaphore_mem>>)
      %dma_wait3A = arith.constant 0 : i32
      %dma_wait3A_57 = tpu.memref_slice %arg8[%run_scoped3A_39, %dma_wait3A] : memref<20x512xi32, #tpu.memory_space<vmem>> -> memref<1x512xi32, #tpu.memory_space<vmem>>
      %dma_wait3A_58 = tpu.memref_squeeze %dma_wait3A_57 : memref<1x512xi32, #tpu.memory_space<vmem>> -> memref<512xi32, #tpu.memory_space<vmem>>
      %dma_wait3A_59 = tpu.memref_slice %arg2[%run_scoped3A_38, %mul3A_2] : memref<20x16384xi32, #tpu.memory_space<hbm>> -> memref<1x512xi32, #tpu.memory_space<hbm>>
      %dma_wait3A_60 = tpu.memref_squeeze %dma_wait3A_59 : memref<1x512xi32, #tpu.memory_space<hbm>> -> memref<512xi32, #tpu.memory_space<hbm>>
      %dma_wait3A_61 = arith.constant 0 : i32
      %dma_wait3A_62 = tpu.memref_slice %arg8[%run_scoped3A_39, %dma_wait3A_61] : memref<20x512xi32, #tpu.memory_space<vmem>> -> memref<1x512xi32, #tpu.memory_space<vmem>>
      %dma_wait3A_63 = tpu.memref_squeeze %dma_wait3A_62 : memref<1x512xi32, #tpu.memory_space<vmem>> -> memref<512xi32, #tpu.memory_space<vmem>>
      %dma_wait3A_64 = tpu.memref_slice %arg2[%run_scoped3A_38, %mul3A_2] : memref<20x16384xi32, #tpu.memory_space<hbm>> -> memref<1x512xi32, #tpu.memory_space<hbm>>
      %dma_wait3A_65 = tpu.memref_squeeze %dma_wait3A_64 : memref<1x512xi32, #tpu.memory_space<hbm>> -> memref<512xi32, #tpu.memory_space<hbm>>
      tpu.wait_dma2 semaphore(%run_scoped3A_47 : memref<!tpu.dma_semaphore, #tpu.memory_space<semaphore_mem>>) src(%dma_wait3A_65 : memref<512xi32, #tpu.memory_space<hbm>>) dst(%dma_wait3A_63 : memref<512xi32, #tpu.memory_space<vmem>>)
      tpu.yield
    }) : () -> ()
    %run_scoped3A_40 = arith.constant 19 : i32
    %run_scoped3A_41 = arith.constant 19 : i32
    "tpu.region"() ({
      %run_scoped3A_47 = tpu.sem_alloc : memref<!tpu.dma_semaphore, #tpu.memory_space<semaphore_mem>>
      %dma_start3A = arith.constant 0 : i32
      %dma_start3A_48 = tpu.memref_slice %arg8[%run_scoped3A_41, %dma_start3A] : memref<20x512xi32, #tpu.memory_space<vmem>> -> memref<1x512xi32, #tpu.memory_space<vmem>>
      %dma_start3A_49 = tpu.memref_squeeze %dma_start3A_48 : memref<1x512xi32, #tpu.memory_space<vmem>> -> memref<512xi32, #tpu.memory_space<vmem>>
      %dma_start3A_50 = tpu.memref_slice %arg2[%run_scoped3A_40, %mul3A_2] : memref<20x16384xi32, #tpu.memory_space<hbm>> -> memref<1x512xi32, #tpu.memory_space<hbm>>
      %dma_start3A_51 = tpu.memref_squeeze %dma_start3A_50 : memref<1x512xi32, #tpu.memory_space<hbm>> -> memref<512xi32, #tpu.memory_space<hbm>>
      %dma_start3A_52 = arith.constant 0 : i32
      %dma_start3A_53 = tpu.memref_slice %arg8[%run_scoped3A_41, %dma_start3A_52] : memref<20x512xi32, #tpu.memory_space<vmem>> -> memref<1x512xi32, #tpu.memory_space<vmem>>
      %dma_start3A_54 = tpu.memref_squeeze %dma_start3A_53 : memref<1x512xi32, #tpu.memory_space<vmem>> -> memref<512xi32, #tpu.memory_space<vmem>>
      %dma_start3A_55 = tpu.memref_slice %arg2[%run_scoped3A_40, %mul3A_2] : memref<20x16384xi32, #tpu.memory_space<hbm>> -> memref<1x512xi32, #tpu.memory_space<hbm>>
      %dma_start3A_56 = tpu.memref_squeeze %dma_start3A_55 : memref<1x512xi32, #tpu.memory_space<hbm>> -> memref<512xi32, #tpu.memory_space<hbm>>
      tpu.enqueue_dma source(%dma_start3A_56 : memref<512xi32, #tpu.memory_space<hbm>>) target(%dma_start3A_54 : memref<512xi32, #tpu.memory_space<vmem>>) target_semaphore(%run_scoped3A_47 : memref<!tpu.dma_semaphore, #tpu.memory_space<semaphore_mem>>)
      %dma_wait3A = arith.constant 0 : i32
      %dma_wait3A_57 = tpu.memref_slice %arg8[%run_scoped3A_41, %dma_wait3A] : memref<20x512xi32, #tpu.memory_space<vmem>> -> memref<1x512xi32, #tpu.memory_space<vmem>>
      %dma_wait3A_58 = tpu.memref_squeeze %dma_wait3A_57 : memref<1x512xi32, #tpu.memory_space<vmem>> -> memref<512xi32, #tpu.memory_space<vmem>>
      %dma_wait3A_59 = tpu.memref_slice %arg2[%run_scoped3A_40, %mul3A_2] : memref<20x16384xi32, #tpu.memory_space<hbm>> -> memref<1x512xi32, #tpu.memory_space<hbm>>
      %dma_wait3A_60 = tpu.memref_squeeze %dma_wait3A_59 : memref<1x512xi32, #tpu.memory_space<hbm>> -> memref<512xi32, #tpu.memory_space<hbm>>
      %dma_wait3A_61 = arith.constant 0 : i32
      %dma_wait3A_62 = tpu.memref_slice %arg8[%run_scoped3A_41, %dma_wait3A_61] : memref<20x512xi32, #tpu.memory_space<vmem>> -> memref<1x512xi32, #tpu.memory_space<vmem>>
      %dma_wait3A_63 = tpu.memref_squeeze %dma_wait3A_62 : memref<1x512xi32, #tpu.memory_space<vmem>> -> memref<512xi32, #tpu.memory_space<vmem>>
      %dma_wait3A_64 = tpu.memref_slice %arg2[%run_scoped3A_40, %mul3A_2] : memref<20x16384xi32, #tpu.memory_space<hbm>> -> memref<1x512xi32, #tpu.memory_space<hbm>>
      %dma_wait3A_65 = tpu.memref_squeeze %dma_wait3A_64 : memref<1x512xi32, #tpu.memory_space<hbm>> -> memref<512xi32, #tpu.memory_space<hbm>>
      tpu.wait_dma2 semaphore(%run_scoped3A_47 : memref<!tpu.dma_semaphore, #tpu.memory_space<semaphore_mem>>) src(%dma_wait3A_65 : memref<512xi32, #tpu.memory_space<hbm>>) dst(%dma_wait3A_63 : memref<512xi32, #tpu.memory_space<vmem>>)
      tpu.yield
    }) : () -> ()
    %scan3A = arith.constant 0 : i32
    %scan3A_42 = arith.constant 0 : i32
    %scan3A_43 = arith.constant 32 : i32
    %scan3A_44 = arith.addi %scan3A_42, %scan3A_43 : i32
    %scan3A_45 = arith.constant 1 : i32
    scf.for %scan3A_47 = %scan3A_42 to %scan3A_44 step %scan3A_45  : i32 {
      %mul3A_48 = arith.constant 16 : i32
      %mul3A_49 = arith.muli %scan3A_47, %mul3A_48 : i32
      %multiple_of3A = tpu.assume_multiple %mul3A_49, 16 : i32
      %get3A = arith.constant 0 : i32
      %get3A_50 = arith.index_cast %get3A : i32 to index
      %get3A_51 = arith.index_cast %multiple_of3A : i32 to index
      %get3A_52 = tpu.vector_load %arg8[%get3A_50, %get3A_51] {strides = array<i32>} : memref<20x512xi32, #tpu.memory_space<vmem>>, vector<16xi32>,
      %get3A_53 = arith.constant 1 : i32
      %get3A_54 = arith.index_cast %get3A_53 : i32 to index
      %get3A_55 = arith.index_cast %multiple_of3A : i32 to index
      %get3A_56 = tpu.vector_load %arg8[%get3A_54, %get3A_55] {strides = array<i32>} : memref<20x512xi32, #tpu.memory_space<vmem>>, vector<16xi32>,
      %get3A_57 = arith.constant 2 : i32
      %get3A_58 = arith.index_cast %get3A_57 : i32 to index
      %get3A_59 = arith.index_cast %multiple_of3A : i32 to index
      %get3A_60 = tpu.vector_load %arg8[%get3A_58, %get3A_59] {strides = array<i32>} : memref<20x512xi32, #tpu.memory_space<vmem>>, vector<16xi32>,
      %get3A_61 = arith.constant 3 : i32
      %get3A_62 = arith.index_cast %get3A_61 : i32 to index
      %get3A_63 = arith.index_cast %multiple_of3A : i32 to index
      %get3A_64 = tpu.vector_load %arg8[%get3A_62, %get3A_63] {strides = array<i32>} : memref<20x512xi32, #tpu.memory_space<vmem>>, vector<16xi32>,
      %get3A_65 = arith.constant 4 : i32
      %get3A_66 = arith.index_cast %get3A_65 : i32 to index
      %get3A_67 = arith.index_cast %multiple_of3A : i32 to index
      %get3A_68 = tpu.vector_load %arg8[%get3A_66, %get3A_67] {strides = array<i32>} : memref<20x512xi32, #tpu.memory_space<vmem>>, vector<16xi32>,
      %get3A_69 = arith.constant 5 : i32
      %get3A_70 = arith.index_cast %get3A_69 : i32 to index
      %get3A_71 = arith.index_cast %multiple_of3A : i32 to index
      %get3A_72 = tpu.vector_load %arg8[%get3A_70, %get3A_71] {strides = array<i32>} : memref<20x512xi32, #tpu.memory_space<vmem>>, vector<16xi32>,
      %get3A_73 = arith.constant 6 : i32
      %get3A_74 = arith.index_cast %get3A_73 : i32 to index
      %get3A_75 = arith.index_cast %multiple_of3A : i32 to index
      %get3A_76 = tpu.vector_load %arg8[%get3A_74, %get3A_75] {strides = array<i32>} : memref<20x512xi32, #tpu.memory_space<vmem>>, vector<16xi32>,
      %get3A_77 = arith.constant 7 : i32
      %get3A_78 = arith.index_cast %get3A_77 : i32 to index
      %get3A_79 = arith.index_cast %multiple_of3A : i32 to index
      %get3A_80 = tpu.vector_load %arg8[%get3A_78, %get3A_79] {strides = array<i32>} : memref<20x512xi32, #tpu.memory_space<vmem>>, vector<16xi32>,
      %get3A_81 = arith.constant 8 : i32
      %get3A_82 = arith.index_cast %get3A_81 : i32 to index
      %get3A_83 = arith.index_cast %multiple_of3A : i32 to index
      %get3A_84 = tpu.vector_load %arg8[%get3A_82, %get3A_83] {strides = array<i32>} : memref<20x512xi32, #tpu.memory_space<vmem>>, vector<16xi32>,
      %get3A_85 = arith.constant 9 : i32
      %get3A_86 = arith.index_cast %get3A_85 : i32 to index
      %get3A_87 = arith.index_cast %multiple_of3A : i32 to index
      %get3A_88 = tpu.vector_load %arg8[%get3A_86, %get3A_87] {strides = array<i32>} : memref<20x512xi32, #tpu.memory_space<vmem>>, vector<16xi32>,
      %get3A_89 = arith.constant 10 : i32
      %get3A_90 = arith.index_cast %get3A_89 : i32 to index
      %get3A_91 = arith.index_cast %multiple_of3A : i32 to index
      %get3A_92 = tpu.vector_load %arg8[%get3A_90, %get3A_91] {strides = array<i32>} : memref<20x512xi32, #tpu.memory_space<vmem>>, vector<16xi32>,
      %get3A_93 = arith.constant 11 : i32
      %get3A_94 = arith.index_cast %get3A_93 : i32 to index
      %get3A_95 = arith.index_cast %multiple_of3A : i32 to index
      %get3A_96 = tpu.vector_load %arg8[%get3A_94, %get3A_95] {strides = array<i32>} : memref<20x512xi32, #tpu.memory_space<vmem>>, vector<16xi32>,
      %get3A_97 = arith.constant 12 : i32
      %get3A_98 = arith.index_cast %get3A_97 : i32 to index
      %get3A_99 = arith.index_cast %multiple_of3A : i32 to index
      %get3A_100 = tpu.vector_load %arg8[%get3A_98, %get3A_99] {strides = array<i32>} : memref<20x512xi32, #tpu.memory_space<vmem>>, vector<16xi32>,
      %get3A_101 = arith.constant 13 : i32
      %get3A_102 = arith.index_cast %get3A_101 : i32 to index
      %get3A_103 = arith.index_cast %multiple_of3A : i32 to index
      %get3A_104 = tpu.vector_load %arg8[%get3A_102, %get3A_103] {strides = array<i32>} : memref<20x512xi32, #tpu.memory_space<vmem>>, vector<16xi32>,
      %get3A_105 = arith.constant 14 : i32
      %get3A_106 = arith.index_cast %get3A_105 : i32 to index
      %get3A_107 = arith.index_cast %multiple_of3A : i32 to index
      %get3A_108 = tpu.vector_load %arg8[%get3A_106, %get3A_107] {strides = array<i32>} : memref<20x512xi32, #tpu.memory_space<vmem>>, vector<16xi32>,
      %get3A_109 = arith.constant 15 : i32
      %get3A_110 = arith.index_cast %get3A_109 : i32 to index
      %get3A_111 = arith.index_cast %multiple_of3A : i32 to index
      %get3A_112 = tpu.vector_load %arg8[%get3A_110, %get3A_111] {strides = array<i32>} : memref<20x512xi32, #tpu.memory_space<vmem>>, vector<16xi32>,
      %get3A_113 = arith.constant 16 : i32
      %get3A_114 = arith.index_cast %get3A_113 : i32 to index
      %get3A_115 = arith.index_cast %multiple_of3A : i32 to index
      %get3A_116 = tpu.vector_load %arg8[%get3A_114, %get3A_115] {strides = array<i32>} : memref<20x512xi32, #tpu.memory_space<vmem>>, vector<16xi32>,
      %get3A_117 = arith.constant 17 : i32
      %get3A_118 = arith.index_cast %get3A_117 : i32 to index
      %get3A_119 = arith.index_cast %multiple_of3A : i32 to index
      %get3A_120 = tpu.vector_load %arg8[%get3A_118, %get3A_119] {strides = array<i32>} : memref<20x512xi32, #tpu.memory_space<vmem>>, vector<16xi32>,
      %get3A_121 = arith.constant 18 : i32
      %get3A_122 = arith.index_cast %get3A_121 : i32 to index
      %get3A_123 = arith.index_cast %multiple_of3A : i32 to index
      %get3A_124 = tpu.vector_load %arg8[%get3A_122, %get3A_123] {strides = array<i32>} : memref<20x512xi32, #tpu.memory_space<vmem>>, vector<16xi32>,
      %get3A_125 = arith.constant 19 : i32
      %get3A_126 = arith.index_cast %get3A_125 : i32 to index
      %get3A_127 = arith.index_cast %multiple_of3A : i32 to index
      %get3A_128 = tpu.vector_load %arg8[%get3A_126, %get3A_127] {strides = array<i32>} : memref<20x512xi32, #tpu.memory_space<vmem>>, vector<16xi32>,
      %broadcast_in_dim3A = arith.constant 0.000000e+00 : f32
      %broadcast_in_dim3A_129 = vector.broadcast %broadcast_in_dim3A : f32 to vector<16xf32>
      %min3A = arith.constant 1 : i32
      %min3A_130 = vector.broadcast %min3A : i32 to vector<16xi32>
      %min3A_131 = arith.minsi %get3A_52, %min3A_130 : vector<16xi32>
      %convert_element_type3A = arith.sitofp %min3A_131 : vector<16xi32> to vector<16xf32>
      %add3A_132 = arith.addf %broadcast_in_dim3A_129, %convert_element_type3A : vector<16xf32>
      %min3A_133 = arith.constant 1 : i32
      %min3A_134 = vector.broadcast %min3A_133 : i32 to vector<16xi32>
      %min3A_135 = arith.minsi %get3A_56, %min3A_134 : vector<16xi32>
      %convert_element_type3A_136 = arith.sitofp %min3A_135 : vector<16xi32> to vector<16xf32>
      %add3A_137 = arith.addf %add3A_132, %convert_element_type3A_136 : vector<16xf32>
      %min3A_138 = arith.constant 1 : i32
      %min3A_139 = vector.broadcast %min3A_138 : i32 to vector<16xi32>
      %min3A_140 = arith.minsi %get3A_60, %min3A_139 : vector<16xi32>
      %convert_element_type3A_141 = arith.sitofp %min3A_140 : vector<16xi32> to vector<16xf32>
      %add3A_142 = arith.addf %add3A_137, %convert_element_type3A_141 : vector<16xf32>
      %min3A_143 = arith.constant 1 : i32
      %min3A_144 = vector.broadcast %min3A_143 : i32 to vector<16xi32>
      %min3A_145 = arith.minsi %get3A_64, %min3A_144 : vector<16xi32>
      %convert_element_type3A_146 = arith.sitofp %min3A_145 : vector<16xi32> to vector<16xf32>
      %add3A_147 = arith.addf %add3A_142, %convert_element_type3A_146 : vector<16xf32>
      %min3A_148 = arith.constant 1 : i32
      %min3A_149 = vector.broadcast %min3A_148 : i32 to vector<16xi32>
      %min3A_150 = arith.minsi %get3A_68, %min3A_149 : vector<16xi32>
      %convert_element_type3A_151 = arith.sitofp %min3A_150 : vector<16xi32> to vector<16xf32>
      %add3A_152 = arith.addf %add3A_147, %convert_element_type3A_151 : vector<16xf32>
      %min3A_153 = arith.constant 1 : i32
      %min3A_154 = vector.broadcast %min3A_153 : i32 to vector<16xi32>
      %min3A_155 = arith.minsi %get3A_72, %min3A_154 : vector<16xi32>
      %convert_element_type3A_156 = arith.sitofp %min3A_155 : vector<16xi32> to vector<16xf32>
      %add3A_157 = arith.addf %add3A_152, %convert_element_type3A_156 : vector<16xf32>
      %min3A_158 = arith.constant 1 : i32
      %min3A_159 = vector.broadcast %min3A_158 : i32 to vector<16xi32>
      %min3A_160 = arith.minsi %get3A_76, %min3A_159 : vector<16xi32>
      %convert_element_type3A_161 = arith.sitofp %min3A_160 : vector<16xi32> to vector<16xf32>
      %add3A_162 = arith.addf %add3A_157, %convert_element_type3A_161 : vector<16xf32>
      %min3A_163 = arith.constant 1 : i32
      %min3A_164 = vector.broadcast %min3A_163 : i32 to vector<16xi32>
      %min3A_165 = arith.minsi %get3A_80, %min3A_164 : vector<16xi32>
      %convert_element_type3A_166 = arith.sitofp %min3A_165 : vector<16xi32> to vector<16xf32>
      %add3A_167 = arith.addf %add3A_162, %convert_element_type3A_166 : vector<16xf32>
      %min3A_168 = arith.constant 1 : i32
      %min3A_169 = vector.broadcast %min3A_168 : i32 to vector<16xi32>
      %min3A_170 = arith.minsi %get3A_84, %min3A_169 : vector<16xi32>
      %convert_element_type3A_171 = arith.sitofp %min3A_170 : vector<16xi32> to vector<16xf32>
      %add3A_172 = arith.addf %add3A_167, %convert_element_type3A_171 : vector<16xf32>
      %min3A_173 = arith.constant 1 : i32
      %min3A_174 = vector.broadcast %min3A_173 : i32 to vector<16xi32>
      %min3A_175 = arith.minsi %get3A_88, %min3A_174 : vector<16xi32>
      %convert_element_type3A_176 = arith.sitofp %min3A_175 : vector<16xi32> to vector<16xf32>
      %add3A_177 = arith.addf %add3A_172, %convert_element_type3A_176 : vector<16xf32>
      %min3A_178 = arith.constant 1 : i32
      %min3A_179 = vector.broadcast %min3A_178 : i32 to vector<16xi32>
      %min3A_180 = arith.minsi %get3A_92, %min3A_179 : vector<16xi32>
      %convert_element_type3A_181 = arith.sitofp %min3A_180 : vector<16xi32> to vector<16xf32>
      %add3A_182 = arith.addf %add3A_177, %convert_element_type3A_181 : vector<16xf32>
      %min3A_183 = arith.constant 1 : i32
      %min3A_184 = vector.broadcast %min3A_183 : i32 to vector<16xi32>
      %min3A_185 = arith.minsi %get3A_96, %min3A_184 : vector<16xi32>
      %convert_element_type3A_186 = arith.sitofp %min3A_185 : vector<16xi32> to vector<16xf32>
      %add3A_187 = arith.addf %add3A_182, %convert_element_type3A_186 : vector<16xf32>
      %min3A_188 = arith.constant 1 : i32
      %min3A_189 = vector.broadcast %min3A_188 : i32 to vector<16xi32>
      %min3A_190 = arith.minsi %get3A_100, %min3A_189 : vector<16xi32>
      %convert_element_type3A_191 = arith.sitofp %min3A_190 : vector<16xi32> to vector<16xf32>
      %add3A_192 = arith.addf %add3A_187, %convert_element_type3A_191 : vector<16xf32>
      %min3A_193 = arith.constant 1 : i32
      %min3A_194 = vector.broadcast %min3A_193 : i32 to vector<16xi32>
      %min3A_195 = arith.minsi %get3A_104, %min3A_194 : vector<16xi32>
      %convert_element_type3A_196 = arith.sitofp %min3A_195 : vector<16xi32> to vector<16xf32>
      %add3A_197 = arith.addf %add3A_192, %convert_element_type3A_196 : vector<16xf32>
      %min3A_198 = arith.constant 1 : i32
      %min3A_199 = vector.broadcast %min3A_198 : i32 to vector<16xi32>
      %min3A_200 = arith.minsi %get3A_108, %min3A_199 : vector<16xi32>
      %convert_element_type3A_201 = arith.sitofp %min3A_200 : vector<16xi32> to vector<16xf32>
      %add3A_202 = arith.addf %add3A_197, %convert_element_type3A_201 : vector<16xf32>
      %min3A_203 = arith.constant 1 : i32
      %min3A_204 = vector.broadcast %min3A_203 : i32 to vector<16xi32>
      %min3A_205 = arith.minsi %get3A_112, %min3A_204 : vector<16xi32>
      %convert_element_type3A_206 = arith.sitofp %min3A_205 : vector<16xi32> to vector<16xf32>
      %add3A_207 = arith.addf %add3A_202, %convert_element_type3A_206 : vector<16xf32>
      %min3A_208 = arith.constant 1 : i32
      %min3A_209 = vector.broadcast %min3A_208 : i32 to vector<16xi32>
      %min3A_210 = arith.minsi %get3A_116, %min3A_209 : vector<16xi32>
      %convert_element_type3A_211 = arith.sitofp %min3A_210 : vector<16xi32> to vector<16xf32>
      %add3A_212 = arith.addf %add3A_207, %convert_element_type3A_211 : vector<16xf32>
      %min3A_213 = arith.constant 1 : i32
      %min3A_214 = vector.broadcast %min3A_213 : i32 to vector<16xi32>
      %min3A_215 = arith.minsi %get3A_120, %min3A_214 : vector<16xi32>
      %convert_element_type3A_216 = arith.sitofp %min3A_215 : vector<16xi32> to vector<16xf32>
      %add3A_217 = arith.addf %add3A_212, %convert_element_type3A_216 : vector<16xf32>
      %min3A_218 = arith.constant 1 : i32
      %min3A_219 = vector.broadcast %min3A_218 : i32 to vector<16xi32>
      %min3A_220 = arith.minsi %get3A_124, %min3A_219 : vector<16xi32>
      %convert_element_type3A_221 = arith.sitofp %min3A_220 : vector<16xi32> to vector<16xf32>
      %add3A_222 = arith.addf %add3A_217, %convert_element_type3A_221 : vector<16xf32>
      %min3A_223 = arith.constant 1 : i32
      %min3A_224 = vector.broadcast %min3A_223 : i32 to vector<16xi32>
      %min3A_225 = arith.minsi %get3A_128, %min3A_224 : vector<16xi32>
      %convert_element_type3A_226 = arith.sitofp %min3A_225 : vector<16xi32> to vector<16xf32>
      %add3A_227 = arith.addf %add3A_222, %convert_element_type3A_226 : vector<16xf32>
      %broadcast_in_dim3A_228 = arith.constant 1.000000e+00 : f32
      %broadcast_in_dim3A_229 = vector.broadcast %broadcast_in_dim3A_228 : f32 to vector<16xf32>
      %div3A = arith.divf %broadcast_in_dim3A_229, %add3A_227 : vector<16xf32>
      %broadcast_in_dim3A_230 = arith.constant 0 : i32
      %broadcast_in_dim3A_231 = vector.broadcast %broadcast_in_dim3A_230 : i32 to vector<16xi32>
      %gather3A = tpu.vector_load_idx %arg9[%broadcast_in_dim3A_231, %get3A_52] : memref<16x1000xf32, #tpu.memory_space<vmem>>[vector<16xi32>, vector<16xi32>], vector<16xf32>,
      %gather3A_232 = tpu.vector_load_idx %arg9[%broadcast_in_dim3A_231, %get3A_56] : memref<16x1000xf32, #tpu.memory_space<vmem>>[vector<16xi32>, vector<16xi32>], vector<16xf32>,
      %add3A_233 = arith.addf %gather3A, %gather3A_232 : vector<16xf32>
      %gather3A_234 = tpu.vector_load_idx %arg9[%broadcast_in_dim3A_231, %get3A_60] : memref<16x1000xf32, #tpu.memory_space<vmem>>[vector<16xi32>, vector<16xi32>], vector<16xf32>,
      %add3A_235 = arith.addf %add3A_233, %gather3A_234 : vector<16xf32>
      %gather3A_236 = tpu.vector_load_idx %arg9[%broadcast_in_dim3A_231, %get3A_64] : memref<16x1000xf32, #tpu.memory_space<vmem>>[vector<16xi32>, vector<16xi32>], vector<16xf32>,
      %add3A_237 = arith.addf %add3A_235, %gather3A_236 : vector<16xf32>
      %gather3A_238 = tpu.vector_load_idx %arg9[%broadcast_in_dim3A_231, %get3A_68] : memref<16x1000xf32, #tpu.memory_space<vmem>>[vector<16xi32>, vector<16xi32>], vector<16xf32>,
      %add3A_239 = arith.addf %add3A_237, %gather3A_238 : vector<16xf32>
      %gather3A_240 = tpu.vector_load_idx %arg9[%broadcast_in_dim3A_231, %get3A_72] : memref<16x1000xf32, #tpu.memory_space<vmem>>[vector<16xi32>, vector<16xi32>], vector<16xf32>,
      %add3A_241 = arith.addf %add3A_239, %gather3A_240 : vector<16xf32>
      %gather3A_242 = tpu.vector_load_idx %arg9[%broadcast_in_dim3A_231, %get3A_76] : memref<16x1000xf32, #tpu.memory_space<vmem>>[vector<16xi32>, vector<16xi32>], vector<16xf32>,
      %add3A_243 = arith.addf %add3A_241, %gather3A_242 : vector<16xf32>
      %gather3A_244 = tpu.vector_load_idx %arg9[%broadcast_in_dim3A_231, %get3A_80] : memref<16x1000xf32, #tpu.memory_space<vmem>>[vector<16xi32>, vector<16xi32>], vector<16xf32>,
      %add3A_245 = arith.addf %add3A_243, %gather3A_244 : vector<16xf32>
      %gather3A_246 = tpu.vector_load_idx %arg9[%broadcast_in_dim3A_231, %get3A_84] : memref<16x1000xf32, #tpu.memory_space<vmem>>[vector<16xi32>, vector<16xi32>], vector<16xf32>,
      %add3A_247 = arith.addf %add3A_245, %gather3A_246 : vector<16xf32>
      %gather3A_248 = tpu.vector_load_idx %arg9[%broadcast_in_dim3A_231, %get3A_88] : memref<16x1000xf32, #tpu.memory_space<vmem>>[vector<16xi32>, vector<16xi32>], vector<16xf32>,
      %add3A_249 = arith.addf %add3A_247, %gather3A_248 : vector<16xf32>
      %gather3A_250 = tpu.vector_load_idx %arg9[%broadcast_in_dim3A_231, %get3A_92] : memref<16x1000xf32, #tpu.memory_space<vmem>>[vector<16xi32>, vector<16xi32>], vector<16xf32>,
      %add3A_251 = arith.addf %add3A_249, %gather3A_250 : vector<16xf32>
      %gather3A_252 = tpu.vector_load_idx %arg9[%broadcast_in_dim3A_231, %get3A_96] : memref<16x1000xf32, #tpu.memory_space<vmem>>[vector<16xi32>, vector<16xi32>], vector<16xf32>,
      %add3A_253 = arith.addf %add3A_251, %gather3A_252 : vector<16xf32>
      %gather3A_254 = tpu.vector_load_idx %arg9[%broadcast_in_dim3A_231, %get3A_100] : memref<16x1000xf32, #tpu.memory_space<vmem>>[vector<16xi32>, vector<16xi32>], vector<16xf32>,
      %add3A_255 = arith.addf %add3A_253, %gather3A_254 : vector<16xf32>
      %gather3A_256 = tpu.vector_load_idx %arg9[%broadcast_in_dim3A_231, %get3A_104] : memref<16x1000xf32, #tpu.memory_space<vmem>>[vector<16xi32>, vector<16xi32>], vector<16xf32>,
      %add3A_257 = arith.addf %add3A_255, %gather3A_256 : vector<16xf32>
      %gather3A_258 = tpu.vector_load_idx %arg9[%broadcast_in_dim3A_231, %get3A_108] : memref<16x1000xf32, #tpu.memory_space<vmem>>[vector<16xi32>, vector<16xi32>], vector<16xf32>,
      %add3A_259 = arith.addf %add3A_257, %gather3A_258 : vector<16xf32>
      %gather3A_260 = tpu.vector_load_idx %arg9[%broadcast_in_dim3A_231, %get3A_112] : memref<16x1000xf32, #tpu.memory_space<vmem>>[vector<16xi32>, vector<16xi32>], vector<16xf32>,
      %add3A_261 = arith.addf %add3A_259, %gather3A_260 : vector<16xf32>
      %gather3A_262 = tpu.vector_load_idx %arg9[%broadcast_in_dim3A_231, %get3A_116] : memref<16x1000xf32, #tpu.memory_space<vmem>>[vector<16xi32>, vector<16xi32>], vector<16xf32>,
      %add3A_263 = arith.addf %add3A_261, %gather3A_262 : vector<16xf32>
      %gather3A_264 = tpu.vector_load_idx %arg9[%broadcast_in_dim3A_231, %get3A_120] : memref<16x1000xf32, #tpu.memory_space<vmem>>[vector<16xi32>, vector<16xi32>], vector<16xf32>,
      %add3A_265 = arith.addf %add3A_263, %gather3A_264 : vector<16xf32>
      %gather3A_266 = tpu.vector_load_idx %arg9[%broadcast_in_dim3A_231, %get3A_124] : memref<16x1000xf32, #tpu.memory_space<vmem>>[vector<16xi32>, vector<16xi32>], vector<16xf32>,
      %add3A_267 = arith.addf %add3A_265, %gather3A_266 : vector<16xf32>
      %gather3A_268 = tpu.vector_load_idx %arg9[%broadcast_in_dim3A_231, %get3A_128] : memref<16x1000xf32, #tpu.memory_space<vmem>>[vector<16xi32>, vector<16xi32>], vector<16xf32>,
      %add3A_269 = arith.addf %add3A_267, %gather3A_268 : vector<16xf32>
      %mul3A_270 = arith.mulf %add3A_269, %div3A : vector<16xf32>
      %swap3A = arith.constant 0 : i32
      %swap3A_271 = arith.index_cast %swap3A : i32 to index
      %swap3A_272 = arith.index_cast %multiple_of3A : i32 to index
      %swap3A_273 = tpu.vector_load %arg11[%swap3A_271, %swap3A_272] {strides = array<i32>} : memref<20x512xf32, #tpu.memory_space<vmem>>, vector<16xf32>,
      tpu.vector_store %arg11[%swap3A_271, %swap3A_272], %mul3A_270 {strides = array<i32>} : memref<20x512xf32, #tpu.memory_space<vmem>>, vector<16xf32>,
      %broadcast_in_dim3A_274 = arith.constant 1 : i32
      %broadcast_in_dim3A_275 = vector.broadcast %broadcast_in_dim3A_274 : i32 to vector<16xi32>
      %gather3A_276 = tpu.vector_load_idx %arg9[%broadcast_in_dim3A_275, %get3A_52] : memref<16x1000xf32, #tpu.memory_space<vmem>>[vector<16xi32>, vector<16xi32>], vector<16xf32>,
      %gather3A_277 = tpu.vector_load_idx %arg9[%broadcast_in_dim3A_275, %get3A_56] : memref<16x1000xf32, #tpu.memory_space<vmem>>[vector<16xi32>, vector<16xi32>], vector<16xf32>,
      %add3A_278 = arith.addf %gather3A_276, %gather3A_277 : vector<16xf32>
      %gather3A_279 = tpu.vector_load_idx %arg9[%broadcast_in_dim3A_275, %get3A_60] : memref<16x1000xf32, #tpu.memory_space<vmem>>[vector<16xi32>, vector<16xi32>], vector<16xf32>,
      %add3A_280 = arith.addf %add3A_278, %gather3A_279 : vector<16xf32>
      %gather3A_281 = tpu.vector_load_idx %arg9[%broadcast_in_dim3A_275, %get3A_64] : memref<16x1000xf32, #tpu.memory_space<vmem>>[vector<16xi32>, vector<16xi32>], vector<16xf32>,
      %add3A_282 = arith.addf %add3A_280, %gather3A_281 : vector<16xf32>
      %gather3A_283 = tpu.vector_load_idx %arg9[%broadcast_in_dim3A_275, %get3A_68] : memref<16x1000xf32, #tpu.memory_space<vmem>>[vector<16xi32>, vector<16xi32>], vector<16xf32>,
      %add3A_284 = arith.addf %add3A_282, %gather3A_283 : vector<16xf32>
      %gather3A_285 = tpu.vector_load_idx %arg9[%broadcast_in_dim3A_275, %get3A_72] : memref<16x1000xf32, #tpu.memory_space<vmem>>[vector<16xi32>, vector<16xi32>], vector<16xf32>,
      %add3A_286 = arith.addf %add3A_284, %gather3A_285 : vector<16xf32>
      %gather3A_287 = tpu.vector_load_idx %arg9[%broadcast_in_dim3A_275, %get3A_76] : memref<16x1000xf32, #tpu.memory_space<vmem>>[vector<16xi32>, vector<16xi32>], vector<16xf32>,
      %add3A_288 = arith.addf %add3A_286, %gather3A_287 : vector<16xf32>
      %gather3A_289 = tpu.vector_load_idx %arg9[%broadcast_in_dim3A_275, %get3A_80] : memref<16x1000xf32, #tpu.memory_space<vmem>>[vector<16xi32>, vector<16xi32>], vector<16xf32>,
      %add3A_290 = arith.addf %add3A_288, %gather3A_289 : vector<16xf32>
      %gather3A_291 = tpu.vector_load_idx %arg9[%broadcast_in_dim3A_275, %get3A_84] : memref<16x1000xf32, #tpu.memory_space<vmem>>[vector<16xi32>, vector<16xi32>], vector<16xf32>,
      %add3A_292 = arith.addf %add3A_290, %gather3A_291 : vector<16xf32>
      %gather3A_293 = tpu.vector_load_idx %arg9[%broadcast_in_dim3A_275, %get3A_88] : memref<16x1000xf32, #tpu.memory_space<vmem>>[vector<16xi32>, vector<16xi32>], vector<16xf32>,
      %add3A_294 = arith.addf %add3A_292, %gather3A_293 : vector<16xf32>
      %gather3A_295 = tpu.vector_load_idx %arg9[%broadcast_in_dim3A_275, %get3A_92] : memref<16x1000xf32, #tpu.memory_space<vmem>>[vector<16xi32>, vector<16xi32>], vector<16xf32>,
      %add3A_296 = arith.addf %add3A_294, %gather3A_295 : vector<16xf32>
      %gather3A_297 = tpu.vector_load_idx %arg9[%broadcast_in_dim3A_275, %get3A_96] : memref<16x1000xf32, #tpu.memory_space<vmem>>[vector<16xi32>, vector<16xi32>], vector<16xf32>,
      %add3A_298 = arith.addf %add3A_296, %gather3A_297 : vector<16xf32>
      %gather3A_299 = tpu.vector_load_idx %arg9[%broadcast_in_dim3A_275, %get3A_100] : memref<16x1000xf32, #tpu.memory_space<vmem>>[vector<16xi32>, vector<16xi32>], vector<16xf32>,
      %add3A_300 = arith.addf %add3A_298, %gather3A_299 : vector<16xf32>
      %gather3A_301 = tpu.vector_load_idx %arg9[%broadcast_in_dim3A_275, %get3A_104] : memref<16x1000xf32, #tpu.memory_space<vmem>>[vector<16xi32>, vector<16xi32>], vector<16xf32>,
      %add3A_302 = arith.addf %add3A_300, %gather3A_301 : vector<16xf32>
      %gather3A_303 = tpu.vector_load_idx %arg9[%broadcast_in_dim3A_275, %get3A_108] : memref<16x1000xf32, #tpu.memory_space<vmem>>[vector<16xi32>, vector<16xi32>], vector<16xf32>,
      %add3A_304 = arith.addf %add3A_302, %gather3A_303 : vector<16xf32>
      %gather3A_305 = tpu.vector_load_idx %arg9[%broadcast_in_dim3A_275, %get3A_112] : memref<16x1000xf32, #tpu.memory_space<vmem>>[vector<16xi32>, vector<16xi32>], vector<16xf32>,
      %add3A_306 = arith.addf %add3A_304, %gather3A_305 : vector<16xf32>
      %gather3A_307 = tpu.vector_load_idx %arg9[%broadcast_in_dim3A_275, %get3A_116] : memref<16x1000xf32, #tpu.memory_space<vmem>>[vector<16xi32>, vector<16xi32>], vector<16xf32>,
      %add3A_308 = arith.addf %add3A_306, %gather3A_307 : vector<16xf32>
      %gather3A_309 = tpu.vector_load_idx %arg9[%broadcast_in_dim3A_275, %get3A_120] : memref<16x1000xf32, #tpu.memory_space<vmem>>[vector<16xi32>, vector<16xi32>], vector<16xf32>,
      %add3A_310 = arith.addf %add3A_308, %gather3A_309 : vector<16xf32>
      %gather3A_311 = tpu.vector_load_idx %arg9[%broadcast_in_dim3A_275, %get3A_124] : memref<16x1000xf32, #tpu.memory_space<vmem>>[vector<16xi32>, vector<16xi32>], vector<16xf32>,
      %add3A_312 = arith.addf %add3A_310, %gather3A_311 : vector<16xf32>
      %gather3A_313 = tpu.vector_load_idx %arg9[%broadcast_in_dim3A_275, %get3A_128] : memref<16x1000xf32, #tpu.memory_space<vmem>>[vector<16xi32>, vector<16xi32>], vector<16xf32>,
      %add3A_314 = arith.addf %add3A_312, %gather3A_313 : vector<16xf32>
      %mul3A_315 = arith.mulf %add3A_314, %div3A : vector<16xf32>
      %swap3A_316 = arith.constant 1 : i32
      %swap3A_317 = arith.index_cast %swap3A_316 : i32 to index
      %swap3A_318 = arith.index_cast %multiple_of3A : i32 to index
      %swap3A_319 = tpu.vector_load %arg11[%swap3A_317, %swap3A_318] {strides = array<i32>} : memref<20x512xf32, #tpu.memory_space<vmem>>, vector<16xf32>,
      tpu.vector_store %arg11[%swap3A_317, %swap3A_318], %mul3A_315 {strides = array<i32>} : memref<20x512xf32, #tpu.memory_space<vmem>>, vector<16xf32>,
      %broadcast_in_dim3A_320 = arith.constant 2 : i32
      %broadcast_in_dim3A_321 = vector.broadcast %broadcast_in_dim3A_320 : i32 to vector<16xi32>
      %gather3A_322 = tpu.vector_load_idx %arg9[%broadcast_in_dim3A_321, %get3A_52] : memref<16x1000xf32, #tpu.memory_space<vmem>>[vector<16xi32>, vector<16xi32>], vector<16xf32>,
      %gather3A_323 = tpu.vector_load_idx %arg9[%broadcast_in_dim3A_321, %get3A_56] : memref<16x1000xf32, #tpu.memory_space<vmem>>[vector<16xi32>, vector<16xi32>], vector<16xf32>,
      %add3A_324 = arith.addf %gather3A_322, %gather3A_323 : vector<16xf32>
      %gather3A_325 = tpu.vector_load_idx %arg9[%broadcast_in_dim3A_321, %get3A_60] : memref<16x1000xf32, #tpu.memory_space<vmem>>[vector<16xi32>, vector<16xi32>], vector<16xf32>,
      %add3A_326 = arith.addf %add3A_324, %gather3A_325 : vector<16xf32>
      %gather3A_327 = tpu.vector_load_idx %arg9[%broadcast_in_dim3A_321, %get3A_64] : memref<16x1000xf32, #tpu.memory_space<vmem>>[vector<16xi32>, vector<16xi32>], vector<16xf32>,
      %add3A_328 = arith.addf %add3A_326, %gather3A_327 : vector<16xf32>
      %gather3A_329 = tpu.vector_load_idx %arg9[%broadcast_in_dim3A_321, %get3A_68] : memref<16x1000xf32, #tpu.memory_space<vmem>>[vector<16xi32>, vector<16xi32>], vector<16xf32>,
      %add3A_330 = arith.addf %add3A_328, %gather3A_329 : vector<16xf32>
      %gather3A_331 = tpu.vector_load_idx %arg9[%broadcast_in_dim3A_321, %get3A_72] : memref<16x1000xf32, #tpu.memory_space<vmem>>[vector<16xi32>, vector<16xi32>], vector<16xf32>,
      %add3A_332 = arith.addf %add3A_330, %gather3A_331 : vector<16xf32>
      %gather3A_333 = tpu.vector_load_idx %arg9[%broadcast_in_dim3A_321, %get3A_76] : memref<16x1000xf32, #tpu.memory_space<vmem>>[vector<16xi32>, vector<16xi32>], vector<16xf32>,
      %add3A_334 = arith.addf %add3A_332, %gather3A_333 : vector<16xf32>
      %gather3A_335 = tpu.vector_load_idx %arg9[%broadcast_in_dim3A_321, %get3A_80] : memref<16x1000xf32, #tpu.memory_space<vmem>>[vector<16xi32>, vector<16xi32>], vector<16xf32>,
      %add3A_336 = arith.addf %add3A_334, %gather3A_335 : vector<16xf32>
      %gather3A_337 = tpu.vector_load_idx %arg9[%broadcast_in_dim3A_321, %get3A_84] : memref<16x1000xf32, #tpu.memory_space<vmem>>[vector<16xi32>, vector<16xi32>], vector<16xf32>,
      %add3A_338 = arith.addf %add3A_336, %gather3A_337 : vector<16xf32>
      %gather3A_339 = tpu.vector_load_idx %arg9[%broadcast_in_dim3A_321, %get3A_88] : memref<16x1000xf32, #tpu.memory_space<vmem>>[vector<16xi32>, vector<16xi32>], vector<16xf32>,
      %add3A_340 = arith.addf %add3A_338, %gather3A_339 : vector<16xf32>
      %gather3A_341 = tpu.vector_load_idx %arg9[%broadcast_in_dim3A_321, %get3A_92] : memref<16x1000xf32, #tpu.memory_space<vmem>>[vector<16xi32>, vector<16xi32>], vector<16xf32>,
      %add3A_342 = arith.addf %add3A_340, %gather3A_341 : vector<16xf32>
      %gather3A_343 = tpu.vector_load_idx %arg9[%broadcast_in_dim3A_321, %get3A_96] : memref<16x1000xf32, #tpu.memory_space<vmem>>[vector<16xi32>, vector<16xi32>], vector<16xf32>,
      %add3A_344 = arith.addf %add3A_342, %gather3A_343 : vector<16xf32>
      %gather3A_345 = tpu.vector_load_idx %arg9[%broadcast_in_dim3A_321, %get3A_100] : memref<16x1000xf32, #tpu.memory_space<vmem>>[vector<16xi32>, vector<16xi32>], vector<16xf32>,
      %add3A_346 = arith.addf %add3A_344, %gather3A_345 : vector<16xf32>
      %gather3A_347 = tpu.vector_load_idx %arg9[%broadcast_in_dim3A_321, %get3A_104] : memref<16x1000xf32, #tpu.memory_space<vmem>>[vector<16xi32>, vector<16xi32>], vector<16xf32>,
      %add3A_348 = arith.addf %add3A_346, %gather3A_347 : vector<16xf32>
      %gather3A_349 = tpu.vector_load_idx %arg9[%broadcast_in_dim3A_321, %get3A_108] : memref<16x1000xf32, #tpu.memory_space<vmem>>[vector<16xi32>, vector<16xi32>], vector<16xf32>,
      %add3A_350 = arith.addf %add3A_348, %gather3A_349 : vector<16xf32>
      %gather3A_351 = tpu.vector_load_idx %arg9[%broadcast_in_dim3A_321, %get3A_112] : memref<16x1000xf32, #tpu.memory_space<vmem>>[vector<16xi32>, vector<16xi32>], vector<16xf32>,
      %add3A_352 = arith.addf %add3A_350, %gather3A_351 : vector<16xf32>
      %gather3A_353 = tpu.vector_load_idx %arg9[%broadcast_in_dim3A_321, %get3A_116] : memref<16x1000xf32, #tpu.memory_space<vmem>>[vector<16xi32>, vector<16xi32>], vector<16xf32>,
      %add3A_354 = arith.addf %add3A_352, %gather3A_353 : vector<16xf32>
      %gather3A_355 = tpu.vector_load_idx %arg9[%broadcast_in_dim3A_321, %get3A_120] : memref<16x1000xf32, #tpu.memory_space<vmem>>[vector<16xi32>, vector<16xi32>], vector<16xf32>,
      %add3A_356 = arith.addf %add3A_354, %gather3A_355 : vector<16xf32>
      %gather3A_357 = tpu.vector_load_idx %arg9[%broadcast_in_dim3A_321, %get3A_124] : memref<16x1000xf32, #tpu.memory_space<vmem>>[vector<16xi32>, vector<16xi32>], vector<16xf32>,
      %add3A_358 = arith.addf %add3A_356, %gather3A_357 : vector<16xf32>
      %gather3A_359 = tpu.vector_load_idx %arg9[%broadcast_in_dim3A_321, %get3A_128] : memref<16x1000xf32, #tpu.memory_space<vmem>>[vector<16xi32>, vector<16xi32>], vector<16xf32>,
      %add3A_360 = arith.addf %add3A_358, %gather3A_359 : vector<16xf32>
      %mul3A_361 = arith.mulf %add3A_360, %div3A : vector<16xf32>
      %swap3A_362 = arith.constant 2 : i32
      %swap3A_363 = arith.index_cast %swap3A_362 : i32 to index
      %swap3A_364 = arith.index_cast %multiple_of3A : i32 to index
      %swap3A_365 = tpu.vector_load %arg11[%swap3A_363, %swap3A_364] {strides = array<i32>} : memref<20x512xf32, #tpu.memory_space<vmem>>, vector<16xf32>,
      tpu.vector_store %arg11[%swap3A_363, %swap3A_364], %mul3A_361 {strides = array<i32>} : memref<20x512xf32, #tpu.memory_space<vmem>>, vector<16xf32>,
      %broadcast_in_dim3A_366 = arith.constant 3 : i32
      %broadcast_in_dim3A_367 = vector.broadcast %broadcast_in_dim3A_366 : i32 to vector<16xi32>
      %gather3A_368 = tpu.vector_load_idx %arg9[%broadcast_in_dim3A_367, %get3A_52] : memref<16x1000xf32, #tpu.memory_space<vmem>>[vector<16xi32>, vector<16xi32>], vector<16xf32>,
      %gather3A_369 = tpu.vector_load_idx %arg9[%broadcast_in_dim3A_367, %get3A_56] : memref<16x1000xf32, #tpu.memory_space<vmem>>[vector<16xi32>, vector<16xi32>], vector<16xf32>,
      %add3A_370 = arith.addf %gather3A_368, %gather3A_369 : vector<16xf32>
      %gather3A_371 = tpu.vector_load_idx %arg9[%broadcast_in_dim3A_367, %get3A_60] : memref<16x1000xf32, #tpu.memory_space<vmem>>[vector<16xi32>, vector<16xi32>], vector<16xf32>,
      %add3A_372 = arith.addf %add3A_370, %gather3A_371 : vector<16xf32>
      %gather3A_373 = tpu.vector_load_idx %arg9[%broadcast_in_dim3A_367, %get3A_64] : memref<16x1000xf32, #tpu.memory_space<vmem>>[vector<16xi32>, vector<16xi32>], vector<16xf32>,
      %add3A_374 = arith.addf %add3A_372, %gather3A_373 : vector<16xf32>
      %gather3A_375 = tpu.vector_load_idx %arg9[%broadcast_in_dim3A_367, %get3A_68] : memref<16x1000xf32, #tpu.memory_space<vmem>>[vector<16xi32>, vector<16xi32>], vector<16xf32>,
      %add3A_376 = arith.addf %add3A_374, %gather3A_375 : vector<16xf32>
      %gather3A_377 = tpu.vector_load_idx %arg9[%broadcast_in_dim3A_367, %get3A_72] : memref<16x1000xf32, #tpu.memory_space<vmem>>[vector<16xi32>, vector<16xi32>], vector<16xf32>,
      %add3A_378 = arith.addf %add3A_376, %gather3A_377 : vector<16xf32>
      %gather3A_379 = tpu.vector_load_idx %arg9[%broadcast_in_dim3A_367, %get3A_76] : memref<16x1000xf32, #tpu.memory_space<vmem>>[vector<16xi32>, vector<16xi32>], vector<16xf32>,
      %add3A_380 = arith.addf %add3A_378, %gather3A_379 : vector<16xf32>
      %gather3A_381 = tpu.vector_load_idx %arg9[%broadcast_in_dim3A_367, %get3A_80] : memref<16x1000xf32, #tpu.memory_space<vmem>>[vector<16xi32>, vector<16xi32>], vector<16xf32>,
      %add3A_382 = arith.addf %add3A_380, %gather3A_381 : vector<16xf32>
      %gather3A_383 = tpu.vector_load_idx %arg9[%broadcast_in_dim3A_367, %get3A_84] : memref<16x1000xf32, #tpu.memory_space<vmem>>[vector<16xi32>, vector<16xi32>], vector<16xf32>,
      %add3A_384 = arith.addf %add3A_382, %gather3A_383 : vector<16xf32>
      %gather3A_385 = tpu.vector_load_idx %arg9[%broadcast_in_dim3A_367, %get3A_88] : memref<16x1000xf32, #tpu.memory_space<vmem>>[vector<16xi32>, vector<16xi32>], vector<16xf32>,
      %add3A_386 = arith.addf %add3A_384, %gather3A_385 : vector<16xf32>
      %gather3A_387 = tpu.vector_load_idx %arg9[%broadcast_in_dim3A_367, %get3A_92] : memref<16x1000xf32, #tpu.memory_space<vmem>>[vector<16xi32>, vector<16xi32>], vector<16xf32>,
      %add3A_388 = arith.addf %add3A_386, %gather3A_387 : vector<16xf32>
      %gather3A_389 = tpu.vector_load_idx %arg9[%broadcast_in_dim3A_367, %get3A_96] : memref<16x1000xf32, #tpu.memory_space<vmem>>[vector<16xi32>, vector<16xi32>], vector<16xf32>,
      %add3A_390 = arith.addf %add3A_388, %gather3A_389 : vector<16xf32>
      %gather3A_391 = tpu.vector_load_idx %arg9[%broadcast_in_dim3A_367, %get3A_100] : memref<16x1000xf32, #tpu.memory_space<vmem>>[vector<16xi32>, vector<16xi32>], vector<16xf32>,
      %add3A_392 = arith.addf %add3A_390, %gather3A_391 : vector<16xf32>
      %gather3A_393 = tpu.vector_load_idx %arg9[%broadcast_in_dim3A_367, %get3A_104] : memref<16x1000xf32, #tpu.memory_space<vmem>>[vector<16xi32>, vector<16xi32>], vector<16xf32>,
      %add3A_394 = arith.addf %add3A_392, %gather3A_393 : vector<16xf32>
      %gather3A_395 = tpu.vector_load_idx %arg9[%broadcast_in_dim3A_367, %get3A_108] : memref<16x1000xf32, #tpu.memory_space<vmem>>[vector<16xi32>, vector<16xi32>], vector<16xf32>,
      %add3A_396 = arith.addf %add3A_394, %gather3A_395 : vector<16xf32>
      %gather3A_397 = tpu.vector_load_idx %arg9[%broadcast_in_dim3A_367, %get3A_112] : memref<16x1000xf32, #tpu.memory_space<vmem>>[vector<16xi32>, vector<16xi32>], vector<16xf32>,
      %add3A_398 = arith.addf %add3A_396, %gather3A_397 : vector<16xf32>
      %gather3A_399 = tpu.vector_load_idx %arg9[%broadcast_in_dim3A_367, %get3A_116] : memref<16x1000xf32, #tpu.memory_space<vmem>>[vector<16xi32>, vector<16xi32>], vector<16xf32>,
      %add3A_400 = arith.addf %add3A_398, %gather3A_399 : vector<16xf32>
      %gather3A_401 = tpu.vector_load_idx %arg9[%broadcast_in_dim3A_367, %get3A_120] : memref<16x1000xf32, #tpu.memory_space<vmem>>[vector<16xi32>, vector<16xi32>], vector<16xf32>,
      %add3A_402 = arith.addf %add3A_400, %gather3A_401 : vector<16xf32>
      %gather3A_403 = tpu.vector_load_idx %arg9[%broadcast_in_dim3A_367, %get3A_124] : memref<16x1000xf32, #tpu.memory_space<vmem>>[vector<16xi32>, vector<16xi32>], vector<16xf32>,
      %add3A_404 = arith.addf %add3A_402, %gather3A_403 : vector<16xf32>
      %gather3A_405 = tpu.vector_load_idx %arg9[%broadcast_in_dim3A_367, %get3A_128] : memref<16x1000xf32, #tpu.memory_space<vmem>>[vector<16xi32>, vector<16xi32>], vector<16xf32>,
      %add3A_406 = arith.addf %add3A_404, %gather3A_405 : vector<16xf32>
      %mul3A_407 = arith.mulf %add3A_406, %div3A : vector<16xf32>
      %swap3A_408 = arith.constant 3 : i32
      %swap3A_409 = arith.index_cast %swap3A_408 : i32 to index
      %swap3A_410 = arith.index_cast %multiple_of3A : i32 to index
      %swap3A_411 = tpu.vector_load %arg11[%swap3A_409, %swap3A_410] {strides = array<i32>} : memref<20x512xf32, #tpu.memory_space<vmem>>, vector<16xf32>,
      tpu.vector_store %arg11[%swap3A_409, %swap3A_410], %mul3A_407 {strides = array<i32>} : memref<20x512xf32, #tpu.memory_space<vmem>>, vector<16xf32>,
      %broadcast_in_dim3A_412 = arith.constant 4 : i32
      %broadcast_in_dim3A_413 = vector.broadcast %broadcast_in_dim3A_412 : i32 to vector<16xi32>
      %gather3A_414 = tpu.vector_load_idx %arg9[%broadcast_in_dim3A_413, %get3A_52] : memref<16x1000xf32, #tpu.memory_space<vmem>>[vector<16xi32>, vector<16xi32>], vector<16xf32>,
      %gather3A_415 = tpu.vector_load_idx %arg9[%broadcast_in_dim3A_413, %get3A_56] : memref<16x1000xf32, #tpu.memory_space<vmem>>[vector<16xi32>, vector<16xi32>], vector<16xf32>,
      %add3A_416 = arith.addf %gather3A_414, %gather3A_415 : vector<16xf32>
      %gather3A_417 = tpu.vector_load_idx %arg9[%broadcast_in_dim3A_413, %get3A_60] : memref<16x1000xf32, #tpu.memory_space<vmem>>[vector<16xi32>, vector<16xi32>], vector<16xf32>,
      %add3A_418 = arith.addf %add3A_416, %gather3A_417 : vector<16xf32>
      %gather3A_419 = tpu.vector_load_idx %arg9[%broadcast_in_dim3A_413, %get3A_64] : memref<16x1000xf32, #tpu.memory_space<vmem>>[vector<16xi32>, vector<16xi32>], vector<16xf32>,
      %add3A_420 = arith.addf %add3A_418, %gather3A_419 : vector<16xf32>
      %gather3A_421 = tpu.vector_load_idx %arg9[%broadcast_in_dim3A_413, %get3A_68] : memref<16x1000xf32, #tpu.memory_space<vmem>>[vector<16xi32>, vector<16xi32>], vector<16xf32>,
      %add3A_422 = arith.addf %add3A_420, %gather3A_421 : vector<16xf32>
      %gather3A_423 = tpu.vector_load_idx %arg9[%broadcast_in_dim3A_413, %get3A_72] : memref<16x1000xf32, #tpu.memory_space<vmem>>[vector<16xi32>, vector<16xi32>], vector<16xf32>,
      %add3A_424 = arith.addf %add3A_422, %gather3A_423 : vector<16xf32>
      %gather3A_425 = tpu.vector_load_idx %arg9[%broadcast_in_dim3A_413, %get3A_76] : memref<16x1000xf32, #tpu.memory_space<vmem>>[vector<16xi32>, vector<16xi32>], vector<16xf32>,
      %add3A_426 = arith.addf %add3A_424, %gather3A_425 : vector<16xf32>
      %gather3A_427 = tpu.vector_load_idx %arg9[%broadcast_in_dim3A_413, %get3A_80] : memref<16x1000xf32, #tpu.memory_space<vmem>>[vector<16xi32>, vector<16xi32>], vector<16xf32>,
      %add3A_428 = arith.addf %add3A_426, %gather3A_427 : vector<16xf32>
      %gather3A_429 = tpu.vector_load_idx %arg9[%broadcast_in_dim3A_413, %get3A_84] : memref<16x1000xf32, #tpu.memory_space<vmem>>[vector<16xi32>, vector<16xi32>], vector<16xf32>,
      %add3A_430 = arith.addf %add3A_428, %gather3A_429 : vector<16xf32>
      %gather3A_431 = tpu.vector_load_idx %arg9[%broadcast_in_dim3A_413, %get3A_88] : memref<16x1000xf32, #tpu.memory_space<vmem>>[vector<16xi32>, vector<16xi32>], vector<16xf32>,
      %add3A_432 = arith.addf %add3A_430, %gather3A_431 : vector<16xf32>
      %gather3A_433 = tpu.vector_load_idx %arg9[%broadcast_in_dim3A_413, %get3A_92] : memref<16x1000xf32, #tpu.memory_space<vmem>>[vector<16xi32>, vector<16xi32>], vector<16xf32>,
      %add3A_434 = arith.addf %add3A_432, %gather3A_433 : vector<16xf32>
      %gather3A_435 = tpu.vector_load_idx %arg9[%broadcast_in_dim3A_413, %get3A_96] : memref<16x1000xf32, #tpu.memory_space<vmem>>[vector<16xi32>, vector<16xi32>], vector<16xf32>,
      %add3A_436 = arith.addf %add3A_434, %gather3A_435 : vector<16xf32>
      %gather3A_437 = tpu.vector_load_idx %arg9[%broadcast_in_dim3A_413, %get3A_100] : memref<16x1000xf32, #tpu.memory_space<vmem>>[vector<16xi32>, vector<16xi32>], vector<16xf32>,
      %add3A_438 = arith.addf %add3A_436, %gather3A_437 : vector<16xf32>
      %gather3A_439 = tpu.vector_load_idx %arg9[%broadcast_in_dim3A_413, %get3A_104] : memref<16x1000xf32, #tpu.memory_space<vmem>>[vector<16xi32>, vector<16xi32>], vector<16xf32>,
      %add3A_440 = arith.addf %add3A_438, %gather3A_439 : vector<16xf32>
      %gather3A_441 = tpu.vector_load_idx %arg9[%broadcast_in_dim3A_413, %get3A_108] : memref<16x1000xf32, #tpu.memory_space<vmem>>[vector<16xi32>, vector<16xi32>], vector<16xf32>,
      %add3A_442 = arith.addf %add3A_440, %gather3A_441 : vector<16xf32>
      %gather3A_443 = tpu.vector_load_idx %arg9[%broadcast_in_dim3A_413, %get3A_112] : memref<16x1000xf32, #tpu.memory_space<vmem>>[vector<16xi32>, vector<16xi32>], vector<16xf32>,
      %add3A_444 = arith.addf %add3A_442, %gather3A_443 : vector<16xf32>
      %gather3A_445 = tpu.vector_load_idx %arg9[%broadcast_in_dim3A_413, %get3A_116] : memref<16x1000xf32, #tpu.memory_space<vmem>>[vector<16xi32>, vector<16xi32>], vector<16xf32>,
      %add3A_446 = arith.addf %add3A_444, %gather3A_445 : vector<16xf32>
      %gather3A_447 = tpu.vector_load_idx %arg9[%broadcast_in_dim3A_413, %get3A_120] : memref<16x1000xf32, #tpu.memory_space<vmem>>[vector<16xi32>, vector<16xi32>], vector<16xf32>,
      %add3A_448 = arith.addf %add3A_446, %gather3A_447 : vector<16xf32>
      %gather3A_449 = tpu.vector_load_idx %arg9[%broadcast_in_dim3A_413, %get3A_124] : memref<16x1000xf32, #tpu.memory_space<vmem>>[vector<16xi32>, vector<16xi32>], vector<16xf32>,
      %add3A_450 = arith.addf %add3A_448, %gather3A_449 : vector<16xf32>
      %gather3A_451 = tpu.vector_load_idx %arg9[%broadcast_in_dim3A_413, %get3A_128] : memref<16x1000xf32, #tpu.memory_space<vmem>>[vector<16xi32>, vector<16xi32>], vector<16xf32>,
      %add3A_452 = arith.addf %add3A_450, %gather3A_451 : vector<16xf32>
      %mul3A_453 = arith.mulf %add3A_452, %div3A : vector<16xf32>
      %swap3A_454 = arith.constant 4 : i32
      %swap3A_455 = arith.index_cast %swap3A_454 : i32 to index
      %swap3A_456 = arith.index_cast %multiple_of3A : i32 to index
      %swap3A_457 = tpu.vector_load %arg11[%swap3A_455, %swap3A_456] {strides = array<i32>} : memref<20x512xf32, #tpu.memory_space<vmem>>, vector<16xf32>,
      tpu.vector_store %arg11[%swap3A_455, %swap3A_456], %mul3A_453 {strides = array<i32>} : memref<20x512xf32, #tpu.memory_space<vmem>>, vector<16xf32>,
      %broadcast_in_dim3A_458 = arith.constant 5 : i32
      %broadcast_in_dim3A_459 = vector.broadcast %broadcast_in_dim3A_458 : i32 to vector<16xi32>
      %gather3A_460 = tpu.vector_load_idx %arg9[%broadcast_in_dim3A_459, %get3A_52] : memref<16x1000xf32, #tpu.memory_space<vmem>>[vector<16xi32>, vector<16xi32>], vector<16xf32>,
      %gather3A_461 = tpu.vector_load_idx %arg9[%broadcast_in_dim3A_459, %get3A_56] : memref<16x1000xf32, #tpu.memory_space<vmem>>[vector<16xi32>, vector<16xi32>], vector<16xf32>,
      %add3A_462 = arith.addf %gather3A_460, %gather3A_461 : vector<16xf32>
      %gather3A_463 = tpu.vector_load_idx %arg9[%broadcast_in_dim3A_459, %get3A_60] : memref<16x1000xf32, #tpu.memory_space<vmem>>[vector<16xi32>, vector<16xi32>], vector<16xf32>,
      %add3A_464 = arith.addf %add3A_462, %gather3A_463 : vector<16xf32>
      %gather3A_465 = tpu.vector_load_idx %arg9[%broadcast_in_dim3A_459, %get3A_64] : memref<16x1000xf32, #tpu.memory_space<vmem>>[vector<16xi32>, vector<16xi32>], vector<16xf32>,
      %add3A_466 = arith.addf %add3A_464, %gather3A_465 : vector<16xf32>
      %gather3A_467 = tpu.vector_load_idx %arg9[%broadcast_in_dim3A_459, %get3A_68] : memref<16x1000xf32, #tpu.memory_space<vmem>>[vector<16xi32>, vector<16xi32>], vector<16xf32>,
      %add3A_468 = arith.addf %add3A_466, %gather3A_467 : vector<16xf32>
      %gather3A_469 = tpu.vector_load_idx %arg9[%broadcast_in_dim3A_459, %get3A_72] : memref<16x1000xf32, #tpu.memory_space<vmem>>[vector<16xi32>, vector<16xi32>], vector<16xf32>,
      %add3A_470 = arith.addf %add3A_468, %gather3A_469 : vector<16xf32>
      %gather3A_471 = tpu.vector_load_idx %arg9[%broadcast_in_dim3A_459, %get3A_76] : memref<16x1000xf32, #tpu.memory_space<vmem>>[vector<16xi32>, vector<16xi32>], vector<16xf32>,
      %add3A_472 = arith.addf %add3A_470, %gather3A_471 : vector<16xf32>
      %gather3A_473 = tpu.vector_load_idx %arg9[%broadcast_in_dim3A_459, %get3A_80] : memref<16x1000xf32, #tpu.memory_space<vmem>>[vector<16xi32>, vector<16xi32>], vector<16xf32>,
      %add3A_474 = arith.addf %add3A_472, %gather3A_473 : vector<16xf32>
      %gather3A_475 = tpu.vector_load_idx %arg9[%broadcast_in_dim3A_459, %get3A_84] : memref<16x1000xf32, #tpu.memory_space<vmem>>[vector<16xi32>, vector<16xi32>], vector<16xf32>,
      %add3A_476 = arith.addf %add3A_474, %gather3A_475 : vector<16xf32>
      %gather3A_477 = tpu.vector_load_idx %arg9[%broadcast_in_dim3A_459, %get3A_88] : memref<16x1000xf32, #tpu.memory_space<vmem>>[vector<16xi32>, vector<16xi32>], vector<16xf32>,
      %add3A_478 = arith.addf %add3A_476, %gather3A_477 : vector<16xf32>
      %gather3A_479 = tpu.vector_load_idx %arg9[%broadcast_in_dim3A_459, %get3A_92] : memref<16x1000xf32, #tpu.memory_space<vmem>>[vector<16xi32>, vector<16xi32>], vector<16xf32>,
      %add3A_480 = arith.addf %add3A_478, %gather3A_479 : vector<16xf32>
      %gather3A_481 = tpu.vector_load_idx %arg9[%broadcast_in_dim3A_459, %get3A_96] : memref<16x1000xf32, #tpu.memory_space<vmem>>[vector<16xi32>, vector<16xi32>], vector<16xf32>,
      %add3A_482 = arith.addf %add3A_480, %gather3A_481 : vector<16xf32>
      %gather3A_483 = tpu.vector_load_idx %arg9[%broadcast_in_dim3A_459, %get3A_100] : memref<16x1000xf32, #tpu.memory_space<vmem>>[vector<16xi32>, vector<16xi32>], vector<16xf32>,
      %add3A_484 = arith.addf %add3A_482, %gather3A_483 : vector<16xf32>
      %gather3A_485 = tpu.vector_load_idx %arg9[%broadcast_in_dim3A_459, %get3A_104] : memref<16x1000xf32, #tpu.memory_space<vmem>>[vector<16xi32>, vector<16xi32>], vector<16xf32>,
      %add3A_486 = arith.addf %add3A_484, %gather3A_485 : vector<16xf32>
      %gather3A_487 = tpu.vector_load_idx %arg9[%broadcast_in_dim3A_459, %get3A_108] : memref<16x1000xf32, #tpu.memory_space<vmem>>[vector<16xi32>, vector<16xi32>], vector<16xf32>,
      %add3A_488 = arith.addf %add3A_486, %gather3A_487 : vector<16xf32>
      %gather3A_489 = tpu.vector_load_idx %arg9[%broadcast_in_dim3A_459, %get3A_112] : memref<16x1000xf32, #tpu.memory_space<vmem>>[vector<16xi32>, vector<16xi32>], vector<16xf32>,
      %add3A_490 = arith.addf %add3A_488, %gather3A_489 : vector<16xf32>
      %gather3A_491 = tpu.vector_load_idx %arg9[%broadcast_in_dim3A_459, %get3A_116] : memref<16x1000xf32, #tpu.memory_space<vmem>>[vector<16xi32>, vector<16xi32>], vector<16xf32>,
      %add3A_492 = arith.addf %add3A_490, %gather3A_491 : vector<16xf32>
      %gather3A_493 = tpu.vector_load_idx %arg9[%broadcast_in_dim3A_459, %get3A_120] : memref<16x1000xf32, #tpu.memory_space<vmem>>[vector<16xi32>, vector<16xi32>], vector<16xf32>,
      %add3A_494 = arith.addf %add3A_492, %gather3A_493 : vector<16xf32>
      %gather3A_495 = tpu.vector_load_idx %arg9[%broadcast_in_dim3A_459, %get3A_124] : memref<16x1000xf32, #tpu.memory_space<vmem>>[vector<16xi32>, vector<16xi32>], vector<16xf32>,
      %add3A_496 = arith.addf %add3A_494, %gather3A_495 : vector<16xf32>
      %gather3A_497 = tpu.vector_load_idx %arg9[%broadcast_in_dim3A_459, %get3A_128] : memref<16x1000xf32, #tpu.memory_space<vmem>>[vector<16xi32>, vector<16xi32>], vector<16xf32>,
      %add3A_498 = arith.addf %add3A_496, %gather3A_497 : vector<16xf32>
      %mul3A_499 = arith.mulf %add3A_498, %div3A : vector<16xf32>
      %swap3A_500 = arith.constant 5 : i32
      %swap3A_501 = arith.index_cast %swap3A_500 : i32 to index
      %swap3A_502 = arith.index_cast %multiple_of3A : i32 to index
      %swap3A_503 = tpu.vector_load %arg11[%swap3A_501, %swap3A_502] {strides = array<i32>} : memref<20x512xf32, #tpu.memory_space<vmem>>, vector<16xf32>,
      tpu.vector_store %arg11[%swap3A_501, %swap3A_502], %mul3A_499 {strides = array<i32>} : memref<20x512xf32, #tpu.memory_space<vmem>>, vector<16xf32>,
      %broadcast_in_dim3A_504 = arith.constant 6 : i32
      %broadcast_in_dim3A_505 = vector.broadcast %broadcast_in_dim3A_504 : i32 to vector<16xi32>
      %gather3A_506 = tpu.vector_load_idx %arg9[%broadcast_in_dim3A_505, %get3A_52] : memref<16x1000xf32, #tpu.memory_space<vmem>>[vector<16xi32>, vector<16xi32>], vector<16xf32>,
      %gather3A_507 = tpu.vector_load_idx %arg9[%broadcast_in_dim3A_505, %get3A_56] : memref<16x1000xf32, #tpu.memory_space<vmem>>[vector<16xi32>, vector<16xi32>], vector<16xf32>,
      %add3A_508 = arith.addf %gather3A_506, %gather3A_507 : vector<16xf32>
      %gather3A_509 = tpu.vector_load_idx %arg9[%broadcast_in_dim3A_505, %get3A_60] : memref<16x1000xf32, #tpu.memory_space<vmem>>[vector<16xi32>, vector<16xi32>], vector<16xf32>,
      %add3A_510 = arith.addf %add3A_508, %gather3A_509 : vector<16xf32>
      %gather3A_511 = tpu.vector_load_idx %arg9[%broadcast_in_dim3A_505, %get3A_64] : memref<16x1000xf32, #tpu.memory_space<vmem>>[vector<16xi32>, vector<16xi32>], vector<16xf32>,
      %add3A_512 = arith.addf %add3A_510, %gather3A_511 : vector<16xf32>
      %gather3A_513 = tpu.vector_load_idx %arg9[%broadcast_in_dim3A_505, %get3A_68] : memref<16x1000xf32, #tpu.memory_space<vmem>>[vector<16xi32>, vector<16xi32>], vector<16xf32>,
      %add3A_514 = arith.addf %add3A_512, %gather3A_513 : vector<16xf32>
      %gather3A_515 = tpu.vector_load_idx %arg9[%broadcast_in_dim3A_505, %get3A_72] : memref<16x1000xf32, #tpu.memory_space<vmem>>[vector<16xi32>, vector<16xi32>], vector<16xf32>,
      %add3A_516 = arith.addf %add3A_514, %gather3A_515 : vector<16xf32>
      %gather3A_517 = tpu.vector_load_idx %arg9[%broadcast_in_dim3A_505, %get3A_76] : memref<16x1000xf32, #tpu.memory_space<vmem>>[vector<16xi32>, vector<16xi32>], vector<16xf32>,
      %add3A_518 = arith.addf %add3A_516, %gather3A_517 : vector<16xf32>
      %gather3A_519 = tpu.vector_load_idx %arg9[%broadcast_in_dim3A_505, %get3A_80] : memref<16x1000xf32, #tpu.memory_space<vmem>>[vector<16xi32>, vector<16xi32>], vector<16xf32>,
      %add3A_520 = arith.addf %add3A_518, %gather3A_519 : vector<16xf32>
      %gather3A_521 = tpu.vector_load_idx %arg9[%broadcast_in_dim3A_505, %get3A_84] : memref<16x1000xf32, #tpu.memory_space<vmem>>[vector<16xi32>, vector<16xi32>], vector<16xf32>,
      %add3A_522 = arith.addf %add3A_520, %gather3A_521 : vector<16xf32>
      %gather3A_523 = tpu.vector_load_idx %arg9[%broadcast_in_dim3A_505, %get3A_88] : memref<16x1000xf32, #tpu.memory_space<vmem>>[vector<16xi32>, vector<16xi32>], vector<16xf32>,
      %add3A_524 = arith.addf %add3A_522, %gather3A_523 : vector<16xf32>
      %gather3A_525 = tpu.vector_load_idx %arg9[%broadcast_in_dim3A_505, %get3A_92] : memref<16x1000xf32, #tpu.memory_space<vmem>>[vector<16xi32>, vector<16xi32>], vector<16xf32>,
      %add3A_526 = arith.addf %add3A_524, %gather3A_525 : vector<16xf32>
      %gather3A_527 = tpu.vector_load_idx %arg9[%broadcast_in_dim3A_505, %get3A_96] : memref<16x1000xf32, #tpu.memory_space<vmem>>[vector<16xi32>, vector<16xi32>], vector<16xf32>,
      %add3A_528 = arith.addf %add3A_526, %gather3A_527 : vector<16xf32>
      %gather3A_529 = tpu.vector_load_idx %arg9[%broadcast_in_dim3A_505, %get3A_100] : memref<16x1000xf32, #tpu.memory_space<vmem>>[vector<16xi32>, vector<16xi32>], vector<16xf32>,
      %add3A_530 = arith.addf %add3A_528, %gather3A_529 : vector<16xf32>
      %gather3A_531 = tpu.vector_load_idx %arg9[%broadcast_in_dim3A_505, %get3A_104] : memref<16x1000xf32, #tpu.memory_space<vmem>>[vector<16xi32>, vector<16xi32>], vector<16xf32>,
      %add3A_532 = arith.addf %add3A_530, %gather3A_531 : vector<16xf32>
      %gather3A_533 = tpu.vector_load_idx %arg9[%broadcast_in_dim3A_505, %get3A_108] : memref<16x1000xf32, #tpu.memory_space<vmem>>[vector<16xi32>, vector<16xi32>], vector<16xf32>,
      %add3A_534 = arith.addf %add3A_532, %gather3A_533 : vector<16xf32>
      %gather3A_535 = tpu.vector_load_idx %arg9[%broadcast_in_dim3A_505, %get3A_112] : memref<16x1000xf32, #tpu.memory_space<vmem>>[vector<16xi32>, vector<16xi32>], vector<16xf32>,
      %add3A_536 = arith.addf %add3A_534, %gather3A_535 : vector<16xf32>
      %gather3A_537 = tpu.vector_load_idx %arg9[%broadcast_in_dim3A_505, %get3A_116] : memref<16x1000xf32, #tpu.memory_space<vmem>>[vector<16xi32>, vector<16xi32>], vector<16xf32>,
      %add3A_538 = arith.addf %add3A_536, %gather3A_537 : vector<16xf32>
      %gather3A_539 = tpu.vector_load_idx %arg9[%broadcast_in_dim3A_505, %get3A_120] : memref<16x1000xf32, #tpu.memory_space<vmem>>[vector<16xi32>, vector<16xi32>], vector<16xf32>,
      %add3A_540 = arith.addf %add3A_538, %gather3A_539 : vector<16xf32>
      %gather3A_541 = tpu.vector_load_idx %arg9[%broadcast_in_dim3A_505, %get3A_124] : memref<16x1000xf32, #tpu.memory_space<vmem>>[vector<16xi32>, vector<16xi32>], vector<16xf32>,
      %add3A_542 = arith.addf %add3A_540, %gather3A_541 : vector<16xf32>
      %gather3A_543 = tpu.vector_load_idx %arg9[%broadcast_in_dim3A_505, %get3A_128] : memref<16x1000xf32, #tpu.memory_space<vmem>>[vector<16xi32>, vector<16xi32>], vector<16xf32>,
      %add3A_544 = arith.addf %add3A_542, %gather3A_543 : vector<16xf32>
      %mul3A_545 = arith.mulf %add3A_544, %div3A : vector<16xf32>
      %swap3A_546 = arith.constant 6 : i32
      %swap3A_547 = arith.index_cast %swap3A_546 : i32 to index
      %swap3A_548 = arith.index_cast %multiple_of3A : i32 to index
      %swap3A_549 = tpu.vector_load %arg11[%swap3A_547, %swap3A_548] {strides = array<i32>} : memref<20x512xf32, #tpu.memory_space<vmem>>, vector<16xf32>,
      tpu.vector_store %arg11[%swap3A_547, %swap3A_548], %mul3A_545 {strides = array<i32>} : memref<20x512xf32, #tpu.memory_space<vmem>>, vector<16xf32>,
      %broadcast_in_dim3A_550 = arith.constant 7 : i32
      %broadcast_in_dim3A_551 = vector.broadcast %broadcast_in_dim3A_550 : i32 to vector<16xi32>
      %gather3A_552 = tpu.vector_load_idx %arg9[%broadcast_in_dim3A_551, %get3A_52] : memref<16x1000xf32, #tpu.memory_space<vmem>>[vector<16xi32>, vector<16xi32>], vector<16xf32>,
      %gather3A_553 = tpu.vector_load_idx %arg9[%broadcast_in_dim3A_551, %get3A_56] : memref<16x1000xf32, #tpu.memory_space<vmem>>[vector<16xi32>, vector<16xi32>], vector<16xf32>,
      %add3A_554 = arith.addf %gather3A_552, %gather3A_553 : vector<16xf32>
      %gather3A_555 = tpu.vector_load_idx %arg9[%broadcast_in_dim3A_551, %get3A_60] : memref<16x1000xf32, #tpu.memory_space<vmem>>[vector<16xi32>, vector<16xi32>], vector<16xf32>,
      %add3A_556 = arith.addf %add3A_554, %gather3A_555 : vector<16xf32>
      %gather3A_557 = tpu.vector_load_idx %arg9[%broadcast_in_dim3A_551, %get3A_64] : memref<16x1000xf32, #tpu.memory_space<vmem>>[vector<16xi32>, vector<16xi32>], vector<16xf32>,
      %add3A_558 = arith.addf %add3A_556, %gather3A_557 : vector<16xf32>
      %gather3A_559 = tpu.vector_load_idx %arg9[%broadcast_in_dim3A_551, %get3A_68] : memref<16x1000xf32, #tpu.memory_space<vmem>>[vector<16xi32>, vector<16xi32>], vector<16xf32>,
      %add3A_560 = arith.addf %add3A_558, %gather3A_559 : vector<16xf32>
      %gather3A_561 = tpu.vector_load_idx %arg9[%broadcast_in_dim3A_551, %get3A_72] : memref<16x1000xf32, #tpu.memory_space<vmem>>[vector<16xi32>, vector<16xi32>], vector<16xf32>,
      %add3A_562 = arith.addf %add3A_560, %gather3A_561 : vector<16xf32>
      %gather3A_563 = tpu.vector_load_idx %arg9[%broadcast_in_dim3A_551, %get3A_76] : memref<16x1000xf32, #tpu.memory_space<vmem>>[vector<16xi32>, vector<16xi32>], vector<16xf32>,
      %add3A_564 = arith.addf %add3A_562, %gather3A_563 : vector<16xf32>
      %gather3A_565 = tpu.vector_load_idx %arg9[%broadcast_in_dim3A_551, %get3A_80] : memref<16x1000xf32, #tpu.memory_space<vmem>>[vector<16xi32>, vector<16xi32>], vector<16xf32>,
      %add3A_566 = arith.addf %add3A_564, %gather3A_565 : vector<16xf32>
      %gather3A_567 = tpu.vector_load_idx %arg9[%broadcast_in_dim3A_551, %get3A_84] : memref<16x1000xf32, #tpu.memory_space<vmem>>[vector<16xi32>, vector<16xi32>], vector<16xf32>,
      %add3A_568 = arith.addf %add3A_566, %gather3A_567 : vector<16xf32>
      %gather3A_569 = tpu.vector_load_idx %arg9[%broadcast_in_dim3A_551, %get3A_88] : memref<16x1000xf32, #tpu.memory_space<vmem>>[vector<16xi32>, vector<16xi32>], vector<16xf32>,
      %add3A_570 = arith.addf %add3A_568, %gather3A_569 : vector<16xf32>
      %gather3A_571 = tpu.vector_load_idx %arg9[%broadcast_in_dim3A_551, %get3A_92] : memref<16x1000xf32, #tpu.memory_space<vmem>>[vector<16xi32>, vector<16xi32>], vector<16xf32>,
      %add3A_572 = arith.addf %add3A_570, %gather3A_571 : vector<16xf32>
      %gather3A_573 = tpu.vector_load_idx %arg9[%broadcast_in_dim3A_551, %get3A_96] : memref<16x1000xf32, #tpu.memory_space<vmem>>[vector<16xi32>, vector<16xi32>], vector<16xf32>,
      %add3A_574 = arith.addf %add3A_572, %gather3A_573 : vector<16xf32>
      %gather3A_575 = tpu.vector_load_idx %arg9[%broadcast_in_dim3A_551, %get3A_100] : memref<16x1000xf32, #tpu.memory_space<vmem>>[vector<16xi32>, vector<16xi32>], vector<16xf32>,
      %add3A_576 = arith.addf %add3A_574, %gather3A_575 : vector<16xf32>
      %gather3A_577 = tpu.vector_load_idx %arg9[%broadcast_in_dim3A_551, %get3A_104] : memref<16x1000xf32, #tpu.memory_space<vmem>>[vector<16xi32>, vector<16xi32>], vector<16xf32>,
      %add3A_578 = arith.addf %add3A_576, %gather3A_577 : vector<16xf32>
      %gather3A_579 = tpu.vector_load_idx %arg9[%broadcast_in_dim3A_551, %get3A_108] : memref<16x1000xf32, #tpu.memory_space<vmem>>[vector<16xi32>, vector<16xi32>], vector<16xf32>,
      %add3A_580 = arith.addf %add3A_578, %gather3A_579 : vector<16xf32>
      %gather3A_581 = tpu.vector_load_idx %arg9[%broadcast_in_dim3A_551, %get3A_112] : memref<16x1000xf32, #tpu.memory_space<vmem>>[vector<16xi32>, vector<16xi32>], vector<16xf32>,
      %add3A_582 = arith.addf %add3A_580, %gather3A_581 : vector<16xf32>
      %gather3A_583 = tpu.vector_load_idx %arg9[%broadcast_in_dim3A_551, %get3A_116] : memref<16x1000xf32, #tpu.memory_space<vmem>>[vector<16xi32>, vector<16xi32>], vector<16xf32>,
      %add3A_584 = arith.addf %add3A_582, %gather3A_583 : vector<16xf32>
      %gather3A_585 = tpu.vector_load_idx %arg9[%broadcast_in_dim3A_551, %get3A_120] : memref<16x1000xf32, #tpu.memory_space<vmem>>[vector<16xi32>, vector<16xi32>], vector<16xf32>,
      %add3A_586 = arith.addf %add3A_584, %gather3A_585 : vector<16xf32>
      %gather3A_587 = tpu.vector_load_idx %arg9[%broadcast_in_dim3A_551, %get3A_124] : memref<16x1000xf32, #tpu.memory_space<vmem>>[vector<16xi32>, vector<16xi32>], vector<16xf32>,
      %add3A_588 = arith.addf %add3A_586, %gather3A_587 : vector<16xf32>
      %gather3A_589 = tpu.vector_load_idx %arg9[%broadcast_in_dim3A_551, %get3A_128] : memref<16x1000xf32, #tpu.memory_space<vmem>>[vector<16xi32>, vector<16xi32>], vector<16xf32>,
      %add3A_590 = arith.addf %add3A_588, %gather3A_589 : vector<16xf32>
      %mul3A_591 = arith.mulf %add3A_590, %div3A : vector<16xf32>
      %swap3A_592 = arith.constant 7 : i32
      %swap3A_593 = arith.index_cast %swap3A_592 : i32 to index
      %swap3A_594 = arith.index_cast %multiple_of3A : i32 to index
      %swap3A_595 = tpu.vector_load %arg11[%swap3A_593, %swap3A_594] {strides = array<i32>} : memref<20x512xf32, #tpu.memory_space<vmem>>, vector<16xf32>,
      tpu.vector_store %arg11[%swap3A_593, %swap3A_594], %mul3A_591 {strides = array<i32>} : memref<20x512xf32, #tpu.memory_space<vmem>>, vector<16xf32>,
      %broadcast_in_dim3A_596 = arith.constant 8 : i32
      %broadcast_in_dim3A_597 = vector.broadcast %broadcast_in_dim3A_596 : i32 to vector<16xi32>
      %gather3A_598 = tpu.vector_load_idx %arg9[%broadcast_in_dim3A_597, %get3A_52] : memref<16x1000xf32, #tpu.memory_space<vmem>>[vector<16xi32>, vector<16xi32>], vector<16xf32>,
      %gather3A_599 = tpu.vector_load_idx %arg9[%broadcast_in_dim3A_597, %get3A_56] : memref<16x1000xf32, #tpu.memory_space<vmem>>[vector<16xi32>, vector<16xi32>], vector<16xf32>,
      %add3A_600 = arith.addf %gather3A_598, %gather3A_599 : vector<16xf32>
      %gather3A_601 = tpu.vector_load_idx %arg9[%broadcast_in_dim3A_597, %get3A_60] : memref<16x1000xf32, #tpu.memory_space<vmem>>[vector<16xi32>, vector<16xi32>], vector<16xf32>,
      %add3A_602 = arith.addf %add3A_600, %gather3A_601 : vector<16xf32>
      %gather3A_603 = tpu.vector_load_idx %arg9[%broadcast_in_dim3A_597, %get3A_64] : memref<16x1000xf32, #tpu.memory_space<vmem>>[vector<16xi32>, vector<16xi32>], vector<16xf32>,
      %add3A_604 = arith.addf %add3A_602, %gather3A_603 : vector<16xf32>
      %gather3A_605 = tpu.vector_load_idx %arg9[%broadcast_in_dim3A_597, %get3A_68] : memref<16x1000xf32, #tpu.memory_space<vmem>>[vector<16xi32>, vector<16xi32>], vector<16xf32>,
      %add3A_606 = arith.addf %add3A_604, %gather3A_605 : vector<16xf32>
      %gather3A_607 = tpu.vector_load_idx %arg9[%broadcast_in_dim3A_597, %get3A_72] : memref<16x1000xf32, #tpu.memory_space<vmem>>[vector<16xi32>, vector<16xi32>], vector<16xf32>,
      %add3A_608 = arith.addf %add3A_606, %gather3A_607 : vector<16xf32>
      %gather3A_609 = tpu.vector_load_idx %arg9[%broadcast_in_dim3A_597, %get3A_76] : memref<16x1000xf32, #tpu.memory_space<vmem>>[vector<16xi32>, vector<16xi32>], vector<16xf32>,
      %add3A_610 = arith.addf %add3A_608, %gather3A_609 : vector<16xf32>
      %gather3A_611 = tpu.vector_load_idx %arg9[%broadcast_in_dim3A_597, %get3A_80] : memref<16x1000xf32, #tpu.memory_space<vmem>>[vector<16xi32>, vector<16xi32>], vector<16xf32>,
      %add3A_612 = arith.addf %add3A_610, %gather3A_611 : vector<16xf32>
      %gather3A_613 = tpu.vector_load_idx %arg9[%broadcast_in_dim3A_597, %get3A_84] : memref<16x1000xf32, #tpu.memory_space<vmem>>[vector<16xi32>, vector<16xi32>], vector<16xf32>,
      %add3A_614 = arith.addf %add3A_612, %gather3A_613 : vector<16xf32>
      %gather3A_615 = tpu.vector_load_idx %arg9[%broadcast_in_dim3A_597, %get3A_88] : memref<16x1000xf32, #tpu.memory_space<vmem>>[vector<16xi32>, vector<16xi32>], vector<16xf32>,
      %add3A_616 = arith.addf %add3A_614, %gather3A_615 : vector<16xf32>
      %gather3A_617 = tpu.vector_load_idx %arg9[%broadcast_in_dim3A_597, %get3A_92] : memref<16x1000xf32, #tpu.memory_space<vmem>>[vector<16xi32>, vector<16xi32>], vector<16xf32>,
      %add3A_618 = arith.addf %add3A_616, %gather3A_617 : vector<16xf32>
      %gather3A_619 = tpu.vector_load_idx %arg9[%broadcast_in_dim3A_597, %get3A_96] : memref<16x1000xf32, #tpu.memory_space<vmem>>[vector<16xi32>, vector<16xi32>], vector<16xf32>,
      %add3A_620 = arith.addf %add3A_618, %gather3A_619 : vector<16xf32>
      %gather3A_621 = tpu.vector_load_idx %arg9[%broadcast_in_dim3A_597, %get3A_100] : memref<16x1000xf32, #tpu.memory_space<vmem>>[vector<16xi32>, vector<16xi32>], vector<16xf32>,
      %add3A_622 = arith.addf %add3A_620, %gather3A_621 : vector<16xf32>
      %gather3A_623 = tpu.vector_load_idx %arg9[%broadcast_in_dim3A_597, %get3A_104] : memref<16x1000xf32, #tpu.memory_space<vmem>>[vector<16xi32>, vector<16xi32>], vector<16xf32>,
      %add3A_624 = arith.addf %add3A_622, %gather3A_623 : vector<16xf32>
      %gather3A_625 = tpu.vector_load_idx %arg9[%broadcast_in_dim3A_597, %get3A_108] : memref<16x1000xf32, #tpu.memory_space<vmem>>[vector<16xi32>, vector<16xi32>], vector<16xf32>,
      %add3A_626 = arith.addf %add3A_624, %gather3A_625 : vector<16xf32>
      %gather3A_627 = tpu.vector_load_idx %arg9[%broadcast_in_dim3A_597, %get3A_112] : memref<16x1000xf32, #tpu.memory_space<vmem>>[vector<16xi32>, vector<16xi32>], vector<16xf32>,
      %add3A_628 = arith.addf %add3A_626, %gather3A_627 : vector<16xf32>
      %gather3A_629 = tpu.vector_load_idx %arg9[%broadcast_in_dim3A_597, %get3A_116] : memref<16x1000xf32, #tpu.memory_space<vmem>>[vector<16xi32>, vector<16xi32>], vector<16xf32>,
      %add3A_630 = arith.addf %add3A_628, %gather3A_629 : vector<16xf32>
      %gather3A_631 = tpu.vector_load_idx %arg9[%broadcast_in_dim3A_597, %get3A_120] : memref<16x1000xf32, #tpu.memory_space<vmem>>[vector<16xi32>, vector<16xi32>], vector<16xf32>,
      %add3A_632 = arith.addf %add3A_630, %gather3A_631 : vector<16xf32>
      %gather3A_633 = tpu.vector_load_idx %arg9[%broadcast_in_dim3A_597, %get3A_124] : memref<16x1000xf32, #tpu.memory_space<vmem>>[vector<16xi32>, vector<16xi32>], vector<16xf32>,
      %add3A_634 = arith.addf %add3A_632, %gather3A_633 : vector<16xf32>
      %gather3A_635 = tpu.vector_load_idx %arg9[%broadcast_in_dim3A_597, %get3A_128] : memref<16x1000xf32, #tpu.memory_space<vmem>>[vector<16xi32>, vector<16xi32>], vector<16xf32>,
      %add3A_636 = arith.addf %add3A_634, %gather3A_635 : vector<16xf32>
      %mul3A_637 = arith.mulf %add3A_636, %div3A : vector<16xf32>
      %swap3A_638 = arith.constant 8 : i32
      %swap3A_639 = arith.index_cast %swap3A_638 : i32 to index
      %swap3A_640 = arith.index_cast %multiple_of3A : i32 to index
      %swap3A_641 = tpu.vector_load %arg11[%swap3A_639, %swap3A_640] {strides = array<i32>} : memref<20x512xf32, #tpu.memory_space<vmem>>, vector<16xf32>,
      tpu.vector_store %arg11[%swap3A_639, %swap3A_640], %mul3A_637 {strides = array<i32>} : memref<20x512xf32, #tpu.memory_space<vmem>>, vector<16xf32>,
      %broadcast_in_dim3A_642 = arith.constant 9 : i32
      %broadcast_in_dim3A_643 = vector.broadcast %broadcast_in_dim3A_642 : i32 to vector<16xi32>
      %gather3A_644 = tpu.vector_load_idx %arg9[%broadcast_in_dim3A_643, %get3A_52] : memref<16x1000xf32, #tpu.memory_space<vmem>>[vector<16xi32>, vector<16xi32>], vector<16xf32>,
      %gather3A_645 = tpu.vector_load_idx %arg9[%broadcast_in_dim3A_643, %get3A_56] : memref<16x1000xf32, #tpu.memory_space<vmem>>[vector<16xi32>, vector<16xi32>], vector<16xf32>,
      %add3A_646 = arith.addf %gather3A_644, %gather3A_645 : vector<16xf32>
      %gather3A_647 = tpu.vector_load_idx %arg9[%broadcast_in_dim3A_643, %get3A_60] : memref<16x1000xf32, #tpu.memory_space<vmem>>[vector<16xi32>, vector<16xi32>], vector<16xf32>,
      %add3A_648 = arith.addf %add3A_646, %gather3A_647 : vector<16xf32>
      %gather3A_649 = tpu.vector_load_idx %arg9[%broadcast_in_dim3A_643, %get3A_64] : memref<16x1000xf32, #tpu.memory_space<vmem>>[vector<16xi32>, vector<16xi32>], vector<16xf32>,
      %add3A_650 = arith.addf %add3A_648, %gather3A_649 : vector<16xf32>
      %gather3A_651 = tpu.vector_load_idx %arg9[%broadcast_in_dim3A_643, %get3A_68] : memref<16x1000xf32, #tpu.memory_space<vmem>>[vector<16xi32>, vector<16xi32>], vector<16xf32>,
      %add3A_652 = arith.addf %add3A_650, %gather3A_651 : vector<16xf32>
      %gather3A_653 = tpu.vector_load_idx %arg9[%broadcast_in_dim3A_643, %get3A_72] : memref<16x1000xf32, #tpu.memory_space<vmem>>[vector<16xi32>, vector<16xi32>], vector<16xf32>,
      %add3A_654 = arith.addf %add3A_652, %gather3A_653 : vector<16xf32>
      %gather3A_655 = tpu.vector_load_idx %arg9[%broadcast_in_dim3A_643, %get3A_76] : memref<16x1000xf32, #tpu.memory_space<vmem>>[vector<16xi32>, vector<16xi32>], vector<16xf32>,
      %add3A_656 = arith.addf %add3A_654, %gather3A_655 : vector<16xf32>
      %gather3A_657 = tpu.vector_load_idx %arg9[%broadcast_in_dim3A_643, %get3A_80] : memref<16x1000xf32, #tpu.memory_space<vmem>>[vector<16xi32>, vector<16xi32>], vector<16xf32>,
      %add3A_658 = arith.addf %add3A_656, %gather3A_657 : vector<16xf32>
      %gather3A_659 = tpu.vector_load_idx %arg9[%broadcast_in_dim3A_643, %get3A_84] : memref<16x1000xf32, #tpu.memory_space<vmem>>[vector<16xi32>, vector<16xi32>], vector<16xf32>,
      %add3A_660 = arith.addf %add3A_658, %gather3A_659 : vector<16xf32>
      %gather3A_661 = tpu.vector_load_idx %arg9[%broadcast_in_dim3A_643, %get3A_88] : memref<16x1000xf32, #tpu.memory_space<vmem>>[vector<16xi32>, vector<16xi32>], vector<16xf32>,
      %add3A_662 = arith.addf %add3A_660, %gather3A_661 : vector<16xf32>
      %gather3A_663 = tpu.vector_load_idx %arg9[%broadcast_in_dim3A_643, %get3A_92] : memref<16x1000xf32, #tpu.memory_space<vmem>>[vector<16xi32>, vector<16xi32>], vector<16xf32>,
      %add3A_664 = arith.addf %add3A_662, %gather3A_663 : vector<16xf32>
      %gather3A_665 = tpu.vector_load_idx %arg9[%broadcast_in_dim3A_643, %get3A_96] : memref<16x1000xf32, #tpu.memory_space<vmem>>[vector<16xi32>, vector<16xi32>], vector<16xf32>,
      %add3A_666 = arith.addf %add3A_664, %gather3A_665 : vector<16xf32>
      %gather3A_667 = tpu.vector_load_idx %arg9[%broadcast_in_dim3A_643, %get3A_100] : memref<16x1000xf32, #tpu.memory_space<vmem>>[vector<16xi32>, vector<16xi32>], vector<16xf32>,
      %add3A_668 = arith.addf %add3A_666, %gather3A_667 : vector<16xf32>
      %gather3A_669 = tpu.vector_load_idx %arg9[%broadcast_in_dim3A_643, %get3A_104] : memref<16x1000xf32, #tpu.memory_space<vmem>>[vector<16xi32>, vector<16xi32>], vector<16xf32>,
      %add3A_670 = arith.addf %add3A_668, %gather3A_669 : vector<16xf32>
      %gather3A_671 = tpu.vector_load_idx %arg9[%broadcast_in_dim3A_643, %get3A_108] : memref<16x1000xf32, #tpu.memory_space<vmem>>[vector<16xi32>, vector<16xi32>], vector<16xf32>,
      %add3A_672 = arith.addf %add3A_670, %gather3A_671 : vector<16xf32>
      %gather3A_673 = tpu.vector_load_idx %arg9[%broadcast_in_dim3A_643, %get3A_112] : memref<16x1000xf32, #tpu.memory_space<vmem>>[vector<16xi32>, vector<16xi32>], vector<16xf32>,
      %add3A_674 = arith.addf %add3A_672, %gather3A_673 : vector<16xf32>
      %gather3A_675 = tpu.vector_load_idx %arg9[%broadcast_in_dim3A_643, %get3A_116] : memref<16x1000xf32, #tpu.memory_space<vmem>>[vector<16xi32>, vector<16xi32>], vector<16xf32>,
      %add3A_676 = arith.addf %add3A_674, %gather3A_675 : vector<16xf32>
      %gather3A_677 = tpu.vector_load_idx %arg9[%broadcast_in_dim3A_643, %get3A_120] : memref<16x1000xf32, #tpu.memory_space<vmem>>[vector<16xi32>, vector<16xi32>], vector<16xf32>,
      %add3A_678 = arith.addf %add3A_676, %gather3A_677 : vector<16xf32>
      %gather3A_679 = tpu.vector_load_idx %arg9[%broadcast_in_dim3A_643, %get3A_124] : memref<16x1000xf32, #tpu.memory_space<vmem>>[vector<16xi32>, vector<16xi32>], vector<16xf32>,
      %add3A_680 = arith.addf %add3A_678, %gather3A_679 : vector<16xf32>
      %gather3A_681 = tpu.vector_load_idx %arg9[%broadcast_in_dim3A_643, %get3A_128] : memref<16x1000xf32, #tpu.memory_space<vmem>>[vector<16xi32>, vector<16xi32>], vector<16xf32>,
      %add3A_682 = arith.addf %add3A_680, %gather3A_681 : vector<16xf32>
      %mul3A_683 = arith.mulf %add3A_682, %div3A : vector<16xf32>
      %swap3A_684 = arith.constant 9 : i32
      %swap3A_685 = arith.index_cast %swap3A_684 : i32 to index
      %swap3A_686 = arith.index_cast %multiple_of3A : i32 to index
      %swap3A_687 = tpu.vector_load %arg11[%swap3A_685, %swap3A_686] {strides = array<i32>} : memref<20x512xf32, #tpu.memory_space<vmem>>, vector<16xf32>,
      tpu.vector_store %arg11[%swap3A_685, %swap3A_686], %mul3A_683 {strides = array<i32>} : memref<20x512xf32, #tpu.memory_space<vmem>>, vector<16xf32>,
      %broadcast_in_dim3A_688 = arith.constant 10 : i32
      %broadcast_in_dim3A_689 = vector.broadcast %broadcast_in_dim3A_688 : i32 to vector<16xi32>
      %gather3A_690 = tpu.vector_load_idx %arg9[%broadcast_in_dim3A_689, %get3A_52] : memref<16x1000xf32, #tpu.memory_space<vmem>>[vector<16xi32>, vector<16xi32>], vector<16xf32>,
      %gather3A_691 = tpu.vector_load_idx %arg9[%broadcast_in_dim3A_689, %get3A_56] : memref<16x1000xf32, #tpu.memory_space<vmem>>[vector<16xi32>, vector<16xi32>], vector<16xf32>,
      %add3A_692 = arith.addf %gather3A_690, %gather3A_691 : vector<16xf32>
      %gather3A_693 = tpu.vector_load_idx %arg9[%broadcast_in_dim3A_689, %get3A_60] : memref<16x1000xf32, #tpu.memory_space<vmem>>[vector<16xi32>, vector<16xi32>], vector<16xf32>,
      %add3A_694 = arith.addf %add3A_692, %gather3A_693 : vector<16xf32>
      %gather3A_695 = tpu.vector_load_idx %arg9[%broadcast_in_dim3A_689, %get3A_64] : memref<16x1000xf32, #tpu.memory_space<vmem>>[vector<16xi32>, vector<16xi32>], vector<16xf32>,
      %add3A_696 = arith.addf %add3A_694, %gather3A_695 : vector<16xf32>
      %gather3A_697 = tpu.vector_load_idx %arg9[%broadcast_in_dim3A_689, %get3A_68] : memref<16x1000xf32, #tpu.memory_space<vmem>>[vector<16xi32>, vector<16xi32>], vector<16xf32>,
      %add3A_698 = arith.addf %add3A_696, %gather3A_697 : vector<16xf32>
      %gather3A_699 = tpu.vector_load_idx %arg9[%broadcast_in_dim3A_689, %get3A_72] : memref<16x1000xf32, #tpu.memory_space<vmem>>[vector<16xi32>, vector<16xi32>], vector<16xf32>,
      %add3A_700 = arith.addf %add3A_698, %gather3A_699 : vector<16xf32>
      %gather3A_701 = tpu.vector_load_idx %arg9[%broadcast_in_dim3A_689, %get3A_76] : memref<16x1000xf32, #tpu.memory_space<vmem>>[vector<16xi32>, vector<16xi32>], vector<16xf32>,
      %add3A_702 = arith.addf %add3A_700, %gather3A_701 : vector<16xf32>
      %gather3A_703 = tpu.vector_load_idx %arg9[%broadcast_in_dim3A_689, %get3A_80] : memref<16x1000xf32, #tpu.memory_space<vmem>>[vector<16xi32>, vector<16xi32>], vector<16xf32>,
      %add3A_704 = arith.addf %add3A_702, %gather3A_703 : vector<16xf32>
      %gather3A_705 = tpu.vector_load_idx %arg9[%broadcast_in_dim3A_689, %get3A_84] : memref<16x1000xf32, #tpu.memory_space<vmem>>[vector<16xi32>, vector<16xi32>], vector<16xf32>,
      %add3A_706 = arith.addf %add3A_704, %gather3A_705 : vector<16xf32>
      %gather3A_707 = tpu.vector_load_idx %arg9[%broadcast_in_dim3A_689, %get3A_88] : memref<16x1000xf32, #tpu.memory_space<vmem>>[vector<16xi32>, vector<16xi32>], vector<16xf32>,
      %add3A_708 = arith.addf %add3A_706, %gather3A_707 : vector<16xf32>
      %gather3A_709 = tpu.vector_load_idx %arg9[%broadcast_in_dim3A_689, %get3A_92] : memref<16x1000xf32, #tpu.memory_space<vmem>>[vector<16xi32>, vector<16xi32>], vector<16xf32>,
      %add3A_710 = arith.addf %add3A_708, %gather3A_709 : vector<16xf32>
      %gather3A_711 = tpu.vector_load_idx %arg9[%broadcast_in_dim3A_689, %get3A_96] : memref<16x1000xf32, #tpu.memory_space<vmem>>[vector<16xi32>, vector<16xi32>], vector<16xf32>,
      %add3A_712 = arith.addf %add3A_710, %gather3A_711 : vector<16xf32>
      %gather3A_713 = tpu.vector_load_idx %arg9[%broadcast_in_dim3A_689, %get3A_100] : memref<16x1000xf32, #tpu.memory_space<vmem>>[vector<16xi32>, vector<16xi32>], vector<16xf32>,
      %add3A_714 = arith.addf %add3A_712, %gather3A_713 : vector<16xf32>
      %gather3A_715 = tpu.vector_load_idx %arg9[%broadcast_in_dim3A_689, %get3A_104] : memref<16x1000xf32, #tpu.memory_space<vmem>>[vector<16xi32>, vector<16xi32>], vector<16xf32>,
      %add3A_716 = arith.addf %add3A_714, %gather3A_715 : vector<16xf32>
      %gather3A_717 = tpu.vector_load_idx %arg9[%broadcast_in_dim3A_689, %get3A_108] : memref<16x1000xf32, #tpu.memory_space<vmem>>[vector<16xi32>, vector<16xi32>], vector<16xf32>,
      %add3A_718 = arith.addf %add3A_716, %gather3A_717 : vector<16xf32>
      %gather3A_719 = tpu.vector_load_idx %arg9[%broadcast_in_dim3A_689, %get3A_112] : memref<16x1000xf32, #tpu.memory_space<vmem>>[vector<16xi32>, vector<16xi32>], vector<16xf32>,
      %add3A_720 = arith.addf %add3A_718, %gather3A_719 : vector<16xf32>
      %gather3A_721 = tpu.vector_load_idx %arg9[%broadcast_in_dim3A_689, %get3A_116] : memref<16x1000xf32, #tpu.memory_space<vmem>>[vector<16xi32>, vector<16xi32>], vector<16xf32>,
      %add3A_722 = arith.addf %add3A_720, %gather3A_721 : vector<16xf32>
      %gather3A_723 = tpu.vector_load_idx %arg9[%broadcast_in_dim3A_689, %get3A_120] : memref<16x1000xf32, #tpu.memory_space<vmem>>[vector<16xi32>, vector<16xi32>], vector<16xf32>,
      %add3A_724 = arith.addf %add3A_722, %gather3A_723 : vector<16xf32>
      %gather3A_725 = tpu.vector_load_idx %arg9[%broadcast_in_dim3A_689, %get3A_124] : memref<16x1000xf32, #tpu.memory_space<vmem>>[vector<16xi32>, vector<16xi32>], vector<16xf32>,
      %add3A_726 = arith.addf %add3A_724, %gather3A_725 : vector<16xf32>
      %gather3A_727 = tpu.vector_load_idx %arg9[%broadcast_in_dim3A_689, %get3A_128] : memref<16x1000xf32, #tpu.memory_space<vmem>>[vector<16xi32>, vector<16xi32>], vector<16xf32>,
      %add3A_728 = arith.addf %add3A_726, %gather3A_727 : vector<16xf32>
      %mul3A_729 = arith.mulf %add3A_728, %div3A : vector<16xf32>
      %swap3A_730 = arith.constant 10 : i32
      %swap3A_731 = arith.index_cast %swap3A_730 : i32 to index
      %swap3A_732 = arith.index_cast %multiple_of3A : i32 to index
      %swap3A_733 = tpu.vector_load %arg11[%swap3A_731, %swap3A_732] {strides = array<i32>} : memref<20x512xf32, #tpu.memory_space<vmem>>, vector<16xf32>,
      tpu.vector_store %arg11[%swap3A_731, %swap3A_732], %mul3A_729 {strides = array<i32>} : memref<20x512xf32, #tpu.memory_space<vmem>>, vector<16xf32>,
      %broadcast_in_dim3A_734 = arith.constant 11 : i32
      %broadcast_in_dim3A_735 = vector.broadcast %broadcast_in_dim3A_734 : i32 to vector<16xi32>
      %gather3A_736 = tpu.vector_load_idx %arg9[%broadcast_in_dim3A_735, %get3A_52] : memref<16x1000xf32, #tpu.memory_space<vmem>>[vector<16xi32>, vector<16xi32>], vector<16xf32>,
      %gather3A_737 = tpu.vector_load_idx %arg9[%broadcast_in_dim3A_735, %get3A_56] : memref<16x1000xf32, #tpu.memory_space<vmem>>[vector<16xi32>, vector<16xi32>], vector<16xf32>,
      %add3A_738 = arith.addf %gather3A_736, %gather3A_737 : vector<16xf32>
      %gather3A_739 = tpu.vector_load_idx %arg9[%broadcast_in_dim3A_735, %get3A_60] : memref<16x1000xf32, #tpu.memory_space<vmem>>[vector<16xi32>, vector<16xi32>], vector<16xf32>,
      %add3A_740 = arith.addf %add3A_738, %gather3A_739 : vector<16xf32>
      %gather3A_741 = tpu.vector_load_idx %arg9[%broadcast_in_dim3A_735, %get3A_64] : memref<16x1000xf32, #tpu.memory_space<vmem>>[vector<16xi32>, vector<16xi32>], vector<16xf32>,
      %add3A_742 = arith.addf %add3A_740, %gather3A_741 : vector<16xf32>
      %gather3A_743 = tpu.vector_load_idx %arg9[%broadcast_in_dim3A_735, %get3A_68] : memref<16x1000xf32, #tpu.memory_space<vmem>>[vector<16xi32>, vector<16xi32>], vector<16xf32>,
      %add3A_744 = arith.addf %add3A_742, %gather3A_743 : vector<16xf32>
      %gather3A_745 = tpu.vector_load_idx %arg9[%broadcast_in_dim3A_735, %get3A_72] : memref<16x1000xf32, #tpu.memory_space<vmem>>[vector<16xi32>, vector<16xi32>], vector<16xf32>,
      %add3A_746 = arith.addf %add3A_744, %gather3A_745 : vector<16xf32>
      %gather3A_747 = tpu.vector_load_idx %arg9[%broadcast_in_dim3A_735, %get3A_76] : memref<16x1000xf32, #tpu.memory_space<vmem>>[vector<16xi32>, vector<16xi32>], vector<16xf32>,
      %add3A_748 = arith.addf %add3A_746, %gather3A_747 : vector<16xf32>
      %gather3A_749 = tpu.vector_load_idx %arg9[%broadcast_in_dim3A_735, %get3A_80] : memref<16x1000xf32, #tpu.memory_space<vmem>>[vector<16xi32>, vector<16xi32>], vector<16xf32>,
      %add3A_750 = arith.addf %add3A_748, %gather3A_749 : vector<16xf32>
      %gather3A_751 = tpu.vector_load_idx %arg9[%broadcast_in_dim3A_735, %get3A_84] : memref<16x1000xf32, #tpu.memory_space<vmem>>[vector<16xi32>, vector<16xi32>], vector<16xf32>,
      %add3A_752 = arith.addf %add3A_750, %gather3A_751 : vector<16xf32>
      %gather3A_753 = tpu.vector_load_idx %arg9[%broadcast_in_dim3A_735, %get3A_88] : memref<16x1000xf32, #tpu.memory_space<vmem>>[vector<16xi32>, vector<16xi32>], vector<16xf32>,
      %add3A_754 = arith.addf %add3A_752, %gather3A_753 : vector<16xf32>
      %gather3A_755 = tpu.vector_load_idx %arg9[%broadcast_in_dim3A_735, %get3A_92] : memref<16x1000xf32, #tpu.memory_space<vmem>>[vector<16xi32>, vector<16xi32>], vector<16xf32>,
      %add3A_756 = arith.addf %add3A_754, %gather3A_755 : vector<16xf32>
      %gather3A_757 = tpu.vector_load_idx %arg9[%broadcast_in_dim3A_735, %get3A_96] : memref<16x1000xf32, #tpu.memory_space<vmem>>[vector<16xi32>, vector<16xi32>], vector<16xf32>,
      %add3A_758 = arith.addf %add3A_756, %gather3A_757 : vector<16xf32>
      %gather3A_759 = tpu.vector_load_idx %arg9[%broadcast_in_dim3A_735, %get3A_100] : memref<16x1000xf32, #tpu.memory_space<vmem>>[vector<16xi32>, vector<16xi32>], vector<16xf32>,
      %add3A_760 = arith.addf %add3A_758, %gather3A_759 : vector<16xf32>
      %gather3A_761 = tpu.vector_load_idx %arg9[%broadcast_in_dim3A_735, %get3A_104] : memref<16x1000xf32, #tpu.memory_space<vmem>>[vector<16xi32>, vector<16xi32>], vector<16xf32>,
      %add3A_762 = arith.addf %add3A_760, %gather3A_761 : vector<16xf32>
      %gather3A_763 = tpu.vector_load_idx %arg9[%broadcast_in_dim3A_735, %get3A_108] : memref<16x1000xf32, #tpu.memory_space<vmem>>[vector<16xi32>, vector<16xi32>], vector<16xf32>,
      %add3A_764 = arith.addf %add3A_762, %gather3A_763 : vector<16xf32>
      %gather3A_765 = tpu.vector_load_idx %arg9[%broadcast_in_dim3A_735, %get3A_112] : memref<16x1000xf32, #tpu.memory_space<vmem>>[vector<16xi32>, vector<16xi32>], vector<16xf32>,
      %add3A_766 = arith.addf %add3A_764, %gather3A_765 : vector<16xf32>
      %gather3A_767 = tpu.vector_load_idx %arg9[%broadcast_in_dim3A_735, %get3A_116] : memref<16x1000xf32, #tpu.memory_space<vmem>>[vector<16xi32>, vector<16xi32>], vector<16xf32>,
      %add3A_768 = arith.addf %add3A_766, %gather3A_767 : vector<16xf32>
      %gather3A_769 = tpu.vector_load_idx %arg9[%broadcast_in_dim3A_735, %get3A_120] : memref<16x1000xf32, #tpu.memory_space<vmem>>[vector<16xi32>, vector<16xi32>], vector<16xf32>,
      %add3A_770 = arith.addf %add3A_768, %gather3A_769 : vector<16xf32>
      %gather3A_771 = tpu.vector_load_idx %arg9[%broadcast_in_dim3A_735, %get3A_124] : memref<16x1000xf32, #tpu.memory_space<vmem>>[vector<16xi32>, vector<16xi32>], vector<16xf32>,
      %add3A_772 = arith.addf %add3A_770, %gather3A_771 : vector<16xf32>
      %gather3A_773 = tpu.vector_load_idx %arg9[%broadcast_in_dim3A_735, %get3A_128] : memref<16x1000xf32, #tpu.memory_space<vmem>>[vector<16xi32>, vector<16xi32>], vector<16xf32>,
      %add3A_774 = arith.addf %add3A_772, %gather3A_773 : vector<16xf32>
      %mul3A_775 = arith.mulf %add3A_774, %div3A : vector<16xf32>
      %swap3A_776 = arith.constant 11 : i32
      %swap3A_777 = arith.index_cast %swap3A_776 : i32 to index
      %swap3A_778 = arith.index_cast %multiple_of3A : i32 to index
      %swap3A_779 = tpu.vector_load %arg11[%swap3A_777, %swap3A_778] {strides = array<i32>} : memref<20x512xf32, #tpu.memory_space<vmem>>, vector<16xf32>,
      tpu.vector_store %arg11[%swap3A_777, %swap3A_778], %mul3A_775 {strides = array<i32>} : memref<20x512xf32, #tpu.memory_space<vmem>>, vector<16xf32>,
      %broadcast_in_dim3A_780 = arith.constant 12 : i32
      %broadcast_in_dim3A_781 = vector.broadcast %broadcast_in_dim3A_780 : i32 to vector<16xi32>
      %gather3A_782 = tpu.vector_load_idx %arg9[%broadcast_in_dim3A_781, %get3A_52] : memref<16x1000xf32, #tpu.memory_space<vmem>>[vector<16xi32>, vector<16xi32>], vector<16xf32>,
      %gather3A_783 = tpu.vector_load_idx %arg9[%broadcast_in_dim3A_781, %get3A_56] : memref<16x1000xf32, #tpu.memory_space<vmem>>[vector<16xi32>, vector<16xi32>], vector<16xf32>,
      %add3A_784 = arith.addf %gather3A_782, %gather3A_783 : vector<16xf32>
      %gather3A_785 = tpu.vector_load_idx %arg9[%broadcast_in_dim3A_781, %get3A_60] : memref<16x1000xf32, #tpu.memory_space<vmem>>[vector<16xi32>, vector<16xi32>], vector<16xf32>,
      %add3A_786 = arith.addf %add3A_784, %gather3A_785 : vector<16xf32>
      %gather3A_787 = tpu.vector_load_idx %arg9[%broadcast_in_dim3A_781, %get3A_64] : memref<16x1000xf32, #tpu.memory_space<vmem>>[vector<16xi32>, vector<16xi32>], vector<16xf32>,
      %add3A_788 = arith.addf %add3A_786, %gather3A_787 : vector<16xf32>
      %gather3A_789 = tpu.vector_load_idx %arg9[%broadcast_in_dim3A_781, %get3A_68] : memref<16x1000xf32, #tpu.memory_space<vmem>>[vector<16xi32>, vector<16xi32>], vector<16xf32>,
      %add3A_790 = arith.addf %add3A_788, %gather3A_789 : vector<16xf32>
      %gather3A_791 = tpu.vector_load_idx %arg9[%broadcast_in_dim3A_781, %get3A_72] : memref<16x1000xf32, #tpu.memory_space<vmem>>[vector<16xi32>, vector<16xi32>], vector<16xf32>,
      %add3A_792 = arith.addf %add3A_790, %gather3A_791 : vector<16xf32>
      %gather3A_793 = tpu.vector_load_idx %arg9[%broadcast_in_dim3A_781, %get3A_76] : memref<16x1000xf32, #tpu.memory_space<vmem>>[vector<16xi32>, vector<16xi32>], vector<16xf32>,
      %add3A_794 = arith.addf %add3A_792, %gather3A_793 : vector<16xf32>
      %gather3A_795 = tpu.vector_load_idx %arg9[%broadcast_in_dim3A_781, %get3A_80] : memref<16x1000xf32, #tpu.memory_space<vmem>>[vector<16xi32>, vector<16xi32>], vector<16xf32>,
      %add3A_796 = arith.addf %add3A_794, %gather3A_795 : vector<16xf32>
      %gather3A_797 = tpu.vector_load_idx %arg9[%broadcast_in_dim3A_781, %get3A_84] : memref<16x1000xf32, #tpu.memory_space<vmem>>[vector<16xi32>, vector<16xi32>], vector<16xf32>,
      %add3A_798 = arith.addf %add3A_796, %gather3A_797 : vector<16xf32>
      %gather3A_799 = tpu.vector_load_idx %arg9[%broadcast_in_dim3A_781, %get3A_88] : memref<16x1000xf32, #tpu.memory_space<vmem>>[vector<16xi32>, vector<16xi32>], vector<16xf32>,
      %add3A_800 = arith.addf %add3A_798, %gather3A_799 : vector<16xf32>
      %gather3A_801 = tpu.vector_load_idx %arg9[%broadcast_in_dim3A_781, %get3A_92] : memref<16x1000xf32, #tpu.memory_space<vmem>>[vector<16xi32>, vector<16xi32>], vector<16xf32>,
      %add3A_802 = arith.addf %add3A_800, %gather3A_801 : vector<16xf32>
      %gather3A_803 = tpu.vector_load_idx %arg9[%broadcast_in_dim3A_781, %get3A_96] : memref<16x1000xf32, #tpu.memory_space<vmem>>[vector<16xi32>, vector<16xi32>], vector<16xf32>,
      %add3A_804 = arith.addf %add3A_802, %gather3A_803 : vector<16xf32>
      %gather3A_805 = tpu.vector_load_idx %arg9[%broadcast_in_dim3A_781, %get3A_100] : memref<16x1000xf32, #tpu.memory_space<vmem>>[vector<16xi32>, vector<16xi32>], vector<16xf32>,
      %add3A_806 = arith.addf %add3A_804, %gather3A_805 : vector<16xf32>
      %gather3A_807 = tpu.vector_load_idx %arg9[%broadcast_in_dim3A_781, %get3A_104] : memref<16x1000xf32, #tpu.memory_space<vmem>>[vector<16xi32>, vector<16xi32>], vector<16xf32>,
      %add3A_808 = arith.addf %add3A_806, %gather3A_807 : vector<16xf32>
      %gather3A_809 = tpu.vector_load_idx %arg9[%broadcast_in_dim3A_781, %get3A_108] : memref<16x1000xf32, #tpu.memory_space<vmem>>[vector<16xi32>, vector<16xi32>], vector<16xf32>,
      %add3A_810 = arith.addf %add3A_808, %gather3A_809 : vector<16xf32>
      %gather3A_811 = tpu.vector_load_idx %arg9[%broadcast_in_dim3A_781, %get3A_112] : memref<16x1000xf32, #tpu.memory_space<vmem>>[vector<16xi32>, vector<16xi32>], vector<16xf32>,
      %add3A_812 = arith.addf %add3A_810, %gather3A_811 : vector<16xf32>
      %gather3A_813 = tpu.vector_load_idx %arg9[%broadcast_in_dim3A_781, %get3A_116] : memref<16x1000xf32, #tpu.memory_space<vmem>>[vector<16xi32>, vector<16xi32>], vector<16xf32>,
      %add3A_814 = arith.addf %add3A_812, %gather3A_813 : vector<16xf32>
      %gather3A_815 = tpu.vector_load_idx %arg9[%broadcast_in_dim3A_781, %get3A_120] : memref<16x1000xf32, #tpu.memory_space<vmem>>[vector<16xi32>, vector<16xi32>], vector<16xf32>,
      %add3A_816 = arith.addf %add3A_814, %gather3A_815 : vector<16xf32>
      %gather3A_817 = tpu.vector_load_idx %arg9[%broadcast_in_dim3A_781, %get3A_124] : memref<16x1000xf32, #tpu.memory_space<vmem>>[vector<16xi32>, vector<16xi32>], vector<16xf32>,
      %add3A_818 = arith.addf %add3A_816, %gather3A_817 : vector<16xf32>
      %gather3A_819 = tpu.vector_load_idx %arg9[%broadcast_in_dim3A_781, %get3A_128] : memref<16x1000xf32, #tpu.memory_space<vmem>>[vector<16xi32>, vector<16xi32>], vector<16xf32>,
      %add3A_820 = arith.addf %add3A_818, %gather3A_819 : vector<16xf32>
      %mul3A_821 = arith.mulf %add3A_820, %div3A : vector<16xf32>
      %swap3A_822 = arith.constant 12 : i32
      %swap3A_823 = arith.index_cast %swap3A_822 : i32 to index
      %swap3A_824 = arith.index_cast %multiple_of3A : i32 to index
      %swap3A_825 = tpu.vector_load %arg11[%swap3A_823, %swap3A_824] {strides = array<i32>} : memref<20x512xf32, #tpu.memory_space<vmem>>, vector<16xf32>,
      tpu.vector_store %arg11[%swap3A_823, %swap3A_824], %mul3A_821 {strides = array<i32>} : memref<20x512xf32, #tpu.memory_space<vmem>>, vector<16xf32>,
      %broadcast_in_dim3A_826 = arith.constant 13 : i32
      %broadcast_in_dim3A_827 = vector.broadcast %broadcast_in_dim3A_826 : i32 to vector<16xi32>
      %gather3A_828 = tpu.vector_load_idx %arg9[%broadcast_in_dim3A_827, %get3A_52] : memref<16x1000xf32, #tpu.memory_space<vmem>>[vector<16xi32>, vector<16xi32>], vector<16xf32>,
      %gather3A_829 = tpu.vector_load_idx %arg9[%broadcast_in_dim3A_827, %get3A_56] : memref<16x1000xf32, #tpu.memory_space<vmem>>[vector<16xi32>, vector<16xi32>], vector<16xf32>,
      %add3A_830 = arith.addf %gather3A_828, %gather3A_829 : vector<16xf32>
      %gather3A_831 = tpu.vector_load_idx %arg9[%broadcast_in_dim3A_827, %get3A_60] : memref<16x1000xf32, #tpu.memory_space<vmem>>[vector<16xi32>, vector<16xi32>], vector<16xf32>,
      %add3A_832 = arith.addf %add3A_830, %gather3A_831 : vector<16xf32>
      %gather3A_833 = tpu.vector_load_idx %arg9[%broadcast_in_dim3A_827, %get3A_64] : memref<16x1000xf32, #tpu.memory_space<vmem>>[vector<16xi32>, vector<16xi32>], vector<16xf32>,
      %add3A_834 = arith.addf %add3A_832, %gather3A_833 : vector<16xf32>
      %gather3A_835 = tpu.vector_load_idx %arg9[%broadcast_in_dim3A_827, %get3A_68] : memref<16x1000xf32, #tpu.memory_space<vmem>>[vector<16xi32>, vector<16xi32>], vector<16xf32>,
      %add3A_836 = arith.addf %add3A_834, %gather3A_835 : vector<16xf32>
      %gather3A_837 = tpu.vector_load_idx %arg9[%broadcast_in_dim3A_827, %get3A_72] : memref<16x1000xf32, #tpu.memory_space<vmem>>[vector<16xi32>, vector<16xi32>], vector<16xf32>,
      %add3A_838 = arith.addf %add3A_836, %gather3A_837 : vector<16xf32>
      %gather3A_839 = tpu.vector_load_idx %arg9[%broadcast_in_dim3A_827, %get3A_76] : memref<16x1000xf32, #tpu.memory_space<vmem>>[vector<16xi32>, vector<16xi32>], vector<16xf32>,
      %add3A_840 = arith.addf %add3A_838, %gather3A_839 : vector<16xf32>
      %gather3A_841 = tpu.vector_load_idx %arg9[%broadcast_in_dim3A_827, %get3A_80] : memref<16x1000xf32, #tpu.memory_space<vmem>>[vector<16xi32>, vector<16xi32>], vector<16xf32>,
      %add3A_842 = arith.addf %add3A_840, %gather3A_841 : vector<16xf32>
      %gather3A_843 = tpu.vector_load_idx %arg9[%broadcast_in_dim3A_827, %get3A_84] : memref<16x1000xf32, #tpu.memory_space<vmem>>[vector<16xi32>, vector<16xi32>], vector<16xf32>,
      %add3A_844 = arith.addf %add3A_842, %gather3A_843 : vector<16xf32>
      %gather3A_845 = tpu.vector_load_idx %arg9[%broadcast_in_dim3A_827, %get3A_88] : memref<16x1000xf32, #tpu.memory_space<vmem>>[vector<16xi32>, vector<16xi32>], vector<16xf32>,
      %add3A_846 = arith.addf %add3A_844, %gather3A_845 : vector<16xf32>
      %gather3A_847 = tpu.vector_load_idx %arg9[%broadcast_in_dim3A_827, %get3A_92] : memref<16x1000xf32, #tpu.memory_space<vmem>>[vector<16xi32>, vector<16xi32>], vector<16xf32>,
      %add3A_848 = arith.addf %add3A_846, %gather3A_847 : vector<16xf32>
      %gather3A_849 = tpu.vector_load_idx %arg9[%broadcast_in_dim3A_827, %get3A_96] : memref<16x1000xf32, #tpu.memory_space<vmem>>[vector<16xi32>, vector<16xi32>], vector<16xf32>,
      %add3A_850 = arith.addf %add3A_848, %gather3A_849 : vector<16xf32>
      %gather3A_851 = tpu.vector_load_idx %arg9[%broadcast_in_dim3A_827, %get3A_100] : memref<16x1000xf32, #tpu.memory_space<vmem>>[vector<16xi32>, vector<16xi32>], vector<16xf32>,
      %add3A_852 = arith.addf %add3A_850, %gather3A_851 : vector<16xf32>
      %gather3A_853 = tpu.vector_load_idx %arg9[%broadcast_in_dim3A_827, %get3A_104] : memref<16x1000xf32, #tpu.memory_space<vmem>>[vector<16xi32>, vector<16xi32>], vector<16xf32>,
      %add3A_854 = arith.addf %add3A_852, %gather3A_853 : vector<16xf32>
      %gather3A_855 = tpu.vector_load_idx %arg9[%broadcast_in_dim3A_827, %get3A_108] : memref<16x1000xf32, #tpu.memory_space<vmem>>[vector<16xi32>, vector<16xi32>], vector<16xf32>,
      %add3A_856 = arith.addf %add3A_854, %gather3A_855 : vector<16xf32>
      %gather3A_857 = tpu.vector_load_idx %arg9[%broadcast_in_dim3A_827, %get3A_112] : memref<16x1000xf32, #tpu.memory_space<vmem>>[vector<16xi32>, vector<16xi32>], vector<16xf32>,
      %add3A_858 = arith.addf %add3A_856, %gather3A_857 : vector<16xf32>
      %gather3A_859 = tpu.vector_load_idx %arg9[%broadcast_in_dim3A_827, %get3A_116] : memref<16x1000xf32, #tpu.memory_space<vmem>>[vector<16xi32>, vector<16xi32>], vector<16xf32>,
      %add3A_860 = arith.addf %add3A_858, %gather3A_859 : vector<16xf32>
      %gather3A_861 = tpu.vector_load_idx %arg9[%broadcast_in_dim3A_827, %get3A_120] : memref<16x1000xf32, #tpu.memory_space<vmem>>[vector<16xi32>, vector<16xi32>], vector<16xf32>,
      %add3A_862 = arith.addf %add3A_860, %gather3A_861 : vector<16xf32>
      %gather3A_863 = tpu.vector_load_idx %arg9[%broadcast_in_dim3A_827, %get3A_124] : memref<16x1000xf32, #tpu.memory_space<vmem>>[vector<16xi32>, vector<16xi32>], vector<16xf32>,
      %add3A_864 = arith.addf %add3A_862, %gather3A_863 : vector<16xf32>
      %gather3A_865 = tpu.vector_load_idx %arg9[%broadcast_in_dim3A_827, %get3A_128] : memref<16x1000xf32, #tpu.memory_space<vmem>>[vector<16xi32>, vector<16xi32>], vector<16xf32>,
      %add3A_866 = arith.addf %add3A_864, %gather3A_865 : vector<16xf32>
      %mul3A_867 = arith.mulf %add3A_866, %div3A : vector<16xf32>
      %swap3A_868 = arith.constant 13 : i32
      %swap3A_869 = arith.index_cast %swap3A_868 : i32 to index
      %swap3A_870 = arith.index_cast %multiple_of3A : i32 to index
      %swap3A_871 = tpu.vector_load %arg11[%swap3A_869, %swap3A_870] {strides = array<i32>} : memref<20x512xf32, #tpu.memory_space<vmem>>, vector<16xf32>,
      tpu.vector_store %arg11[%swap3A_869, %swap3A_870], %mul3A_867 {strides = array<i32>} : memref<20x512xf32, #tpu.memory_space<vmem>>, vector<16xf32>,
      %broadcast_in_dim3A_872 = arith.constant 14 : i32
      %broadcast_in_dim3A_873 = vector.broadcast %broadcast_in_dim3A_872 : i32 to vector<16xi32>
      %gather3A_874 = tpu.vector_load_idx %arg9[%broadcast_in_dim3A_873, %get3A_52] : memref<16x1000xf32, #tpu.memory_space<vmem>>[vector<16xi32>, vector<16xi32>], vector<16xf32>,
      %gather3A_875 = tpu.vector_load_idx %arg9[%broadcast_in_dim3A_873, %get3A_56] : memref<16x1000xf32, #tpu.memory_space<vmem>>[vector<16xi32>, vector<16xi32>], vector<16xf32>,
      %add3A_876 = arith.addf %gather3A_874, %gather3A_875 : vector<16xf32>
      %gather3A_877 = tpu.vector_load_idx %arg9[%broadcast_in_dim3A_873, %get3A_60] : memref<16x1000xf32, #tpu.memory_space<vmem>>[vector<16xi32>, vector<16xi32>], vector<16xf32>,
      %add3A_878 = arith.addf %add3A_876, %gather3A_877 : vector<16xf32>
      %gather3A_879 = tpu.vector_load_idx %arg9[%broadcast_in_dim3A_873, %get3A_64] : memref<16x1000xf32, #tpu.memory_space<vmem>>[vector<16xi32>, vector<16xi32>], vector<16xf32>,
      %add3A_880 = arith.addf %add3A_878, %gather3A_879 : vector<16xf32>
      %gather3A_881 = tpu.vector_load_idx %arg9[%broadcast_in_dim3A_873, %get3A_68] : memref<16x1000xf32, #tpu.memory_space<vmem>>[vector<16xi32>, vector<16xi32>], vector<16xf32>,
      %add3A_882 = arith.addf %add3A_880, %gather3A_881 : vector<16xf32>
      %gather3A_883 = tpu.vector_load_idx %arg9[%broadcast_in_dim3A_873, %get3A_72] : memref<16x1000xf32, #tpu.memory_space<vmem>>[vector<16xi32>, vector<16xi32>], vector<16xf32>,
      %add3A_884 = arith.addf %add3A_882, %gather3A_883 : vector<16xf32>
      %gather3A_885 = tpu.vector_load_idx %arg9[%broadcast_in_dim3A_873, %get3A_76] : memref<16x1000xf32, #tpu.memory_space<vmem>>[vector<16xi32>, vector<16xi32>], vector<16xf32>,
      %add3A_886 = arith.addf %add3A_884, %gather3A_885 : vector<16xf32>
      %gather3A_887 = tpu.vector_load_idx %arg9[%broadcast_in_dim3A_873, %get3A_80] : memref<16x1000xf32, #tpu.memory_space<vmem>>[vector<16xi32>, vector<16xi32>], vector<16xf32>,
      %add3A_888 = arith.addf %add3A_886, %gather3A_887 : vector<16xf32>
      %gather3A_889 = tpu.vector_load_idx %arg9[%broadcast_in_dim3A_873, %get3A_84] : memref<16x1000xf32, #tpu.memory_space<vmem>>[vector<16xi32>, vector<16xi32>], vector<16xf32>,
      %add3A_890 = arith.addf %add3A_888, %gather3A_889 : vector<16xf32>
      %gather3A_891 = tpu.vector_load_idx %arg9[%broadcast_in_dim3A_873, %get3A_88] : memref<16x1000xf32, #tpu.memory_space<vmem>>[vector<16xi32>, vector<16xi32>], vector<16xf32>,
      %add3A_892 = arith.addf %add3A_890, %gather3A_891 : vector<16xf32>
      %gather3A_893 = tpu.vector_load_idx %arg9[%broadcast_in_dim3A_873, %get3A_92] : memref<16x1000xf32, #tpu.memory_space<vmem>>[vector<16xi32>, vector<16xi32>], vector<16xf32>,
      %add3A_894 = arith.addf %add3A_892, %gather3A_893 : vector<16xf32>
      %gather3A_895 = tpu.vector_load_idx %arg9[%broadcast_in_dim3A_873, %get3A_96] : memref<16x1000xf32, #tpu.memory_space<vmem>>[vector<16xi32>, vector<16xi32>], vector<16xf32>,
      %add3A_896 = arith.addf %add3A_894, %gather3A_895 : vector<16xf32>
      %gather3A_897 = tpu.vector_load_idx %arg9[%broadcast_in_dim3A_873, %get3A_100] : memref<16x1000xf32, #tpu.memory_space<vmem>>[vector<16xi32>, vector<16xi32>], vector<16xf32>,
      %add3A_898 = arith.addf %add3A_896, %gather3A_897 : vector<16xf32>
      %gather3A_899 = tpu.vector_load_idx %arg9[%broadcast_in_dim3A_873, %get3A_104] : memref<16x1000xf32, #tpu.memory_space<vmem>>[vector<16xi32>, vector<16xi32>], vector<16xf32>,
      %add3A_900 = arith.addf %add3A_898, %gather3A_899 : vector<16xf32>
      %gather3A_901 = tpu.vector_load_idx %arg9[%broadcast_in_dim3A_873, %get3A_108] : memref<16x1000xf32, #tpu.memory_space<vmem>>[vector<16xi32>, vector<16xi32>], vector<16xf32>,
      %add3A_902 = arith.addf %add3A_900, %gather3A_901 : vector<16xf32>
      %gather3A_903 = tpu.vector_load_idx %arg9[%broadcast_in_dim3A_873, %get3A_112] : memref<16x1000xf32, #tpu.memory_space<vmem>>[vector<16xi32>, vector<16xi32>], vector<16xf32>,
      %add3A_904 = arith.addf %add3A_902, %gather3A_903 : vector<16xf32>
      %gather3A_905 = tpu.vector_load_idx %arg9[%broadcast_in_dim3A_873, %get3A_116] : memref<16x1000xf32, #tpu.memory_space<vmem>>[vector<16xi32>, vector<16xi32>], vector<16xf32>,
      %add3A_906 = arith.addf %add3A_904, %gather3A_905 : vector<16xf32>
      %gather3A_907 = tpu.vector_load_idx %arg9[%broadcast_in_dim3A_873, %get3A_120] : memref<16x1000xf32, #tpu.memory_space<vmem>>[vector<16xi32>, vector<16xi32>], vector<16xf32>,
      %add3A_908 = arith.addf %add3A_906, %gather3A_907 : vector<16xf32>
      %gather3A_909 = tpu.vector_load_idx %arg9[%broadcast_in_dim3A_873, %get3A_124] : memref<16x1000xf32, #tpu.memory_space<vmem>>[vector<16xi32>, vector<16xi32>], vector<16xf32>,
      %add3A_910 = arith.addf %add3A_908, %gather3A_909 : vector<16xf32>
      %gather3A_911 = tpu.vector_load_idx %arg9[%broadcast_in_dim3A_873, %get3A_128] : memref<16x1000xf32, #tpu.memory_space<vmem>>[vector<16xi32>, vector<16xi32>], vector<16xf32>,
      %add3A_912 = arith.addf %add3A_910, %gather3A_911 : vector<16xf32>
      %mul3A_913 = arith.mulf %add3A_912, %div3A : vector<16xf32>
      %swap3A_914 = arith.constant 14 : i32
      %swap3A_915 = arith.index_cast %swap3A_914 : i32 to index
      %swap3A_916 = arith.index_cast %multiple_of3A : i32 to index
      %swap3A_917 = tpu.vector_load %arg11[%swap3A_915, %swap3A_916] {strides = array<i32>} : memref<20x512xf32, #tpu.memory_space<vmem>>, vector<16xf32>,
      tpu.vector_store %arg11[%swap3A_915, %swap3A_916], %mul3A_913 {strides = array<i32>} : memref<20x512xf32, #tpu.memory_space<vmem>>, vector<16xf32>,
      %broadcast_in_dim3A_918 = arith.constant 15 : i32
      %broadcast_in_dim3A_919 = vector.broadcast %broadcast_in_dim3A_918 : i32 to vector<16xi32>
      %gather3A_920 = tpu.vector_load_idx %arg9[%broadcast_in_dim3A_919, %get3A_52] : memref<16x1000xf32, #tpu.memory_space<vmem>>[vector<16xi32>, vector<16xi32>], vector<16xf32>,
      %gather3A_921 = tpu.vector_load_idx %arg9[%broadcast_in_dim3A_919, %get3A_56] : memref<16x1000xf32, #tpu.memory_space<vmem>>[vector<16xi32>, vector<16xi32>], vector<16xf32>,
      %add3A_922 = arith.addf %gather3A_920, %gather3A_921 : vector<16xf32>
      %gather3A_923 = tpu.vector_load_idx %arg9[%broadcast_in_dim3A_919, %get3A_60] : memref<16x1000xf32, #tpu.memory_space<vmem>>[vector<16xi32>, vector<16xi32>], vector<16xf32>,
      %add3A_924 = arith.addf %add3A_922, %gather3A_923 : vector<16xf32>
      %gather3A_925 = tpu.vector_load_idx %arg9[%broadcast_in_dim3A_919, %get3A_64] : memref<16x1000xf32, #tpu.memory_space<vmem>>[vector<16xi32>, vector<16xi32>], vector<16xf32>,
      %add3A_926 = arith.addf %add3A_924, %gather3A_925 : vector<16xf32>
      %gather3A_927 = tpu.vector_load_idx %arg9[%broadcast_in_dim3A_919, %get3A_68] : memref<16x1000xf32, #tpu.memory_space<vmem>>[vector<16xi32>, vector<16xi32>], vector<16xf32>,
      %add3A_928 = arith.addf %add3A_926, %gather3A_927 : vector<16xf32>
      %gather3A_929 = tpu.vector_load_idx %arg9[%broadcast_in_dim3A_919, %get3A_72] : memref<16x1000xf32, #tpu.memory_space<vmem>>[vector<16xi32>, vector<16xi32>], vector<16xf32>,
      %add3A_930 = arith.addf %add3A_928, %gather3A_929 : vector<16xf32>
      %gather3A_931 = tpu.vector_load_idx %arg9[%broadcast_in_dim3A_919, %get3A_76] : memref<16x1000xf32, #tpu.memory_space<vmem>>[vector<16xi32>, vector<16xi32>], vector<16xf32>,
      %add3A_932 = arith.addf %add3A_930, %gather3A_931 : vector<16xf32>
      %gather3A_933 = tpu.vector_load_idx %arg9[%broadcast_in_dim3A_919, %get3A_80] : memref<16x1000xf32, #tpu.memory_space<vmem>>[vector<16xi32>, vector<16xi32>], vector<16xf32>,
      %add3A_934 = arith.addf %add3A_932, %gather3A_933 : vector<16xf32>
      %gather3A_935 = tpu.vector_load_idx %arg9[%broadcast_in_dim3A_919, %get3A_84] : memref<16x1000xf32, #tpu.memory_space<vmem>>[vector<16xi32>, vector<16xi32>], vector<16xf32>,
      %add3A_936 = arith.addf %add3A_934, %gather3A_935 : vector<16xf32>
      %gather3A_937 = tpu.vector_load_idx %arg9[%broadcast_in_dim3A_919, %get3A_88] : memref<16x1000xf32, #tpu.memory_space<vmem>>[vector<16xi32>, vector<16xi32>], vector<16xf32>,
      %add3A_938 = arith.addf %add3A_936, %gather3A_937 : vector<16xf32>
      %gather3A_939 = tpu.vector_load_idx %arg9[%broadcast_in_dim3A_919, %get3A_92] : memref<16x1000xf32, #tpu.memory_space<vmem>>[vector<16xi32>, vector<16xi32>], vector<16xf32>,
      %add3A_940 = arith.addf %add3A_938, %gather3A_939 : vector<16xf32>
      %gather3A_941 = tpu.vector_load_idx %arg9[%broadcast_in_dim3A_919, %get3A_96] : memref<16x1000xf32, #tpu.memory_space<vmem>>[vector<16xi32>, vector<16xi32>], vector<16xf32>,
      %add3A_942 = arith.addf %add3A_940, %gather3A_941 : vector<16xf32>
      %gather3A_943 = tpu.vector_load_idx %arg9[%broadcast_in_dim3A_919, %get3A_100] : memref<16x1000xf32, #tpu.memory_space<vmem>>[vector<16xi32>, vector<16xi32>], vector<16xf32>,
      %add3A_944 = arith.addf %add3A_942, %gather3A_943 : vector<16xf32>
      %gather3A_945 = tpu.vector_load_idx %arg9[%broadcast_in_dim3A_919, %get3A_104] : memref<16x1000xf32, #tpu.memory_space<vmem>>[vector<16xi32>, vector<16xi32>], vector<16xf32>,
      %add3A_946 = arith.addf %add3A_944, %gather3A_945 : vector<16xf32>
      %gather3A_947 = tpu.vector_load_idx %arg9[%broadcast_in_dim3A_919, %get3A_108] : memref<16x1000xf32, #tpu.memory_space<vmem>>[vector<16xi32>, vector<16xi32>], vector<16xf32>,
      %add3A_948 = arith.addf %add3A_946, %gather3A_947 : vector<16xf32>
      %gather3A_949 = tpu.vector_load_idx %arg9[%broadcast_in_dim3A_919, %get3A_112] : memref<16x1000xf32, #tpu.memory_space<vmem>>[vector<16xi32>, vector<16xi32>], vector<16xf32>,
      %add3A_950 = arith.addf %add3A_948, %gather3A_949 : vector<16xf32>
      %gather3A_951 = tpu.vector_load_idx %arg9[%broadcast_in_dim3A_919, %get3A_116] : memref<16x1000xf32, #tpu.memory_space<vmem>>[vector<16xi32>, vector<16xi32>], vector<16xf32>,
      %add3A_952 = arith.addf %add3A_950, %gather3A_951 : vector<16xf32>
      %gather3A_953 = tpu.vector_load_idx %arg9[%broadcast_in_dim3A_919, %get3A_120] : memref<16x1000xf32, #tpu.memory_space<vmem>>[vector<16xi32>, vector<16xi32>], vector<16xf32>,
      %add3A_954 = arith.addf %add3A_952, %gather3A_953 : vector<16xf32>
      %gather3A_955 = tpu.vector_load_idx %arg9[%broadcast_in_dim3A_919, %get3A_124] : memref<16x1000xf32, #tpu.memory_space<vmem>>[vector<16xi32>, vector<16xi32>], vector<16xf32>,
      %add3A_956 = arith.addf %add3A_954, %gather3A_955 : vector<16xf32>
      %gather3A_957 = tpu.vector_load_idx %arg9[%broadcast_in_dim3A_919, %get3A_128] : memref<16x1000xf32, #tpu.memory_space<vmem>>[vector<16xi32>, vector<16xi32>], vector<16xf32>,
      %add3A_958 = arith.addf %add3A_956, %gather3A_957 : vector<16xf32>
      %mul3A_959 = arith.mulf %add3A_958, %div3A : vector<16xf32>
      %swap3A_960 = arith.constant 15 : i32
      %swap3A_961 = arith.index_cast %swap3A_960 : i32 to index
      %swap3A_962 = arith.index_cast %multiple_of3A : i32 to index
      %swap3A_963 = tpu.vector_load %arg11[%swap3A_961, %swap3A_962] {strides = array<i32>} : memref<20x512xf32, #tpu.memory_space<vmem>>, vector<16xf32>,
      tpu.vector_store %arg11[%swap3A_961, %swap3A_962], %mul3A_959 {strides = array<i32>} : memref<20x512xf32, #tpu.memory_space<vmem>>, vector<16xf32>,
      %get3A_964 = arith.index_cast %multiple_of3A : i32 to index
      %get3A_965 = tpu.vector_load %arg7[%get3A_964] {strides = array<i32>} : memref<512xi32, #tpu.memory_space<vmem>>, vector<16xi32>,
      %broadcast_in_dim3A_966 = arith.constant 0 : i32
      %broadcast_in_dim3A_967 = vector.broadcast %broadcast_in_dim3A_966 : i32 to vector<16xi32>
      %gather3A_968 = tpu.vector_load_idx %arg10[%broadcast_in_dim3A_967, %get3A_965] : memref<4x16xf32, #tpu.memory_space<vmem>>[vector<16xi32>, vector<16xi32>], vector<16xf32>,
      %swap3A_969 = arith.constant 16 : i32
      %swap3A_970 = arith.index_cast %swap3A_969 : i32 to index
      %swap3A_971 = arith.index_cast %multiple_of3A : i32 to index
      %swap3A_972 = tpu.vector_load %arg11[%swap3A_970, %swap3A_971] {strides = array<i32>} : memref<20x512xf32, #tpu.memory_space<vmem>>, vector<16xf32>,
      tpu.vector_store %arg11[%swap3A_970, %swap3A_971], %gather3A_968 {strides = array<i32>} : memref<20x512xf32, #tpu.memory_space<vmem>>, vector<16xf32>,
      %broadcast_in_dim3A_973 = arith.constant 1 : i32
      %broadcast_in_dim3A_974 = vector.broadcast %broadcast_in_dim3A_973 : i32 to vector<16xi32>
      %gather3A_975 = tpu.vector_load_idx %arg10[%broadcast_in_dim3A_974, %get3A_965] : memref<4x16xf32, #tpu.memory_space<vmem>>[vector<16xi32>, vector<16xi32>], vector<16xf32>,
      %swap3A_976 = arith.constant 17 : i32
      %swap3A_977 = arith.index_cast %swap3A_976 : i32 to index
      %swap3A_978 = arith.index_cast %multiple_of3A : i32 to index
      %swap3A_979 = tpu.vector_load %arg11[%swap3A_977, %swap3A_978] {strides = array<i32>} : memref<20x512xf32, #tpu.memory_space<vmem>>, vector<16xf32>,
      tpu.vector_store %arg11[%swap3A_977, %swap3A_978], %gather3A_975 {strides = array<i32>} : memref<20x512xf32, #tpu.memory_space<vmem>>, vector<16xf32>,
      %broadcast_in_dim3A_980 = arith.constant 2 : i32
      %broadcast_in_dim3A_981 = vector.broadcast %broadcast_in_dim3A_980 : i32 to vector<16xi32>
      %gather3A_982 = tpu.vector_load_idx %arg10[%broadcast_in_dim3A_981, %get3A_965] : memref<4x16xf32, #tpu.memory_space<vmem>>[vector<16xi32>, vector<16xi32>], vector<16xf32>,
      %swap3A_983 = arith.constant 18 : i32
      %swap3A_984 = arith.index_cast %swap3A_983 : i32 to index
      %swap3A_985 = arith.index_cast %multiple_of3A : i32 to index
      %swap3A_986 = tpu.vector_load %arg11[%swap3A_984, %swap3A_985] {strides = array<i32>} : memref<20x512xf32, #tpu.memory_space<vmem>>, vector<16xf32>,
      tpu.vector_store %arg11[%swap3A_984, %swap3A_985], %gather3A_982 {strides = array<i32>} : memref<20x512xf32, #tpu.memory_space<vmem>>, vector<16xf32>,
      %broadcast_in_dim3A_987 = arith.constant 3 : i32
      %broadcast_in_dim3A_988 = vector.broadcast %broadcast_in_dim3A_987 : i32 to vector<16xi32>
      %gather3A_989 = tpu.vector_load_idx %arg10[%broadcast_in_dim3A_988, %get3A_965] : memref<4x16xf32, #tpu.memory_space<vmem>>[vector<16xi32>, vector<16xi32>], vector<16xf32>,
      %swap3A_990 = arith.constant 19 : i32
      %swap3A_991 = arith.index_cast %swap3A_990 : i32 to index
      %swap3A_992 = arith.index_cast %multiple_of3A : i32 to index
      %swap3A_993 = tpu.vector_load %arg11[%swap3A_991, %swap3A_992] {strides = array<i32>} : memref<20x512xf32, #tpu.memory_space<vmem>>, vector<16xf32>,
      tpu.vector_store %arg11[%swap3A_991, %swap3A_992], %gather3A_989 {strides = array<i32>} : memref<20x512xf32, #tpu.memory_space<vmem>>, vector<16xf32>,
    }
    %scan3A_46 = arith.constant 32 : i32
    "tpu.region"() ({
      %run_scoped3A_47 = tpu.sem_alloc : memref<!tpu.dma_semaphore, #tpu.memory_space<semaphore_mem>>
      %dma_start3A = arith.constant 0 : i32
      %dma_start3A_48 = tpu.memref_slice %arg6[%dma_start3A, %mul3A_2] : memref<20x16384xf32, #tpu.memory_space<hbm>> -> memref<20x512xf32, #tpu.memory_space<hbm>>
      %dma_start3A_49 = arith.constant 0 : i32
      %dma_start3A_50 = tpu.memref_slice %arg6[%dma_start3A_49, %mul3A_2] : memref<20x16384xf32, #tpu.memory_space<hbm>> -> memref<20x512xf32, #tpu.memory_space<hbm>>
      tpu.enqueue_dma source(%arg11 : memref<20x512xf32, #tpu.memory_space<vmem>>) target(%dma_start3A_50 : memref<20x512xf32, #tpu.memory_space<hbm>>) target_semaphore(%run_scoped3A_47 : memref<!tpu.dma_semaphore, #tpu.memory_space<semaphore_mem>>)
      %dma_wait3A = arith.constant 0 : i32
      %dma_wait3A_51 = tpu.memref_slice %arg6[%dma_wait3A, %mul3A_2] : memref<20x16384xf32, #tpu.memory_space<hbm>> -> memref<20x512xf32, #tpu.memory_space<hbm>>
      %dma_wait3A_52 = arith.constant 0 : i32
      %dma_wait3A_53 = tpu.memref_slice %arg6[%dma_wait3A_52, %mul3A_2] : memref<20x16384xf32, #tpu.memory_space<hbm>> -> memref<20x512xf32, #tpu.memory_space<hbm>>
      tpu.wait_dma2 semaphore(%run_scoped3A_47 : memref<!tpu.dma_semaphore, #tpu.memory_space<semaphore_mem>>) src(%arg11 : memref<20x512xf32, #tpu.memory_space<vmem>>) dst(%dma_wait3A_53 : memref<20x512xf32, #tpu.memory_space<hbm>>)
      tpu.yield
    }) : () -> ()
    return
  }
}

#map = affine_map<(d0, d1) -> (0)>
#map1 = affine_map<(d0, d1) -> (0, 0)>
module attributes {stable_mosaic.version = 14 : i64} {
  func.func @_sc_emb_body(%arg0: i32, %arg1: i32, %arg2: memref<16384xi32, #tpu.memory_space<hbm>>, %arg3: memref<1000000x128xf32, #tpu.memory_space<hbm>>, %arg4: memref<16384x128xf32, #tpu.memory_space<hbm>>, %arg5: memref<128xi32, #tpu.memory_space<vmem>>, %arg6: memref<128xi32, #tpu.memory_space<vmem>>, %arg7: memref<128xi32, #tpu.memory_space<vmem>>, %arg8: memref<128xi32, #tpu.memory_space<vmem>>, %arg9: memref<128x128xf32, #tpu.memory_space<vmem>>, %arg10: memref<128x128xf32, #tpu.memory_space<vmem>>, %arg11: memref<128x128xf32, #tpu.memory_space<vmem>>, %arg12: memref<128x128xf32, #tpu.memory_space<vmem>>, %arg13: memref<!tpu.dma_semaphore, #tpu.memory_space<semaphore_mem>>) attributes {dimension_semantics = [#tpu.dimension_semantics<core_parallel>, #tpu.dimension_semantics<subcore_parallel>], iteration_bounds = array<i64: 2, 16>, scalar_prefetch = 0 : i64, scratch_operands = 9 : i64, tpu.core_type = #tpu.core_type<sc_vector_subcore>, window_params = [{transform_indices = #map}, {transform_indices = #map1}, {transform_indices = #map1}]} {
    %mul3A = arith.constant 2 : i32
    %mul3A_0 = arith.muli %arg1, %mul3A : i32
    %add3A = arith.addi %mul3A_0, %arg0 : i32
    %mul3A_1 = arith.constant 512 : i32
    %mul3A_2 = arith.muli %add3A, %mul3A_1 : i32
    %add3A_3 = arith.constant 0 : i32
    %add3A_4 = arith.addi %mul3A_2, %add3A_3 : i32
    "tpu.region"() ({
      %run_scoped3A = tpu.sem_alloc : memref<!tpu.dma_semaphore, #tpu.memory_space<semaphore_mem>>
      %dma_start3A_41 = tpu.memref_slice %arg2[%add3A_4] : memref<16384xi32, #tpu.memory_space<hbm>> -> memref<128xi32, #tpu.memory_space<hbm>>
      %dma_start3A_42 = tpu.memref_slice %arg2[%add3A_4] : memref<16384xi32, #tpu.memory_space<hbm>> -> memref<128xi32, #tpu.memory_space<hbm>>
      tpu.enqueue_dma source(%dma_start3A_42 : memref<128xi32, #tpu.memory_space<hbm>>) target(%arg5 : memref<128xi32, #tpu.memory_space<vmem>>) target_semaphore(%run_scoped3A : memref<!tpu.dma_semaphore, #tpu.memory_space<semaphore_mem>>)
      %dma_wait3A_43 = tpu.memref_slice %arg2[%add3A_4] : memref<16384xi32, #tpu.memory_space<hbm>> -> memref<128xi32, #tpu.memory_space<hbm>>
      %dma_wait3A_44 = tpu.memref_slice %arg2[%add3A_4] : memref<16384xi32, #tpu.memory_space<hbm>> -> memref<128xi32, #tpu.memory_space<hbm>>
      tpu.wait_dma2 semaphore(%run_scoped3A : memref<!tpu.dma_semaphore, #tpu.memory_space<semaphore_mem>>) src(%dma_wait3A_44 : memref<128xi32, #tpu.memory_space<hbm>>) dst(%arg5 : memref<128xi32, #tpu.memory_space<vmem>>)
      tpu.yield
    }) : () -> ()
    %add3A_5 = arith.constant 128 : i32
    %add3A_6 = arith.addi %mul3A_2, %add3A_5 : i32
    "tpu.region"() ({
      %run_scoped3A = tpu.sem_alloc : memref<!tpu.dma_semaphore, #tpu.memory_space<semaphore_mem>>
      %dma_start3A_41 = tpu.memref_slice %arg2[%add3A_6] : memref<16384xi32, #tpu.memory_space<hbm>> -> memref<128xi32, #tpu.memory_space<hbm>>
      %dma_start3A_42 = tpu.memref_slice %arg2[%add3A_6] : memref<16384xi32, #tpu.memory_space<hbm>> -> memref<128xi32, #tpu.memory_space<hbm>>
      tpu.enqueue_dma source(%dma_start3A_42 : memref<128xi32, #tpu.memory_space<hbm>>) target(%arg6 : memref<128xi32, #tpu.memory_space<vmem>>) target_semaphore(%run_scoped3A : memref<!tpu.dma_semaphore, #tpu.memory_space<semaphore_mem>>)
      %dma_wait3A_43 = tpu.memref_slice %arg2[%add3A_6] : memref<16384xi32, #tpu.memory_space<hbm>> -> memref<128xi32, #tpu.memory_space<hbm>>
      %dma_wait3A_44 = tpu.memref_slice %arg2[%add3A_6] : memref<16384xi32, #tpu.memory_space<hbm>> -> memref<128xi32, #tpu.memory_space<hbm>>
      tpu.wait_dma2 semaphore(%run_scoped3A : memref<!tpu.dma_semaphore, #tpu.memory_space<semaphore_mem>>) src(%dma_wait3A_44 : memref<128xi32, #tpu.memory_space<hbm>>) dst(%arg6 : memref<128xi32, #tpu.memory_space<vmem>>)
      tpu.yield
    }) : () -> ()
    %add3A_7 = arith.constant 256 : i32
    %add3A_8 = arith.addi %mul3A_2, %add3A_7 : i32
    "tpu.region"() ({
      %run_scoped3A = tpu.sem_alloc : memref<!tpu.dma_semaphore, #tpu.memory_space<semaphore_mem>>
      %dma_start3A_41 = tpu.memref_slice %arg2[%add3A_8] : memref<16384xi32, #tpu.memory_space<hbm>> -> memref<128xi32, #tpu.memory_space<hbm>>
      %dma_start3A_42 = tpu.memref_slice %arg2[%add3A_8] : memref<16384xi32, #tpu.memory_space<hbm>> -> memref<128xi32, #tpu.memory_space<hbm>>
      tpu.enqueue_dma source(%dma_start3A_42 : memref<128xi32, #tpu.memory_space<hbm>>) target(%arg7 : memref<128xi32, #tpu.memory_space<vmem>>) target_semaphore(%run_scoped3A : memref<!tpu.dma_semaphore, #tpu.memory_space<semaphore_mem>>)
      %dma_wait3A_43 = tpu.memref_slice %arg2[%add3A_8] : memref<16384xi32, #tpu.memory_space<hbm>> -> memref<128xi32, #tpu.memory_space<hbm>>
      %dma_wait3A_44 = tpu.memref_slice %arg2[%add3A_8] : memref<16384xi32, #tpu.memory_space<hbm>> -> memref<128xi32, #tpu.memory_space<hbm>>
      tpu.wait_dma2 semaphore(%run_scoped3A : memref<!tpu.dma_semaphore, #tpu.memory_space<semaphore_mem>>) src(%dma_wait3A_44 : memref<128xi32, #tpu.memory_space<hbm>>) dst(%arg7 : memref<128xi32, #tpu.memory_space<vmem>>)
      tpu.yield
    }) : () -> ()
    %add3A_9 = arith.constant 384 : i32
    %add3A_10 = arith.addi %mul3A_2, %add3A_9 : i32
    "tpu.region"() ({
      %run_scoped3A = tpu.sem_alloc : memref<!tpu.dma_semaphore, #tpu.memory_space<semaphore_mem>>
      %dma_start3A_41 = tpu.memref_slice %arg2[%add3A_10] : memref<16384xi32, #tpu.memory_space<hbm>> -> memref<128xi32, #tpu.memory_space<hbm>>
      %dma_start3A_42 = tpu.memref_slice %arg2[%add3A_10] : memref<16384xi32, #tpu.memory_space<hbm>> -> memref<128xi32, #tpu.memory_space<hbm>>
      tpu.enqueue_dma source(%dma_start3A_42 : memref<128xi32, #tpu.memory_space<hbm>>) target(%arg8 : memref<128xi32, #tpu.memory_space<vmem>>) target_semaphore(%run_scoped3A : memref<!tpu.dma_semaphore, #tpu.memory_space<semaphore_mem>>)
      %dma_wait3A_43 = tpu.memref_slice %arg2[%add3A_10] : memref<16384xi32, #tpu.memory_space<hbm>> -> memref<128xi32, #tpu.memory_space<hbm>>
      %dma_wait3A_44 = tpu.memref_slice %arg2[%add3A_10] : memref<16384xi32, #tpu.memory_space<hbm>> -> memref<128xi32, #tpu.memory_space<hbm>>
      tpu.wait_dma2 semaphore(%run_scoped3A : memref<!tpu.dma_semaphore, #tpu.memory_space<semaphore_mem>>) src(%dma_wait3A_44 : memref<128xi32, #tpu.memory_space<hbm>>) dst(%arg8 : memref<128xi32, #tpu.memory_space<vmem>>)
      tpu.yield
    }) : () -> ()
    %dma_start3A = arith.constant 0 : i32
    %dma_start3A_11 = arith.constant 0 : i32
    %dma_start3A_12 = tpu.memref_slice %arg3[%dma_start3A, %dma_start3A_11] : memref<1000000x128xf32, #tpu.memory_space<hbm>> -> memref<1000000x128xf32, #tpu.memory_space<hbm>>
    tpu.enqueue_indirect_dma source(%dma_start3A_12 : memref<1000000x128xf32, #tpu.memory_space<hbm>>) target(%arg9 : memref<128x128xf32, #tpu.memory_space<vmem>>) offsets(%arg5 : memref<128xi32, #tpu.memory_space<vmem>>) semaphore(%arg13 : memref<!tpu.dma_semaphore, #tpu.memory_space<semaphore_mem>>)
    %dma_start3A_13 = arith.constant 0 : i32
    %dma_start3A_14 = arith.constant 0 : i32
    %dma_start3A_15 = tpu.memref_slice %arg3[%dma_start3A_13, %dma_start3A_14] : memref<1000000x128xf32, #tpu.memory_space<hbm>> -> memref<1000000x128xf32, #tpu.memory_space<hbm>>
    tpu.enqueue_indirect_dma source(%dma_start3A_15 : memref<1000000x128xf32, #tpu.memory_space<hbm>>) target(%arg10 : memref<128x128xf32, #tpu.memory_space<vmem>>) offsets(%arg6 : memref<128xi32, #tpu.memory_space<vmem>>) semaphore(%arg13 : memref<!tpu.dma_semaphore, #tpu.memory_space<semaphore_mem>>)
    %dma_start3A_16 = arith.constant 0 : i32
    %dma_start3A_17 = arith.constant 0 : i32
    %dma_start3A_18 = tpu.memref_slice %arg3[%dma_start3A_16, %dma_start3A_17] : memref<1000000x128xf32, #tpu.memory_space<hbm>> -> memref<1000000x128xf32, #tpu.memory_space<hbm>>
    tpu.enqueue_indirect_dma source(%dma_start3A_18 : memref<1000000x128xf32, #tpu.memory_space<hbm>>) target(%arg11 : memref<128x128xf32, #tpu.memory_space<vmem>>) offsets(%arg7 : memref<128xi32, #tpu.memory_space<vmem>>) semaphore(%arg13 : memref<!tpu.dma_semaphore, #tpu.memory_space<semaphore_mem>>)
    %dma_start3A_19 = arith.constant 0 : i32
    %dma_start3A_20 = arith.constant 0 : i32
    %dma_start3A_21 = tpu.memref_slice %arg3[%dma_start3A_19, %dma_start3A_20] : memref<1000000x128xf32, #tpu.memory_space<hbm>> -> memref<1000000x128xf32, #tpu.memory_space<hbm>>
    tpu.enqueue_indirect_dma source(%dma_start3A_21 : memref<1000000x128xf32, #tpu.memory_space<hbm>>) target(%arg12 : memref<128x128xf32, #tpu.memory_space<vmem>>) offsets(%arg8 : memref<128xi32, #tpu.memory_space<vmem>>) semaphore(%arg13 : memref<!tpu.dma_semaphore, #tpu.memory_space<semaphore_mem>>)
    %dma_wait3A = arith.constant 0 : i32
    %dma_wait3A_22 = arith.constant 0 : i32
    %dma_wait3A_23 = tpu.memref_slice %arg3[%dma_wait3A, %dma_wait3A_22] : memref<1000000x128xf32, #tpu.memory_space<hbm>> -> memref<1000000x128xf32, #tpu.memory_space<hbm>>
    tpu.wait_indirect_dma semaphore(%arg13 : memref<!tpu.dma_semaphore, #tpu.memory_space<semaphore_mem>>) src(%dma_wait3A_23 : memref<1000000x128xf32, #tpu.memory_space<hbm>>) dst(%arg9 : memref<128x128xf32, #tpu.memory_space<vmem>>)
    %add3A_24 = arith.constant 0 : i32
    %add3A_25 = arith.addi %mul3A_2, %add3A_24 : i32
    "tpu.region"() ({
      %run_scoped3A = tpu.sem_alloc : memref<!tpu.dma_semaphore, #tpu.memory_space<semaphore_mem>>
      %dma_start3A_41 = arith.constant 0 : i32
      %dma_start3A_42 = tpu.memref_slice %arg4[%add3A_25, %dma_start3A_41] : memref<16384x128xf32, #tpu.memory_space<hbm>> -> memref<128x128xf32, #tpu.memory_space<hbm>>
      %dma_start3A_43 = arith.constant 0 : i32
      %dma_start3A_44 = tpu.memref_slice %arg4[%add3A_25, %dma_start3A_43] : memref<16384x128xf32, #tpu.memory_space<hbm>> -> memref<128x128xf32, #tpu.memory_space<hbm>>
      tpu.enqueue_dma source(%arg9 : memref<128x128xf32, #tpu.memory_space<vmem>>) target(%dma_start3A_44 : memref<128x128xf32, #tpu.memory_space<hbm>>) target_semaphore(%run_scoped3A : memref<!tpu.dma_semaphore, #tpu.memory_space<semaphore_mem>>)
      %dma_wait3A_45 = arith.constant 0 : i32
      %dma_wait3A_46 = tpu.memref_slice %arg4[%add3A_25, %dma_wait3A_45] : memref<16384x128xf32, #tpu.memory_space<hbm>> -> memref<128x128xf32, #tpu.memory_space<hbm>>
      %dma_wait3A_47 = arith.constant 0 : i32
      %dma_wait3A_48 = tpu.memref_slice %arg4[%add3A_25, %dma_wait3A_47] : memref<16384x128xf32, #tpu.memory_space<hbm>> -> memref<128x128xf32, #tpu.memory_space<hbm>>
      tpu.wait_dma2 semaphore(%run_scoped3A : memref<!tpu.dma_semaphore, #tpu.memory_space<semaphore_mem>>) src(%arg9 : memref<128x128xf32, #tpu.memory_space<vmem>>) dst(%dma_wait3A_48 : memref<128x128xf32, #tpu.memory_space<hbm>>)
      tpu.yield
    }) : () -> ()
    %dma_wait3A_26 = arith.constant 0 : i32
    %dma_wait3A_27 = arith.constant 0 : i32
    %dma_wait3A_28 = tpu.memref_slice %arg3[%dma_wait3A_26, %dma_wait3A_27] : memref<1000000x128xf32, #tpu.memory_space<hbm>> -> memref<1000000x128xf32, #tpu.memory_space<hbm>>
    tpu.wait_indirect_dma semaphore(%arg13 : memref<!tpu.dma_semaphore, #tpu.memory_space<semaphore_mem>>) src(%dma_wait3A_28 : memref<1000000x128xf32, #tpu.memory_space<hbm>>) dst(%arg10 : memref<128x128xf32, #tpu.memory_space<vmem>>)
    %add3A_29 = arith.constant 128 : i32
    %add3A_30 = arith.addi %mul3A_2, %add3A_29 : i32
    "tpu.region"() ({
      %run_scoped3A = tpu.sem_alloc : memref<!tpu.dma_semaphore, #tpu.memory_space<semaphore_mem>>
      %dma_start3A_41 = arith.constant 0 : i32
      %dma_start3A_42 = tpu.memref_slice %arg4[%add3A_30, %dma_start3A_41] : memref<16384x128xf32, #tpu.memory_space<hbm>> -> memref<128x128xf32, #tpu.memory_space<hbm>>
      %dma_start3A_43 = arith.constant 0 : i32
      %dma_start3A_44 = tpu.memref_slice %arg4[%add3A_30, %dma_start3A_43] : memref<16384x128xf32, #tpu.memory_space<hbm>> -> memref<128x128xf32, #tpu.memory_space<hbm>>
      tpu.enqueue_dma source(%arg10 : memref<128x128xf32, #tpu.memory_space<vmem>>) target(%dma_start3A_44 : memref<128x128xf32, #tpu.memory_space<hbm>>) target_semaphore(%run_scoped3A : memref<!tpu.dma_semaphore, #tpu.memory_space<semaphore_mem>>)
      %dma_wait3A_45 = arith.constant 0 : i32
      %dma_wait3A_46 = tpu.memref_slice %arg4[%add3A_30, %dma_wait3A_45] : memref<16384x128xf32, #tpu.memory_space<hbm>> -> memref<128x128xf32, #tpu.memory_space<hbm>>
      %dma_wait3A_47 = arith.constant 0 : i32
      %dma_wait3A_48 = tpu.memref_slice %arg4[%add3A_30, %dma_wait3A_47] : memref<16384x128xf32, #tpu.memory_space<hbm>> -> memref<128x128xf32, #tpu.memory_space<hbm>>
      tpu.wait_dma2 semaphore(%run_scoped3A : memref<!tpu.dma_semaphore, #tpu.memory_space<semaphore_mem>>) src(%arg10 : memref<128x128xf32, #tpu.memory_space<vmem>>) dst(%dma_wait3A_48 : memref<128x128xf32, #tpu.memory_space<hbm>>)
      tpu.yield
    }) : () -> ()
    %dma_wait3A_31 = arith.constant 0 : i32
    %dma_wait3A_32 = arith.constant 0 : i32
    %dma_wait3A_33 = tpu.memref_slice %arg3[%dma_wait3A_31, %dma_wait3A_32] : memref<1000000x128xf32, #tpu.memory_space<hbm>> -> memref<1000000x128xf32, #tpu.memory_space<hbm>>
    tpu.wait_indirect_dma semaphore(%arg13 : memref<!tpu.dma_semaphore, #tpu.memory_space<semaphore_mem>>) src(%dma_wait3A_33 : memref<1000000x128xf32, #tpu.memory_space<hbm>>) dst(%arg11 : memref<128x128xf32, #tpu.memory_space<vmem>>)
    %add3A_34 = arith.constant 256 : i32
    %add3A_35 = arith.addi %mul3A_2, %add3A_34 : i32
    "tpu.region"() ({
      %run_scoped3A = tpu.sem_alloc : memref<!tpu.dma_semaphore, #tpu.memory_space<semaphore_mem>>
      %dma_start3A_41 = arith.constant 0 : i32
      %dma_start3A_42 = tpu.memref_slice %arg4[%add3A_35, %dma_start3A_41] : memref<16384x128xf32, #tpu.memory_space<hbm>> -> memref<128x128xf32, #tpu.memory_space<hbm>>
      %dma_start3A_43 = arith.constant 0 : i32
      %dma_start3A_44 = tpu.memref_slice %arg4[%add3A_35, %dma_start3A_43] : memref<16384x128xf32, #tpu.memory_space<hbm>> -> memref<128x128xf32, #tpu.memory_space<hbm>>
      tpu.enqueue_dma source(%arg11 : memref<128x128xf32, #tpu.memory_space<vmem>>) target(%dma_start3A_44 : memref<128x128xf32, #tpu.memory_space<hbm>>) target_semaphore(%run_scoped3A : memref<!tpu.dma_semaphore, #tpu.memory_space<semaphore_mem>>)
      %dma_wait3A_45 = arith.constant 0 : i32
      %dma_wait3A_46 = tpu.memref_slice %arg4[%add3A_35, %dma_wait3A_45] : memref<16384x128xf32, #tpu.memory_space<hbm>> -> memref<128x128xf32, #tpu.memory_space<hbm>>
      %dma_wait3A_47 = arith.constant 0 : i32
      %dma_wait3A_48 = tpu.memref_slice %arg4[%add3A_35, %dma_wait3A_47] : memref<16384x128xf32, #tpu.memory_space<hbm>> -> memref<128x128xf32, #tpu.memory_space<hbm>>
      tpu.wait_dma2 semaphore(%run_scoped3A : memref<!tpu.dma_semaphore, #tpu.memory_space<semaphore_mem>>) src(%arg11 : memref<128x128xf32, #tpu.memory_space<vmem>>) dst(%dma_wait3A_48 : memref<128x128xf32, #tpu.memory_space<hbm>>)
      tpu.yield
    }) : () -> ()
    %dma_wait3A_36 = arith.constant 0 : i32
    %dma_wait3A_37 = arith.constant 0 : i32
    %dma_wait3A_38 = tpu.memref_slice %arg3[%dma_wait3A_36, %dma_wait3A_37] : memref<1000000x128xf32, #tpu.memory_space<hbm>> -> memref<1000000x128xf32, #tpu.memory_space<hbm>>
    tpu.wait_indirect_dma semaphore(%arg13 : memref<!tpu.dma_semaphore, #tpu.memory_space<semaphore_mem>>) src(%dma_wait3A_38 : memref<1000000x128xf32, #tpu.memory_space<hbm>>) dst(%arg12 : memref<128x128xf32, #tpu.memory_space<vmem>>)
    %add3A_39 = arith.constant 384 : i32
    %add3A_40 = arith.addi %mul3A_2, %add3A_39 : i32
    "tpu.region"() ({
      %run_scoped3A = tpu.sem_alloc : memref<!tpu.dma_semaphore, #tpu.memory_space<semaphore_mem>>
      %dma_start3A_41 = arith.constant 0 : i32
      %dma_start3A_42 = tpu.memref_slice %arg4[%add3A_40, %dma_start3A_41] : memref<16384x128xf32, #tpu.memory_space<hbm>> -> memref<128x128xf32, #tpu.memory_space<hbm>>
      %dma_start3A_43 = arith.constant 0 : i32
      %dma_start3A_44 = tpu.memref_slice %arg4[%add3A_40, %dma_start3A_43] : memref<16384x128xf32, #tpu.memory_space<hbm>> -> memref<128x128xf32, #tpu.memory_space<hbm>>
      tpu.enqueue_dma source(%arg12 : memref<128x128xf32, #tpu.memory_space<vmem>>) target(%dma_start3A_44 : memref<128x128xf32, #tpu.memory_space<hbm>>) target_semaphore(%run_scoped3A : memref<!tpu.dma_semaphore, #tpu.memory_space<semaphore_mem>>)
      %dma_wait3A_45 = arith.constant 0 : i32
      %dma_wait3A_46 = tpu.memref_slice %arg4[%add3A_40, %dma_wait3A_45] : memref<16384x128xf32, #tpu.memory_space<hbm>> -> memref<128x128xf32, #tpu.memory_space<hbm>>
      %dma_wait3A_47 = arith.constant 0 : i32
      %dma_wait3A_48 = tpu.memref_slice %arg4[%add3A_40, %dma_wait3A_47] : memref<16384x128xf32, #tpu.memory_space<hbm>> -> memref<128x128xf32, #tpu.memory_space<hbm>>
      tpu.wait_dma2 semaphore(%run_scoped3A : memref<!tpu.dma_semaphore, #tpu.memory_space<semaphore_mem>>) src(%arg12 : memref<128x128xf32, #tpu.memory_space<vmem>>) dst(%dma_wait3A_48 : memref<128x128xf32, #tpu.memory_space<hbm>>)
      tpu.yield
    }) : () -> ()
    return
  }
}

module attributes {stable_mosaic.version = 14 : i64} {
  func.func @_mlp_body(%arg0: i32, %arg1: memref<2048x128xf32, #tpu.memory_space<vmem>>, %arg2: memref<2048x128xf32, #tpu.memory_space<vmem>>, %arg3: memref<20x2048xf32, #tpu.memory_space<vmem>>, %arg4: memref<64x74xf32, #tpu.memory_space<vmem>>, %arg5: memref<64x74xf32, #tpu.memory_space<vmem>>, %arg6: memref<20x74xf32, #tpu.memory_space<vmem>>, %arg7: memref<1x74xf32, #tpu.memory_space<vmem>>, %arg8: memref<74x37xf32, #tpu.memory_space<vmem>>, %arg9: memref<1x37xf32, #tpu.memory_space<vmem>>, %arg10: memref<37x1xf32, #tpu.memory_space<vmem>>, %arg11: memref<1x1xf32, #tpu.memory_space<vmem>>, %arg12: memref<2048x1xf32, #tpu.memory_space<vmem>>) attributes {dimension_semantics = [#tpu.dimension_semantics<arbitrary>], iteration_bounds = array<i64: 8>, scalar_prefetch = 0 : i64, scratch_operands = 0 : i64, tpu.core_type = #tpu.core_type<tc>, window_params = [{transform_indices = @transform_0, window_bounds = array<i64: 2048, 128>}, {transform_indices = @transform_1, window_bounds = array<i64: 2048, 128>}, {transform_indices = @transform_2, window_bounds = array<i64: 20, 2048>}, {pipeline_mode = #tpu.pipeline_mode<synchronous>, transform_indices = @transform_3, window_bounds = array<i64: 64, 74>}, {pipeline_mode = #tpu.pipeline_mode<synchronous>, transform_indices = @transform_4, window_bounds = array<i64: 64, 74>}, {pipeline_mode = #tpu.pipeline_mode<synchronous>, transform_indices = @transform_5, window_bounds = array<i64: 20, 74>}, {pipeline_mode = #tpu.pipeline_mode<synchronous>, transform_indices = @transform_6, window_bounds = array<i64: 1, 74>}, {pipeline_mode = #tpu.pipeline_mode<synchronous>, transform_indices = @transform_7, window_bounds = array<i64: 74, 37>}, {pipeline_mode = #tpu.pipeline_mode<synchronous>, transform_indices = @transform_8, window_bounds = array<i64: 1, 37>}, {pipeline_mode = #tpu.pipeline_mode<synchronous>, transform_indices = @transform_9, window_bounds = array<i64: 37, 1>}, {pipeline_mode = #tpu.pipeline_mode<synchronous>, transform_indices = @transform_10, window_bounds = array<i64: 1, 1>}, {transform_indices = @transform_11, window_bounds = array<i64: 2048, 1>}]} {
    %get3A = arith.constant 0 : index
    %get3A_0 = arith.constant 0 : index
    %get3A_1 = vector.load %arg1[%get3A, %get3A_0] : memref<2048x128xf32, #tpu.memory_space<vmem>>, vector<2048x64xf32>
    %get3A_2 = arith.constant 0 : index
    %get3A_3 = arith.constant 0 : index
    %get3A_4 = vector.load %arg4[%get3A_2, %get3A_3] : memref<64x74xf32, #tpu.memory_space<vmem>>, vector<64x74xf32>
    %dot_general3A = arith.constant dense<0.000000e+00> : vector<2048x74xf32>
    %dot_general3A_5 = tpu.matmul %get3A_1, %get3A_4, %dot_general3A {dimension_numbers = #tpu.dot_dimension_numbers<[1], [0], [0], [1], [0, 0, 1, 1], [], []>, transpose_lhs_hint = false} : vector<2048x64xf32>, vector<64x74xf32>, vector<2048x74xf32> -> vector<2048x74xf32>
    %get3A_6 = arith.constant 0 : index
    %get3A_7 = arith.constant 64 : index
    %get3A_8 = vector.load %arg2[%get3A_6, %get3A_7] : memref<2048x128xf32, #tpu.memory_space<vmem>>, vector<2048x64xf32>
    %get3A_9 = arith.constant 0 : index
    %get3A_10 = arith.constant 0 : index
    %get3A_11 = vector.load %arg5[%get3A_9, %get3A_10] : memref<64x74xf32, #tpu.memory_space<vmem>>, vector<64x74xf32>
    %dot_general3A_12 = arith.constant dense<0.000000e+00> : vector<2048x74xf32>
    %dot_general3A_13 = tpu.matmul %get3A_8, %get3A_11, %dot_general3A_12 {dimension_numbers = #tpu.dot_dimension_numbers<[1], [0], [0], [1], [0, 0, 1, 1], [], []>, transpose_lhs_hint = false} : vector<2048x64xf32>, vector<64x74xf32>, vector<2048x74xf32> -> vector<2048x74xf32>
    %add3A = arith.addf %dot_general3A_5, %dot_general3A_13 : vector<2048x74xf32>
    %get3A_14 = arith.constant 0 : index
    %get3A_15 = arith.constant 0 : index
    %get3A_16 = vector.load %arg3[%get3A_14, %get3A_15] : memref<20x2048xf32, #tpu.memory_space<vmem>>, vector<20x2048xf32>
    %get3A_17 = arith.constant 0 : index
    %get3A_18 = arith.constant 0 : index
    %get3A_19 = vector.load %arg6[%get3A_17, %get3A_18] : memref<20x74xf32, #tpu.memory_space<vmem>>, vector<20x74xf32>
    %dot_general3A_20 = arith.constant dense<0.000000e+00> : vector<2048x74xf32>
    %dot_general3A_21 = tpu.matmul %get3A_16, %get3A_19, %dot_general3A_20 {dimension_numbers = #tpu.dot_dimension_numbers<[0], [0], [1], [1], [0, 1, 1, 1], [], []>, transpose_lhs_hint = false} : vector<20x2048xf32>, vector<20x74xf32>, vector<2048x74xf32> -> vector<2048x74xf32>
    %add3A_22 = arith.addf %add3A, %dot_general3A_21 : vector<2048x74xf32>
    %get3A_23 = arith.constant 0 : index
    %get3A_24 = arith.constant 0 : index
    %get3A_25 = vector.load %arg7[%get3A_23, %get3A_24] : memref<1x74xf32, #tpu.memory_space<vmem>>, vector<1x74xf32>
    %add3A_26 = vector.broadcast %get3A_25 : vector<1x74xf32> to vector<2048x74xf32>
    %add3A_27 = arith.addf %add3A_22, %add3A_26 : vector<2048x74xf32>
    %max3A = arith.constant 0.000000e+00 : f32
    %max3A_28 = vector.broadcast %max3A : f32 to vector<2048x74xf32>
    %max3A_29 = arith.maximumf %add3A_27, %max3A_28 : vector<2048x74xf32>
    %get3A_30 = arith.constant 0 : index
    %get3A_31 = arith.constant 0 : index
    %get3A_32 = vector.load %arg8[%get3A_30, %get3A_31] : memref<74x37xf32, #tpu.memory_space<vmem>>, vector<74x37xf32>
    %dot_general3A_33 = arith.constant dense<0.000000e+00> : vector<2048x37xf32>
    %dot_general3A_34 = tpu.matmul %max3A_29, %get3A_32, %dot_general3A_33 {dimension_numbers = #tpu.dot_dimension_numbers<[1], [0], [0], [1], [0, 0, 1, 1], [], []>, transpose_lhs_hint = false} : vector<2048x74xf32>, vector<74x37xf32>, vector<2048x37xf32> -> vector<2048x37xf32>
    %get3A_35 = arith.constant 0 : index
    %get3A_36 = arith.constant 0 : index
    %get3A_37 = vector.load %arg9[%get3A_35, %get3A_36] : memref<1x37xf32, #tpu.memory_space<vmem>>, vector<1x37xf32>
    %add3A_38 = vector.broadcast %get3A_37 : vector<1x37xf32> to vector<2048x37xf32>
    %add3A_39 = arith.addf %dot_general3A_34, %add3A_38 : vector<2048x37xf32>
    %max3A_40 = arith.constant 0.000000e+00 : f32
    %max3A_41 = vector.broadcast %max3A_40 : f32 to vector<2048x37xf32>
    %max3A_42 = arith.maximumf %add3A_39, %max3A_41 : vector<2048x37xf32>
    %get3A_43 = arith.constant 0 : index
    %get3A_44 = arith.constant 0 : index
    %get3A_45 = vector.load %arg10[%get3A_43, %get3A_44] : memref<37x1xf32, #tpu.memory_space<vmem>>, vector<37x1xf32>
    %dot_general3A_46 = arith.constant dense<0.000000e+00> : vector<2048x1xf32>
    %dot_general3A_47 = tpu.matmul %max3A_42, %get3A_45, %dot_general3A_46 {dimension_numbers = #tpu.dot_dimension_numbers<[1], [0], [0], [1], [0, 0, 1, 1], [], []>, transpose_lhs_hint = false} : vector<2048x37xf32>, vector<37x1xf32>, vector<2048x1xf32> -> vector<2048x1xf32>
    %get3A_48 = arith.constant 0 : index
    %get3A_49 = arith.constant 0 : index
    %get3A_50 = vector.load %arg11[%get3A_48, %get3A_49] : memref<1x1xf32, #tpu.memory_space<vmem>>, vector<1x1xf32>
    %add3A_51 = vector.broadcast %get3A_50 : vector<1x1xf32> to vector<2048x1xf32>
    %add3A_52 = arith.addf %dot_general3A_47, %add3A_51 : vector<2048x1xf32>
    %max3A_53 = arith.constant 0.000000e+00 : f32
    %max3A_54 = vector.broadcast %max3A_53 : f32 to vector<2048x1xf32>
    %max3A_55 = arith.maximumf %add3A_52, %max3A_54 : vector<2048x1xf32>
    %swap3A = arith.constant 0 : index
    %swap3A_56 = arith.constant 0 : index
    %swap3A_57 = vector.load %arg12[%swap3A, %swap3A_56] : memref<2048x1xf32, #tpu.memory_space<vmem>>, vector<2048x1xf32>
    tpu.vector_store %arg12[%swap3A, %swap3A_56], %max3A_55 {strides = array<i32>} : memref<2048x1xf32, #tpu.memory_space<vmem>>, vector<2048x1xf32>,
    return
  }
  func.func @transform_0(%arg0: i32) -> (i32, i32) {
    %c0_i32 = arith.constant 0 : i32
    %c0_i32_0 = arith.constant 0 : i32
    return %arg0, %c0_i32 : i32, i32
  }
  func.func @transform_1(%arg0: i32) -> (i32, i32) {
    %c0_i32 = arith.constant 0 : i32
    %c0_i32_0 = arith.constant 0 : i32
    return %arg0, %c0_i32 : i32, i32
  }
  func.func @transform_2(%arg0: i32) -> (i32, i32) {
    %c0_i32 = arith.constant 0 : i32
    %c0_i32_0 = arith.constant 0 : i32
    return %c0_i32, %arg0 : i32, i32
  }
  func.func @transform_3(%arg0: i32) -> (i32, i32) {
    %c0_i32 = arith.constant 0 : i32
    %c0_i32_0 = arith.constant 0 : i32
    %c0_i32_1 = arith.constant 0 : i32
    return %c0_i32, %c0_i32_0 : i32, i32
  }
  func.func @transform_4(%arg0: i32) -> (i32, i32) {
    %c0_i32 = arith.constant 0 : i32
    %c0_i32_0 = arith.constant 0 : i32
    %c0_i32_1 = arith.constant 0 : i32
    return %c0_i32, %c0_i32_0 : i32, i32
  }
  func.func @transform_5(%arg0: i32) -> (i32, i32) {
    %c0_i32 = arith.constant 0 : i32
    %c0_i32_0 = arith.constant 0 : i32
    %c0_i32_1 = arith.constant 0 : i32
    return %c0_i32, %c0_i32_0 : i32, i32
  }
  func.func @transform_6(%arg0: i32) -> (i32, i32) {
    %c0_i32 = arith.constant 0 : i32
    %c0_i32_0 = arith.constant 0 : i32
    %c0_i32_1 = arith.constant 0 : i32
    return %c0_i32, %c0_i32_0 : i32, i32
  }
  func.func @transform_7(%arg0: i32) -> (i32, i32) {
    %c0_i32 = arith.constant 0 : i32
    %c0_i32_0 = arith.constant 0 : i32
    %c0_i32_1 = arith.constant 0 : i32
    return %c0_i32, %c0_i32_0 : i32, i32
  }
  func.func @transform_8(%arg0: i32) -> (i32, i32) {
    %c0_i32 = arith.constant 0 : i32
    %c0_i32_0 = arith.constant 0 : i32
    %c0_i32_1 = arith.constant 0 : i32
    return %c0_i32, %c0_i32_0 : i32, i32
  }
  func.func @transform_9(%arg0: i32) -> (i32, i32) {
    %c0_i32 = arith.constant 0 : i32
    %c0_i32_0 = arith.constant 0 : i32
    %c0_i32_1 = arith.constant 0 : i32
    return %c0_i32, %c0_i32_0 : i32, i32
  }
  func.func @transform_10(%arg0: i32) -> (i32, i32) {
    %c0_i32 = arith.constant 0 : i32
    %c0_i32_0 = arith.constant 0 : i32
    %c0_i32_1 = arith.constant 0 : i32
    return %c0_i32, %c0_i32_0 : i32, i32
  }
  func.func @transform_11(%arg0: i32) -> (i32, i32) {
    %c0_i32 = arith.constant 0 : i32
    %c0_i32_0 = arith.constant 0 : i32
    return %arg0, %c0_i32 : i32, i32
  }
}

</mosaic_0001>

<sc_bundles>
// kernel: kernel.12.cloned.1.call-start
scs
__scs_entry_jumppad:
0x0: {  	(pc) =	sbr.rel $0x88, $3  }
0x1: {  	(tag) =	ssettag $0x0;
	lr =	simm.s32 $0x1  }
0x2: {  	[smem:$0x3F93] =	sst lr;
	_ =	strace $0xD0000000  }
0x3: {  	_ = 	snop  }
0x4: {  	_ = 	snop  }
0x5: {  	_ = 	snop  }
0x6: {  	_ = 	snop  }
0x7: {  	_ = 	snop  }
__scs_overlays_trampoline_lowered:
0x8: {  	[smem:$0x3FA2] =	sst s0  }
0x9: {  	[smem:$0x3FA3] =	sst s1  }
0xa: {  	[smem:$0x3FA4] =	sst s2  }
0xb: {  	[smem:$0x3FA5] =	sst s3  }
0xc: {  	[smem:$0x3FA6] =	sst s4  }
0xd: {  	[smem:$0x3FA7] =	sst s5  }
0xe: {  	[smem:$0x3FA8] =	sst s6  }
0xf: {  	[smem:$0x3FA9] =	sst s7  }
0x10: {  	[smem:$0x3FAA] =	sst s8  }
0x11: {  	[smem:$0x3FAB] =	sst s9;
	s0 =	simm.s32 @!p0 $0x0  }
0x12: {  	s1 =	sld [smem:$0x3F91];
	s0 =	simm.s32 @p0 $0x1  }
0x13: {  	[smem:$0x3FAC] =	sst s0;
	s0 =	simm.s32 @!p1 $0x0  }
0x14: {  	s2 =	sld [smem:$0x3F90];
	s0 =	simm.s32 @p1 $0x1  }
0x15: {  	[smem:$0x3FAD] =	sst s0;
	s0 =	simm.s32 @!p2 $0x0  }
0x16: {  	s3 =	sld [smem:$0x3FDB];
	s0 =	simm.s32 @p2 $0x1  }
0x17: {  	s4 =	simm.s32 $0x1BF5;
	[smem:$0x3FAF] =	sst s0  }
0x18: {  	s0 =	sld [smem:$0x3F92];
	_ =	swait.ge [sflag:s4], $0x0  }
0x19: {  	s7 =	sld [smem:$0x3F93]  }
0x1a: {  	s8 =	sadd.s32 $0xFFFFE003, lr  }
0x1b: {  	s9 =	sadd.s32 $0xFFFFFEF7, lr;
	s5 =	simm.s32 $0xFFFFFFFF;
	p2 =	slt.u32 s8, $0xFFFFF086  }
0x1c: {  	p1 =	slt.u32 s9, $0xF7A;
	s5 =	simm.s32 @!p2 $0x0  }
0x1d: {  	s5 =	simm.s32 @p1 $0x1;
	p0 =	seq.s32 s7, s2  }
0x1e: {  	s7 =	smul.u32 @!p0 $0xF7A, s2;
	p2 =	seq.s32 @!p0 s5, $0x0  }
0x1f: {  	s9 =	smul.u32 $0xF7A, s1;
	s8 =	simm.s32 @!p0 $0x1BF5;
	p2 =	por !p2, p0  }
0x20: {  	[sflag:s8] =	ssyncset.s32 @!p0 $0xFFFFF086;
	s6 =	sadd.s32 @!p0 s3, s7;
	s7 =	simm.s32 @!p0 $0x108  }
0x21: {  	s3 =	sadd.s32 s3, s9;
	s6 =	sadd.s32 @!p0 $0x88, s6;
	s7 =	simm.s32 @p2 $0x1082  }
0x22: {  	[simem:s7], [sflag:s8] =	dma.local @!p0 [hbm:s6], $0xF7A  }
0x23: {  	s9 =	sor.u32 $0xD0000000, s2;
	s6 =	simm.s32 $0x108;
	_ =	swait.ge @!p0 [sflag:s8], $0x0  }
0x24: {  	s3 =	sadd.s32 $0x88, s3;
	s6 =	simm.s32 @!p1 $0x1082;
	[sflag:s4] =	ssyncset.s32 $0xFFFFF086  }
0x25: {  	[simem:s6], [sflag:s4] =	dma.local [hbm:s3], $0xF7A  }
0x26: {  	[smem:$0x3F93] =	sst s1;
	(tag) =	ssettag s2;
	_ =	strace s9  }
0x27: {  	s1 =	sld [smem:$0x3FA3]  }
0x28: {  	s2 =	sld [smem:$0x3FA4]  }
0x29: {  	s4 =	sld [smem:$0x3FA6]  }
0x2a: {  	p0 =	seq.s32 s5, $0x0;
	s5 =	sld [smem:$0x3FA7]  }
0x2b: {  	s6 =	sld [smem:$0x3FA8]  }
0x2c: {  	s7 =	sld [smem:$0x3FA9]  }
0x2d: {  	s3 =	simm.s32 $0x108;
	s8 =	sld [smem:$0x3FAA]  }
0x2e: {  	s3 =	simm.s32 @!p0 $0x1082;
	s9 =	sld [smem:$0x3FAB]  }
0x2f: {  	lr =	sadd.s32 s0, s3;
	s0 =	sld [smem:$0x3FA2]  }
0x30: {  	s3 =	sld [smem:$0x3FA5]  }
0x31: {  	[smem:$0x3FAE] =	sst s10  }
0x32: {  	s10 =	sld [smem:$0x3FAC];
	_ =	sdelay $0x3  }
0x33: {  	p0 =	seq.s32 s10, $0x1;
	s10 =	sld [smem:$0x3FAE];
	_ =	sdelay $0x3  }
0x34: {  	[smem:$0x3FAE] =	sst s10  }
0x35: {  	s10 =	sld [smem:$0x3FAD];
	_ =	sdelay $0x3  }
0x36: {  	p1 =	seq.s32 s10, $0x1;
	s10 =	sld [smem:$0x3FAE];
	_ =	sdelay $0x3  }
0x37: {  	[smem:$0x3FAE] =	sst s10  }
0x38: {  	s10 =	sld [smem:$0x3FAF]  }
0x39: {  	_ = 	snop;
	(pc) =	sbr.ind lr, $3  }
0x3a: {  	_ = 	snop  }
0x3b: {  	_ = 	snop  }
0x3c: {  	p2 =	seq.s32 s10, $0x1;
	s10 =	sld [smem:$0x3FAE]  }
0x3d: {  	_ =	shalt  }
0x3e: {  	_ =	shalt  }
0x3f: {  	_ =	shalt  }
0x40: {  	_ =	shalt  }
0x41: {  	_ =	shalt  }
0x42: {  	_ =	shalt  }
0x43: {  	_ =	shalt  }
0x44: {  	_ =	shalt  }
0x45: {  	_ =	shalt  }
0x46: {  	_ =	shalt  }
0x47: {  	_ =	shalt  }
0x48: {  	_ =	shalt  }
0x49: {  	_ =	shalt  }
0x4a: {  	_ =	shalt  }
0x4b: {  	_ =	shalt  }
0x4c: {  	_ =	shalt  }
0x4d: {  	_ =	shalt  }
0x4e: {  	_ =	shalt  }
0x4f: {  	_ =	shalt  }
0x50: {  	_ =	shalt  }
0x51: {  	_ =	shalt  }
0x52: {  	_ =	shalt  }
0x53: {  	_ =	shalt  }
0x54: {  	_ =	shalt  }
0x55: {  	_ =	shalt  }
0x56: {  	_ =	shalt  }
0x57: {  	_ =	shalt  }
0x58: {  	_ =	shalt  }
0x59: {  	_ =	shalt  }
0x5a: {  	_ =	shalt  }
0x5b: {  	_ =	shalt  }
0x5c: {  	_ =	shalt  }
0x5d: {  	_ =	shalt  }
0x5e: {  	_ =	shalt  }
0x5f: {  	_ =	shalt  }
0x60: {  	_ =	shalt  }
0x61: {  	_ =	shalt  }
0x62: {  	_ =	shalt  }
0x63: {  	_ =	shalt  }
0x64: {  	_ =	shalt  }
0x65: {  	_ =	shalt  }
0x66: {  	_ =	shalt  }
0x67: {  	_ =	shalt  }
0x68: {  	_ =	shalt  }
0x69: {  	_ =	shalt  }
0x6a: {  	_ =	shalt  }
0x6b: {  	_ =	shalt  }
0x6c: {  	_ =	shalt  }
0x6d: {  	_ =	shalt  }
0x6e: {  	_ =	shalt  }
0x6f: {  	_ =	shalt  }
0x70: {  	_ =	shalt  }
0x71: {  	_ =	shalt  }
0x72: {  	_ =	shalt  }
0x73: {  	_ =	shalt  }
0x74: {  	_ =	shalt  }
0x75: {  	_ =	shalt  }
0x76: {  	_ =	shalt  }
0x77: {  	_ =	shalt  }
0x78: {  	_ =	shalt  }
0x79: {  	_ =	shalt  }
0x7a: {  	_ =	shalt  }
0x7b: {  	_ =	shalt  }
0x7c: {  	_ =	shalt  }
0x7d: {  	_ =	shalt  }
0x7e: {  	_ =	shalt  }
0x7f: {  	_ =	shalt  }
0x80: {  	_ =	shalt  }
0x81: {  	_ =	shalt  }
0x82: {  	_ =	shalt  }
0x83: {  	_ =	shalt  }
0x84: {  	_ =	shalt  }
0x85: {  	_ =	shalt  }
0x86: {  	_ =	shalt  }
0x87: {  	_ =	shalt  }
.Lfunc_end0:
.L_simem_size_0:
called_computation.2_lowered:
.L_overlay_start_0:
0x88: {  	s2 =	sld [smem:$0x3FD9]  }
0x89: {  	s3 =	sld [smem:$0x3FFE];
	_ =	sdelay $0x1  }
0x8a: {  	s1 =	srdreg.scid  }
0x8b: {  	s0 =	sand.u32 $0x1, s1  }
0x8c: {  	s17 =	sshll.u32 s0, $0xA;
	s2 =	sadd.s32 s3, s2  }
0x8d: {  	s2 =	sadd.s32 s2, s17  }
0x8e: {  	[smem:$0x3FBA] =	sst s2  }
0x8f: {  	_ = 	snop  }
0x90: {  	s18 =	sld [smem:$0x3FC9];
	(tm) =	ssettm $0x1  }
0x91: {  	s19 =	sld [smem:$0x3FFB];
	_ =	sdelay $0x3  }
0x92: {  	_ =	strace s19  }
0x93: {  	s2 =	sld [smem:$0x3FFC];
	_ =	sdelay $0x3  }
0x94: {  	_ =	strace s2  }
0x95: {  	s2 =	sld [smem:$0x3FFD];
	_ =	sdelay $0x3  }
0x96: {  	_ =	strace s2  }
0x97: {  	_ =	strace $0x8FFFFFFF  }
0x98: {  	s20 =	sld [smem:$0x3FDB];
	_ =	sdelay $0x1  }
0x99: {  	s4 =	simm.s32 $_scs_section_size  }
0x9a: {  	s5 =	simm.s32 $_size__tile_overlayer_lowered;
	s6 =	simm.s32 $_tile_overlayer_lowered  }
0x9b: {  	s7 =	simm.s32 $0x1BFF;
	s21 =	sshll.u32 s6, $0x1;
	s4 =	sadd.s32 s4, s20  }
0x9c: {  	s22 =	simm.s32 $0x0;
	s5 =	sshll.u32 s5, $0x1;
	s6 =	sadd.s32 s21, s4  }
0x9d: {  	[timem:s22], [sflag:s7] =	dma.local [hbm:s6], s5  }
0x9e: {  	_ =	swait.ge [sflag:s7], s5  }
0x9f: {  	s5 =	ssub.s32 $0x0, s5;
	[sflag:s7] =	ssyncset.done $0x0  }
0xa0: {  	[sflag:s7] =	ssyncadd.s32 s5;
	_ =	sdelay $0x1  }
0xa1: {  	s23 =	simm.s32 $0x1B8B  }
0xa2: {  	_ =	swait.ge [sflag:s23], $0x1  }
0xa3: {  	[sflag:s23] =	ssyncset.done $0x0  }
0xa4: {  	[sflag:s23] =	ssyncadd.s32 $0xFFFFFFFF  }
0xa5: {  	s5 =	sld [smem:$0x0]  }
0xa6: {  	s6 =	sand.u32 $0xFFFFFFFE, s1  }
0xa7: {  	p0 =	sne.s32 s1, s6  }
0xa8: {  	s6 =	sshll.u32 @p0 s6, $0xE  }
0xa9: {  	s6 =	sadd.s32 @p0 $0x11B8D, s6;
	s7 =	sshll.u32 @p0 s5, $0x11  }
0xaa: {  	s6 =	sor.u32 @p0 s7, s6  }
0xab: {  	[sflag:s6] =	ssyncadd.remote.s32 @p0 $0x1;
	_ =	sdelay $0x1  }
0xac: {  	s6 =	simm.s32 @p0 $0x1B8D  }
0xad: {  	_ =	swait.eq @p0 [sflag:s6], $0x1  }
0xae: {  	[sflag:s6] =	ssyncadd.s32 @p0 $0xFFFFFFFF  }
0xaf: {  	s7 =	sshll.u32 @!p0 s1, $0xE  }
0xb0: {  	s7 =	sor.u32 @!p0 $0x4000, s7;
	s6 =	simm.s32 @!p0 $0x1B8D  }
0xb1: {  	s5 =	sshll.u32 @!p0 s5, $0x11;
	s7 =	sadd.s32 @!p0 $0x11B8D, s7;
	_ =	swait.eq @!p0 [sflag:s6], $0x1  }
0xb2: {  	s5 =	sor.u32 @!p0 s5, s7;
	[sflag:s6] =	ssyncadd.s32 @!p0 $0xFFFFFFFF  }
0xb3: {  	s25 =	simm.s32 $0x1B8E;
	s24 =	sld [smem:$0x3FFE];
	[sflag:s5] =	ssyncadd.remote.s32 @!p0 $0x1  }
0xb4: {  	s26 =	simm.s32 $execute0_lowered;
	[smem:$0x3FD2] =	sst s25  }
0xb5: {  	s6 =	sshll.u32 s26, $0x1;
	_ =	strace $0x80000049;
	[dreg:$0x1] =	wrdreg $0xFFFFFFFF  }
0xb6: {  	s28 =	simm.s32 $_size_execute0_lowered;
	s4 =	sadd.s32 s4, s6;
	[dreg:$0x0] =	wrdreg $0x0  }
0xb7: {  	s6 =	sshll.u32 s28, $0x1;
	[dreg:$0x2] =	wrdreg s4  }
0xb8: {  	[dreg:$0x3] =	wrdreg s6  }
0xb9: {  	[dreg:$0x4] =	wrdreg $0xC0  }
0xba: {  	_ =	task [dreg:s22], $0x5FFFF  }
0xbb: {  	[dreg:$0x1] =	wrdreg $0xFFFFFFFF  }
0xbc: {  	[dreg:$0x0] =	wrdreg $0x60  }
0xbd: {  	[dreg:$0x2] =	wrdreg s18  }
0xbe: {  	[dreg:$0x3] =	wrdreg s24  }
0xbf: {  	[dreg:$0x4] =	wrdreg $0xB  }
0xc0: {  	_ =	task.clear_ibuf [dreg:s22], $0x5FFFF;
	_ =	strace $0x90000049  }
0xc1: {  	s29 =	simm.s32 $0xB;
	_ =	strace $0x8000004B  }
0xc2: {  	_ =	swait.ge [sflag:s29], $0x1  }
0xc3: {  	[sflag:s29] =	ssyncadd.s32 $0xFFFFFFFF  }
0xc4: {  	_ =	strace $0x9000004B  }
0xc5: {  	_ =	sfence  }
0xc6: {  	s30 =	sld [smem:$0x0];
	_ =	sdelay $0x2  }
0xc7: {  	s31 =	sshll.u32 s1, $0xD;
	s1 =	sshrl.u32 s1, $0x2  }
0xc8: {  	s4 =	sand.u32 $0x4000, s31;
	s1 =	sadd.s32 s1, s30  }
0xc9: {  	s0 =	sor.u32 s4, s0;
	s1 =	sshll.u32 s1, $0x11  }
0xca: {  	s0 =	sor.u32 s1, s0  }
0xcb: {  	s0 =	sadd.s32 $0x8F2B, s0  }
0xcc: {  	[sflag:s0] =	ssyncadd.remote.s32 $0x1  }
0xcd: {  	_ =	sfence.sel $0xFFFF  }
0xce: {  	[dreg:$0x0] =	wrdreg $0xFFFFFFFF;
	(pc) =	sbr.abs _section_cstart, $3  }
0xcf: {  	[dreg:$0x1] =	wrdreg $0xFFFFFFFF  }
0xd0: {  	_ =	task.clear_ibuf [dreg:s22], $0x2FFFF;
	_ =	strace $0x9FFFFFFF  }
0xd1: {  	(tm) =	ssettm $0x7FFFFFFF  }
tec
execute0_lowered:
.L_overlay_start_1:
0x0: {  	(tag) =	ssettag $0x1  }
0x1: {  	s1 =	srdreg.scid  }
0x2: {  	s9 =	rddreg [dreg:$0x0];
	s0 =	stileid.u32;
	s20 =	sand.u32 $0x1, s1  }
0x3: {  	s17 =	rddreg [dreg:$0x1];
	s3 =	sshll.u32 s0, $0xA;
	s4 =	sshll.u32 s20, $0x9  }
0x4: {  	s2 =	simm.s32 $0x0;
	s1 =	rddreg [dreg:$0x2];
	s18 =	sor.u32 s4, s3  }
0x5: {  	[smem:$0x7FF] =	sst s2;
	s3 =	sshrl.u32 s18, $0x3  }
0x6: {  	_ =	strace $0x8000004A;
	s4 =	sadd.s32 s9, s3;
	s3 =	simm.s32 $0x2  }
0x7: {  	[tilespmem:s2], [sflag:$0x2] =	stream.linear.gather [hbm4b:s4+s2], $0x80, $0x38;
	[tilespmem:$0x10200] =	vst v63  }
0x8: {  	s19 =	sor.u32 $0x80, s18;
	_ =	swait.ge [sflag:s3], $0x80  }
0x9: {  	s5 =	sshrl.u32 s19, $0x3;
	[sflag:s3] =	ssyncset.done $0x0  }
0xa: {  	s6 =	simm.s32 $0x80;
	s5 =	sadd.s32 s9, s5;
	[sflag:s3] =	ssyncadd.s32 $0xFFFFFF80  }
0xb: {  	[tilespmem:s6], [sflag:$0x2] =	stream.linear.gather [hbm4b:s5+s2], $0x80, $0x38;
	[tilespmem:$0x10200] =	vst v63  }
0xc: {  	s21 =	sor.u32 $0x100, s18;
	_ =	swait.ge [sflag:s3], $0x80  }
0xd: {  	s7 =	sshrl.u32 s21, $0x3;
	[sflag:s3] =	ssyncset.done $0x0  }
0xe: {  	s8 =	simm.s32 $0x100;
	s7 =	sadd.s32 s9, s7;
	[sflag:s3] =	ssyncadd.s32 $0xFFFFFF80  }
0xf: {  	[tilespmem:s8], [sflag:$0x2] =	stream.linear.gather [hbm4b:s7+s2], $0x80, $0x38;
	[tilespmem:$0x10200] =	vst v63  }
0x10: {  	s22 =	sor.u32 $0x180, s18;
	_ =	swait.ge [sflag:s3], $0x80  }
0x11: {  	s10 =	sshrl.u32 s22, $0x3;
	[sflag:s3] =	ssyncset.done $0x0  }
0x12: {  	s9 =	sadd.s32 s9, s10;
	s10 =	simm.s32 $0x180;
	[sflag:s3] =	ssyncadd.s32 $0xFFFFFF80  }
0x13: {  	[tilespmem:s10], [sflag:$0x2] =	stream.linear.gather [hbm4b:s9+s2], $0x80, $0x38;
	[tilespmem:$0x10200] =	vst v63  }
0x14: {  	_ =	swait.ge [sflag:s3], $0x80  }
0x15: {  	[sflag:s3] =	ssyncset.done $0x0  }
0x16: {  	s12 =	simm.s32 $0x200;
	s11 =	sadd.s32 $0xF58000, s17;
	[sflag:s3] =	ssyncadd.s32 $0xFFFFFF80  }
0x17: {  	[tilespmem:s12], [sflag:$0x1] =	stream.indirect.gather [hbm4b:s11+s6], $0x80, s2, s6, $0xb8;
	[tilespmem:$0x10200] =	vst v63  }
0x18: {  	s13 =	simm.s32 $0x4200  }
0x19: {  	[tilespmem:s13], [sflag:$0x1] =	stream.indirect.gather [hbm4b:s11+s6], $0x80, s6, s6, $0xb8;
	[tilespmem:$0x10200] =	vst v63  }
0x1a: {  	s14 =	simm.s32 $0x8200  }
0x1b: {  	[tilespmem:s14], [sflag:$0x1] =	stream.indirect.gather [hbm4b:s11+s6], $0x80, s8, s6, $0xb8;
	[tilespmem:$0x10200] =	vst v63  }
0x1c: {  	s15 =	simm.s32 $0xC200;
	s16 =	simm.s32 $0x1  }
0x1d: {  	[tilespmem:s15], [sflag:$0x1] =	stream.indirect.gather [hbm4b:s11+s6], $0x80, s10, s6, $0xb8;
	[tilespmem:$0x10200] =	vst v63  }
0x1e: {  	_ =	swait.ge [sflag:s16], $0x4000  }
0x1f: {  	s23 =	sadd.s32 $0x15C00, s17;
	s26 =	sshll.u32 s18, $0x4;
	[sflag:s16] =	ssyncset.done $0x0  }
0x20: {  	s17 =	sadd.s32 s23, s26;
	[sflag:s16] =	ssyncadd.s32 $0xFFFFC000  }
0x21: {  	[hbm4b:s17+s2] =	stream.linear.scatter [tilespmem:s12], [sflag:$0x2], $0x4000, $0x38;
	[tilespmem:$0x10200] =	vst v63  }
0x22: {  	_ =	swait.ge [sflag:s3], $0x4000  }
0x23: {  	[sflag:s3] =	ssyncset.done $0x0  }
0x24: {  	[sflag:s3] =	ssyncadd.s32 $0xFFFFC000  }
0x25: {  	_ =	swait.ge [sflag:s16], $0x4000  }
0x26: {  	s28 =	sshll.u32 s19, $0x4;
	[sflag:s16] =	ssyncset.done $0x0  }
0x27: {  	s18 =	sadd.s32 s23, s28;
	[sflag:s16] =	ssyncadd.s32 $0xFFFFC000  }
0x28: {  	[hbm4b:s18+s2] =	stream.linear.scatter [tilespmem:s13], [sflag:$0x2], $0x4000, $0x38;
	[tilespmem:$0x10200] =	vst v63  }
0x29: {  	_ =	swait.ge [sflag:s3], $0x4000  }
0x2a: {  	[sflag:s3] =	ssyncset.done $0x0  }
0x2b: {  	[sflag:s3] =	ssyncadd.s32 $0xFFFFC000  }
0x2c: {  	_ =	swait.ge [sflag:s16], $0x4000  }
0x2d: {  	s29 =	sshll.u32 s21, $0x4;
	[sflag:s16] =	ssyncset.done $0x0  }
0x2e: {  	s20 =	ssub.s32 $0x2, s20;
	s19 =	sadd.s32 s23, s29;
	[sflag:s16] =	ssyncadd.s32 $0xFFFFC000  }
0x2f: {  	[hbm4b:s19+s2] =	stream.linear.scatter [tilespmem:s14], [sflag:$0x2], $0x4000, $0x38;
	[tilespmem:$0x10200] =	vst v63  }
0x30: {  	s30 =	sshrl.u32 s20, $0x1;
	_ =	swait.ge [sflag:s3], $0x4000  }
0x31: {  	s21 =	ssub.s32 s20, s30;
	[sflag:s3] =	ssyncset.done $0x0  }
0x32: {  	s21 =	smax.u32 s21, $0x1;
	[sflag:s3] =	ssyncadd.s32 $0xFFFFC000  }
0x33: {  	p0 =	sne.s32 s21, $0x1;
	_ =	swait.ge [sflag:s16], $0x4000  }
.Ltmp0:
0x34: {  	s31 =	sshll.u32 s22, $0x4;
	[sflag:s16] =	ssyncset.done $0x0;
	(pc) =	sbr.rel @!p0 .LBB2_2-.Ltmp0, $4  }
0x35: {  	s20 =	sadd.s32 s23, s31;
	[sflag:s16] =	ssyncadd.s32 $0xFFFFC000  }
0x36: {  	[hbm4b:s20+s2] =	stream.linear.scatter [tilespmem:s15], [sflag:$0x2], $0x4000, $0x38;
	[tilespmem:$0x10200] =	vst v63  }
0x37: {  	_ =	swait.ge [sflag:s3], $0x4000  }
0x38: {  	s21 =	sadd.s32 $0xFFFFFFFF, s21;
	[sflag:s3] =	ssyncset.done $0x0  }
.LBB2_1:
0x39: {  	p0 =	sne.s32 s21, $0x1;
	s21 =	sadd.s32 $0xFFFFFFFF, s21;
	[sflag:s3] =	ssyncadd.s32 $0xFFFFC000  }
0x3a: {  	[tilespmem:s2], [sflag:$0x2] =	stream.linear.gather [hbm4b:s4+s2], $0x80, $0x38;
	[tilespmem:$0x10200] =	vst v63  }
0x3b: {  	_ =	swait.ge [sflag:s3], $0x80  }
0x3c: {  	[sflag:s3] =	ssyncset.done $0x0  }
0x3d: {  	[sflag:s3] =	ssyncadd.s32 $0xFFFFFF80  }
0x3e: {  	[tilespmem:s6], [sflag:$0x2] =	stream.linear.gather [hbm4b:s5+s2], $0x80, $0x38;
	[tilespmem:$0x10200] =	vst v63  }
0x3f: {  	_ =	swait.ge [sflag:s3], $0x80  }
0x40: {  	[sflag:s3] =	ssyncset.done $0x0  }
0x41: {  	[sflag:s3] =	ssyncadd.s32 $0xFFFFFF80  }
0x42: {  	[tilespmem:s8], [sflag:$0x2] =	stream.linear.gather [hbm4b:s7+s2], $0x80, $0x38;
	[tilespmem:$0x10200] =	vst v63  }
0x43: {  	_ =	swait.ge [sflag:s3], $0x80  }
0x44: {  	[sflag:s3] =	ssyncset.done $0x0  }
0x45: {  	[sflag:s3] =	ssyncadd.s32 $0xFFFFFF80  }
0x46: {  	[tilespmem:s10], [sflag:$0x2] =	stream.linear.gather [hbm4b:s9+s2], $0x80, $0x38;
	[tilespmem:$0x10200] =	vst v63  }
0x47: {  	_ =	swait.ge [sflag:s3], $0x80  }
0x48: {  	[sflag:s3] =	ssyncset.done $0x0  }
0x49: {  	[sflag:s3] =	ssyncadd.s32 $0xFFFFFF80  }
0x4a: {  	[tilespmem:s12], [sflag:$0x1] =	stream.indirect.gather [hbm4b:s11+s6], $0x80, s2, s6, $0xb8;
	[tilespmem:$0x10200] =	vst v63  }
0x4b: {  	_ = 	snop  }
0x4c: {  	[tilespmem:s13], [sflag:$0x1] =	stream.indirect.gather [hbm4b:s11+s6], $0x80, s6, s6, $0xb8;
	[tilespmem:$0x10200] =	vst v63  }
0x4d: {  	_ = 	snop  }
0x4e: {  	[tilespmem:s14], [sflag:$0x1] =	stream.indirect.gather [hbm4b:s11+s6], $0x80, s8, s6, $0xb8;
	[tilespmem:$0x10200] =	vst v63  }
0x4f: {  	_ = 	snop  }
0x50: {  	[tilespmem:s15], [sflag:$0x1] =	stream.indirect.gather [hbm4b:s11+s6], $0x80, s10, s6, $0xb8;
	[tilespmem:$0x10200] =	vst v63  }
0x51: {  	_ =	swait.ge [sflag:s16], $0x4000  }
0x52: {  	[sflag:s16] =	ssyncset.done $0x0  }
0x53: {  	[sflag:s16] =	ssyncadd.s32 $0xFFFFC000  }
0x54: {  	[hbm4b:s17+s2] =	stream.linear.scatter [tilespmem:s12], [sflag:$0x2], $0x4000, $0x38;
	[tilespmem:$0x10200] =	vst v63  }
0x55: {  	_ =	swait.ge [sflag:s3], $0x4000  }
0x56: {  	[sflag:s3] =	ssyncset.done $0x0  }
0x57: {  	[sflag:s3] =	ssyncadd.s32 $0xFFFFC000  }
0x58: {  	_ =	swait.ge [sflag:s16], $0x4000  }
0x59: {  	[sflag:s16] =	ssyncset.done $0x0  }
0x5a: {  	[sflag:s16] =	ssyncadd.s32 $0xFFFFC000  }
0x5b: {  	[hbm4b:s18+s2] =	stream.linear.scatter [tilespmem:s13], [sflag:$0x2], $0x4000, $0x38;
	[tilespmem:$0x10200] =	vst v63  }
0x5c: {  	_ =	swait.ge [sflag:s3], $0x4000  }
0x5d: {  	[sflag:s3] =	ssyncset.done $0x0  }
0x5e: {  	[sflag:s3] =	ssyncadd.s32 $0xFFFFC000  }
0x5f: {  	_ =	swait.ge [sflag:s16], $0x4000  }
0x60: {  	[sflag:s16] =	ssyncset.done $0x0  }
0x61: {  	[sflag:s16] =	ssyncadd.s32 $0xFFFFC000  }
0x62: {  	[hbm4b:s19+s2] =	stream.linear.scatter [tilespmem:s14], [sflag:$0x2], $0x4000, $0x38;
	[tilespmem:$0x10200] =	vst v63  }
0x63: {  	_ =	swait.ge [sflag:s3], $0x4000  }
0x64: {  	[sflag:s3] =	ssyncset.done $0x0  }
0x65: {  	[sflag:s3] =	ssyncadd.s32 $0xFFFFC000  }
0x66: {  	_ =	swait.ge [sflag:s16], $0x4000  }
.Ltmp1:
0x67: {  	[sflag:s16] =	ssyncset.done $0x0;
	(pc) =	sbr.rel @p0 .LBB2_1-.Ltmp1, $4  }
0x68: {  	[sflag:s16] =	ssyncadd.s32 $0xFFFFC000  }
0x69: {  	[hbm4b:s20+s2] =	stream.linear.scatter [tilespmem:s15], [sflag:$0x2], $0x4000, $0x38;
	[tilespmem:$0x10200] =	vst v63  }
0x6a: {  	_ =	swait.ge [sflag:s3], $0x4000  }
0x6b: {  	[sflag:s3] =	ssyncset.done $0x0  }
.LBB2_2:
0x6c: {  	[sflag:s3] =	ssyncadd.s32 $0xFFFFC000  }
0x6d: {  	_ =	sfence.sel $0x180000  }
0x6e: {  	[bflag:$0x0] =	sbarrier.arrive $0xFFFF  }
0x6f: {  	p0 =	sne.s32 s0, $0x0;
	_ =	strace $0x9000004A  }
0x70: {  	s0 =	sadd.s32 @!p0 $0x100000, s1;
	[bflag:$0x2] =	sbarrier.arrive $0xFFFF  }
0x71: {  	[sflag:s0] =	ssyncadd.tile.s32 @!p0 $0x1;
	_ =	shalt  }
.Lfunc_end2:
_tile_overlayer_lowered:
.L_overlay_start_2:
0x72: {  	(tag) =	ssettag $0x2  }
0x73: {  	s0 =	rddreg [dreg:$0x0];
	s2 =	stileid.u32  }
0x74: {  	s1 =	rddreg [dreg:$0x1];
	p0 =	sne.s32 s2, $0x0  }
0x75: {  	s3 =	rddreg [dreg:$0x2];
	[bflag:$0x3] =	sbarrier.arrive $0xFFFF;
	s2 =	simm.s32 @!p0 $0x1C02  }
0x76: {  	[timem:s3], [sflag:s2] =	dma.local @!p0 [hbm:s0], s1  }
0x77: {  	s0 =	simm.s32 @!p0 $0x2  }
0x78: {  	_ =	swait.ge @!p0 [sflag:s0], s1  }
0x79: {  	s1 =	ssub.s32 @!p0 $0x0, s1;
	[sflag:s0] =	ssyncset.done @!p0 $0x0  }
0x7a: {  	[sflag:s0] =	ssyncadd.s32 @!p0 s1  }
0x7b: {  	[bflag:$0x3] =	sbarrier.arrive $0xFFFF  }
0x7c: {  	_ =	shalt  }

// kernel: kernel.6.cloned.1.call-start
scs
__scs_entry_jumppad:
0x0: {  	(pc) =	sbr.rel $0x88, $3  }
0x1: {  	(tag) =	ssettag $0x0;
	lr =	simm.s32 $0x1  }
0x2: {  	[smem:$0x3F93] =	sst lr;
	_ =	strace $0xD0000000  }
0x3: {  	_ = 	snop  }
0x4: {  	_ = 	snop  }
0x5: {  	_ = 	snop  }
0x6: {  	_ = 	snop  }
0x7: {  	_ = 	snop  }
__scs_overlays_trampoline_lowered:
0x8: {  	[smem:$0x3FA2] =	sst s0  }
0x9: {  	[smem:$0x3FA3] =	sst s1  }
0xa: {  	[smem:$0x3FA4] =	sst s2  }
0xb: {  	[smem:$0x3FA5] =	sst s3  }
0xc: {  	[smem:$0x3FA6] =	sst s4  }
0xd: {  	[smem:$0x3FA7] =	sst s5  }
0xe: {  	[smem:$0x3FA8] =	sst s6  }
0xf: {  	[smem:$0x3FA9] =	sst s7  }
0x10: {  	[smem:$0x3FAA] =	sst s8  }
0x11: {  	[smem:$0x3FAB] =	sst s9;
	s0 =	simm.s32 @!p0 $0x0  }
0x12: {  	s1 =	sld [smem:$0x3F91];
	s0 =	simm.s32 @p0 $0x1  }
0x13: {  	[smem:$0x3FAC] =	sst s0;
	s0 =	simm.s32 @!p1 $0x0  }
0x14: {  	s2 =	sld [smem:$0x3F90];
	s0 =	simm.s32 @p1 $0x1  }
0x15: {  	[smem:$0x3FAD] =	sst s0;
	s0 =	simm.s32 @!p2 $0x0  }
0x16: {  	s3 =	sld [smem:$0x3FDB];
	s0 =	simm.s32 @p2 $0x1  }
0x17: {  	s4 =	simm.s32 $0x1BF5;
	[smem:$0x3FAF] =	sst s0  }
0x18: {  	s0 =	sld [smem:$0x3F92];
	_ =	swait.ge [sflag:s4], $0x0  }
0x19: {  	s7 =	sld [smem:$0x3F93]  }
0x1a: {  	s8 =	sadd.s32 $0xFFFFE003, lr  }
0x1b: {  	s9 =	sadd.s32 $0xFFFFFEF7, lr;
	s5 =	simm.s32 $0xFFFFFFFF;
	p2 =	slt.u32 s8, $0xFFFFF086  }
0x1c: {  	p1 =	slt.u32 s9, $0xF7A;
	s5 =	simm.s32 @!p2 $0x0  }
0x1d: {  	s5 =	simm.s32 @p1 $0x1;
	p0 =	seq.s32 s7, s2  }
0x1e: {  	s7 =	smul.u32 @!p0 $0xF7A, s2;
	p2 =	seq.s32 @!p0 s5, $0x0  }
0x1f: {  	s9 =	smul.u32 $0xF7A, s1;
	s8 =	simm.s32 @!p0 $0x1BF5;
	p2 =	por !p2, p0  }
0x20: {  	[sflag:s8] =	ssyncset.s32 @!p0 $0xFFFFF086;
	s6 =	sadd.s32 @!p0 s3, s7;
	s7 =	simm.s32 @!p0 $0x108  }
0x21: {  	s3 =	sadd.s32 s3, s9;
	s6 =	sadd.s32 @!p0 $0x88, s6;
	s7 =	simm.s32 @p2 $0x1082  }
0x22: {  	[simem:s7], [sflag:s8] =	dma.local @!p0 [hbm:s6], $0xF7A  }
0x23: {  	s9 =	sor.u32 $0xD0000000, s2;
	s6 =	simm.s32 $0x108;
	_ =	swait.ge @!p0 [sflag:s8], $0x0  }
0x24: {  	s3 =	sadd.s32 $0x88, s3;
	s6 =	simm.s32 @!p1 $0x1082;
	[sflag:s4] =	ssyncset.s32 $0xFFFFF086  }
0x25: {  	[simem:s6], [sflag:s4] =	dma.local [hbm:s3], $0xF7A  }
0x26: {  	[smem:$0x3F93] =	sst s1;
	(tag) =	ssettag s2;
	_ =	strace s9  }
0x27: {  	s1 =	sld [smem:$0x3FA3]  }
0x28: {  	s2 =	sld [smem:$0x3FA4]  }
0x29: {  	s4 =	sld [smem:$0x3FA6]  }
0x2a: {  	p0 =	seq.s32 s5, $0x0;
	s5 =	sld [smem:$0x3FA7]  }
0x2b: {  	s6 =	sld [smem:$0x3FA8]  }
0x2c: {  	s7 =	sld [smem:$0x3FA9]  }
0x2d: {  	s3 =	simm.s32 $0x108;
	s8 =	sld [smem:$0x3FAA]  }
0x2e: {  	s3 =	simm.s32 @!p0 $0x1082;
	s9 =	sld [smem:$0x3FAB]  }
0x2f: {  	lr =	sadd.s32 s0, s3;
	s0 =	sld [smem:$0x3FA2]  }
0x30: {  	s3 =	sld [smem:$0x3FA5]  }
0x31: {  	[smem:$0x3FAE] =	sst s10  }
0x32: {  	s10 =	sld [smem:$0x3FAC];
	_ =	sdelay $0x3  }
0x33: {  	p0 =	seq.s32 s10, $0x1;
	s10 =	sld [smem:$0x3FAE];
	_ =	sdelay $0x3  }
0x34: {  	[smem:$0x3FAE] =	sst s10  }
0x35: {  	s10 =	sld [smem:$0x3FAD];
	_ =	sdelay $0x3  }
0x36: {  	p1 =	seq.s32 s10, $0x1;
	s10 =	sld [smem:$0x3FAE];
	_ =	sdelay $0x3  }
0x37: {  	[smem:$0x3FAE] =	sst s10  }
0x38: {  	s10 =	sld [smem:$0x3FAF]  }
0x39: {  	_ = 	snop;
	(pc) =	sbr.ind lr, $3  }
0x3a: {  	_ = 	snop  }
0x3b: {  	_ = 	snop  }
0x3c: {  	p2 =	seq.s32 s10, $0x1;
	s10 =	sld [smem:$0x3FAE]  }
0x3d: {  	_ =	shalt  }
0x3e: {  	_ =	shalt  }
0x3f: {  	_ =	shalt  }
0x40: {  	_ =	shalt  }
0x41: {  	_ =	shalt  }
0x42: {  	_ =	shalt  }
0x43: {  	_ =	shalt  }
0x44: {  	_ =	shalt  }
0x45: {  	_ =	shalt  }
0x46: {  	_ =	shalt  }
0x47: {  	_ =	shalt  }
0x48: {  	_ =	shalt  }
0x49: {  	_ =	shalt  }
0x4a: {  	_ =	shalt  }
0x4b: {  	_ =	shalt  }
0x4c: {  	_ =	shalt  }
0x4d: {  	_ =	shalt  }
0x4e: {  	_ =	shalt  }
0x4f: {  	_ =	shalt  }
0x50: {  	_ =	shalt  }
0x51: {  	_ =	shalt  }
0x52: {  	_ =	shalt  }
0x53: {  	_ =	shalt  }
0x54: {  	_ =	shalt  }
0x55: {  	_ =	shalt  }
0x56: {  	_ =	shalt  }
0x57: {  	_ =	shalt  }
0x58: {  	_ =	shalt  }
0x59: {  	_ =	shalt  }
0x5a: {  	_ =	shalt  }
0x5b: {  	_ =	shalt  }
0x5c: {  	_ =	shalt  }
0x5d: {  	_ =	shalt  }
0x5e: {  	_ =	shalt  }
0x5f: {  	_ =	shalt  }
0x60: {  	_ =	shalt  }
0x61: {  	_ =	shalt  }
0x62: {  	_ =	shalt  }
0x63: {  	_ =	shalt  }
0x64: {  	_ =	shalt  }
0x65: {  	_ =	shalt  }
0x66: {  	_ =	shalt  }
0x67: {  	_ =	shalt  }
0x68: {  	_ =	shalt  }
0x69: {  	_ =	shalt  }
0x6a: {  	_ =	shalt  }
0x6b: {  	_ =	shalt  }
0x6c: {  	_ =	shalt  }
0x6d: {  	_ =	shalt  }
0x6e: {  	_ =	shalt  }
0x6f: {  	_ =	shalt  }
0x70: {  	_ =	shalt  }
0x71: {  	_ =	shalt  }
0x72: {  	_ =	shalt  }
0x73: {  	_ =	shalt  }
0x74: {  	_ =	shalt  }
0x75: {  	_ =	shalt  }
0x76: {  	_ =	shalt  }
0x77: {  	_ =	shalt  }
0x78: {  	_ =	shalt  }
0x79: {  	_ =	shalt  }
0x7a: {  	_ =	shalt  }
0x7b: {  	_ =	shalt  }
0x7c: {  	_ =	shalt  }
0x7d: {  	_ =	shalt  }
0x7e: {  	_ =	shalt  }
0x7f: {  	_ =	shalt  }
0x80: {  	_ =	shalt  }
0x81: {  	_ =	shalt  }
0x82: {  	_ =	shalt  }
0x83: {  	_ =	shalt  }
0x84: {  	_ =	shalt  }
0x85: {  	_ =	shalt  }
0x86: {  	_ =	shalt  }
0x87: {  	_ =	shalt  }
.Lfunc_end0:
.L_simem_size_0:
called_computation_lowered:
.L_overlay_start_0:
0x88: {  	s2 =	sld [smem:$0x3FD9]  }
0x89: {  	s3 =	sld [smem:$0x3FFE];
	_ =	sdelay $0x1  }
0x8a: {  	s1 =	srdreg.scid  }
0x8b: {  	s0 =	sand.u32 $0x1, s1  }
0x8c: {  	s17 =	sshll.u32 s0, $0xA;
	s2 =	sadd.s32 s3, s2  }
0x8d: {  	s2 =	sadd.s32 s2, s17  }
0x8e: {  	[smem:$0x3FBA] =	sst s2  }
0x8f: {  	_ = 	snop  }
0x90: {  	s18 =	sld [smem:$0x3FC8];
	(tm) =	ssettm $0x1  }
0x91: {  	s19 =	sld [smem:$0x3FFB];
	_ =	sdelay $0x3  }
0x92: {  	_ =	strace s19  }
0x93: {  	s2 =	sld [smem:$0x3FFC];
	_ =	sdelay $0x3  }
0x94: {  	_ =	strace s2  }
0x95: {  	s2 =	sld [smem:$0x3FFD];
	_ =	sdelay $0x3  }
0x96: {  	_ =	strace s2  }
0x97: {  	_ =	strace $0x8FFFFFFF  }
0x98: {  	s20 =	sld [smem:$0x3FDB];
	_ =	sdelay $0x1  }
0x99: {  	s4 =	simm.s32 $_scs_section_size  }
0x9a: {  	s5 =	simm.s32 $_size__tile_overlayer_lowered;
	s6 =	simm.s32 $_tile_overlayer_lowered  }
0x9b: {  	s7 =	simm.s32 $0x1BFF;
	s21 =	sshll.u32 s6, $0x1;
	s4 =	sadd.s32 s4, s20  }
0x9c: {  	s22 =	simm.s32 $0x0;
	s5 =	sshll.u32 s5, $0x1;
	s6 =	sadd.s32 s21, s4  }
0x9d: {  	[timem:s22], [sflag:s7] =	dma.local [hbm:s6], s5  }
0x9e: {  	_ =	swait.ge [sflag:s7], s5  }
0x9f: {  	s5 =	ssub.s32 $0x0, s5;
	[sflag:s7] =	ssyncset.done $0x0  }
0xa0: {  	[sflag:s7] =	ssyncadd.s32 s5;
	_ =	sdelay $0x1  }
0xa1: {  	s23 =	simm.s32 $0x1B8B  }
0xa2: {  	_ =	swait.ge [sflag:s23], $0x1  }
0xa3: {  	[sflag:s23] =	ssyncset.done $0x0  }
0xa4: {  	[sflag:s23] =	ssyncadd.s32 $0xFFFFFFFF  }
0xa5: {  	s5 =	sld [smem:$0x0]  }
0xa6: {  	s6 =	sand.u32 $0xFFFFFFFE, s1  }
0xa7: {  	p0 =	sne.s32 s1, s6  }
0xa8: {  	s6 =	sshll.u32 @p0 s6, $0xE  }
0xa9: {  	s6 =	sadd.s32 @p0 $0x11B8D, s6;
	s7 =	sshll.u32 @p0 s5, $0x11  }
0xaa: {  	s6 =	sor.u32 @p0 s7, s6  }
0xab: {  	[sflag:s6] =	ssyncadd.remote.s32 @p0 $0x1;
	_ =	sdelay $0x1  }
0xac: {  	s6 =	simm.s32 @p0 $0x1B8D  }
0xad: {  	_ =	swait.eq @p0 [sflag:s6], $0x1  }
0xae: {  	[sflag:s6] =	ssyncadd.s32 @p0 $0xFFFFFFFF  }
0xaf: {  	s7 =	sshll.u32 @!p0 s1, $0xE  }
0xb0: {  	s7 =	sor.u32 @!p0 $0x4000, s7;
	s6 =	simm.s32 @!p0 $0x1B8D  }
0xb1: {  	s5 =	sshll.u32 @!p0 s5, $0x11;
	s7 =	sadd.s32 @!p0 $0x11B8D, s7;
	_ =	swait.eq @!p0 [sflag:s6], $0x1  }
0xb2: {  	s5 =	sor.u32 @!p0 s5, s7;
	[sflag:s6] =	ssyncadd.s32 @!p0 $0xFFFFFFFF  }
0xb3: {  	s25 =	simm.s32 $0x1B8E;
	s24 =	sld [smem:$0x3FFE];
	[sflag:s5] =	ssyncadd.remote.s32 @!p0 $0x1  }
0xb4: {  	s26 =	simm.s32 $execute0_lowered;
	[smem:$0x3FD2] =	sst s25  }
0xb5: {  	s6 =	sshll.u32 s26, $0x1;
	_ =	strace $0x8000004C;
	[dreg:$0x1] =	wrdreg $0xFFFFFFFF  }
0xb6: {  	s28 =	simm.s32 $_size_execute0_lowered;
	s4 =	sadd.s32 s4, s6;
	[dreg:$0x0] =	wrdreg $0x0  }
0xb7: {  	s6 =	sshll.u32 s28, $0x1;
	[dreg:$0x2] =	wrdreg s4  }
0xb8: {  	[dreg:$0x3] =	wrdreg s6  }
0xb9: {  	[dreg:$0x4] =	wrdreg $0xC0  }
0xba: {  	_ =	task [dreg:s22], $0x5FFFF  }
0xbb: {  	[dreg:$0x1] =	wrdreg $0xFFFFFFFF  }
0xbc: {  	[dreg:$0x0] =	wrdreg $0x60  }
0xbd: {  	[dreg:$0x2] =	wrdreg s18  }
0xbe: {  	[dreg:$0x3] =	wrdreg s24  }
0xbf: {  	[dreg:$0x4] =	wrdreg $0x9  }
0xc0: {  	_ =	task.clear_ibuf [dreg:s22], $0x5FFFF;
	_ =	strace $0x9000004C  }
0xc1: {  	s29 =	simm.s32 $0x9;
	_ =	strace $0x8000004E  }
0xc2: {  	_ =	swait.ge [sflag:s29], $0x1  }
0xc3: {  	[sflag:s29] =	ssyncadd.s32 $0xFFFFFFFF  }
0xc4: {  	_ =	strace $0x9000004E  }
0xc5: {  	_ =	sfence  }
0xc6: {  	s30 =	sld [smem:$0x0];
	_ =	sdelay $0x2  }
0xc7: {  	s31 =	sshll.u32 s1, $0xD;
	s1 =	sshrl.u32 s1, $0x2  }
0xc8: {  	s4 =	sand.u32 $0x4000, s31;
	s1 =	sadd.s32 s1, s30  }
0xc9: {  	s0 =	sor.u32 s4, s0;
	s1 =	sshll.u32 s1, $0x11  }
0xca: {  	s0 =	sor.u32 s1, s0  }
0xcb: {  	s0 =	sadd.s32 $0x8F2B, s0  }
0xcc: {  	[sflag:s0] =	ssyncadd.remote.s32 $0x1  }
0xcd: {  	_ =	sfence.sel $0xFFFF  }
0xce: {  	[dreg:$0x0] =	wrdreg $0xFFFFFFFF;
	(pc) =	sbr.abs _section_cstart, $3  }
0xcf: {  	[dreg:$0x1] =	wrdreg $0xFFFFFFFF  }
0xd0: {  	_ =	task.clear_ibuf [dreg:s22], $0x2FFFF;
	_ =	strace $0x9FFFFFFF  }
0xd1: {  	(tm) =	ssettm $0x7FFFFFFF  }
tec
execute0_lowered:
.L_overlay_start_1:
0x0: {  	(tag) =	ssettag $0x1  }
0x1: {  	s1 =	srdreg.scid  }
0x2: {  	s9 =	rddreg [dreg:$0x0];
	s0 =	stileid.u32;
	s20 =	sand.u32 $0x1, s1  }
0x3: {  	s17 =	rddreg [dreg:$0x1];
	s3 =	sshll.u32 s0, $0xA;
	s4 =	sshll.u32 s20, $0x9  }
0x4: {  	s2 =	simm.s32 $0x0;
	s1 =	rddreg [dreg:$0x2];
	s18 =	sor.u32 s4, s3  }
0x5: {  	[smem:$0x7FF] =	sst s2;
	s3 =	sshrl.u32 s18, $0x3  }
0x6: {  	_ =	strace $0x8000004D;
	s4 =	sadd.s32 s9, s3;
	s3 =	simm.s32 $0x2  }
0x7: {  	[tilespmem:s2], [sflag:$0x2] =	stream.linear.gather [hbm4b:s4+s2], $0x80, $0x38;
	[tilespmem:$0x10200] =	vst v63  }
0x8: {  	s19 =	sor.u32 $0x80, s18;
	_ =	swait.ge [sflag:s3], $0x80  }
0x9: {  	s5 =	sshrl.u32 s19, $0x3;
	[sflag:s3] =	ssyncset.done $0x0  }
0xa: {  	s6 =	simm.s32 $0x80;
	s5 =	sadd.s32 s9, s5;
	[sflag:s3] =	ssyncadd.s32 $0xFFFFFF80  }
0xb: {  	[tilespmem:s6], [sflag:$0x2] =	stream.linear.gather [hbm4b:s5+s2], $0x80, $0x38;
	[tilespmem:$0x10200] =	vst v63  }
0xc: {  	s21 =	sor.u32 $0x100, s18;
	_ =	swait.ge [sflag:s3], $0x80  }
0xd: {  	s7 =	sshrl.u32 s21, $0x3;
	[sflag:s3] =	ssyncset.done $0x0  }
0xe: {  	s8 =	simm.s32 $0x100;
	s7 =	sadd.s32 s9, s7;
	[sflag:s3] =	ssyncadd.s32 $0xFFFFFF80  }
0xf: {  	[tilespmem:s8], [sflag:$0x2] =	stream.linear.gather [hbm4b:s7+s2], $0x80, $0x38;
	[tilespmem:$0x10200] =	vst v63  }
0x10: {  	s22 =	sor.u32 $0x180, s18;
	_ =	swait.ge [sflag:s3], $0x80  }
0x11: {  	s10 =	sshrl.u32 s22, $0x3;
	[sflag:s3] =	ssyncset.done $0x0  }
0x12: {  	s9 =	sadd.s32 s9, s10;
	s10 =	simm.s32 $0x180;
	[sflag:s3] =	ssyncadd.s32 $0xFFFFFF80  }
0x13: {  	[tilespmem:s10], [sflag:$0x2] =	stream.linear.gather [hbm4b:s9+s2], $0x80, $0x38;
	[tilespmem:$0x10200] =	vst v63  }
0x14: {  	_ =	swait.ge [sflag:s3], $0x80  }
0x15: {  	[sflag:s3] =	ssyncset.done $0x0  }
0x16: {  	s12 =	simm.s32 $0x200;
	s11 =	sadd.s32 $0x1DC600, s17;
	[sflag:s3] =	ssyncadd.s32 $0xFFFFFF80  }
0x17: {  	[tilespmem:s12], [sflag:$0x1] =	stream.indirect.gather [hbm4b:s11+s6], $0x80, s2, s6, $0xb8;
	[tilespmem:$0x10200] =	vst v63  }
0x18: {  	s13 =	simm.s32 $0x4200  }
0x19: {  	[tilespmem:s13], [sflag:$0x1] =	stream.indirect.gather [hbm4b:s11+s6], $0x80, s6, s6, $0xb8;
	[tilespmem:$0x10200] =	vst v63  }
0x1a: {  	s14 =	simm.s32 $0x8200  }
0x1b: {  	[tilespmem:s14], [sflag:$0x1] =	stream.indirect.gather [hbm4b:s11+s6], $0x80, s8, s6, $0xb8;
	[tilespmem:$0x10200] =	vst v63  }
0x1c: {  	s15 =	simm.s32 $0xC200;
	s16 =	simm.s32 $0x1  }
0x1d: {  	[tilespmem:s15], [sflag:$0x1] =	stream.indirect.gather [hbm4b:s11+s6], $0x80, s10, s6, $0xb8;
	[tilespmem:$0x10200] =	vst v63  }
0x1e: {  	_ =	swait.ge [sflag:s16], $0x4000  }
0x1f: {  	s23 =	sadd.s32 $0x55C00, s17;
	s26 =	sshll.u32 s18, $0x4;
	[sflag:s16] =	ssyncset.done $0x0  }
0x20: {  	s17 =	sadd.s32 s23, s26;
	[sflag:s16] =	ssyncadd.s32 $0xFFFFC000  }
0x21: {  	[hbm4b:s17+s2] =	stream.linear.scatter [tilespmem:s12], [sflag:$0x2], $0x4000, $0x38;
	[tilespmem:$0x10200] =	vst v63  }
0x22: {  	_ =	swait.ge [sflag:s3], $0x4000  }
0x23: {  	[sflag:s3] =	ssyncset.done $0x0  }
0x24: {  	[sflag:s3] =	ssyncadd.s32 $0xFFFFC000  }
0x25: {  	_ =	swait.ge [sflag:s16], $0x4000  }
0x26: {  	s28 =	sshll.u32 s19, $0x4;
	[sflag:s16] =	ssyncset.done $0x0  }
0x27: {  	s18 =	sadd.s32 s23, s28;
	[sflag:s16] =	ssyncadd.s32 $0xFFFFC000  }
0x28: {  	[hbm4b:s18+s2] =	stream.linear.scatter [tilespmem:s13], [sflag:$0x2], $0x4000, $0x38;
	[tilespmem:$0x10200] =	vst v63  }
0x29: {  	_ =	swait.ge [sflag:s3], $0x4000  }
0x2a: {  	[sflag:s3] =	ssyncset.done $0x0  }
0x2b: {  	[sflag:s3] =	ssyncadd.s32 $0xFFFFC000  }
0x2c: {  	_ =	swait.ge [sflag:s16], $0x4000  }
0x2d: {  	s29 =	sshll.u32 s21, $0x4;
	[sflag:s16] =	ssyncset.done $0x0  }
0x2e: {  	s20 =	ssub.s32 $0x2, s20;
	s19 =	sadd.s32 s23, s29;
	[sflag:s16] =	ssyncadd.s32 $0xFFFFC000  }
0x2f: {  	[hbm4b:s19+s2] =	stream.linear.scatter [tilespmem:s14], [sflag:$0x2], $0x4000, $0x38;
	[tilespmem:$0x10200] =	vst v63  }
0x30: {  	s30 =	sshrl.u32 s20, $0x1;
	_ =	swait.ge [sflag:s3], $0x4000  }
0x31: {  	s21 =	ssub.s32 s20, s30;
	[sflag:s3] =	ssyncset.done $0x0  }
0x32: {  	s21 =	smax.u32 s21, $0x1;
	[sflag:s3] =	ssyncadd.s32 $0xFFFFC000  }
0x33: {  	p0 =	sne.s32 s21, $0x1;
	_ =	swait.ge [sflag:s16], $0x4000  }
.Ltmp0:
0x34: {  	s31 =	sshll.u32 s22, $0x4;
	[sflag:s16] =	ssyncset.done $0x0;
	(pc) =	sbr.rel @!p0 .LBB2_2-.Ltmp0, $4  }
0x35: {  	s20 =	sadd.s32 s23, s31;
	[sflag:s16] =	ssyncadd.s32 $0xFFFFC000  }
0x36: {  	[hbm4b:s20+s2] =	stream.linear.scatter [tilespmem:s15], [sflag:$0x2], $0x4000, $0x38;
	[tilespmem:$0x10200] =	vst v63  }
0x37: {  	_ =	swait.ge [sflag:s3], $0x4000  }
0x38: {  	s21 =	sadd.s32 $0xFFFFFFFF, s21;
	[sflag:s3] =	ssyncset.done $0x0  }
.LBB2_1:
0x39: {  	p0 =	sne.s32 s21, $0x1;
	s21 =	sadd.s32 $0xFFFFFFFF, s21;
	[sflag:s3] =	ssyncadd.s32 $0xFFFFC000  }
0x3a: {  	[tilespmem:s2], [sflag:$0x2] =	stream.linear.gather [hbm4b:s4+s2], $0x80, $0x38;
	[tilespmem:$0x10200] =	vst v63  }
0x3b: {  	_ =	swait.ge [sflag:s3], $0x80  }
0x3c: {  	[sflag:s3] =	ssyncset.done $0x0  }
0x3d: {  	[sflag:s3] =	ssyncadd.s32 $0xFFFFFF80  }
0x3e: {  	[tilespmem:s6], [sflag:$0x2] =	stream.linear.gather [hbm4b:s5+s2], $0x80, $0x38;
	[tilespmem:$0x10200] =	vst v63  }
0x3f: {  	_ =	swait.ge [sflag:s3], $0x80  }
0x40: {  	[sflag:s3] =	ssyncset.done $0x0  }
0x41: {  	[sflag:s3] =	ssyncadd.s32 $0xFFFFFF80  }
0x42: {  	[tilespmem:s8], [sflag:$0x2] =	stream.linear.gather [hbm4b:s7+s2], $0x80, $0x38;
	[tilespmem:$0x10200] =	vst v63  }
0x43: {  	_ =	swait.ge [sflag:s3], $0x80  }
0x44: {  	[sflag:s3] =	ssyncset.done $0x0  }
0x45: {  	[sflag:s3] =	ssyncadd.s32 $0xFFFFFF80  }
0x46: {  	[tilespmem:s10], [sflag:$0x2] =	stream.linear.gather [hbm4b:s9+s2], $0x80, $0x38;
	[tilespmem:$0x10200] =	vst v63  }
0x47: {  	_ =	swait.ge [sflag:s3], $0x80  }
0x48: {  	[sflag:s3] =	ssyncset.done $0x0  }
0x49: {  	[sflag:s3] =	ssyncadd.s32 $0xFFFFFF80  }
0x4a: {  	[tilespmem:s12], [sflag:$0x1] =	stream.indirect.gather [hbm4b:s11+s6], $0x80, s2, s6, $0xb8;
	[tilespmem:$0x10200] =	vst v63  }
0x4b: {  	_ = 	snop  }
0x4c: {  	[tilespmem:s13], [sflag:$0x1] =	stream.indirect.gather [hbm4b:s11+s6], $0x80, s6, s6, $0xb8;
	[tilespmem:$0x10200] =	vst v63  }
0x4d: {  	_ = 	snop  }
0x4e: {  	[tilespmem:s14], [sflag:$0x1] =	stream.indirect.gather [hbm4b:s11+s6], $0x80, s8, s6, $0xb8;
	[tilespmem:$0x10200] =	vst v63  }
0x4f: {  	_ = 	snop  }
0x50: {  	[tilespmem:s15], [sflag:$0x1] =	stream.indirect.gather [hbm4b:s11+s6], $0x80, s10, s6, $0xb8;
	[tilespmem:$0x10200] =	vst v63  }
0x51: {  	_ =	swait.ge [sflag:s16], $0x4000  }
0x52: {  	[sflag:s16] =	ssyncset.done $0x0  }
0x53: {  	[sflag:s16] =	ssyncadd.s32 $0xFFFFC000  }
0x54: {  	[hbm4b:s17+s2] =	stream.linear.scatter [tilespmem:s12], [sflag:$0x2], $0x4000, $0x38;
	[tilespmem:$0x10200] =	vst v63  }
0x55: {  	_ =	swait.ge [sflag:s3], $0x4000  }
0x56: {  	[sflag:s3] =	ssyncset.done $0x0  }
0x57: {  	[sflag:s3] =	ssyncadd.s32 $0xFFFFC000  }
0x58: {  	_ =	swait.ge [sflag:s16], $0x4000  }
0x59: {  	[sflag:s16] =	ssyncset.done $0x0  }
0x5a: {  	[sflag:s16] =	ssyncadd.s32 $0xFFFFC000  }
0x5b: {  	[hbm4b:s18+s2] =	stream.linear.scatter [tilespmem:s13], [sflag:$0x2], $0x4000, $0x38;
	[tilespmem:$0x10200] =	vst v63  }
0x5c: {  	_ =	swait.ge [sflag:s3], $0x4000  }
0x5d: {  	[sflag:s3] =	ssyncset.done $0x0  }
0x5e: {  	[sflag:s3] =	ssyncadd.s32 $0xFFFFC000  }
0x5f: {  	_ =	swait.ge [sflag:s16], $0x4000  }
0x60: {  	[sflag:s16] =	ssyncset.done $0x0  }
0x61: {  	[sflag:s16] =	ssyncadd.s32 $0xFFFFC000  }
0x62: {  	[hbm4b:s19+s2] =	stream.linear.scatter [tilespmem:s14], [sflag:$0x2], $0x4000, $0x38;
	[tilespmem:$0x10200] =	vst v63  }
0x63: {  	_ =	swait.ge [sflag:s3], $0x4000  }
0x64: {  	[sflag:s3] =	ssyncset.done $0x0  }
0x65: {  	[sflag:s3] =	ssyncadd.s32 $0xFFFFC000  }
0x66: {  	_ =	swait.ge [sflag:s16], $0x4000  }
.Ltmp1:
0x67: {  	[sflag:s16] =	ssyncset.done $0x0;
	(pc) =	sbr.rel @p0 .LBB2_1-.Ltmp1, $4  }
0x68: {  	[sflag:s16] =	ssyncadd.s32 $0xFFFFC000  }
0x69: {  	[hbm4b:s20+s2] =	stream.linear.scatter [tilespmem:s15], [sflag:$0x2], $0x4000, $0x38;
	[tilespmem:$0x10200] =	vst v63  }
0x6a: {  	_ =	swait.ge [sflag:s3], $0x4000  }
0x6b: {  	[sflag:s3] =	ssyncset.done $0x0  }
.LBB2_2:
0x6c: {  	[sflag:s3] =	ssyncadd.s32 $0xFFFFC000  }
0x6d: {  	_ =	sfence.sel $0x180000  }
0x6e: {  	[bflag:$0x0] =	sbarrier.arrive $0xFFFF  }
0x6f: {  	p0 =	sne.s32 s0, $0x0;
	_ =	strace $0x9000004D  }
0x70: {  	s0 =	sadd.s32 @!p0 $0x100000, s1;
	[bflag:$0x2] =	sbarrier.arrive $0xFFFF  }
0x71: {  	[sflag:s0] =	ssyncadd.tile.s32 @!p0 $0x1;
	_ =	shalt  }
.Lfunc_end2:
_tile_overlayer_lowered:
.L_overlay_start_2:
0x72: {  	(tag) =	ssettag $0x2  }
0x73: {  	s0 =	rddreg [dreg:$0x0];
	s2 =	stileid.u32  }
0x74: {  	s1 =	rddreg [dreg:$0x1];
	p0 =	sne.s32 s2, $0x0  }
0x75: {  	s3 =	rddreg [dreg:$0x2];
	[bflag:$0x3] =	sbarrier.arrive $0xFFFF;
	s2 =	simm.s32 @!p0 $0x1C02  }
0x76: {  	[timem:s3], [sflag:s2] =	dma.local @!p0 [hbm:s0], s1  }
0x77: {  	s0 =	simm.s32 @!p0 $0x2  }
0x78: {  	_ =	swait.ge @!p0 [sflag:s0], s1  }
0x79: {  	s1 =	ssub.s32 @!p0 $0x0, s1;
	[sflag:s0] =	ssyncset.done @!p0 $0x0  }
0x7a: {  	[sflag:s0] =	ssyncadd.s32 @!p0 s1  }
0x7b: {  	[bflag:$0x3] =	sbarrier.arrive $0xFFFF  }
0x7c: {  	_ =	shalt  }

// kernel: kernel.9.cloned.1.call-start
scs
__scs_entry_jumppad:
0x0: {  	(pc) =	sbr.rel $0x88, $3  }
0x1: {  	(tag) =	ssettag $0x0;
	lr =	simm.s32 $0x1  }
0x2: {  	[smem:$0x3F93] =	sst lr;
	_ =	strace $0xD0000000  }
0x3: {  	_ = 	snop  }
0x4: {  	_ = 	snop  }
0x5: {  	_ = 	snop  }
0x6: {  	_ = 	snop  }
0x7: {  	_ = 	snop  }
__scs_overlays_trampoline_lowered:
0x8: {  	[smem:$0x3FA2] =	sst s0  }
0x9: {  	[smem:$0x3FA3] =	sst s1  }
0xa: {  	[smem:$0x3FA4] =	sst s2  }
0xb: {  	[smem:$0x3FA5] =	sst s3  }
0xc: {  	[smem:$0x3FA6] =	sst s4  }
0xd: {  	[smem:$0x3FA7] =	sst s5  }
0xe: {  	[smem:$0x3FA8] =	sst s6  }
0xf: {  	[smem:$0x3FA9] =	sst s7  }
0x10: {  	[smem:$0x3FAA] =	sst s8  }
0x11: {  	[smem:$0x3FAB] =	sst s9;
	s0 =	simm.s32 @!p0 $0x0  }
0x12: {  	s1 =	sld [smem:$0x3F91];
	s0 =	simm.s32 @p0 $0x1  }
0x13: {  	[smem:$0x3FAC] =	sst s0;
	s0 =	simm.s32 @!p1 $0x0  }
0x14: {  	s2 =	sld [smem:$0x3F90];
	s0 =	simm.s32 @p1 $0x1  }
0x15: {  	[smem:$0x3FAD] =	sst s0;
	s0 =	simm.s32 @!p2 $0x0  }
0x16: {  	s3 =	sld [smem:$0x3FDB];
	s0 =	simm.s32 @p2 $0x1  }
0x17: {  	s4 =	simm.s32 $0x1BF5;
	[smem:$0x3FAF] =	sst s0  }
0x18: {  	s0 =	sld [smem:$0x3F92];
	_ =	swait.ge [sflag:s4], $0x0  }
0x19: {  	s7 =	sld [smem:$0x3F93]  }
0x1a: {  	s8 =	sadd.s32 $0xFFFFE003, lr  }
0x1b: {  	s9 =	sadd.s32 $0xFFFFFEF7, lr;
	s5 =	simm.s32 $0xFFFFFFFF;
	p2 =	slt.u32 s8, $0xFFFFF086  }
0x1c: {  	p1 =	slt.u32 s9, $0xF7A;
	s5 =	simm.s32 @!p2 $0x0  }
0x1d: {  	s5 =	simm.s32 @p1 $0x1;
	p0 =	seq.s32 s7, s2  }
0x1e: {  	s7 =	smul.u32 @!p0 $0xF7A, s2;
	p2 =	seq.s32 @!p0 s5, $0x0  }
0x1f: {  	s9 =	smul.u32 $0xF7A, s1;
	s8 =	simm.s32 @!p0 $0x1BF5;
	p2 =	por !p2, p0  }
0x20: {  	[sflag:s8] =	ssyncset.s32 @!p0 $0xFFFFF086;
	s6 =	sadd.s32 @!p0 s3, s7;
	s7 =	simm.s32 @!p0 $0x108  }
0x21: {  	s3 =	sadd.s32 s3, s9;
	s6 =	sadd.s32 @!p0 $0x88, s6;
	s7 =	simm.s32 @p2 $0x1082  }
0x22: {  	[simem:s7], [sflag:s8] =	dma.local @!p0 [hbm:s6], $0xF7A  }
0x23: {  	s9 =	sor.u32 $0xD0000000, s2;
	s6 =	simm.s32 $0x108;
	_ =	swait.ge @!p0 [sflag:s8], $0x0  }
0x24: {  	s3 =	sadd.s32 $0x88, s3;
	s6 =	simm.s32 @!p1 $0x1082;
	[sflag:s4] =	ssyncset.s32 $0xFFFFF086  }
0x25: {  	[simem:s6], [sflag:s4] =	dma.local [hbm:s3], $0xF7A  }
0x26: {  	[smem:$0x3F93] =	sst s1;
	(tag) =	ssettag s2;
	_ =	strace s9  }
0x27: {  	s1 =	sld [smem:$0x3FA3]  }
0x28: {  	s2 =	sld [smem:$0x3FA4]  }
0x29: {  	s4 =	sld [smem:$0x3FA6]  }
0x2a: {  	p0 =	seq.s32 s5, $0x0;
	s5 =	sld [smem:$0x3FA7]  }
0x2b: {  	s6 =	sld [smem:$0x3FA8]  }
0x2c: {  	s7 =	sld [smem:$0x3FA9]  }
0x2d: {  	s3 =	simm.s32 $0x108;
	s8 =	sld [smem:$0x3FAA]  }
0x2e: {  	s3 =	simm.s32 @!p0 $0x1082;
	s9 =	sld [smem:$0x3FAB]  }
0x2f: {  	lr =	sadd.s32 s0, s3;
	s0 =	sld [smem:$0x3FA2]  }
0x30: {  	s3 =	sld [smem:$0x3FA5]  }
0x31: {  	[smem:$0x3FAE] =	sst s10  }
0x32: {  	s10 =	sld [smem:$0x3FAC];
	_ =	sdelay $0x3  }
0x33: {  	p0 =	seq.s32 s10, $0x1;
	s10 =	sld [smem:$0x3FAE];
	_ =	sdelay $0x3  }
0x34: {  	[smem:$0x3FAE] =	sst s10  }
0x35: {  	s10 =	sld [smem:$0x3FAD];
	_ =	sdelay $0x3  }
0x36: {  	p1 =	seq.s32 s10, $0x1;
	s10 =	sld [smem:$0x3FAE];
	_ =	sdelay $0x3  }
0x37: {  	[smem:$0x3FAE] =	sst s10  }
0x38: {  	s10 =	sld [smem:$0x3FAF]  }
0x39: {  	_ = 	snop;
	(pc) =	sbr.ind lr, $3  }
0x3a: {  	_ = 	snop  }
0x3b: {  	_ = 	snop  }
0x3c: {  	p2 =	seq.s32 s10, $0x1;
	s10 =	sld [smem:$0x3FAE]  }
0x3d: {  	_ =	shalt  }
0x3e: {  	_ =	shalt  }
0x3f: {  	_ =	shalt  }
0x40: {  	_ =	shalt  }
0x41: {  	_ =	shalt  }
0x42: {  	_ =	shalt  }
0x43: {  	_ =	shalt  }
0x44: {  	_ =	shalt  }
0x45: {  	_ =	shalt  }
0x46: {  	_ =	shalt  }
0x47: {  	_ =	shalt  }
0x48: {  	_ =	shalt  }
0x49: {  	_ =	shalt  }
0x4a: {  	_ =	shalt  }
0x4b: {  	_ =	shalt  }
0x4c: {  	_ =	shalt  }
0x4d: {  	_ =	shalt  }
0x4e: {  	_ =	shalt  }
0x4f: {  	_ =	shalt  }
0x50: {  	_ =	shalt  }
0x51: {  	_ =	shalt  }
0x52: {  	_ =	shalt  }
0x53: {  	_ =	shalt  }
0x54: {  	_ =	shalt  }
0x55: {  	_ =	shalt  }
0x56: {  	_ =	shalt  }
0x57: {  	_ =	shalt  }
0x58: {  	_ =	shalt  }
0x59: {  	_ =	shalt  }
0x5a: {  	_ =	shalt  }
0x5b: {  	_ =	shalt  }
0x5c: {  	_ =	shalt  }
0x5d: {  	_ =	shalt  }
0x5e: {  	_ =	shalt  }
0x5f: {  	_ =	shalt  }
0x60: {  	_ =	shalt  }
0x61: {  	_ =	shalt  }
0x62: {  	_ =	shalt  }
0x63: {  	_ =	shalt  }
0x64: {  	_ =	shalt  }
0x65: {  	_ =	shalt  }
0x66: {  	_ =	shalt  }
0x67: {  	_ =	shalt  }
0x68: {  	_ =	shalt  }
0x69: {  	_ =	shalt  }
0x6a: {  	_ =	shalt  }
0x6b: {  	_ =	shalt  }
0x6c: {  	_ =	shalt  }
0x6d: {  	_ =	shalt  }
0x6e: {  	_ =	shalt  }
0x6f: {  	_ =	shalt  }
0x70: {  	_ =	shalt  }
0x71: {  	_ =	shalt  }
0x72: {  	_ =	shalt  }
0x73: {  	_ =	shalt  }
0x74: {  	_ =	shalt  }
0x75: {  	_ =	shalt  }
0x76: {  	_ =	shalt  }
0x77: {  	_ =	shalt  }
0x78: {  	_ =	shalt  }
0x79: {  	_ =	shalt  }
0x7a: {  	_ =	shalt  }
0x7b: {  	_ =	shalt  }
0x7c: {  	_ =	shalt  }
0x7d: {  	_ =	shalt  }
0x7e: {  	_ =	shalt  }
0x7f: {  	_ =	shalt  }
0x80: {  	_ =	shalt  }
0x81: {  	_ =	shalt  }
0x82: {  	_ =	shalt  }
0x83: {  	_ =	shalt  }
0x84: {  	_ =	shalt  }
0x85: {  	_ =	shalt  }
0x86: {  	_ =	shalt  }
0x87: {  	_ =	shalt  }
.Lfunc_end0:
.L_simem_size_0:
called_computation.1_lowered:
.L_overlay_start_0:
0x88: {  	s2 =	sld [smem:$0x3FD9]  }
0x89: {  	s3 =	sld [smem:$0x3FFE];
	_ =	sdelay $0x1  }
0x8a: {  	s1 =	srdreg.scid  }
0x8b: {  	s0 =	sand.u32 $0x1, s1  }
0x8c: {  	s17 =	sshll.u32 s0, $0xA;
	s2 =	sadd.s32 s3, s2  }
0x8d: {  	s2 =	sadd.s32 s2, s17  }
0x8e: {  	[smem:$0x3FBA] =	sst s2  }
0x8f: {  	_ = 	snop  }
0x90: {  	s2 =	sld [smem:$0x3FC6]  }
0x91: {  	s18 =	sld [smem:$0x3FD0];
	(tm) =	ssettm $0x1  }
0x92: {  	s4 =	sld [smem:$0x3FFB];
	_ =	sdelay $0x3  }
0x93: {  	_ =	strace s4  }
0x94: {  	s4 =	sld [smem:$0x3FFC];
	_ =	sdelay $0x3  }
0x95: {  	_ =	strace s4  }
0x96: {  	s4 =	sld [smem:$0x3FFD];
	_ =	sdelay $0x3  }
0x97: {  	_ =	strace s4  }
0x98: {  	_ =	strace $0x8FFFFFFF  }
0x99: {  	s19 =	sld [smem:$0x3FDB];
	_ =	sdelay $0x1  }
0x9a: {  	s5 =	simm.s32 $_scs_section_size  }
0x9b: {  	s6 =	simm.s32 $_size__tile_overlayer_lowered;
	s7 =	simm.s32 $_tile_overlayer_lowered  }
0x9c: {  	s22 =	simm.s32 $0x1BFF;
	s21 =	sshll.u32 s7, $0x1;
	s4 =	sadd.s32 s5, s19  }
0x9d: {  	s8 =	simm.s32 $0x0;
	s20 =	sshll.u32 s6, $0x1;
	s6 =	sadd.s32 s21, s4  }
0x9e: {  	[timem:s8], [sflag:s22] =	dma.local [hbm:s6], s20  }
0x9f: {  	_ =	swait.ge [sflag:s22], s20  }
0xa0: {  	s5 =	ssub.s32 $0x0, s20;
	[sflag:s22] =	ssyncset.done $0x0  }
0xa1: {  	[sflag:s22] =	ssyncadd.s32 s5;
	_ =	sdelay $0x1  }
0xa2: {  	s23 =	simm.s32 $0x1B8B  }
0xa3: {  	_ =	swait.ge [sflag:s23], $0x1  }
0xa4: {  	[sflag:s23] =	ssyncset.done $0x0  }
0xa5: {  	s25 =	simm.s32 $0x1B8E;
	s24 =	sld [smem:$0x3FFE];
	[sflag:s23] =	ssyncadd.s32 $0xFFFFFFFF  }
0xa6: {  	s26 =	simm.s32 $execute0_lowered;
	[smem:$0x3FD2] =	sst s25  }
0xa7: {  	s6 =	sshll.u32 s26, $0x1;
	_ =	strace $0x80000046;
	[dreg:$0x1] =	wrdreg $0xFFFFFFFF  }
0xa8: {  	s28 =	simm.s32 $_size_execute0_lowered;
	s4 =	sadd.s32 s4, s6;
	[dreg:$0x0] =	wrdreg $0x0  }
0xa9: {  	s6 =	sshll.u32 s28, $0x1;
	[dreg:$0x2] =	wrdreg s4  }
0xaa: {  	[dreg:$0x3] =	wrdreg s6  }
0xab: {  	[dreg:$0x4] =	wrdreg $0xC0  }
0xac: {  	_ =	task [dreg:s8], $0x5FFFF  }
0xad: {  	[dreg:$0x1] =	wrdreg $0xFFFFFFFF  }
0xae: {  	[dreg:$0x0] =	wrdreg $0x60  }
0xaf: {  	[dreg:$0x2] =	wrdreg s24  }
0xb0: {  	[dreg:$0x3] =	wrdreg s2  }
0xb1: {  	[dreg:$0x4] =	wrdreg s18  }
0xb2: {  	[dreg:$0x5] =	wrdreg $0xA  }
0xb3: {  	_ =	task.clear_ibuf [dreg:s8], $0x6FFFF;
	_ =	strace $0x90000046  }
0xb4: {  	s29 =	simm.s32 $0xA;
	_ =	strace $0x80000048  }
0xb5: {  	_ =	swait.ge [sflag:s29], $0x1  }
0xb6: {  	[sflag:s29] =	ssyncadd.s32 $0xFFFFFFFF  }
0xb7: {  	_ =	strace $0x90000048  }
0xb8: {  	_ =	sfence  }
0xb9: {  	s30 =	sld [smem:$0x0];
	_ =	sdelay $0x2  }
0xba: {  	s31 =	sshll.u32 s1, $0xD;
	s1 =	sshrl.u32 s1, $0x2  }
0xbb: {  	s3 =	sand.u32 $0x4000, s31;
	s1 =	sadd.s32 s1, s30  }
0xbc: {  	s0 =	sor.u32 s3, s0;
	s1 =	sshll.u32 s1, $0x11  }
0xbd: {  	s0 =	sor.u32 s1, s0  }
0xbe: {  	s0 =	sadd.s32 $0x8F2B, s0  }
0xbf: {  	[sflag:s0] =	ssyncadd.remote.s32 $0x1  }
0xc0: {  	_ =	sfence.sel $0xFFFF  }
0xc1: {  	[dreg:$0x0] =	wrdreg $0xFFFFFFFF;
	(pc) =	sbr.abs _section_cstart, $3  }
0xc2: {  	[dreg:$0x1] =	wrdreg $0xFFFFFFFF  }
0xc3: {  	_ =	task.clear_ibuf [dreg:s8], $0x2FFFF;
	_ =	strace $0x9FFFFFFF  }
0xc4: {  	(tm) =	ssettm $0x7FFFFFFF  }
0xc5: {  	_ =	shalt  }
tec
execute0_lowered:
.L_overlay_start_1:
0x0: {  	(tag) =	ssettag $0x1  }
0x1: {  	s0 =	rddreg [dreg:$0x0]  }
0x2: {  	s1 =	rddreg [dreg:$0x1];
	s3 =	simm.s32 $0x0  }
0x3: {  	s2 =	srdreg.scid;
	s4 =	stileid.u32;
	s29 =	simm.s32 $0x2A00  }
0x4: {  	s30 =	simm.s32 $0x1;
	s31 =	simm.s32 $0x6880;
	[smem:$0x7FF] =	sst s3  }
0x5: {  	s2 =	sand.u32 $0x1, s2;
	s4 =	sshll.u32 s4, $0x7;
	s6 =	sadd.s32 $0xBA00, s0  }
0x6: {  	_ =	strace $0x80000047;
	s5 =	sshll.u32 s2, $0x6;
	s2 =	ssub.s32 $0x2, s2  }
0x7: {  	[dreg:$0x4] =	wrdreg s6;
	s4 =	sor.u32 s5, s4;
	s26 =	sshrl.u32 s2, $0x1  }
0x8: {  	s0 =	sadd.s32 s4, s0;
	s2 =	ssub.s32 s2, s26;
	s5 =	sadd.s32 s1, s4  }
0x9: {  	s1 =	simm.s32 $0x0;
	s6 =	sadd.s32 $0x1A00, s0;
	s7 =	sadd.s32 $0x2200, s0  }
0xa: {  	s8 =	sadd.s32 $0x2A00, s0;
	s9 =	sadd.s32 $0x3200, s0;
	s10 =	sadd.s32 $0x3A00, s0  }
0xb: {  	s11 =	sadd.s32 $0x4200, s0;
	s12 =	sadd.s32 $0x4A00, s0;
	s13 =	sadd.s32 $0x5200, s0  }
0xc: {  	s14 =	sadd.s32 $0x5A00, s0;
	s15 =	sadd.s32 $0x6200, s0;
	s16 =	sadd.s32 $0x6A00, s0  }
0xd: {  	s17 =	sadd.s32 $0x7200, s0;
	s18 =	sadd.s32 $0x7A00, s0;
	s19 =	sadd.s32 $0x8200, s0  }
0xe: {  	s20 =	sadd.s32 $0x8A00, s0;
	s21 =	sadd.s32 $0x9200, s0;
	s22 =	sadd.s32 $0x9A00, s0  }
0xf: {  	s23 =	sadd.s32 $0xA200, s0;
	s24 =	sadd.s32 $0xAA00, s0;
	s25 =	sadd.s32 $0xB200, s0  }
0x10: {  	s26 =	sadd.s32 $0xBC00, s0;
	s28 =	smax.u32 s2, $0x1;
	s0 =	simm.s32 $0x200  }
.LBB2_1:
0x11: {  	s2 =	rddreg [dreg:$0x2]  }
0x12: {  	[tilespmem:s29], [sflag:$0x1] =	stream.linear.gather [hbm4b:s2+s3], $0x3E80, $0x38;
	[tilespmem:$0x90C0] =	vst v63  }
0x13: {  	_ =	swait.ge [sflag:s30], $0x3E80  }
0x14: {  	[sflag:s30] =	ssyncset.done $0x0  }
0x15: {  	s4 =	rddreg [dreg:$0x4];
	[sflag:s30] =	ssyncadd.s32 $0xFFFFC180  }
0x16: {  	[tilespmem:s31], [sflag:$0x1] =	stream.linear.gather [hbm4b:s4+s3], $0x40, $0x38;
	[tilespmem:$0x90C0] =	vst v63  }
0x17: {  	_ =	swait.ge [sflag:s30], $0x40  }
0x18: {  	[sflag:s30] =	ssyncset.done $0x0  }
0x19: {  	[sflag:s30] =	ssyncadd.s32 $0xFFFFFFC0  }
0x1a: {  	[tilespmem:s3], [sflag:$0x1] =	stream.linear.gather [hbm4b:s5+s3], $0x200, $0x38;
	[tilespmem:$0x90C0] =	vst v63  }
0x1b: {  	_ =	swait.ge [sflag:s30], $0x200  }
0x1c: {  	[sflag:s30] =	ssyncset.done $0x0  }
0x1d: {  	[sflag:s30] =	ssyncadd.s32 $0xFFFFFE00  }
0x1e: {  	[tilespmem:s0], [sflag:$0x1] =	stream.linear.gather [hbm4b:s6+s3], $0x200, $0x38;
	[tilespmem:$0x90C0] =	vst v63  }
0x1f: {  	_ =	swait.ge [sflag:s30], $0x200  }
0x20: {  	[sflag:s30] =	ssyncset.done $0x0  }
0x21: {  	s4 =	simm.s32 $0x400;
	[sflag:s30] =	ssyncadd.s32 $0xFFFFFE00  }
0x22: {  	[tilespmem:s4], [sflag:$0x1] =	stream.linear.gather [hbm4b:s7+s3], $0x200, $0x38;
	[tilespmem:$0x90C0] =	vst v63  }
0x23: {  	_ =	swait.ge [sflag:s30], $0x200  }
0x24: {  	[sflag:s30] =	ssyncset.done $0x0  }
0x25: {  	s4 =	simm.s32 $0x600;
	[sflag:s30] =	ssyncadd.s32 $0xFFFFFE00  }
0x26: {  	[tilespmem:s4], [sflag:$0x1] =	stream.linear.gather [hbm4b:s8+s3], $0x200, $0x38;
	[tilespmem:$0x90C0] =	vst v63  }
0x27: {  	_ =	swait.ge [sflag:s30], $0x200  }
0x28: {  	[sflag:s30] =	ssyncset.done $0x0  }
0x29: {  	s4 =	simm.s32 $0x800;
	[sflag:s30] =	ssyncadd.s32 $0xFFFFFE00  }
0x2a: {  	[tilespmem:s4], [sflag:$0x1] =	stream.linear.gather [hbm4b:s9+s3], $0x200, $0x38;
	[tilespmem:$0x90C0] =	vst v63  }
0x2b: {  	_ =	swait.ge [sflag:s30], $0x200  }
0x2c: {  	[sflag:s30] =	ssyncset.done $0x0  }
0x2d: {  	s4 =	simm.s32 $0xA00;
	[sflag:s30] =	ssyncadd.s32 $0xFFFFFE00  }
0x2e: {  	[tilespmem:s4], [sflag:$0x1] =	stream.linear.gather [hbm4b:s10+s3], $0x200, $0x38;
	[tilespmem:$0x90C0] =	vst v63  }
0x2f: {  	_ =	swait.ge [sflag:s30], $0x200  }
0x30: {  	[sflag:s30] =	ssyncset.done $0x0  }
0x31: {  	s4 =	simm.s32 $0xC00;
	[sflag:s30] =	ssyncadd.s32 $0xFFFFFE00  }
0x32: {  	[tilespmem:s4], [sflag:$0x1] =	stream.linear.gather [hbm4b:s11+s3], $0x200, $0x38;
	[tilespmem:$0x90C0] =	vst v63  }
0x33: {  	_ =	swait.ge [sflag:s30], $0x200  }
0x34: {  	[sflag:s30] =	ssyncset.done $0x0  }
0x35: {  	s4 =	simm.s32 $0xE00;
	[sflag:s30] =	ssyncadd.s32 $0xFFFFFE00  }
0x36: {  	[tilespmem:s4], [sflag:$0x1] =	stream.linear.gather [hbm4b:s12+s3], $0x200, $0x38;
	[tilespmem:$0x90C0] =	vst v63  }
0x37: {  	_ =	swait.ge [sflag:s30], $0x200  }
0x38: {  	[sflag:s30] =	ssyncset.done $0x0  }
0x39: {  	s4 =	simm.s32 $0x1000;
	[sflag:s30] =	ssyncadd.s32 $0xFFFFFE00  }
0x3a: {  	[tilespmem:s4], [sflag:$0x1] =	stream.linear.gather [hbm4b:s13+s3], $0x200, $0x38;
	[tilespmem:$0x90C0] =	vst v63  }
0x3b: {  	_ =	swait.ge [sflag:s30], $0x200  }
0x3c: {  	[sflag:s30] =	ssyncset.done $0x0  }
0x3d: {  	s4 =	simm.s32 $0x1200;
	[sflag:s30] =	ssyncadd.s32 $0xFFFFFE00  }
0x3e: {  	[tilespmem:s4], [sflag:$0x1] =	stream.linear.gather [hbm4b:s14+s3], $0x200, $0x38;
	[tilespmem:$0x90C0] =	vst v63  }
0x3f: {  	_ =	swait.ge [sflag:s30], $0x200  }
0x40: {  	[sflag:s30] =	ssyncset.done $0x0  }
0x41: {  	s4 =	simm.s32 $0x1400;
	[sflag:s30] =	ssyncadd.s32 $0xFFFFFE00  }
0x42: {  	[tilespmem:s4], [sflag:$0x1] =	stream.linear.gather [hbm4b:s15+s3], $0x200, $0x38;
	[tilespmem:$0x90C0] =	vst v63  }
0x43: {  	_ =	swait.ge [sflag:s30], $0x200  }
0x44: {  	[sflag:s30] =	ssyncset.done $0x0  }
0x45: {  	s4 =	simm.s32 $0x1600;
	[sflag:s30] =	ssyncadd.s32 $0xFFFFFE00  }
0x46: {  	[tilespmem:s4], [sflag:$0x1] =	stream.linear.gather [hbm4b:s16+s3], $0x200, $0x38;
	[tilespmem:$0x90C0] =	vst v63  }
0x47: {  	_ =	swait.ge [sflag:s30], $0x200  }
0x48: {  	[sflag:s30] =	ssyncset.done $0x0  }
0x49: {  	s4 =	simm.s32 $0x1800;
	[sflag:s30] =	ssyncadd.s32 $0xFFFFFE00  }
0x4a: {  	[tilespmem:s4], [sflag:$0x1] =	stream.linear.gather [hbm4b:s17+s3], $0x200, $0x38;
	[tilespmem:$0x90C0] =	vst v63  }
0x4b: {  	_ =	swait.ge [sflag:s30], $0x200  }
0x4c: {  	[sflag:s30] =	ssyncset.done $0x0  }
0x4d: {  	s4 =	simm.s32 $0x1A00;
	[sflag:s30] =	ssyncadd.s32 $0xFFFFFE00  }
0x4e: {  	[tilespmem:s4], [sflag:$0x1] =	stream.linear.gather [hbm4b:s18+s3], $0x200, $0x38;
	[tilespmem:$0x90C0] =	vst v63  }
0x4f: {  	_ =	swait.ge [sflag:s30], $0x200  }
0x50: {  	[sflag:s30] =	ssyncset.done $0x0  }
0x51: {  	s4 =	simm.s32 $0x1C00;
	[sflag:s30] =	ssyncadd.s32 $0xFFFFFE00  }
0x52: {  	[tilespmem:s4], [sflag:$0x1] =	stream.linear.gather [hbm4b:s19+s3], $0x200, $0x38;
	[tilespmem:$0x90C0] =	vst v63  }
0x53: {  	_ =	swait.ge [sflag:s30], $0x200  }
0x54: {  	[sflag:s30] =	ssyncset.done $0x0  }
0x55: {  	s4 =	simm.s32 $0x1E00;
	[sflag:s30] =	ssyncadd.s32 $0xFFFFFE00  }
0x56: {  	[tilespmem:s4], [sflag:$0x1] =	stream.linear.gather [hbm4b:s20+s3], $0x200, $0x38;
	[tilespmem:$0x90C0] =	vst v63  }
0x57: {  	_ =	swait.ge [sflag:s30], $0x200  }
0x58: {  	[sflag:s30] =	ssyncset.done $0x0  }
0x59: {  	s4 =	simm.s32 $0x2000;
	[sflag:s30] =	ssyncadd.s32 $0xFFFFFE00  }
0x5a: {  	[tilespmem:s4], [sflag:$0x1] =	stream.linear.gather [hbm4b:s21+s3], $0x200, $0x38;
	[tilespmem:$0x90C0] =	vst v63  }
0x5b: {  	_ =	swait.ge [sflag:s30], $0x200  }
0x5c: {  	[sflag:s30] =	ssyncset.done $0x0  }
0x5d: {  	s4 =	simm.s32 $0x2200;
	[sflag:s30] =	ssyncadd.s32 $0xFFFFFE00  }
0x5e: {  	[tilespmem:s4], [sflag:$0x1] =	stream.linear.gather [hbm4b:s22+s3], $0x200, $0x38;
	[tilespmem:$0x90C0] =	vst v63  }
0x5f: {  	_ =	swait.ge [sflag:s30], $0x200  }
0x60: {  	[sflag:s30] =	ssyncset.done $0x0  }
0x61: {  	s4 =	simm.s32 $0x2400;
	[sflag:s30] =	ssyncadd.s32 $0xFFFFFE00  }
0x62: {  	[tilespmem:s4], [sflag:$0x1] =	stream.linear.gather [hbm4b:s23+s3], $0x200, $0x38;
	[tilespmem:$0x90C0] =	vst v63  }
0x63: {  	_ =	swait.ge [sflag:s30], $0x200  }
0x64: {  	[sflag:s30] =	ssyncset.done $0x0  }
0x65: {  	s4 =	simm.s32 $0x2600;
	[sflag:s30] =	ssyncadd.s32 $0xFFFFFE00  }
0x66: {  	[tilespmem:s4], [sflag:$0x1] =	stream.linear.gather [hbm4b:s24+s3], $0x200, $0x38;
	[tilespmem:$0x90C0] =	vst v63  }
0x67: {  	_ =	swait.ge [sflag:s30], $0x200  }
0x68: {  	[sflag:s30] =	ssyncset.done $0x0  }
0x69: {  	s4 =	simm.s32 $0x2800;
	[sflag:s30] =	ssyncadd.s32 $0xFFFFFE00  }
0x6a: {  	[tilespmem:s4], [sflag:$0x1] =	stream.linear.gather [hbm4b:s25+s3], $0x200, $0x38;
	[tilespmem:$0x90C0] =	vst v63  }
0x6b: {  	_ =	swait.ge [sflag:s30], $0x200  }
0x6c: {  	[sflag:s30] =	ssyncset.done $0x0  }
0x6d: {  	s2 =	simm.s32 $0x0;
	[sflag:s30] =	ssyncadd.s32 $0xFFFFFE00  }
.LBB2_2:
0x6e: {  	s4 =	sshra.s32 s2, $0x2  }
0x6f: {  	v3 =	vld [tilespmem:s4+$0x200]  }
0x70: {  	v4 =	vld [tilespmem:s4+$0x400];
	_ =	sdelay $0x1  }
0x71: {  	v1 =	vld [tilespmem:s4+$0x600];
	_ =	sdelay $0x1  }
0x72: {  	v0 =	vld [tilespmem:s4+$0x800]  }
0x73: {  	vm0 =	vlt.s32 v3, $0x1;
	vm1 =	vlt.s32 v4, $0x1  }
0x74: {  	v2 =	vld [tilespmem:s4+$0xA00];
	v5 =	vnsel vm0, $0x1, v3;
	v6 =	vnsel vm1, $0x1, v4  }
0x75: {  	vm10 =	vlt.s32 v1, $0x1;
	v7 =	vcvt.s32.f32 v5;
	v6 =	vcvt.s32.f32 v6  }
0x76: {  	v8 =	vnsel vm10, $0x1, v1;
	v5 =	vld [tilespmem:s4+$0xC00]  }
0x77: {  	vm11 =	vlt.s32 v0, $0x1;
	v8 =	vcvt.s32.f32 v8;
	v7 =	vadd.f32 v6, v7  }
0x78: {  	v9 =	vnsel vm11, $0x1, v0;
	v6 =	vld [tilespmem:s4+$0xE00]  }
0x79: {  	vm12 =	vlt.s32 v2, $0x1;
	v9 =	vcvt.s32.f32 v9;
	v12 =	vld.idx.msk [tilespmem:v3+s29+$0x0], $0xffff;
	v10 =	vadd.f32 v8, v7  }
0x7a: {  	v11 =	vnsel vm12, $0x1, v2;
	v8 =	vld [tilespmem:s4+$0x1000]  }
0x7b: {  	v44 =	vcvt.s32.f32 v11;
	v13 =	vld.idx.msk [tilespmem:v4+s29+$0x0], $0xffff;
	vm13 =	vlt.s32 v5, $0x1;
	v9 =	vadd.f32 v9, v10  }
0x7c: {  	v7 =	vld [tilespmem:s4+$0x1200];
	v45 =	vnsel vm13, $0x1, v5  }
0x7d: {  	v15 =	vld.idx.msk [tilespmem:v1+s29+$0x0], $0xffff;
	v11 =	vcvt.s32.f32 v45;
	vm14 =	vlt.s32 v6, $0x1;
	v10 =	vadd.f32 v44, v9  }
0x7e: {  	v9 =	vld [tilespmem:s4+$0x1400];
	v14 =	vnsel vm14, $0x1, v6  }
0x7f: {  	v17 =	vld.idx.msk [tilespmem:v0+s29+$0x0], $0xffff;
	v14 =	vcvt.s32.f32 v14;
	vm15 =	vlt.s32 v8, $0x1;
	v11 =	vadd.f32 v11, v10  }
0x80: {  	v13 =	vadd.f32 v13, v12;
	v10 =	vld [tilespmem:s4+$0x1600];
	v16 =	vnsel vm15, $0x1, v8  }
0x81: {  	v47 =	vld.idx.msk [tilespmem:v2+s29+$0x0], $0xffff;
	vm4 =	vlt.s32 v7, $0x1;
	v16 =	vcvt.s32.f32 v16;
	v14 =	vadd.f32 v14, v11  }
0x82: {  	v15 =	vadd.f32 v15, v13;
	v18 =	vnsel vm4, $0x1, v7;
	v11 =	vld [tilespmem:s4+$0x1800]  }
0x83: {  	v49 =	vld.idx.msk [tilespmem:v5+s29+$0x0], $0xffff;
	v46 =	vcvt.s32.f32 v18;
	vm5 =	vlt.s32 v9, $0x1;
	v14 =	vadd.f32 v16, v14  }
0x84: {  	v12 =	vld [tilespmem:s4+$0x1A00];
	v15 =	vadd.f32 v17, v15;
	v19 =	vnsel vm5, $0x1, v9  }
0x85: {  	v51 =	vld.idx.msk [tilespmem:v6+s29+$0x0], $0xffff;
	v48 =	vcvt.s32.f32 v19;
	vm6 =	vlt.s32 v10, $0x1;
	v14 =	vadd.f32 v46, v14  }
0x86: {  	v13 =	vld [tilespmem:s4+$0x1C00];
	v18 =	vadd.f32 v47, v15;
	v20 =	vnsel vm6, $0x1, v10  }
0x87: {  	v53 =	vld.idx.msk [tilespmem:v8+s29+$0x0], $0xffff;
	v50 =	vcvt.s32.f32 v20;
	vm7 =	vlt.s32 v11, $0x1;
	v16 =	vadd.f32 v48, v14  }
0x88: {  	v18 =	vadd.f32 v49, v18;
	v14 =	vld [tilespmem:s4+$0x1E00];
	v21 =	vnsel vm7, $0x1, v11  }
0x89: {  	vm8 =	vlt.s32 v12, $0x1;
	v55 =	vld.idx.msk [tilespmem:v7+s29+$0x0], $0xffff;
	v52 =	vcvt.s32.f32 v21;
	v16 =	vadd.f32 v50, v16  }
0x8a: {  	v15 =	vld [tilespmem:s4+$0x2000];
	v22 =	vnsel vm8, $0x1, v12;
	v18 =	vadd.f32 v51, v18  }
0x8b: {  	v54 =	vcvt.s32.f32 v22;
	vm9 =	vlt.s32 v13, $0x1;
	v57 =	vld.idx.msk [tilespmem:v9+s29+$0x0], $0xffff;
	v17 =	vadd.f32 v52, v16  }
0x8c: {  	v23 =	vnsel vm9, $0x1, v13;
	v21 =	vadd.f32 v53, v18;
	v16 =	vld [tilespmem:s4+$0x2200]  }
0x8d: {  	v56 =	vcvt.s32.f32 v23;
	v59 =	vld.idx.msk [tilespmem:v10+s29+$0x0], $0xffff;
	vm10 =	vlt.s32 v14, $0x1;
	v19 =	vadd.f32 v54, v17  }
0x8e: {  	v21 =	vadd.f32 v55, v21;
	v17 =	vld [tilespmem:s4+$0x2400];
	v24 =	vnsel vm10, $0x1, v14  }
0x8f: {  	vm11 =	vlt.s32 v15, $0x1;
	v61 =	vld.idx.msk [tilespmem:v11+s29+$0x0], $0xffff;
	v58 =	vcvt.s32.f32 v24;
	v19 =	vadd.f32 v56, v19  }
0x90: {  	v25 =	vnsel vm11, $0x1, v15;
	v18 =	vld [tilespmem:s4+$0x2600];
	v21 =	vadd.f32 v57, v21  }
0x91: {  	v63 =	vld.idx.msk [tilespmem:v12+s29+$0x0], $0xffff;
	v60 =	vcvt.s32.f32 v25;
	vm12 =	vlt.s32 v16, $0x1;
	v20 =	vadd.f32 v58, v19  }
0x92: {  	v21 =	vadd.f32 v59, v21;
	v19 =	vld [tilespmem:s4+$0x2800];
	v26 =	vnsel vm12, $0x1, v16  }
0x93: {  	v30 =	vld.idx.msk [tilespmem:v13+s29+$0x0], $0xffff;
	v62 =	vcvt.s32.f32 v26;
	vm13 =	vlt.s32 v17, $0x1;
	v20 =	vadd.f32 v60, v20  }
0x94: {  	v21 =	vadd.f32 v61, v21;
	v28 =	vnsel vm13, $0x1, v17  }
0x95: {  	vm14 =	vlt.s32 v18, $0x1;
	v32 =	vld.idx.msk [tilespmem:v14+s29+$0x0], $0xffff;
	v29 =	vcvt.s32.f32 v28;
	v20 =	vadd.f32 v62, v20  }
0x96: {  	v31 =	vnsel vm14, $0x1, v18;
	v21 =	vadd.f32 v63, v21  }
0x97: {  	v34 =	vld.idx.msk [tilespmem:v15+s29+$0x0], $0xffff;
	v22 =	vcvt.s32.f32 v31;
	vm15 =	vlt.s32 v19, $0x1;
	v20 =	vadd.f32 v29, v20  }
0x98: {  	v21 =	vadd.f32 v30, v21;
	v33 =	vnsel vm15, $0x1, v19  }
0x99: {  	v36 =	vld.idx.msk [tilespmem:v16+s29+$0x0], $0xffff;
	v35 =	vcvt.s32.f32 v33;
	v20 =	vadd.f32 v22, v20  }
0x9a: {  	v21 =	vadd.f32 v32, v21  }
0x9b: {  	v37 =	vld.idx.msk [tilespmem:v17+s29+$0x0], $0xffff;
	v20 =	vadd.f32 v35, v20  }
0x9c: {  	v38 =	vadd.f32 v34, v21  }
0x9d: {  	v39 =	vld.idx.msk [tilespmem:v18+s29+$0x0], $0xffff;
	(erf) = vrcp.f32 v20  }
0x9e: {  	v20 =	vadd.f32 v36, v38;
	_ =	sdelay $0x1  }
0x9f: {  	v40 =	vld.idx.msk [tilespmem:v19+s29+$0x0], $0xffff;
	v20 =	vadd.f32 v37, v20;
	_ =	sdelay $0x1  }
0xa0: {  	v20 =	vadd.f32 v39, v20;
	_ =	sdelay $0x2  }
0xa1: {  	v41 =	vadd.s32 $0x3E8, v3;
	v21 =	vadd.f32 v40, v20  }
0xa2: {  	v42 =	vadd.s32 $0x3E8, v4;
	v20 =	vpop (erf)  }
0xa3: {  	v21 =	vmul.f32 v21, v20  }
0xa4: {  	v43 =	vadd.s32 $0x3E8, v1  }
0xa5: {  	[tilespmem:s4+$0x68C0] =	vst v21  }
0xa6: {  	v44 =	vadd.s32 $0x3E8, v0;
	v21 =	vld.idx.msk [tilespmem:v41+s29+$0x0], $0xffff  }
0xa7: {  	v23 =	vld.idx.msk [tilespmem:v42+s29+$0x0], $0xffff  }
0xa8: {  	v45 =	vadd.s32 $0x3E8, v2  }
0xa9: {  	v24 =	vld.idx.msk [tilespmem:v43+s29+$0x0], $0xffff  }
0xaa: {  	v46 =	vadd.s32 $0x3E8, v5  }
0xab: {  	v22 =	vld.idx.msk [tilespmem:v44+s29+$0x0], $0xffff  }
0xac: {  	v47 =	vadd.s32 $0x3E8, v6;
	v21 =	vadd.f32 v23, v21  }
0xad: {  	v25 =	vld.idx.msk [tilespmem:v45+s29+$0x0], $0xffff  }
0xae: {  	v48 =	vadd.s32 $0x3E8, v8;
	v21 =	vadd.f32 v24, v21  }
0xaf: {  	v26 =	vld.idx.msk [tilespmem:v46+s29+$0x0], $0xffff  }
0xb0: {  	v49 =	vadd.s32 $0x3E8, v7;
	v21 =	vadd.f32 v22, v21  }
0xb1: {  	v23 =	vld.idx.msk [tilespmem:v47+s29+$0x0], $0xffff  }
0xb2: {  	v50 =	vadd.s32 $0x3E8, v9;
	v21 =	vadd.f32 v25, v21  }
0xb3: {  	v24 =	vld.idx.msk [tilespmem:v48+s29+$0x0], $0xffff  }
0xb4: {  	v51 =	vadd.s32 $0x3E8, v10;
	v21 =	vadd.f32 v26, v21  }
0xb5: {  	v22 =	vld.idx.msk [tilespmem:v49+s29+$0x0], $0xffff  }
0xb6: {  	v52 =	vadd.s32 $0x3E8, v11;
	v21 =	vadd.f32 v23, v21  }
0xb7: {  	v25 =	vld.idx.msk [tilespmem:v50+s29+$0x0], $0xffff  }
0xb8: {  	v53 =	vadd.s32 $0x3E8, v12;
	v21 =	vadd.f32 v24, v21  }
0xb9: {  	v26 =	vld.idx.msk [tilespmem:v51+s29+$0x0], $0xffff  }
0xba: {  	v54 =	vadd.s32 $0x3E8, v13;
	v21 =	vadd.f32 v22, v21  }
0xbb: {  	v23 =	vld.idx.msk [tilespmem:v52+s29+$0x0], $0xffff  }
0xbc: {  	v55 =	vadd.s32 $0x3E8, v14;
	v21 =	vadd.f32 v25, v21  }
0xbd: {  	v24 =	vld.idx.msk [tilespmem:v53+s29+$0x0], $0xffff  }
0xbe: {  	v56 =	vadd.s32 $0x3E8, v15;
	v21 =	vadd.f32 v26, v21  }
0xbf: {  	v22 =	vld.idx.msk [tilespmem:v54+s29+$0x0], $0xffff  }
0xc0: {  	v57 =	vadd.s32 $0x3E8, v16;
	v21 =	vadd.f32 v23, v21  }
0xc1: {  	v25 =	vld.idx.msk [tilespmem:v55+s29+$0x0], $0xffff  }
0xc2: {  	v58 =	vadd.s32 $0x3E8, v17;
	v21 =	vadd.f32 v24, v21  }
0xc3: {  	v26 =	vld.idx.msk [tilespmem:v56+s29+$0x0], $0xffff  }
0xc4: {  	v59 =	vadd.s32 $0x3E8, v18;
	v21 =	vadd.f32 v22, v21  }
0xc5: {  	v23 =	vld.idx.msk [tilespmem:v57+s29+$0x0], $0xffff  }
0xc6: {  	v60 =	vadd.s32 $0x3E8, v19;
	v21 =	vadd.f32 v25, v21  }
0xc7: {  	v24 =	vld.idx.msk [tilespmem:v58+s29+$0x0], $0xffff  }
0xc8: {  	v21 =	vadd.f32 v26, v21  }
0xc9: {  	v22 =	vld.idx.msk [tilespmem:v59+s29+$0x0], $0xffff  }
0xca: {  	v21 =	vadd.f32 v23, v21  }
0xcb: {  	v61 =	vld.idx.msk [tilespmem:v60+s29+$0x0], $0xffff  }
0xcc: {  	v21 =	vadd.f32 v24, v21;
	_ =	sdelay $0x1  }
0xcd: {  	v21 =	vadd.f32 v22, v21;
	_ =	sdelay $0x1  }
0xce: {  	v62 =	vadd.s32 $0x7D0, v3;
	v21 =	vadd.f32 v61, v21  }
0xcf: {  	v63 =	vadd.s32 $0x7D0, v4  }
0xd0: {  	v21 =	vmul.f32 v21, v20  }
0xd1: {  	v28 =	vadd.s32 $0x7D0, v1  }
0xd2: {  	[tilespmem:s4+$0x6AC0] =	vst v21  }
0xd3: {  	v29 =	vadd.s32 $0x7D0, v0;
	v21 =	vld.idx.msk [tilespmem:v62+s29+$0x0], $0xffff  }
0xd4: {  	v23 =	vld.idx.msk [tilespmem:v63+s29+$0x0], $0xffff  }
0xd5: {  	v30 =	vadd.s32 $0x7D0, v2  }
0xd6: {  	v24 =	vld.idx.msk [tilespmem:v28+s29+$0x0], $0xffff  }
0xd7: {  	v31 =	vadd.s32 $0x7D0, v5  }
0xd8: {  	v22 =	vld.idx.msk [tilespmem:v29+s29+$0x0], $0xffff  }
0xd9: {  	v32 =	vadd.s32 $0x7D0, v6;
	v21 =	vadd.f32 v23, v21  }
0xda: {  	v25 =	vld.idx.msk [tilespmem:v30+s29+$0x0], $0xffff  }
0xdb: {  	v33 =	vadd.s32 $0x7D0, v8;
	v21 =	vadd.f32 v24, v21  }
0xdc: {  	v26 =	vld.idx.msk [tilespmem:v31+s29+$0x0], $0xffff  }
0xdd: {  	v34 =	vadd.s32 $0x7D0, v7;
	v21 =	vadd.f32 v22, v21  }
0xde: {  	v23 =	vld.idx.msk [tilespmem:v32+s29+$0x0], $0xffff  }
0xdf: {  	v35 =	vadd.s32 $0x7D0, v9;
	v21 =	vadd.f32 v25, v21  }
0xe0: {  	v24 =	vld.idx.msk [tilespmem:v33+s29+$0x0], $0xffff  }
0xe1: {  	v36 =	vadd.s32 $0x7D0, v10;
	v21 =	vadd.f32 v26, v21  }
0xe2: {  	v22 =	vld.idx.msk [tilespmem:v34+s29+$0x0], $0xffff  }
0xe3: {  	v37 =	vadd.s32 $0x7D0, v11;
	v21 =	vadd.f32 v23, v21  }
0xe4: {  	v25 =	vld.idx.msk [tilespmem:v35+s29+$0x0], $0xffff  }
0xe5: {  	v38 =	vadd.s32 $0x7D0, v12;
	v21 =	vadd.f32 v24, v21  }
0xe6: {  	v26 =	vld.idx.msk [tilespmem:v36+s29+$0x0], $0xffff  }
0xe7: {  	v39 =	vadd.s32 $0x7D0, v13;
	v21 =	vadd.f32 v22, v21  }
0xe8: {  	v23 =	vld.idx.msk [tilespmem:v37+s29+$0x0], $0xffff  }
0xe9: {  	v40 =	vadd.s32 $0x7D0, v14;
	v21 =	vadd.f32 v25, v21  }
0xea: {  	v24 =	vld.idx.msk [tilespmem:v38+s29+$0x0], $0xffff  }
0xeb: {  	v41 =	vadd.s32 $0x7D0, v15;
	v21 =	vadd.f32 v26, v21  }
0xec: {  	v22 =	vld.idx.msk [tilespmem:v39+s29+$0x0], $0xffff  }
0xed: {  	v42 =	vadd.s32 $0x7D0, v16;
	v21 =	vadd.f32 v23, v21  }
0xee: {  	v25 =	vld.idx.msk [tilespmem:v40+s29+$0x0], $0xffff  }
0xef: {  	v43 =	vadd.s32 $0x7D0, v17;
	v21 =	vadd.f32 v24, v21  }
0xf0: {  	v26 =	vld.idx.msk [tilespmem:v41+s29+$0x0], $0xffff  }
0xf1: {  	v44 =	vadd.s32 $0x7D0, v18;
	v21 =	vadd.f32 v22, v21  }
0xf2: {  	v23 =	vld.idx.msk [tilespmem:v42+s29+$0x0], $0xffff  }
0xf3: {  	v45 =	vadd.s32 $0x7D0, v19;
	v21 =	vadd.f32 v25, v21  }
0xf4: {  	v24 =	vld.idx.msk [tilespmem:v43+s29+$0x0], $0xffff  }
0xf5: {  	v21 =	vadd.f32 v26, v21  }
0xf6: {  	v22 =	vld.idx.msk [tilespmem:v44+s29+$0x0], $0xffff  }
0xf7: {  	v21 =	vadd.f32 v23, v21  }
0xf8: {  	v46 =	vld.idx.msk [tilespmem:v45+s29+$0x0], $0xffff  }
0xf9: {  	v21 =	vadd.f32 v24, v21;
	_ =	sdelay $0x1  }
0xfa: {  	v21 =	vadd.f32 v22, v21;
	_ =	sdelay $0x1  }
0xfb: {  	v47 =	vadd.s32 $0xBB8, v3;
	v21 =	vadd.f32 v46, v21  }
0xfc: {  	v48 =	vadd.s32 $0xBB8, v4  }
0xfd: {  	v21 =	vmul.f32 v21, v20  }
0xfe: {  	v49 =	vadd.s32 $0xBB8, v1  }
0xff: {  	[tilespmem:s4+$0x6CC0] =	vst v21  }
0x100: {  	v50 =	vadd.s32 $0xBB8, v0;
	v21 =	vld.idx.msk [tilespmem:v47+s29+$0x0], $0xffff  }
0x101: {  	v23 =	vld.idx.msk [tilespmem:v48+s29+$0x0], $0xffff  }
0x102: {  	v51 =	vadd.s32 $0xBB8, v2  }
0x103: {  	v24 =	vld.idx.msk [tilespmem:v49+s29+$0x0], $0xffff  }
0x104: {  	v52 =	vadd.s32 $0xBB8, v5  }
0x105: {  	v22 =	vld.idx.msk [tilespmem:v50+s29+$0x0], $0xffff  }
0x106: {  	v53 =	vadd.s32 $0xBB8, v6;
	v21 =	vadd.f32 v23, v21  }
0x107: {  	v25 =	vld.idx.msk [tilespmem:v51+s29+$0x0], $0xffff  }
0x108: {  	v54 =	vadd.s32 $0xBB8, v8;
	v21 =	vadd.f32 v24, v21  }
0x109: {  	v26 =	vld.idx.msk [tilespmem:v52+s29+$0x0], $0xffff  }
0x10a: {  	v55 =	vadd.s32 $0xBB8, v7;
	v21 =	vadd.f32 v22, v21  }
0x10b: {  	v23 =	vld.idx.msk [tilespmem:v53+s29+$0x0], $0xffff  }
0x10c: {  	v56 =	vadd.s32 $0xBB8, v9;
	v21 =	vadd.f32 v25, v21  }
0x10d: {  	v24 =	vld.idx.msk [tilespmem:v54+s29+$0x0], $0xffff  }
0x10e: {  	v57 =	vadd.s32 $0xBB8, v10;
	v21 =	vadd.f32 v26, v21  }
0x10f: {  	v22 =	vld.idx.msk [tilespmem:v55+s29+$0x0], $0xffff  }
0x110: {  	v58 =	vadd.s32 $0xBB8, v11;
	v21 =	vadd.f32 v23, v21  }
0x111: {  	v25 =	vld.idx.msk [tilespmem:v56+s29+$0x0], $0xffff  }
0x112: {  	v59 =	vadd.s32 $0xBB8, v12;
	v21 =	vadd.f32 v24, v21  }
0x113: {  	v26 =	vld.idx.msk [tilespmem:v57+s29+$0x0], $0xffff  }
0x114: {  	v60 =	vadd.s32 $0xBB8, v13;
	v21 =	vadd.f32 v22, v21  }
0x115: {  	v23 =	vld.idx.msk [tilespmem:v58+s29+$0x0], $0xffff  }
0x116: {  	v61 =	vadd.s32 $0xBB8, v14;
	v21 =	vadd.f32 v25, v21  }
0x117: {  	v24 =	vld.idx.msk [tilespmem:v59+s29+$0x0], $0xffff  }
0x118: {  	v62 =	vadd.s32 $0xBB8, v15;
	v21 =	vadd.f32 v26, v21  }
0x119: {  	v22 =	vld.idx.msk [tilespmem:v60+s29+$0x0], $0xffff  }
0x11a: {  	v63 =	vadd.s32 $0xBB8, v16;
	v21 =	vadd.f32 v23, v21  }
0x11b: {  	v25 =	vld.idx.msk [tilespmem:v61+s29+$0x0], $0xffff  }
0x11c: {  	v28 =	vadd.s32 $0xBB8, v17;
	v21 =	vadd.f32 v24, v21  }
0x11d: {  	v26 =	vld.idx.msk [tilespmem:v62+s29+$0x0], $0xffff  }
0x11e: {  	v29 =	vadd.s32 $0xBB8, v18;
	v21 =	vadd.f32 v22, v21  }
0x11f: {  	v23 =	vld.idx.msk [tilespmem:v63+s29+$0x0], $0xffff  }
0x120: {  	v30 =	vadd.s32 $0xBB8, v19;
	v21 =	vadd.f32 v25, v21  }
0x121: {  	v24 =	vld.idx.msk [tilespmem:v28+s29+$0x0], $0xffff  }
0x122: {  	v21 =	vadd.f32 v26, v21  }
0x123: {  	v22 =	vld.idx.msk [tilespmem:v29+s29+$0x0], $0xffff  }
0x124: {  	v21 =	vadd.f32 v23, v21  }
0x125: {  	v31 =	vld.idx.msk [tilespmem:v30+s29+$0x0], $0xffff  }
0x126: {  	v21 =	vadd.f32 v24, v21;
	_ =	sdelay $0x1  }
0x127: {  	v21 =	vadd.f32 v22, v21;
	_ =	sdelay $0x1  }
0x128: {  	v32 =	vadd.s32 $0xFA0, v3;
	v21 =	vadd.f32 v31, v21  }
0x129: {  	v33 =	vadd.s32 $0xFA0, v4  }
0x12a: {  	v21 =	vmul.f32 v21, v20  }
0x12b: {  	v34 =	vadd.s32 $0xFA0, v1  }
0x12c: {  	[tilespmem:s4+$0x6EC0] =	vst v21  }
0x12d: {  	v35 =	vadd.s32 $0xFA0, v0;
	v21 =	vld.idx.msk [tilespmem:v32+s29+$0x0], $0xffff  }
0x12e: {  	v23 =	vld.idx.msk [tilespmem:v33+s29+$0x0], $0xffff  }
0x12f: {  	v36 =	vadd.s32 $0xFA0, v2  }
0x130: {  	v24 =	vld.idx.msk [tilespmem:v34+s29+$0x0], $0xffff  }
0x131: {  	v37 =	vadd.s32 $0xFA0, v5  }
0x132: {  	v22 =	vld.idx.msk [tilespmem:v35+s29+$0x0], $0xffff  }
0x133: {  	v38 =	vadd.s32 $0xFA0, v6;
	v21 =	vadd.f32 v23, v21  }
0x134: {  	v25 =	vld.idx.msk [tilespmem:v36+s29+$0x0], $0xffff  }
0x135: {  	v39 =	vadd.s32 $0xFA0, v8;
	v21 =	vadd.f32 v24, v21  }
0x136: {  	v26 =	vld.idx.msk [tilespmem:v37+s29+$0x0], $0xffff  }
0x137: {  	v40 =	vadd.s32 $0xFA0, v7;
	v21 =	vadd.f32 v22, v21  }
0x138: {  	v23 =	vld.idx.msk [tilespmem:v38+s29+$0x0], $0xffff  }
0x139: {  	v41 =	vadd.s32 $0xFA0, v9;
	v21 =	vadd.f32 v25, v21  }
0x13a: {  	v24 =	vld.idx.msk [tilespmem:v39+s29+$0x0], $0xffff  }
0x13b: {  	v42 =	vadd.s32 $0xFA0, v10;
	v21 =	vadd.f32 v26, v21  }
0x13c: {  	v22 =	vld.idx.msk [tilespmem:v40+s29+$0x0], $0xffff  }
0x13d: {  	v43 =	vadd.s32 $0xFA0, v11;
	v21 =	vadd.f32 v23, v21  }
0x13e: {  	v25 =	vld.idx.msk [tilespmem:v41+s29+$0x0], $0xffff  }
0x13f: {  	v44 =	vadd.s32 $0xFA0, v12;
	v21 =	vadd.f32 v24, v21  }
0x140: {  	v26 =	vld.idx.msk [tilespmem:v42+s29+$0x0], $0xffff  }
0x141: {  	v45 =	vadd.s32 $0xFA0, v13;
	v21 =	vadd.f32 v22, v21  }
0x142: {  	v23 =	vld.idx.msk [tilespmem:v43+s29+$0x0], $0xffff  }
0x143: {  	v46 =	vadd.s32 $0xFA0, v14;
	v21 =	vadd.f32 v25, v21  }
0x144: {  	v24 =	vld.idx.msk [tilespmem:v44+s29+$0x0], $0xffff  }
0x145: {  	v47 =	vadd.s32 $0xFA0, v15;
	v21 =	vadd.f32 v26, v21  }
0x146: {  	v22 =	vld.idx.msk [tilespmem:v45+s29+$0x0], $0xffff  }
0x147: {  	v48 =	vadd.s32 $0xFA0, v16;
	v21 =	vadd.f32 v23, v21  }
0x148: {  	v25 =	vld.idx.msk [tilespmem:v46+s29+$0x0], $0xffff  }
0x149: {  	v49 =	vadd.s32 $0xFA0, v17;
	v21 =	vadd.f32 v24, v21  }
0x14a: {  	v26 =	vld.idx.msk [tilespmem:v47+s29+$0x0], $0xffff  }
0x14b: {  	v50 =	vadd.s32 $0xFA0, v18;
	v21 =	vadd.f32 v22, v21  }
0x14c: {  	v23 =	vld.idx.msk [tilespmem:v48+s29+$0x0], $0xffff  }
0x14d: {  	v51 =	vadd.s32 $0xFA0, v19;
	v21 =	vadd.f32 v25, v21  }
0x14e: {  	v24 =	vld.idx.msk [tilespmem:v49+s29+$0x0], $0xffff  }
0x14f: {  	v21 =	vadd.f32 v26, v21  }
0x150: {  	v22 =	vld.idx.msk [tilespmem:v50+s29+$0x0], $0xffff  }
0x151: {  	v21 =	vadd.f32 v23, v21  }
0x152: {  	v52 =	vld.idx.msk [tilespmem:v51+s29+$0x0], $0xffff  }
0x153: {  	v21 =	vadd.f32 v24, v21;
	_ =	sdelay $0x1  }
0x154: {  	v21 =	vadd.f32 v22, v21;
	_ =	sdelay $0x1  }
0x155: {  	v53 =	vadd.s32 $0x1388, v3;
	v21 =	vadd.f32 v52, v21  }
0x156: {  	v54 =	vadd.s32 $0x1388, v4  }
0x157: {  	v21 =	vmul.f32 v21, v20  }
0x158: {  	v55 =	vadd.s32 $0x1388, v1  }
0x159: {  	[tilespmem:s4+$0x70C0] =	vst v21  }
0x15a: {  	v56 =	vadd.s32 $0x1388, v0;
	v21 =	vld.idx.msk [tilespmem:v53+s29+$0x0], $0xffff  }
0x15b: {  	v23 =	vld.idx.msk [tilespmem:v54+s29+$0x0], $0xffff  }
0x15c: {  	v57 =	vadd.s32 $0x1388, v2  }
0x15d: {  	v24 =	vld.idx.msk [tilespmem:v55+s29+$0x0], $0xffff  }
0x15e: {  	v58 =	vadd.s32 $0x1388, v5  }
0x15f: {  	v22 =	vld.idx.msk [tilespmem:v56+s29+$0x0], $0xffff  }
0x160: {  	v59 =	vadd.s32 $0x1388, v6;
	v21 =	vadd.f32 v23, v21  }
0x161: {  	v25 =	vld.idx.msk [tilespmem:v57+s29+$0x0], $0xffff  }
0x162: {  	v60 =	vadd.s32 $0x1388, v8;
	v21 =	vadd.f32 v24, v21  }
0x163: {  	v26 =	vld.idx.msk [tilespmem:v58+s29+$0x0], $0xffff  }
0x164: {  	v61 =	vadd.s32 $0x1388, v7;
	v21 =	vadd.f32 v22, v21  }
0x165: {  	v23 =	vld.idx.msk [tilespmem:v59+s29+$0x0], $0xffff  }
0x166: {  	v62 =	vadd.s32 $0x1388, v9;
	v21 =	vadd.f32 v25, v21  }
0x167: {  	v24 =	vld.idx.msk [tilespmem:v60+s29+$0x0], $0xffff  }
0x168: {  	v63 =	vadd.s32 $0x1388, v10;
	v21 =	vadd.f32 v26, v21  }
0x169: {  	v22 =	vld.idx.msk [tilespmem:v61+s29+$0x0], $0xffff  }
0x16a: {  	v28 =	vadd.s32 $0x1388, v11;
	v21 =	vadd.f32 v23, v21  }
0x16b: {  	v25 =	vld.idx.msk [tilespmem:v62+s29+$0x0], $0xffff  }
0x16c: {  	v29 =	vadd.s32 $0x1388, v12;
	v21 =	vadd.f32 v24, v21  }
0x16d: {  	v26 =	vld.idx.msk [tilespmem:v63+s29+$0x0], $0xffff  }
0x16e: {  	v30 =	vadd.s32 $0x1388, v13;
	v21 =	vadd.f32 v22, v21  }
0x16f: {  	v23 =	vld.idx.msk [tilespmem:v28+s29+$0x0], $0xffff  }
0x170: {  	v31 =	vadd.s32 $0x1388, v14;
	v21 =	vadd.f32 v25, v21  }
0x171: {  	v24 =	vld.idx.msk [tilespmem:v29+s29+$0x0], $0xffff  }
0x172: {  	v32 =	vadd.s32 $0x1388, v15;
	v21 =	vadd.f32 v26, v21  }
0x173: {  	v22 =	vld.idx.msk [tilespmem:v30+s29+$0x0], $0xffff  }
0x174: {  	v33 =	vadd.s32 $0x1388, v16;
	v21 =	vadd.f32 v23, v21  }
0x175: {  	v25 =	vld.idx.msk [tilespmem:v31+s29+$0x0], $0xffff  }
0x176: {  	v34 =	vadd.s32 $0x1388, v17;
	v21 =	vadd.f32 v24, v21  }
0x177: {  	v26 =	vld.idx.msk [tilespmem:v32+s29+$0x0], $0xffff  }
0x178: {  	v35 =	vadd.s32 $0x1388, v18;
	v21 =	vadd.f32 v22, v21  }
0x179: {  	v23 =	vld.idx.msk [tilespmem:v33+s29+$0x0], $0xffff  }
0x17a: {  	v36 =	vadd.s32 $0x1388, v19;
	v21 =	vadd.f32 v25, v21  }
0x17b: {  	v24 =	vld.idx.msk [tilespmem:v34+s29+$0x0], $0xffff  }
0x17c: {  	v21 =	vadd.f32 v26, v21  }
0x17d: {  	v22 =	vld.idx.msk [tilespmem:v35+s29+$0x0], $0xffff  }
0x17e: {  	v21 =	vadd.f32 v23, v21  }
0x17f: {  	v37 =	vld.idx.msk [tilespmem:v36+s29+$0x0], $0xffff  }
0x180: {  	v21 =	vadd.f32 v24, v21;
	_ =	sdelay $0x1  }
0x181: {  	v21 =	vadd.f32 v22, v21;
	_ =	sdelay $0x1  }
0x182: {  	v38 =	vadd.s32 $0x1770, v3;
	v21 =	vadd.f32 v37, v21  }
0x183: {  	v39 =	vadd.s32 $0x1770, v4  }
0x184: {  	v21 =	vmul.f32 v21, v20  }
0x185: {  	v40 =	vadd.s32 $0x1770, v1  }
0x186: {  	[tilespmem:s4+$0x72C0] =	vst v21  }
0x187: {  	v41 =	vadd.s32 $0x1770, v0;
	v21 =	vld.idx.msk [tilespmem:v38+s29+$0x0], $0xffff  }
0x188: {  	v23 =	vld.idx.msk [tilespmem:v39+s29+$0x0], $0xffff  }
0x189: {  	v42 =	vadd.s32 $0x1770, v2  }
0x18a: {  	v24 =	vld.idx.msk [tilespmem:v40+s29+$0x0], $0xffff  }
0x18b: {  	v43 =	vadd.s32 $0x1770, v5  }
0x18c: {  	v22 =	vld.idx.msk [tilespmem:v41+s29+$0x0], $0xffff  }
0x18d: {  	v44 =	vadd.s32 $0x1770, v6;
	v21 =	vadd.f32 v23, v21  }
0x18e: {  	v25 =	vld.idx.msk [tilespmem:v42+s29+$0x0], $0xffff  }
0x18f: {  	v45 =	vadd.s32 $0x1770, v8;
	v21 =	vadd.f32 v24, v21  }
0x190: {  	v26 =	vld.idx.msk [tilespmem:v43+s29+$0x0], $0xffff  }
0x191: {  	v46 =	vadd.s32 $0x1770, v7;
	v21 =	vadd.f32 v22, v21  }
0x192: {  	v23 =	vld.idx.msk [tilespmem:v44+s29+$0x0], $0xffff  }
0x193: {  	v47 =	vadd.s32 $0x1770, v9;
	v21 =	vadd.f32 v25, v21  }
0x194: {  	v24 =	vld.idx.msk [tilespmem:v45+s29+$0x0], $0xffff  }
0x195: {  	v48 =	vadd.s32 $0x1770, v10;
	v21 =	vadd.f32 v26, v21  }
0x196: {  	v22 =	vld.idx.msk [tilespmem:v46+s29+$0x0], $0xffff  }
0x197: {  	v49 =	vadd.s32 $0x1770, v11;
	v21 =	vadd.f32 v23, v21  }
0x198: {  	v25 =	vld.idx.msk [tilespmem:v47+s29+$0x0], $0xffff  }
0x199: {  	v50 =	vadd.s32 $0x1770, v12;
	v21 =	vadd.f32 v24, v21  }
0x19a: {  	v26 =	vld.idx.msk [tilespmem:v48+s29+$0x0], $0xffff  }
0x19b: {  	v51 =	vadd.s32 $0x1770, v13;
	v21 =	vadd.f32 v22, v21  }
0x19c: {  	v23 =	vld.idx.msk [tilespmem:v49+s29+$0x0], $0xffff  }
0x19d: {  	v52 =	vadd.s32 $0x1770, v14;
	v21 =	vadd.f32 v25, v21  }
0x19e: {  	v24 =	vld.idx.msk [tilespmem:v50+s29+$0x0], $0xffff  }
0x19f: {  	v53 =	vadd.s32 $0x1770, v15;
	v21 =	vadd.f32 v26, v21  }
0x1a0: {  	v22 =	vld.idx.msk [tilespmem:v51+s29+$0x0], $0xffff  }
0x1a1: {  	v54 =	vadd.s32 $0x1770, v16;
	v21 =	vadd.f32 v23, v21  }
0x1a2: {  	v25 =	vld.idx.msk [tilespmem:v52+s29+$0x0], $0xffff  }
0x1a3: {  	v55 =	vadd.s32 $0x1770, v17;
	v21 =	vadd.f32 v24, v21  }
0x1a4: {  	v26 =	vld.idx.msk [tilespmem:v53+s29+$0x0], $0xffff  }
0x1a5: {  	v56 =	vadd.s32 $0x1770, v18;
	v21 =	vadd.f32 v22, v21  }
0x1a6: {  	v23 =	vld.idx.msk [tilespmem:v54+s29+$0x0], $0xffff  }
0x1a7: {  	v57 =	vadd.s32 $0x1770, v19;
	v21 =	vadd.f32 v25, v21  }
0x1a8: {  	v24 =	vld.idx.msk [tilespmem:v55+s29+$0x0], $0xffff  }
0x1a9: {  	v21 =	vadd.f32 v26, v21  }
0x1aa: {  	v22 =	vld.idx.msk [tilespmem:v56+s29+$0x0], $0xffff  }
0x1ab: {  	v21 =	vadd.f32 v23, v21  }
0x1ac: {  	v58 =	vld.idx.msk [tilespmem:v57+s29+$0x0], $0xffff  }
0x1ad: {  	v21 =	vadd.f32 v24, v21;
	_ =	sdelay $0x1  }
0x1ae: {  	v21 =	vadd.f32 v22, v21;
	_ =	sdelay $0x1  }
0x1af: {  	v59 =	vadd.s32 $0x1B58, v3;
	v21 =	vadd.f32 v58, v21  }
0x1b0: {  	v60 =	vadd.s32 $0x1B58, v4  }
0x1b1: {  	v21 =	vmul.f32 v21, v20  }
0x1b2: {  	v61 =	vadd.s32 $0x1B58, v1  }
0x1b3: {  	[tilespmem:s4+$0x74C0] =	vst v21  }
0x1b4: {  	v62 =	vadd.s32 $0x1B58, v0;
	v21 =	vld.idx.msk [tilespmem:v59+s29+$0x0], $0xffff  }
0x1b5: {  	v23 =	vld.idx.msk [tilespmem:v60+s29+$0x0], $0xffff  }
0x1b6: {  	v63 =	vadd.s32 $0x1B58, v2  }
0x1b7: {  	v24 =	vld.idx.msk [tilespmem:v61+s29+$0x0], $0xffff  }
0x1b8: {  	v28 =	vadd.s32 $0x1B58, v5  }
0x1b9: {  	v22 =	vld.idx.msk [tilespmem:v62+s29+$0x0], $0xffff  }
0x1ba: {  	v29 =	vadd.s32 $0x1B58, v6;
	v21 =	vadd.f32 v23, v21  }
0x1bb: {  	v25 =	vld.idx.msk [tilespmem:v63+s29+$0x0], $0xffff  }
0x1bc: {  	v30 =	vadd.s32 $0x1B58, v8;
	v21 =	vadd.f32 v24, v21  }
0x1bd: {  	v26 =	vld.idx.msk [tilespmem:v28+s29+$0x0], $0xffff  }
0x1be: {  	v31 =	vadd.s32 $0x1B58, v7;
	v21 =	vadd.f32 v22, v21  }
0x1bf: {  	v23 =	vld.idx.msk [tilespmem:v29+s29+$0x0], $0xffff  }
0x1c0: {  	v32 =	vadd.s32 $0x1B58, v9;
	v21 =	vadd.f32 v25, v21  }
0x1c1: {  	v24 =	vld.idx.msk [tilespmem:v30+s29+$0x0], $0xffff  }
0x1c2: {  	v33 =	vadd.s32 $0x1B58, v10;
	v21 =	vadd.f32 v26, v21  }
0x1c3: {  	v22 =	vld.idx.msk [tilespmem:v31+s29+$0x0], $0xffff  }
0x1c4: {  	v34 =	vadd.s32 $0x1B58, v11;
	v21 =	vadd.f32 v23, v21  }
0x1c5: {  	v25 =	vld.idx.msk [tilespmem:v32+s29+$0x0], $0xffff  }
0x1c6: {  	v35 =	vadd.s32 $0x1B58, v12;
	v21 =	vadd.f32 v24, v21  }
0x1c7: {  	v26 =	vld.idx.msk [tilespmem:v33+s29+$0x0], $0xffff  }
0x1c8: {  	v36 =	vadd.s32 $0x1B58, v13;
	v21 =	vadd.f32 v22, v21  }
0x1c9: {  	v23 =	vld.idx.msk [tilespmem:v34+s29+$0x0], $0xffff  }
0x1ca: {  	v37 =	vadd.s32 $0x1B58, v14;
	v21 =	vadd.f32 v25, v21  }
0x1cb: {  	v24 =	vld.idx.msk [tilespmem:v35+s29+$0x0], $0xffff  }
0x1cc: {  	v38 =	vadd.s32 $0x1B58, v15;
	v21 =	vadd.f32 v26, v21  }
0x1cd: {  	v22 =	vld.idx.msk [tilespmem:v36+s29+$0x0], $0xffff  }
0x1ce: {  	v39 =	vadd.s32 $0x1B58, v16;
	v21 =	vadd.f32 v23, v21  }
0x1cf: {  	v25 =	vld.idx.msk [tilespmem:v37+s29+$0x0], $0xffff  }
0x1d0: {  	v40 =	vadd.s32 $0x1B58, v17;
	v21 =	vadd.f32 v24, v21  }
0x1d1: {  	v26 =	vld.idx.msk [tilespmem:v38+s29+$0x0], $0xffff  }
0x1d2: {  	v41 =	vadd.s32 $0x1B58, v18;
	v21 =	vadd.f32 v22, v21  }
0x1d3: {  	v23 =	vld.idx.msk [tilespmem:v39+s29+$0x0], $0xffff  }
0x1d4: {  	v42 =	vadd.s32 $0x1B58, v19;
	v21 =	vadd.f32 v25, v21  }
0x1d5: {  	v24 =	vld.idx.msk [tilespmem:v40+s29+$0x0], $0xffff  }
0x1d6: {  	v21 =	vadd.f32 v26, v21  }
0x1d7: {  	v22 =	vld.idx.msk [tilespmem:v41+s29+$0x0], $0xffff  }
0x1d8: {  	v21 =	vadd.f32 v23, v21  }
0x1d9: {  	v43 =	vld.idx.msk [tilespmem:v42+s29+$0x0], $0xffff  }
0x1da: {  	v21 =	vadd.f32 v24, v21;
	_ =	sdelay $0x1  }
0x1db: {  	v21 =	vadd.f32 v22, v21;
	_ =	sdelay $0x1  }
0x1dc: {  	v44 =	vadd.s32 $0x1F40, v3;
	v21 =	vadd.f32 v43, v21  }
0x1dd: {  	v45 =	vadd.s32 $0x1F40, v4  }
0x1de: {  	v21 =	vmul.f32 v21, v20  }
0x1df: {  	v46 =	vadd.s32 $0x1F40, v1  }
0x1e0: {  	[tilespmem:s4+$0x76C0] =	vst v21  }
0x1e1: {  	v47 =	vadd.s32 $0x1F40, v0;
	v21 =	vld.idx.msk [tilespmem:v44+s29+$0x0], $0xffff  }
0x1e2: {  	v23 =	vld.idx.msk [tilespmem:v45+s29+$0x0], $0xffff  }
0x1e3: {  	v48 =	vadd.s32 $0x1F40, v2  }
0x1e4: {  	v24 =	vld.idx.msk [tilespmem:v46+s29+$0x0], $0xffff  }
0x1e5: {  	v49 =	vadd.s32 $0x1F40, v5  }
0x1e6: {  	v22 =	vld.idx.msk [tilespmem:v47+s29+$0x0], $0xffff  }
0x1e7: {  	v50 =	vadd.s32 $0x1F40, v6;
	v21 =	vadd.f32 v23, v21  }
0x1e8: {  	v25 =	vld.idx.msk [tilespmem:v48+s29+$0x0], $0xffff  }
0x1e9: {  	v51 =	vadd.s32 $0x1F40, v8;
	v21 =	vadd.f32 v24, v21  }
0x1ea: {  	v26 =	vld.idx.msk [tilespmem:v49+s29+$0x0], $0xffff  }
0x1eb: {  	v52 =	vadd.s32 $0x1F40, v7;
	v21 =	vadd.f32 v22, v21  }
0x1ec: {  	v23 =	vld.idx.msk [tilespmem:v50+s29+$0x0], $0xffff  }
0x1ed: {  	v53 =	vadd.s32 $0x1F40, v9;
	v21 =	vadd.f32 v25, v21  }
0x1ee: {  	v24 =	vld.idx.msk [tilespmem:v51+s29+$0x0], $0xffff  }
0x1ef: {  	v54 =	vadd.s32 $0x1F40, v10;
	v21 =	vadd.f32 v26, v21  }
0x1f0: {  	v22 =	vld.idx.msk [tilespmem:v52+s29+$0x0], $0xffff  }
0x1f1: {  	v55 =	vadd.s32 $0x1F40, v11;
	v21 =	vadd.f32 v23, v21  }
0x1f2: {  	v25 =	vld.idx.msk [tilespmem:v53+s29+$0x0], $0xffff  }
0x1f3: {  	v56 =	vadd.s32 $0x1F40, v12;
	v21 =	vadd.f32 v24, v21  }
0x1f4: {  	v26 =	vld.idx.msk [tilespmem:v54+s29+$0x0], $0xffff  }
0x1f5: {  	v57 =	vadd.s32 $0x1F40, v13;
	v21 =	vadd.f32 v22, v21  }
0x1f6: {  	v23 =	vld.idx.msk [tilespmem:v55+s29+$0x0], $0xffff  }
0x1f7: {  	v58 =	vadd.s32 $0x1F40, v14;
	v21 =	vadd.f32 v25, v21  }
0x1f8: {  	v24 =	vld.idx.msk [tilespmem:v56+s29+$0x0], $0xffff  }
0x1f9: {  	v59 =	vadd.s32 $0x1F40, v15;
	v21 =	vadd.f32 v26, v21  }
0x1fa: {  	v22 =	vld.idx.msk [tilespmem:v57+s29+$0x0], $0xffff  }
0x1fb: {  	v60 =	vadd.s32 $0x1F40, v16;
	v21 =	vadd.f32 v23, v21  }
0x1fc: {  	v25 =	vld.idx.msk [tilespmem:v58+s29+$0x0], $0xffff  }
0x1fd: {  	v61 =	vadd.s32 $0x1F40, v17;
	v21 =	vadd.f32 v24, v21  }
0x1fe: {  	v26 =	vld.idx.msk [tilespmem:v59+s29+$0x0], $0xffff  }
0x1ff: {  	v62 =	vadd.s32 $0x1F40, v18;
	v21 =	vadd.f32 v22, v21  }
0x200: {  	v23 =	vld.idx.msk [tilespmem:v60+s29+$0x0], $0xffff  }
0x201: {  	v63 =	vadd.s32 $0x1F40, v19;
	v21 =	vadd.f32 v25, v21  }
0x202: {  	v24 =	vld.idx.msk [tilespmem:v61+s29+$0x0], $0xffff  }
0x203: {  	v21 =	vadd.f32 v26, v21  }
0x204: {  	v22 =	vld.idx.msk [tilespmem:v62+s29+$0x0], $0xffff  }
0x205: {  	v21 =	vadd.f32 v23, v21  }
0x206: {  	v27 =	vld.idx.msk [tilespmem:v63+s29+$0x0], $0xffff  }
0x207: {  	v21 =	vadd.f32 v24, v21;
	_ =	sdelay $0x1  }
0x208: {  	v21 =	vadd.f32 v22, v21;
	_ =	sdelay $0x1  }
0x209: {  	v28 =	vadd.s32 $0x2328, v3;
	v21 =	vadd.f32 v27, v21  }
0x20a: {  	v29 =	vadd.s32 $0x2328, v4  }
0x20b: {  	v21 =	vmul.f32 v21, v20  }
0x20c: {  	v30 =	vadd.s32 $0x2328, v1  }
0x20d: {  	[tilespmem:s4+$0x78C0] =	vst v21  }
0x20e: {  	v31 =	vadd.s32 $0x2328, v0;
	v21 =	vld.idx.msk [tilespmem:v28+s29+$0x0], $0xffff  }
0x20f: {  	v23 =	vld.idx.msk [tilespmem:v29+s29+$0x0], $0xffff  }
0x210: {  	v32 =	vadd.s32 $0x2328, v2  }
0x211: {  	v24 =	vld.idx.msk [tilespmem:v30+s29+$0x0], $0xffff  }
0x212: {  	v33 =	vadd.s32 $0x2328, v5  }
0x213: {  	v22 =	vld.idx.msk [tilespmem:v31+s29+$0x0], $0xffff  }
0x214: {  	v34 =	vadd.s32 $0x2328, v6;
	v21 =	vadd.f32 v23, v21  }
0x215: {  	v25 =	vld.idx.msk [tilespmem:v32+s29+$0x0], $0xffff  }
0x216: {  	v35 =	vadd.s32 $0x2328, v8;
	v21 =	vadd.f32 v24, v21  }
0x217: {  	v26 =	vld.idx.msk [tilespmem:v33+s29+$0x0], $0xffff  }
0x218: {  	v36 =	vadd.s32 $0x2328, v7;
	v21 =	vadd.f32 v22, v21  }
0x219: {  	v23 =	vld.idx.msk [tilespmem:v34+s29+$0x0], $0xffff  }
0x21a: {  	v37 =	vadd.s32 $0x2328, v9;
	v21 =	vadd.f32 v25, v21  }
0x21b: {  	v24 =	vld.idx.msk [tilespmem:v35+s29+$0x0], $0xffff  }
0x21c: {  	v38 =	vadd.s32 $0x2328, v10;
	v21 =	vadd.f32 v26, v21  }
0x21d: {  	v22 =	vld.idx.msk [tilespmem:v36+s29+$0x0], $0xffff  }
0x21e: {  	v39 =	vadd.s32 $0x2328, v11;
	v21 =	vadd.f32 v23, v21  }
0x21f: {  	v25 =	vld.idx.msk [tilespmem:v37+s29+$0x0], $0xffff  }
0x220: {  	v40 =	vadd.s32 $0x2328, v12;
	v21 =	vadd.f32 v24, v21  }
0x221: {  	v26 =	vld.idx.msk [tilespmem:v38+s29+$0x0], $0xffff  }
0x222: {  	v41 =	vadd.s32 $0x2328, v13;
	v21 =	vadd.f32 v22, v21  }
0x223: {  	v23 =	vld.idx.msk [tilespmem:v39+s29+$0x0], $0xffff  }
0x224: {  	v42 =	vadd.s32 $0x2328, v14;
	v21 =	vadd.f32 v25, v21  }
0x225: {  	v24 =	vld.idx.msk [tilespmem:v40+s29+$0x0], $0xffff  }
0x226: {  	v43 =	vadd.s32 $0x2328, v15;
	v21 =	vadd.f32 v26, v21  }
0x227: {  	v22 =	vld.idx.msk [tilespmem:v41+s29+$0x0], $0xffff  }
0x228: {  	v44 =	vadd.s32 $0x2328, v16;
	v21 =	vadd.f32 v23, v21  }
0x229: {  	v25 =	vld.idx.msk [tilespmem:v42+s29+$0x0], $0xffff  }
0x22a: {  	v45 =	vadd.s32 $0x2328, v17;
	v21 =	vadd.f32 v24, v21  }
0x22b: {  	v26 =	vld.idx.msk [tilespmem:v43+s29+$0x0], $0xffff  }
0x22c: {  	v46 =	vadd.s32 $0x2328, v18;
	v21 =	vadd.f32 v22, v21  }
0x22d: {  	v23 =	vld.idx.msk [tilespmem:v44+s29+$0x0], $0xffff  }
0x22e: {  	v47 =	vadd.s32 $0x2328, v19;
	v21 =	vadd.f32 v25, v21  }
0x22f: {  	v24 =	vld.idx.msk [tilespmem:v45+s29+$0x0], $0xffff  }
0x230: {  	v21 =	vadd.f32 v26, v21  }
0x231: {  	v22 =	vld.idx.msk [tilespmem:v46+s29+$0x0], $0xffff  }
0x232: {  	v21 =	vadd.f32 v23, v21  }
0x233: {  	v48 =	vld.idx.msk [tilespmem:v47+s29+$0x0], $0xffff  }
0x234: {  	v21 =	vadd.f32 v24, v21;
	_ =	sdelay $0x1  }
0x235: {  	v21 =	vadd.f32 v22, v21;
	_ =	sdelay $0x1  }
0x236: {  	v49 =	vadd.s32 $0x2710, v3;
	v21 =	vadd.f32 v48, v21  }
0x237: {  	v50 =	vadd.s32 $0x2710, v4  }
0x238: {  	v21 =	vmul.f32 v21, v20  }
0x239: {  	v51 =	vadd.s32 $0x2710, v1  }
0x23a: {  	[tilespmem:s4+$0x7AC0] =	vst v21  }
0x23b: {  	v52 =	vadd.s32 $0x2710, v0;
	v21 =	vld.idx.msk [tilespmem:v49+s29+$0x0], $0xffff  }
0x23c: {  	v23 =	vld.idx.msk [tilespmem:v50+s29+$0x0], $0xffff  }
0x23d: {  	v53 =	vadd.s32 $0x2710, v2  }
0x23e: {  	v24 =	vld.idx.msk [tilespmem:v51+s29+$0x0], $0xffff  }
0x23f: {  	v54 =	vadd.s32 $0x2710, v5  }
0x240: {  	v22 =	vld.idx.msk [tilespmem:v52+s29+$0x0], $0xffff  }
0x241: {  	v55 =	vadd.s32 $0x2710, v6;
	v21 =	vadd.f32 v23, v21  }
0x242: {  	v25 =	vld.idx.msk [tilespmem:v53+s29+$0x0], $0xffff  }
0x243: {  	v56 =	vadd.s32 $0x2710, v8;
	v21 =	vadd.f32 v24, v21  }
0x244: {  	v26 =	vld.idx.msk [tilespmem:v54+s29+$0x0], $0xffff  }
0x245: {  	v57 =	vadd.s32 $0x2710, v7;
	v21 =	vadd.f32 v22, v21  }
0x246: {  	v23 =	vld.idx.msk [tilespmem:v55+s29+$0x0], $0xffff  }
0x247: {  	v58 =	vadd.s32 $0x2710, v9;
	v21 =	vadd.f32 v25, v21  }
0x248: {  	v24 =	vld.idx.msk [tilespmem:v56+s29+$0x0], $0xffff  }
0x249: {  	v59 =	vadd.s32 $0x2710, v10;
	v21 =	vadd.f32 v26, v21  }
0x24a: {  	v22 =	vld.idx.msk [tilespmem:v57+s29+$0x0], $0xffff  }
0x24b: {  	v60 =	vadd.s32 $0x2710, v11;
	v21 =	vadd.f32 v23, v21  }
0x24c: {  	v25 =	vld.idx.msk [tilespmem:v58+s29+$0x0], $0xffff  }
0x24d: {  	v61 =	vadd.s32 $0x2710, v12;
	v21 =	vadd.f32 v24, v21  }
0x24e: {  	v26 =	vld.idx.msk [tilespmem:v59+s29+$0x0], $0xffff  }
0x24f: {  	v62 =	vadd.s32 $0x2710, v13;
	v21 =	vadd.f32 v22, v21  }
0x250: {  	v23 =	vld.idx.msk [tilespmem:v60+s29+$0x0], $0xffff  }
0x251: {  	v63 =	vadd.s32 $0x2710, v14;
	v21 =	vadd.f32 v25, v21  }
0x252: {  	v24 =	vld.idx.msk [tilespmem:v61+s29+$0x0], $0xffff  }
0x253: {  	v28 =	vadd.s32 $0x2710, v15;
	v21 =	vadd.f32 v26, v21  }
0x254: {  	v22 =	vld.idx.msk [tilespmem:v62+s29+$0x0], $0xffff  }
0x255: {  	v29 =	vadd.s32 $0x2710, v16;
	v21 =	vadd.f32 v23, v21  }
0x256: {  	v25 =	vld.idx.msk [tilespmem:v63+s29+$0x0], $0xffff  }
0x257: {  	v30 =	vadd.s32 $0x2710, v17;
	v21 =	vadd.f32 v24, v21  }
0x258: {  	v26 =	vld.idx.msk [tilespmem:v28+s29+$0x0], $0xffff  }
0x259: {  	v31 =	vadd.s32 $0x2710, v18;
	v21 =	vadd.f32 v22, v21  }
0x25a: {  	v23 =	vld.idx.msk [tilespmem:v29+s29+$0x0], $0xffff  }
0x25b: {  	v32 =	vadd.s32 $0x2710, v19;
	v21 =	vadd.f32 v25, v21  }
0x25c: {  	v24 =	vld.idx.msk [tilespmem:v30+s29+$0x0], $0xffff  }
0x25d: {  	v21 =	vadd.f32 v26, v21  }
0x25e: {  	v22 =	vld.idx.msk [tilespmem:v31+s29+$0x0], $0xffff  }
0x25f: {  	v21 =	vadd.f32 v23, v21  }
0x260: {  	v33 =	vld.idx.msk [tilespmem:v32+s29+$0x0], $0xffff  }
0x261: {  	v21 =	vadd.f32 v24, v21;
	_ =	sdelay $0x1  }
0x262: {  	v21 =	vadd.f32 v22, v21;
	_ =	sdelay $0x1  }
0x263: {  	v34 =	vadd.s32 $0x2AF8, v3;
	v21 =	vadd.f32 v33, v21  }
0x264: {  	v35 =	vadd.s32 $0x2AF8, v4  }
0x265: {  	v21 =	vmul.f32 v21, v20  }
0x266: {  	v36 =	vadd.s32 $0x2AF8, v1  }
0x267: {  	[tilespmem:s4+$0x7CC0] =	vst v21  }
0x268: {  	v37 =	vadd.s32 $0x2AF8, v0;
	v21 =	vld.idx.msk [tilespmem:v34+s29+$0x0], $0xffff  }
0x269: {  	v23 =	vld.idx.msk [tilespmem:v35+s29+$0x0], $0xffff  }
0x26a: {  	v38 =	vadd.s32 $0x2AF8, v2  }
0x26b: {  	v24 =	vld.idx.msk [tilespmem:v36+s29+$0x0], $0xffff  }
0x26c: {  	v39 =	vadd.s32 $0x2AF8, v5  }
0x26d: {  	v22 =	vld.idx.msk [tilespmem:v37+s29+$0x0], $0xffff  }
0x26e: {  	v40 =	vadd.s32 $0x2AF8, v6;
	v21 =	vadd.f32 v23, v21  }
0x26f: {  	v25 =	vld.idx.msk [tilespmem:v38+s29+$0x0], $0xffff  }
0x270: {  	v41 =	vadd.s32 $0x2AF8, v8;
	v21 =	vadd.f32 v24, v21  }
0x271: {  	v26 =	vld.idx.msk [tilespmem:v39+s29+$0x0], $0xffff  }
0x272: {  	v42 =	vadd.s32 $0x2AF8, v7;
	v21 =	vadd.f32 v22, v21  }
0x273: {  	v23 =	vld.idx.msk [tilespmem:v40+s29+$0x0], $0xffff  }
0x274: {  	v43 =	vadd.s32 $0x2AF8, v9;
	v21 =	vadd.f32 v25, v21  }
0x275: {  	v24 =	vld.idx.msk [tilespmem:v41+s29+$0x0], $0xffff  }
0x276: {  	v44 =	vadd.s32 $0x2AF8, v10;
	v21 =	vadd.f32 v26, v21  }
0x277: {  	v22 =	vld.idx.msk [tilespmem:v42+s29+$0x0], $0xffff  }
0x278: {  	v45 =	vadd.s32 $0x2AF8, v11;
	v21 =	vadd.f32 v23, v21  }
0x279: {  	v25 =	vld.idx.msk [tilespmem:v43+s29+$0x0], $0xffff  }
0x27a: {  	v46 =	vadd.s32 $0x2AF8, v12;
	v21 =	vadd.f32 v24, v21  }
0x27b: {  	v26 =	vld.idx.msk [tilespmem:v44+s29+$0x0], $0xffff  }
0x27c: {  	v47 =	vadd.s32 $0x2AF8, v13;
	v21 =	vadd.f32 v22, v21  }
0x27d: {  	v23 =	vld.idx.msk [tilespmem:v45+s29+$0x0], $0xffff  }
0x27e: {  	v48 =	vadd.s32 $0x2AF8, v14;
	v21 =	vadd.f32 v25, v21  }
0x27f: {  	v24 =	vld.idx.msk [tilespmem:v46+s29+$0x0], $0xffff  }
0x280: {  	v49 =	vadd.s32 $0x2AF8, v15;
	v21 =	vadd.f32 v26, v21  }
0x281: {  	v22 =	vld.idx.msk [tilespmem:v47+s29+$0x0], $0xffff  }
0x282: {  	v50 =	vadd.s32 $0x2AF8, v16;
	v21 =	vadd.f32 v23, v21  }
0x283: {  	v25 =	vld.idx.msk [tilespmem:v48+s29+$0x0], $0xffff  }
0x284: {  	v51 =	vadd.s32 $0x2AF8, v17;
	v21 =	vadd.f32 v24, v21  }
0x285: {  	v26 =	vld.idx.msk [tilespmem:v49+s29+$0x0], $0xffff  }
0x286: {  	v52 =	vadd.s32 $0x2AF8, v18;
	v21 =	vadd.f32 v22, v21  }
0x287: {  	v23 =	vld.idx.msk [tilespmem:v50+s29+$0x0], $0xffff  }
0x288: {  	v53 =	vadd.s32 $0x2AF8, v19;
	v21 =	vadd.f32 v25, v21  }
0x289: {  	v24 =	vld.idx.msk [tilespmem:v51+s29+$0x0], $0xffff  }
0x28a: {  	v21 =	vadd.f32 v26, v21  }
0x28b: {  	v22 =	vld.idx.msk [tilespmem:v52+s29+$0x0], $0xffff  }
0x28c: {  	v21 =	vadd.f32 v23, v21  }
0x28d: {  	v54 =	vld.idx.msk [tilespmem:v53+s29+$0x0], $0xffff  }
0x28e: {  	v21 =	vadd.f32 v24, v21;
	_ =	sdelay $0x1  }
0x28f: {  	v21 =	vadd.f32 v22, v21;
	_ =	sdelay $0x1  }
0x290: {  	v55 =	vadd.s32 $0x2EE0, v3;
	v21 =	vadd.f32 v54, v21  }
0x291: {  	v56 =	vadd.s32 $0x2EE0, v4  }
0x292: {  	v21 =	vmul.f32 v21, v20  }
0x293: {  	v57 =	vadd.s32 $0x2EE0, v1  }
0x294: {  	[tilespmem:s4+$0x7EC0] =	vst v21  }
0x295: {  	v58 =	vadd.s32 $0x2EE0, v0;
	v21 =	vld.idx.msk [tilespmem:v55+s29+$0x0], $0xffff  }
0x296: {  	v23 =	vld.idx.msk [tilespmem:v56+s29+$0x0], $0xffff  }
0x297: {  	v59 =	vadd.s32 $0x2EE0, v2  }
0x298: {  	v24 =	vld.idx.msk [tilespmem:v57+s29+$0x0], $0xffff  }
0x299: {  	v60 =	vadd.s32 $0x2EE0, v5  }
0x29a: {  	v22 =	vld.idx.msk [tilespmem:v58+s29+$0x0], $0xffff  }
0x29b: {  	v61 =	vadd.s32 $0x2EE0, v6;
	v21 =	vadd.f32 v23, v21  }
0x29c: {  	v25 =	vld.idx.msk [tilespmem:v59+s29+$0x0], $0xffff  }
0x29d: {  	v62 =	vadd.s32 $0x2EE0, v8;
	v21 =	vadd.f32 v24, v21  }
0x29e: {  	v26 =	vld.idx.msk [tilespmem:v60+s29+$0x0], $0xffff  }
0x29f: {  	v63 =	vadd.s32 $0x2EE0, v7;
	v21 =	vadd.f32 v22, v21  }
0x2a0: {  	v23 =	vld.idx.msk [tilespmem:v61+s29+$0x0], $0xffff  }
0x2a1: {  	v28 =	vadd.s32 $0x2EE0, v9;
	v21 =	vadd.f32 v25, v21  }
0x2a2: {  	v24 =	vld.idx.msk [tilespmem:v62+s29+$0x0], $0xffff  }
0x2a3: {  	v29 =	vadd.s32 $0x2EE0, v10;
	v21 =	vadd.f32 v26, v21  }
0x2a4: {  	v22 =	vld.idx.msk [tilespmem:v63+s29+$0x0], $0xffff  }
0x2a5: {  	v30 =	vadd.s32 $0x2EE0, v11;
	v21 =	vadd.f32 v23, v21  }
0x2a6: {  	v25 =	vld.idx.msk [tilespmem:v28+s29+$0x0], $0xffff  }
0x2a7: {  	v31 =	vadd.s32 $0x2EE0, v12;
	v21 =	vadd.f32 v24, v21  }
0x2a8: {  	v26 =	vld.idx.msk [tilespmem:v29+s29+$0x0], $0xffff  }
0x2a9: {  	v32 =	vadd.s32 $0x2EE0, v13;
	v21 =	vadd.f32 v22, v21  }
0x2aa: {  	v23 =	vld.idx.msk [tilespmem:v30+s29+$0x0], $0xffff  }
0x2ab: {  	v33 =	vadd.s32 $0x2EE0, v14;
	v21 =	vadd.f32 v25, v21  }
0x2ac: {  	v24 =	vld.idx.msk [tilespmem:v31+s29+$0x0], $0xffff  }
0x2ad: {  	v34 =	vadd.s32 $0x2EE0, v15;
	v21 =	vadd.f32 v26, v21  }
0x2ae: {  	v22 =	vld.idx.msk [tilespmem:v32+s29+$0x0], $0xffff  }
0x2af: {  	v35 =	vadd.s32 $0x2EE0, v16;
	v21 =	vadd.f32 v23, v21  }
0x2b0: {  	v25 =	vld.idx.msk [tilespmem:v33+s29+$0x0], $0xffff  }
0x2b1: {  	v36 =	vadd.s32 $0x2EE0, v17;
	v21 =	vadd.f32 v24, v21  }
0x2b2: {  	v26 =	vld.idx.msk [tilespmem:v34+s29+$0x0], $0xffff  }
0x2b3: {  	v37 =	vadd.s32 $0x2EE0, v18;
	v21 =	vadd.f32 v22, v21  }
0x2b4: {  	v23 =	vld.idx.msk [tilespmem:v35+s29+$0x0], $0xffff  }
0x2b5: {  	v38 =	vadd.s32 $0x2EE0, v19;
	v21 =	vadd.f32 v25, v21  }
0x2b6: {  	v24 =	vld.idx.msk [tilespmem:v36+s29+$0x0], $0xffff  }
0x2b7: {  	v21 =	vadd.f32 v26, v21  }
0x2b8: {  	v22 =	vld.idx.msk [tilespmem:v37+s29+$0x0], $0xffff  }
0x2b9: {  	v21 =	vadd.f32 v23, v21  }
0x2ba: {  	v39 =	vld.idx.msk [tilespmem:v38+s29+$0x0], $0xffff  }
0x2bb: {  	v21 =	vadd.f32 v24, v21;
	_ =	sdelay $0x1  }
0x2bc: {  	v21 =	vadd.f32 v22, v21;
	_ =	sdelay $0x1  }
0x2bd: {  	v40 =	vadd.s32 $0x32C8, v3;
	v21 =	vadd.f32 v39, v21  }
0x2be: {  	v41 =	vadd.s32 $0x32C8, v4  }
0x2bf: {  	v21 =	vmul.f32 v21, v20  }
0x2c0: {  	v42 =	vadd.s32 $0x32C8, v1  }
0x2c1: {  	[tilespmem:s4+$0x80C0] =	vst v21  }
0x2c2: {  	v43 =	vadd.s32 $0x32C8, v0;
	v21 =	vld.idx.msk [tilespmem:v40+s29+$0x0], $0xffff  }
0x2c3: {  	v23 =	vld.idx.msk [tilespmem:v41+s29+$0x0], $0xffff  }
0x2c4: {  	v44 =	vadd.s32 $0x32C8, v2  }
0x2c5: {  	v24 =	vld.idx.msk [tilespmem:v42+s29+$0x0], $0xffff  }
0x2c6: {  	v45 =	vadd.s32 $0x32C8, v5  }
0x2c7: {  	v22 =	vld.idx.msk [tilespmem:v43+s29+$0x0], $0xffff  }
0x2c8: {  	v46 =	vadd.s32 $0x32C8, v6;
	v21 =	vadd.f32 v23, v21  }
0x2c9: {  	v25 =	vld.idx.msk [tilespmem:v44+s29+$0x0], $0xffff  }
0x2ca: {  	v47 =	vadd.s32 $0x32C8, v8;
	v21 =	vadd.f32 v24, v21  }
0x2cb: {  	v26 =	vld.idx.msk [tilespmem:v45+s29+$0x0], $0xffff  }
0x2cc: {  	v48 =	vadd.s32 $0x32C8, v7;
	v21 =	vadd.f32 v22, v21  }
0x2cd: {  	v23 =	vld.idx.msk [tilespmem:v46+s29+$0x0], $0xffff  }
0x2ce: {  	v49 =	vadd.s32 $0x32C8, v9;
	v21 =	vadd.f32 v25, v21  }
0x2cf: {  	v24 =	vld.idx.msk [tilespmem:v47+s29+$0x0], $0xffff  }
0x2d0: {  	v50 =	vadd.s32 $0x32C8, v10;
	v21 =	vadd.f32 v26, v21  }
0x2d1: {  	v22 =	vld.idx.msk [tilespmem:v48+s29+$0x0], $0xffff  }
0x2d2: {  	v51 =	vadd.s32 $0x32C8, v11;
	v21 =	vadd.f32 v23, v21  }
0x2d3: {  	v25 =	vld.idx.msk [tilespmem:v49+s29+$0x0], $0xffff  }
0x2d4: {  	v52 =	vadd.s32 $0x32C8, v12;
	v21 =	vadd.f32 v24, v21  }
0x2d5: {  	v26 =	vld.idx.msk [tilespmem:v50+s29+$0x0], $0xffff  }
0x2d6: {  	v53 =	vadd.s32 $0x32C8, v13;
	v21 =	vadd.f32 v22, v21  }
0x2d7: {  	v23 =	vld.idx.msk [tilespmem:v51+s29+$0x0], $0xffff  }
0x2d8: {  	v54 =	vadd.s32 $0x32C8, v14;
	v21 =	vadd.f32 v25, v21  }
0x2d9: {  	v24 =	vld.idx.msk [tilespmem:v52+s29+$0x0], $0xffff  }
0x2da: {  	v55 =	vadd.s32 $0x32C8, v15;
	v21 =	vadd.f32 v26, v21  }
0x2db: {  	v22 =	vld.idx.msk [tilespmem:v53+s29+$0x0], $0xffff  }
0x2dc: {  	v56 =	vadd.s32 $0x32C8, v16;
	v21 =	vadd.f32 v23, v21  }
0x2dd: {  	v25 =	vld.idx.msk [tilespmem:v54+s29+$0x0], $0xffff  }
0x2de: {  	v57 =	vadd.s32 $0x32C8, v17;
	v21 =	vadd.f32 v24, v21  }
0x2df: {  	v26 =	vld.idx.msk [tilespmem:v55+s29+$0x0], $0xffff  }
0x2e0: {  	v58 =	vadd.s32 $0x32C8, v18;
	v21 =	vadd.f32 v22, v21  }
0x2e1: {  	v23 =	vld.idx.msk [tilespmem:v56+s29+$0x0], $0xffff  }
0x2e2: {  	v59 =	vadd.s32 $0x32C8, v19;
	v21 =	vadd.f32 v25, v21  }
0x2e3: {  	v24 =	vld.idx.msk [tilespmem:v57+s29+$0x0], $0xffff  }
0x2e4: {  	v21 =	vadd.f32 v26, v21  }
0x2e5: {  	v22 =	vld.idx.msk [tilespmem:v58+s29+$0x0], $0xffff  }
0x2e6: {  	v21 =	vadd.f32 v23, v21  }
0x2e7: {  	v60 =	vld.idx.msk [tilespmem:v59+s29+$0x0], $0xffff  }
0x2e8: {  	v21 =	vadd.f32 v24, v21;
	_ =	sdelay $0x1  }
0x2e9: {  	v21 =	vadd.f32 v22, v21;
	_ =	sdelay $0x1  }
0x2ea: {  	v61 =	vadd.s32 $0x36B0, v3;
	v21 =	vadd.f32 v60, v21  }
0x2eb: {  	v62 =	vadd.s32 $0x36B0, v4  }
0x2ec: {  	v21 =	vmul.f32 v21, v20  }
0x2ed: {  	v63 =	vadd.s32 $0x36B0, v1  }
0x2ee: {  	[tilespmem:s4+$0x82C0] =	vst v21  }
0x2ef: {  	v28 =	vadd.s32 $0x36B0, v0;
	v21 =	vld.idx.msk [tilespmem:v61+s29+$0x0], $0xffff  }
0x2f0: {  	v23 =	vld.idx.msk [tilespmem:v62+s29+$0x0], $0xffff  }
0x2f1: {  	v29 =	vadd.s32 $0x36B0, v2  }
0x2f2: {  	v24 =	vld.idx.msk [tilespmem:v63+s29+$0x0], $0xffff  }
0x2f3: {  	v30 =	vadd.s32 $0x36B0, v5  }
0x2f4: {  	v22 =	vld.idx.msk [tilespmem:v28+s29+$0x0], $0xffff  }
0x2f5: {  	v31 =	vadd.s32 $0x36B0, v6;
	v21 =	vadd.f32 v23, v21  }
0x2f6: {  	v25 =	vld.idx.msk [tilespmem:v29+s29+$0x0], $0xffff  }
0x2f7: {  	v32 =	vadd.s32 $0x36B0, v8;
	v21 =	vadd.f32 v24, v21  }
0x2f8: {  	v26 =	vld.idx.msk [tilespmem:v30+s29+$0x0], $0xffff  }
0x2f9: {  	v33 =	vadd.s32 $0x36B0, v7;
	v21 =	vadd.f32 v22, v21  }
0x2fa: {  	v23 =	vld.idx.msk [tilespmem:v31+s29+$0x0], $0xffff  }
0x2fb: {  	v34 =	vadd.s32 $0x36B0, v9;
	v21 =	vadd.f32 v25, v21  }
0x2fc: {  	v24 =	vld.idx.msk [tilespmem:v32+s29+$0x0], $0xffff  }
0x2fd: {  	v35 =	vadd.s32 $0x36B0, v10;
	v21 =	vadd.f32 v26, v21  }
0x2fe: {  	v22 =	vld.idx.msk [tilespmem:v33+s29+$0x0], $0xffff  }
0x2ff: {  	v36 =	vadd.s32 $0x36B0, v11;
	v21 =	vadd.f32 v23, v21  }
0x300: {  	v25 =	vld.idx.msk [tilespmem:v34+s29+$0x0], $0xffff  }
0x301: {  	v37 =	vadd.s32 $0x36B0, v12;
	v21 =	vadd.f32 v24, v21  }
0x302: {  	v26 =	vld.idx.msk [tilespmem:v35+s29+$0x0], $0xffff  }
0x303: {  	v38 =	vadd.s32 $0x36B0, v13;
	v21 =	vadd.f32 v22, v21  }
0x304: {  	v23 =	vld.idx.msk [tilespmem:v36+s29+$0x0], $0xffff  }
0x305: {  	v39 =	vadd.s32 $0x36B0, v14;
	v21 =	vadd.f32 v25, v21  }
0x306: {  	v24 =	vld.idx.msk [tilespmem:v37+s29+$0x0], $0xffff  }
0x307: {  	v40 =	vadd.s32 $0x36B0, v15;
	v21 =	vadd.f32 v26, v21  }
0x308: {  	v22 =	vld.idx.msk [tilespmem:v38+s29+$0x0], $0xffff  }
0x309: {  	v41 =	vadd.s32 $0x36B0, v16;
	v21 =	vadd.f32 v23, v21  }
0x30a: {  	v25 =	vld.idx.msk [tilespmem:v39+s29+$0x0], $0xffff  }
0x30b: {  	v42 =	vadd.s32 $0x36B0, v17;
	v21 =	vadd.f32 v24, v21  }
0x30c: {  	v26 =	vld.idx.msk [tilespmem:v40+s29+$0x0], $0xffff  }
0x30d: {  	v43 =	vadd.s32 $0x36B0, v18;
	v21 =	vadd.f32 v22, v21  }
0x30e: {  	v23 =	vld.idx.msk [tilespmem:v41+s29+$0x0], $0xffff  }
0x30f: {  	v44 =	vadd.s32 $0x36B0, v19;
	v21 =	vadd.f32 v25, v21  }
0x310: {  	v24 =	vld.idx.msk [tilespmem:v42+s29+$0x0], $0xffff  }
0x311: {  	v21 =	vadd.f32 v26, v21  }
0x312: {  	v22 =	vld.idx.msk [tilespmem:v43+s29+$0x0], $0xffff  }
0x313: {  	v21 =	vadd.f32 v23, v21  }
0x314: {  	v45 =	vld.idx.msk [tilespmem:v44+s29+$0x0], $0xffff  }
0x315: {  	v21 =	vadd.f32 v24, v21;
	_ =	sdelay $0x1  }
0x316: {  	v21 =	vadd.f32 v22, v21;
	_ =	sdelay $0x1  }
0x317: {  	v3 =	vadd.s32 $0x3A98, v3;
	v21 =	vadd.f32 v45, v21  }
0x318: {  	v4 =	vadd.s32 $0x3A98, v4  }
0x319: {  	v21 =	vmul.f32 v21, v20  }
0x31a: {  	v1 =	vadd.s32 $0x3A98, v1  }
0x31b: {  	[tilespmem:s4+$0x84C0] =	vst v21  }
0x31c: {  	v0 =	vadd.s32 $0x3A98, v0;
	v3 =	vld.idx.msk [tilespmem:v3+s29+$0x0], $0xffff  }
0x31d: {  	v4 =	vld.idx.msk [tilespmem:v4+s29+$0x0], $0xffff  }
0x31e: {  	v2 =	vadd.s32 $0x3A98, v2  }
0x31f: {  	v1 =	vld.idx.msk [tilespmem:v1+s29+$0x0], $0xffff  }
0x320: {  	v5 =	vadd.s32 $0x3A98, v5  }
0x321: {  	v0 =	vld.idx.msk [tilespmem:v0+s29+$0x0], $0xffff  }
0x322: {  	v46 =	vadd.s32 $0x3A98, v6;
	v3 =	vadd.f32 v4, v3  }
0x323: {  	v2 =	vld.idx.msk [tilespmem:v2+s29+$0x0], $0xffff  }
0x324: {  	v47 =	vadd.s32 $0x3A98, v8;
	v1 =	vadd.f32 v1, v3  }
0x325: {  	v5 =	vld.idx.msk [tilespmem:v5+s29+$0x0], $0xffff  }
0x326: {  	v48 =	vadd.s32 $0x3A98, v7;
	v0 =	vadd.f32 v0, v1  }
0x327: {  	v4 =	vld.idx.msk [tilespmem:v46+s29+$0x0], $0xffff  }
0x328: {  	v49 =	vadd.s32 $0x3A98, v9;
	v0 =	vadd.f32 v2, v0  }
0x329: {  	v3 =	vld.idx.msk [tilespmem:v47+s29+$0x0], $0xffff  }
0x32a: {  	v50 =	vadd.s32 $0x3A98, v10;
	v0 =	vadd.f32 v5, v0  }
0x32b: {  	v1 =	vld.idx.msk [tilespmem:v48+s29+$0x0], $0xffff  }
0x32c: {  	v51 =	vadd.s32 $0x3A98, v11;
	v0 =	vadd.f32 v4, v0  }
0x32d: {  	v2 =	vld.idx.msk [tilespmem:v49+s29+$0x0], $0xffff  }
0x32e: {  	v52 =	vadd.s32 $0x3A98, v12;
	v0 =	vadd.f32 v3, v0  }
0x32f: {  	v5 =	vld.idx.msk [tilespmem:v50+s29+$0x0], $0xffff  }
0x330: {  	v53 =	vadd.s32 $0x3A98, v13;
	v0 =	vadd.f32 v1, v0  }
0x331: {  	v4 =	vld.idx.msk [tilespmem:v51+s29+$0x0], $0xffff  }
0x332: {  	v54 =	vadd.s32 $0x3A98, v14;
	v0 =	vadd.f32 v2, v0  }
0x333: {  	v3 =	vld.idx.msk [tilespmem:v52+s29+$0x0], $0xffff  }
0x334: {  	v55 =	vadd.s32 $0x3A98, v15;
	v0 =	vadd.f32 v5, v0  }
0x335: {  	v1 =	vld.idx.msk [tilespmem:v53+s29+$0x0], $0xffff  }
0x336: {  	v56 =	vadd.s32 $0x3A98, v16;
	v0 =	vadd.f32 v4, v0  }
0x337: {  	v2 =	vld.idx.msk [tilespmem:v54+s29+$0x0], $0xffff  }
0x338: {  	v57 =	vadd.s32 $0x3A98, v17;
	v0 =	vadd.f32 v3, v0  }
0x339: {  	v5 =	vld.idx.msk [tilespmem:v55+s29+$0x0], $0xffff  }
0x33a: {  	v58 =	vadd.s32 $0x3A98, v18;
	v0 =	vadd.f32 v1, v0  }
0x33b: {  	v4 =	vld.idx.msk [tilespmem:v56+s29+$0x0], $0xffff  }
0x33c: {  	v59 =	vadd.s32 $0x3A98, v19;
	v0 =	vadd.f32 v2, v0  }
0x33d: {  	v3 =	vld.idx.msk [tilespmem:v57+s29+$0x0], $0xffff  }
0x33e: {  	v0 =	vadd.f32 v5, v0  }
0x33f: {  	v1 =	vld.idx.msk [tilespmem:v58+s29+$0x0], $0xffff  }
0x340: {  	v0 =	vadd.f32 v4, v0  }
0x341: {  	v2 =	vld.idx.msk [tilespmem:v59+s29+$0x0], $0xffff  }
0x342: {  	v0 =	vadd.f32 v3, v0  }
0x343: {  	v60 =	vld [tilespmem:s4+$0x0]  }
0x344: {  	v0 =	vadd.f32 v1, v0;
	_ =	sdelay $0x1  }
0x345: {  	v0 =	vadd.f32 v2, v0;
	_ =	sdelay $0x1  }
0x346: {  	v0 =	vmul.f32 v0, v20;
	_ =	sdelay $0x1  }
0x347: {  	[tilespmem:s4+$0x86C0] =	vst v0  }
0x348: {  	v0 =	vld.idx.msk [tilespmem:v60+s31+$0x0], $0xffff  }
0x349: {  	v61 =	vadd.s32 $0x10, v60;
	_ =	sdelay $0x3  }
0x34a: {  	[tilespmem:s4+$0x88C0] =	vst v0  }
0x34b: {  	v0 =	vld.idx.msk [tilespmem:v61+s31+$0x0], $0xffff  }
0x34c: {  	v62 =	vadd.s32 $0x20, v60;
	_ =	sdelay $0x3  }
0x34d: {  	[tilespmem:s4+$0x8AC0] =	vst v0  }
0x34e: {  	v0 =	vld.idx.msk [tilespmem:v62+s31+$0x0], $0xffff  }
0x34f: {  	v63 =	vadd.s32 $0x30, v60;
	_ =	sdelay $0x3  }
0x350: {  	[tilespmem:s4+$0x8CC0] =	vst v0  }
0x351: {  	p0 =	sne.s32 s2, $0x7C0;
	v0 =	vld.idx.msk [tilespmem:v63+s31+$0x0], $0xffff  }
.Ltmp0:
0x352: {  	_ = 	snop;
	(pc) =	sbr.rel @p0 .LBB2_2-.Ltmp0, $2  }
0x353: {  	_ =	sdelay $0x2  }
0x354: {  	s2 =	sadd.s32 $0x40, s2;
	[tilespmem:s4+$0x8EC0] =	vst v0  }
0x355: {  	s1 =	sadd.s32 $0x1, s1  }
0x356: {  	p0 =	sne.s32 s1, s28  }
.Ltmp1:
0x357: {  	s2 =	simm.s32 $0x4000;
	s4 =	simm.s32 $0x68C0;
	(pc) =	sbr.rel @p0 .LBB2_1-.Ltmp1, $4  }
0x358: {  	[hbm4b:s26+s0] =	stream.strided.scatter [tilespmem:s4], [sflag:$0x1], $0x2800, s2, s0, $0x38;
	[tilespmem:$0x90C0] =	vst v63  }
0x359: {  	_ =	swait.ge [sflag:s30], $0x2800  }
0x35a: {  	[sflag:s30] =	ssyncset.done $0x0  }
0x35b: {  	[sflag:s30] =	ssyncadd.s32 $0xFFFFD800  }
0x35c: {  	_ =	sfence.sel $0x180000  }
0x35d: {  	[bflag:$0x0] =	sbarrier.arrive $0xFFFF  }
0x35e: {  	_ =	strace $0x90000047  }
0x35f: {  	s0 =	stileid.u32;
	[bflag:$0x2] =	sbarrier.arrive $0xFFFF  }
0x360: {  	p0 =	sne.s32 s0, $0x0;
	s0 =	rddreg [dreg:$0x3]  }
0x361: {  	s0 =	sadd.s32 @!p0 $0x100000, s0  }
0x362: {  	[sflag:s0] =	ssyncadd.tile.s32 @!p0 $0x1;
	_ =	shalt  }
.Lfunc_end2:
_tile_overlayer_lowered:
.L_overlay_start_2:
0x363: {  	(tag) =	ssettag $0x2  }
0x364: {  	s0 =	rddreg [dreg:$0x0];
	s2 =	stileid.u32  }
0x365: {  	s1 =	rddreg [dreg:$0x1];
	p0 =	sne.s32 s2, $0x0  }
0x366: {  	s3 =	rddreg [dreg:$0x2];
	[bflag:$0x3] =	sbarrier.arrive $0xFFFF;
	s2 =	simm.s32 @!p0 $0x1C01  }
0x367: {  	[timem:s3], [sflag:s2] =	dma.local @!p0 [hbm:s0], s1  }
0x368: {  	s0 =	simm.s32 @!p0 $0x1  }
0x369: {  	_ =	swait.ge @!p0 [sflag:s0], s1  }
0x36a: {  	s1 =	ssub.s32 @!p0 $0x0, s1;
	[sflag:s0] =	ssyncset.done @!p0 $0x0  }
0x36b: {  	[sflag:s0] =	ssyncadd.s32 @!p0 s1  }
0x36c: {  	[bflag:$0x3] =	sbarrier.arrive $0xFFFF  }
0x36d: {  	_ =	shalt  }

</sc_bundles>
